<compile_context>
chip_gen: v7x
topology: tpu7x:2x2x1
jax: 0.10.2.dev20260603
libtpu: 0.0.44.dev20260713+nightly
codegen_flags: <defaults>
</compile_context>

<pallas_src>
import functools

import jax
import jax.numpy as jnp
from jax import lax
from jax.experimental import pallas as pl
from jax.experimental.pallas import tpu as pltpu
from jax.experimental.pallas import tpu_sc as plsc

N = 10000
NP = 10240
E = 320000
F = 128
D = 64
HID = 50
B = 64
RATIO = 0.5
SNP = 3001
SNP_P = 3072
H1 = 512
CAT = 768
NCLS_P = 128

NC, NS = 2, 16
NT = NC * NS
ET = E // NT
CH = 80
NCH = ET // CH
RPT = NP // NS

_HIGH = lax.Precision.HIGHEST


def _dot(a, b):
    return jnp.dot(a, b, precision=_HIGH, preferred_element_type=jnp.float32)



def _mesh():
    return plsc.VectorSubcoreMesh(
        core_axis_name="c", subcore_axis_name="s",
        num_cores=NC, num_subcores=NS)


_SC_PARAMS = pltpu.CompilerParams(use_tc_tiling_on_sc=False,
                                  needs_layout_passes=False)


def _zero_acc(buf0, acc, s, d, ch):
    @pl.loop(0, ch)
    def _(i):
        for kk in range(d // 16):
            buf0[i, pl.ds(kk * 16, 16)] = jnp.zeros((16,), jnp.float32)
    row0 = pl.multiple_of(s * RPT, 8)
    for z in range(RPT // ch):
        pltpu.sync_copy(buf0, acc.at[pl.ds(row0 + z * ch, ch)])
    return row0


def _sc_hist(with_mask):
    scratch = [
        pltpu.VMEM((ET,), jnp.int32),
        pltpu.VMEM((NCH, CH), jnp.int32),
        pltpu.VMEM((NP,), jnp.float32),
        pltpu.VMEM((CH, 16), jnp.float32),
        pltpu.VMEM((CH, 16), jnp.float32),
        pltpu.VMEM_SHARED((NP, 16), jnp.float32),
        pltpu.SemaphoreType.DMA,
        pltpu.SemaphoreType.DMA,
    ]

    def body(*refs):
        if with_mask:
            (m_hbm, src_hbm, dst3_hbm, out_hbm,
             src_v, dst_v, m_v, buf0, buf1, acc, sems, sems2) = refs
        else:
            (dst3_hbm, out_hbm,
             src_v, dst_v, m_v, buf0, buf1, acc, sems, sems2) = refs
        c = lax.axis_index("c")
        s = lax.axis_index("s")
        tid = s * NC + c

        pltpu.sync_copy(dst3_hbm.at[tid], dst_v)
        if with_mask:
            pltpu.sync_copy(m_hbm, m_v)
            pltpu.sync_copy(src_hbm.at[pl.ds(pl.multiple_of(tid * ET, 8),
                                             ET)], src_v)
        row0 = _zero_acc(buf0, acc, s, 16, CH)
        plsc.subcore_barrier()

        zcol = jnp.zeros((16,), jnp.int32)
        lane = lax.iota(jnp.int32, 16)

        if with_mask:
            def fill(j, buf):
                for gi in range(CH // 16):
                    idx = src_v[pl.ds(pl.multiple_of(j * CH, 8) + gi * 16,
                                      16)]
                    vals = plsc.load_gather(m_v, [idx])
                    plsc.store_scatter(buf, [lane + gi * 16, zcol], vals)
        else:
            def fill(j, buf):
                del j
                for gi in range(CH // 16):
                    plsc.store_scatter(buf, [lane + gi * 16, zcol],
                                       jnp.ones((16,), jnp.float32))

        def scatter(j, buf, sem):
            return pltpu.async_copy(buf, acc.at[dst_v.at[j]], sem, add=True)

        fill(0, buf0)

        @pl.loop(0, NCH - 1, step=2)
        def _(j):
            d0 = scatter(j, buf0, sems)
            fill(j + 1, buf1)
            d1 = scatter(j + 1, buf1, sems2)
            d0.wait()
            fill(j + 2, buf0)
            d1.wait()

        scatter(NCH - 1, buf0, sems).wait()
        plsc.subcore_barrier()
        pltpu.sync_copy(acc.at[pl.ds(row0, RPT)],
                        out_hbm.at[c, pl.ds(row0, RPT)])

    return functools.partial(
        pl.kernel, body,
        out_type=jax.ShapeDtypeStruct((NC, NP, 16), jnp.float32),
        mesh=_mesh(), scratch_types=scratch, compiler_params=_SC_PARAMS)()


def _sc_hist_ones(dst3):
    return _sc_hist(False)(dst3)


def _sc_hist_mask(m, src, dst3):
    return _sc_hist(True)(m, src, dst3)


CHA = 128
NFA = 78
TOFF = NFA * CHA


def _sc_accum():
    scratch = [
        pltpu.VMEM((ET,), jnp.int32),
        pltpu.VMEM((NFA, CHA), jnp.int32),
        pltpu.VMEM((1, 16), jnp.int32),
        pltpu.VMEM((CHA, D), jnp.float32),
        pltpu.VMEM((CHA, D), jnp.float32),
        pltpu.VMEM_SHARED((NP, D), jnp.float32),
        pltpu.SemaphoreType.DMA,
        pltpu.SemaphoreType.DMA,
        pltpu.SemaphoreType.DMA,
    ]

    def body(g_hbm, src_hbm, dstA_hbm, dstT_hbm, out_hbm,
             src_v, dst_v, dstt_v, buf0, buf1, acc, semg, sems, sems2):
        c = lax.axis_index("c")
        s = lax.axis_index("s")
        tid = s * NC + c

        pltpu.sync_copy(dstA_hbm.at[tid], dst_v)
        pltpu.sync_copy(dstT_hbm.at[tid], dstt_v)
        pltpu.sync_copy(src_hbm.at[pl.ds(pl.multiple_of(tid * ET, 8), ET)],
                        src_v)
        row0 = _zero_acc(buf0, acc, s, D, CHA)
        plsc.subcore_barrier()

        def gather(j, buf):
            off = pl.multiple_of(j * CHA, 8)
            return pltpu.async_copy(
                g_hbm.at[src_v.at[pl.ds(off, CHA)]], buf, semg)

        def scatter(j, buf, sem):
            return pltpu.async_copy(buf, acc.at[dst_v.at[j]], sem, add=True)

        gather(0, buf0).wait()

        @pl.loop(0, NFA - 1, step=2)
        def _(j):
            dg = gather(j + 1, buf1)
            ds0 = scatter(j, buf0, sems)
            dg.wait()
            ds0.wait()
            ds1 = scatter(j + 1, buf1, sems2)

            @pl.when(j + 2 < NFA)
            def _():
                gather(j + 2, buf0).wait()
            ds1.wait()

        pltpu.async_copy(
            g_hbm.at[src_v.at[pl.ds(TOFF, 16)]],
            buf0.at[pl.ds(0, 16)], semg).wait()
        pltpu.async_copy(buf0.at[pl.ds(0, 16)],
                         acc.at[dstt_v.at[0]], sems, add=True).wait()

        plsc.subcore_barrier()
        pltpu.sync_copy(acc.at[pl.ds(row0, RPT)],
                        out_hbm.at[c, pl.ds(row0, RPT)])

    return functools.partial(
        pl.kernel, body,
        out_type=jax.ShapeDtypeStruct((NC, NP, D), jnp.float32),
        mesh=_mesh(), scratch_types=scratch, compiler_params=_SC_PARAMS)()


def _sc_gather_sum64(g, src, dstA, dstT):
    return _sc_accum()(g, src, dstA, dstT)



def _k1_prescale(xp, w1p, hist1):
    def body(x_ref, w_ref, h_ref, g_ref):
        raw = h_ref[0, :, 0:1] + h_ref[1, :, 0:1]
        dinv = lax.rsqrt(raw + 1.0)
        g_ref[...] = _dot(x_ref[...], w_ref[...]) * dinv

    return pl.pallas_call(
        body,
        out_shape=jax.ShapeDtypeStruct((NP, D), jnp.float32),
    )(xp, w1p, hist1)


def _k_layer_out(acc, g, hist, mcol, brow, prow, w_next):
    with_next = w_next is not None

    def body(*refs):
        if with_next:
            (a_ref, g_ref, h_ref, m_ref, b_ref, p_ref, wn_ref,
             xp_ref, sc_ref, hn_ref) = refs
        else:
            (a_ref, g_ref, h_ref, m_ref, b_ref, p_ref,
             xp_ref, sc_ref) = refs
        raw = h_ref[0, :, 0:1] + h_ref[1, :, 0:1]
        m = m_ref[...]
        dinv = jnp.where(m > 0, lax.rsqrt(raw + 1.0), 0.0)
        x = dinv * (a_ref[0] + a_ref[1] + g_ref[...]) + b_ref[...]
        p = p_ref[...]
        nrm = jnp.sqrt(jnp.sum(p * p))
        score = jnp.sum(x * p, axis=1, keepdims=True) / nrm
        sc_ref[...] = score
        xp = x * jnp.tanh(score)
        xp_ref[...] = xp
        if with_next:
            hn_ref[...] = _dot(xp, wn_ref[...])

    blk = 2048
    out_shape = [jax.ShapeDtypeStruct((NP, D), jnp.float32),
                 jax.ShapeDtypeStruct((NP, 1), jnp.float32)]
    out_specs = [pl.BlockSpec((blk, D), lambda i: (i, 0)),
                 pl.BlockSpec((blk, 1), lambda i: (i, 0))]
    in_specs = [pl.BlockSpec((NC, blk, D), lambda i: (0, i, 0)),
                pl.BlockSpec((blk, D), lambda i: (i, 0)),
                pl.BlockSpec((NC, blk, 16), lambda i: (0, i, 0)),
                pl.BlockSpec((blk, 1), lambda i: (i, 0)),
                pl.BlockSpec((1, D), lambda i: (0, 0)),
                pl.BlockSpec((1, D), lambda i: (0, 0))]
    args = [acc, g, hist, mcol, brow, prow]
    if with_next:
        out_shape.append(jax.ShapeDtypeStruct((NP, D), jnp.float32))
        out_specs.append(pl.BlockSpec((blk, D), lambda i: (i, 0)))
        in_specs.append(pl.BlockSpec((D, D), lambda i: (0, 0)))
        args.append(w_next)
    return pl.pallas_call(
        body, grid=(NP // blk,), in_specs=in_specs, out_specs=out_specs,
        out_shape=out_shape)(*args)


RB = 1024
CC = 1024


def _k_rank(scol, srow, bcol, brow, mcol, mrow):
    def body(sc_r, sr_r, bc_r, br_r, mc_r, mr_r, mn_ref, cnt_s):
        g_row = lax.broadcasted_iota(jnp.int32, (1, B), 1).astype(jnp.float32)
        valid = jnp.sum(jnp.where(bc_r[...] == g_row, mc_r[...], 0.0),
                        axis=0, keepdims=True)
        k_row = jnp.ceil(RATIO * valid)

        def row_block(r, _):
            i0 = r * RB
            sc = sc_r[pl.ds(i0, RB), :]
            bc = bc_r[pl.ds(i0, RB), :]
            mc = mc_r[pl.ds(i0, RB), :]
            msc = jnp.where(mc > 0, sc, -jnp.inf)
            ig = lax.broadcasted_iota(jnp.int32, (RB, 1), 0) + i0
            kv = jnp.sum(jnp.where(bc == g_row, k_row, 0.0),
                         axis=1, keepdims=True)
            rbmin = jnp.min(jnp.where(bc < 0, jnp.inf, bc))
            rbmax = jnp.max(bc)
            cnt_s[...] = jnp.zeros((RB, 1), jnp.float32)

            def col_chunk(cj, _):
                c0 = cj * CC
                br = br_r[:, pl.ds(c0, CC)]
                cmin = jnp.min(br)
                cmax = jnp.max(br)

                @pl.when((cmin <= rbmax) & (cmax >= rbmin))
                def _():
                    sr = sr_r[:, pl.ds(c0, CC)]
                    mr = mr_r[:, pl.ds(c0, CC)]
                    msr = jnp.where(mr > 0, sr, -jnp.inf)
                    jg = lax.broadcasted_iota(jnp.int32, (1, CC), 1) + c0
                    same = (bc == br)
                    better = (msr > msc) | ((msr == msc) & (jg < ig))
                    cnt_s[...] += jnp.sum(
                        jnp.where(same & better, 1.0, 0.0),
                        axis=1, keepdims=True)
                return 0

            lax.fori_loop(0, NP // CC, col_chunk, 0)
            mnew = jnp.where((mc > 0) & (cnt_s[...] < kv), 1.0, 0.0)
            mn_ref[pl.ds(i0, RB), :] = mnew
            return 0

        lax.fori_loop(0, NP // RB, row_block, 0)

    return pl.pallas_call(
        body,
        out_shape=jax.ShapeDtypeStruct((NP, 1), jnp.float32),
        scratch_shapes=[pltpu.VMEM((RB, 1), jnp.float32)],
    )(scol, srow, bcol, brow, mcol, mrow)


def _k_prescale2(hist2, mcol, h2):
    def body(h_ref, m_ref, x_ref, g_ref):
        raw = h_ref[0, :, 0:1] + h_ref[1, :, 0:1]
        dinv = jnp.where(m_ref[...] > 0, lax.rsqrt(raw + 1.0), 0.0)
        g_ref[...] = dinv * x_ref[...]

    return pl.pallas_call(
        body,
        out_shape=jax.ShapeDtypeStruct((NP, D), jnp.float32),
    )(hist2, mcol, h2)


def _k_head(x1p, x2p, m1c, m2c, m1r, m2r, bcol, brow, xsnp, iw8,
            fc1wp, fc1bp, bn1gp, bn1bp, fc2wp, fc2bp,
            fc3arr, fc3bp, bn2gp, bn2bp, fc4wp, fc4bp):
    def body(x1_r, x2_r, m1c_r, m2c_r, m1r_r, m2r_r, bc_r, br_r,
             xs_r, iw_r, w1_r, b1_r, g1_r, be1_r, w2_r, b2_r,
             w3_r, b3_r, g2_r, be2_r, w4_r, b4_r,
             reg_ref, cls_ref, gmp1_s, gmp2_s):
        g_col = lax.broadcasted_iota(jnp.int32, (B, 1), 0).astype(jnp.float32)
        br = br_r[...]

        def gap(x_r, m_row):
            onehot = jnp.where((br == g_col) & (m_row > 0), 1.0, 0.0)
            ssum = _dot(onehot, x_r[...])
            cnt = jnp.sum(onehot, axis=1, keepdims=True)
            return ssum / jnp.maximum(cnt, 1.0)

        gap1 = gap(x1_r, m1r_r[...])
        gap2 = gap(x2_r, m2r_r[...])

        WGW = 1024

        def gmp(x_r, m_r, out_s):
            def one(g, _):
                gf = g.astype(jnp.float32)
                start = jnp.sum(jnp.where(br < gf, 1.0, 0.0))
                end = jnp.sum(jnp.where(br <= gf, 1.0, 0.0))
                a = jnp.minimum((start * 0.125).astype(jnp.int32) * 8,
                                NP - WGW)
                bw = bc_r[pl.ds(a, WGW), :]
                mw = m_r[pl.ds(a, WGW), :]
                xw = x_r[pl.ds(a, WGW), :]
                sel = (bw == gf) & (mw > 0)
                mx = jnp.max(jnp.where(sel, xw, -jnp.inf),
                             axis=0, keepdims=True)
                out_s[pl.ds(g, 1), :] = mx

                @pl.when(end > a.astype(jnp.float32) + WGW)
                def _():
                    self_f = (bc_r[...] == gf) & (m_r[...] > 0)
                    mxf = jnp.max(jnp.where(self_f, x_r[...], -jnp.inf),
                                  axis=0, keepdims=True)
                    out_s[pl.ds(g, 1), :] = mxf
                return 0
            lax.fori_loop(0, B, one, 0)

        gmp(x1_r, m1c_r, gmp1_s)
        gmp(x2_r, m2c_r, gmp2_s)

        iw_mean = jnp.mean(iw_r[...], axis=0, keepdims=True)
        snp0 = jnp.maximum(xs_r[...] * iw_mean, 0.0)
        t1 = _dot(snp0, w1_r[...]) + b1_r[...]
        mu1 = jnp.mean(t1, axis=0, keepdims=True)
        var1 = jnp.mean((t1 - mu1) ** 2, axis=0, keepdims=True)
        snp = jnp.maximum(
            g1_r[...] * (t1 - mu1) / jnp.sqrt(var1 + 1e-5) + be1_r[...], 0.0)

        reg_ref[...] = jnp.maximum(_dot(snp, w2_r[...]) + b2_r[...], 0.0)

        cat = jnp.concatenate(
            [snp, gmp1_s[...], gap1, gmp2_s[...], gap2], axis=1)
        t3 = _dot(cat, w3_r[...]) + b3_r[...]
        mu2 = jnp.mean(t3, axis=0, keepdims=True)
        var2 = jnp.mean((t3 - mu2) ** 2, axis=0, keepdims=True)
        xx2 = g2_r[...] * (t3 - mu2) / jnp.sqrt(var2 + 1e-5) + be2_r[...]

        logits = _dot(xx2, w4_r[...]) + b4_r[...]
        lmask = lax.broadcasted_iota(jnp.int32, (B, NCLS_P), 1) < 4
        mx = jnp.max(jnp.where(lmask, logits, -jnp.inf),
                     axis=1, keepdims=True)
        lse = jnp.log(jnp.sum(
            jnp.where(lmask, jnp.exp(logits - mx), 0.0),
            axis=1, keepdims=True)) + mx
        cls_ref[...] = logits - lse

    return pl.pallas_call(
        body,
        out_shape=[jax.ShapeDtypeStruct((B, NCLS_P), jnp.float32),
                   jax.ShapeDtypeStruct((B, NCLS_P), jnp.float32)],
        scratch_shapes=[pltpu.VMEM((B, D), jnp.float32),
                        pltpu.VMEM((B, D), jnp.float32)],
    )(x1p, x2p, m1c, m2c, m1r, m2r, bcol, brow, xsnp, iw8,
      fc1wp, fc1bp, bn1gp, bn1bp, fc2wp, fc2bp,
      fc3arr, fc3bp, bn2gp, bn2bp, fc4wp, fc4bp)



def kernel(x, edge_index, batch, x_snp, W1, b1, W2, b2, pool1_w, pool2_w,
           input_w, fc1_w, fc1_b, bn1_g, bn1_b, fc2_w, fc2_b, fc3_w, fc3_b,
           bn2_g, bn2_b, fc4_w, fc4_b):
    f32 = jnp.float32
    src = edge_index[0]
    dst = edge_index[1]
    dst3 = dst.reshape(NT, NCH, CH)
    dst2 = dst.reshape(NT, ET)
    dstA = dst2[:, :TOFF].reshape(NT, NFA, CHA)
    dstT = dst2[:, TOFF:].reshape(NT, 1, 16)

    xp = jnp.pad(x, ((0, NP - N), (0, 0)))
    w1p = jnp.pad(W1, ((0, 0), (0, D - HID)))
    w2p = jnp.pad(W2, ((0, D - HID), (0, D - HID)))
    b1r = jnp.pad(b1, (0, D - HID)).reshape(1, D)
    b2r = jnp.pad(b2, (0, D - HID)).reshape(1, D)
    p1r = jnp.pad(pool1_w, (0, D - HID)).reshape(1, D)
    p2r = jnp.pad(pool2_w, (0, D - HID)).reshape(1, D)

    bcol = jnp.pad(batch.astype(f32), (0, NP - N),
                   constant_values=64.0).reshape(NP, 1)
    brow = bcol.reshape(1, NP)
    m0col = jnp.pad(jnp.ones((N,), f32), (0, NP - N)).reshape(NP, 1)
    m0row = m0col.reshape(1, NP)

    hist1 = _sc_hist_ones(dst3)
    g1 = _k1_prescale(xp, w1p, hist1)
    acc1 = _sc_gather_sum64(g1, src, dstA, dstT)
    x1p, score1, h2 = _k_layer_out(acc1, g1, hist1, m0col, b1r, p1r, w2p)
    m1col = _k_rank(score1, score1.reshape(1, NP),
                    bcol, brow, m0col, m0row)
    m1row = m1col.reshape(1, NP)

    hist2 = _sc_hist_mask(m1col.reshape(NP), src, dst3)
    g2 = _k_prescale2(hist2, m1col, h2)
    acc2 = _sc_gather_sum64(g2, src, dstA, dstT)
    x2p, score2 = _k_layer_out(acc2, g2, hist2, m1col, b2r, p2r, None)
    m2col = _k_rank(score2, score2.reshape(1, NP),
                    bcol, brow, m1col, m1row)
    m2row = m2col.reshape(1, NP)

    xsnp = jnp.pad(x_snp, ((0, 0), (0, SNP_P - SNP)))
    iw8 = jnp.pad(input_w.reshape(8, SNP), ((0, 0), (0, SNP_P - SNP)))
    fc1wp = jnp.pad(fc1_w, ((0, SNP_P - SNP), (0, H1 - 500)))
    fc1bp = jnp.pad(fc1_b, (0, H1 - 500)).reshape(1, H1)
    bn1gp = jnp.pad(bn1_g, (0, H1 - 500)).reshape(1, H1)
    bn1bp = jnp.pad(bn1_b, (0, H1 - 500)).reshape(1, H1)
    fc2wp = jnp.pad(fc2_w, ((0, H1 - 500), (0, NCLS_P - 8)))
    fc2bp = jnp.pad(fc2_b, (0, NCLS_P - 8)).reshape(1, NCLS_P)
    fc3arr = jnp.zeros((CAT, D), f32)
    fc3arr = fc3arr.at[0:500, 0:HID].set(fc3_w[0:500])
    for t in range(4):
        fc3arr = fc3arr.at[H1 + D * t: H1 + D * t + HID, 0:HID].set(
            fc3_w[500 + HID * t: 500 + HID * (t + 1)])
    fc3bp = jnp.pad(fc3_b, (0, D - HID)).reshape(1, D)
    bn2gp = jnp.pad(bn2_g, (0, D - HID)).reshape(1, D)
    bn2bp = jnp.pad(bn2_b, (0, D - HID)).reshape(1, D)
    fc4wp = jnp.pad(fc4_w, ((0, D - HID), (0, NCLS_P - 4)))
    fc4bp = jnp.pad(fc4_b, (0, NCLS_P - 4)).reshape(1, NCLS_P)

    reg, cls = _k_head(x1p, x2p, m1col, m2col, m1row, m2row, bcol, brow,
                       xsnp, iw8, fc1wp, fc1bp, bn1gp, bn1bp, fc2wp, fc2bp,
                       fc3arr, fc3bp, bn2gp, bn2bp, fc4wp, fc4bp)
    return (reg[:, :8], cls[:, :4])

# --- scband reference (transcript-rebuilt; emitter-appended) ---
"""Pipeline reference for scband-feature-selection-gnn-2473901162531 (READ-ONLY COPY).

The authoritative reference and input builder live on the scoring server;
editing this copy changes nothing except your own understanding.
"""

import jax, jax.numpy as jnp
import numpy as np

N_NODES = 10000
N_EDGES = 320000
N_FEAT = 128
B = 64
N_SNP = 3001
N_QT = 8
HID = 50
RATIO = 0.5
N_CLS = 4


def _gcn(x, src, dst, node_mask, W, b):
    N = x.shape[0]
    h = x @ W
    em = node_mask[src] * node_mask[dst]
    deg = jax.ops.segment_sum(em, dst, num_segments=N) + node_mask
    safe = jnp.where(deg > 0, deg, 1.0)
    dinv = jnp.where(deg > 0, 1.0 / jnp.sqrt(safe), 0.0)
    norm = dinv[src] * dinv[dst] * em
    out = jax.ops.segment_sum(norm[:, None] * h[src], dst, num_segments=N)
    out = out + (dinv * dinv * node_mask)[:, None] * h
    return out + b


def _topk(x, w, batch, node_mask, ratio, nb):
    N = x.shape[0]
    score = (x @ w) / jnp.linalg.norm(w)
    ms = jnp.where(node_mask > 0, score, -jnp.inf)
    order = jnp.lexsort((-ms, batch))
    tot = jax.ops.segment_sum(jnp.ones(N, jnp.float32), batch, num_segments=nb)
    valid = jax.ops.segment_sum(node_mask, batch, num_segments=nb)
    starts = jnp.cumsum(tot) - tot
    pos = jnp.arange(N, dtype=jnp.float32) - starts[batch[order]]
    ranks = jnp.zeros(N, jnp.float32).at[order].set(pos)
    k = jnp.ceil(ratio * valid)
    new_mask = jnp.logical_and(ranks < k[batch], node_mask > 0).astype(jnp.float32)
    xp = x * jnp.tanh(score)[:, None]
    return xp, new_mask


def _gmp(x, batch, mask, nb):
    xm = jnp.where(mask[:, None] > 0, x, -jnp.inf)
    return jax.ops.segment_max(xm, batch, num_segments=nb)


def _gap(x, batch, mask, nb):
    s = jax.ops.segment_sum(x * mask[:, None], batch, num_segments=nb)
    c = jax.ops.segment_sum(mask, batch, num_segments=nb)
    return s / jnp.maximum(c, 1.0)[:, None]


def _bn(x, g, b):
    mu = jnp.mean(x, axis=0)
    var = jnp.mean((x - mu) ** 2, axis=0)
    return g * (x - mu) / jnp.sqrt(var + 1e-5) + b


def setup_inputs(seed: int = 0):
    key = jax.random.key(seed)
    ks = jax.random.split(key, 24)
    inp = {}
    inp['x'] = jax.random.normal(ks[0], (N_NODES, N_FEAT), dtype=jnp.float32)
    inp['edge_index'] = jax.random.randint(ks[1], (2, N_EDGES), 0, N_NODES, dtype=jnp.int32)
    inp['batch'] = jnp.sort(jax.random.randint(ks[2], (N_NODES,), 0, B, dtype=jnp.int32))
    inp['x_snp'] = jax.random.normal(ks[3], (B, N_SNP), dtype=jnp.float32)
    inp['W1'] = jax.random.normal(ks[4], (N_FEAT, HID), dtype=jnp.float32) * 0.05
    inp['b1'] = jnp.zeros((HID,), jnp.float32)
    inp['W2'] = jax.random.normal(ks[5], (HID, HID), dtype=jnp.float32) * 0.1
    inp['b2'] = jnp.zeros((HID,), jnp.float32)
    inp['pool1_w'] = jax.random.normal(ks[6], (HID,), dtype=jnp.float32)
    inp['pool2_w'] = jax.random.normal(ks[7], (HID,), dtype=jnp.float32)
    inp['input_w'] = jax.random.normal(ks[8], (1, N_QT, N_SNP), dtype=jnp.float32) * 0.02
    inp['fc1_w'] = jax.random.normal(ks[9], (N_SNP, 500), dtype=jnp.float32) * 0.02
    inp['fc1_b'] = jnp.zeros((500,), jnp.float32)
    inp['bn1_g'] = jnp.ones((500,), jnp.float32)
    inp['bn1_b'] = jnp.zeros((500,), jnp.float32)
    inp['fc2_w'] = jax.random.normal(ks[10], (500, N_QT), dtype=jnp.float32) * 0.05
    inp['fc2_b'] = jnp.zeros((N_QT,), jnp.float32)
    inp['fc3_w'] = jax.random.normal(ks[11], (700, HID), dtype=jnp.float32) * 0.05
    inp['fc3_b'] = jnp.zeros((HID,), jnp.float32)
    inp['bn2_g'] = jnp.ones((HID,), jnp.float32)
    inp['bn2_b'] = jnp.zeros((HID,), jnp.float32)
    inp['fc4_w'] = jax.random.normal(ks[12], (HID, N_CLS), dtype=jnp.float32) * 0.1
    inp['fc4_b'] = jnp.zeros((N_CLS,), jnp.float32)
    return inp


def reference(x, edge_index, batch, x_snp, W1, b1, W2, b2, pool1_w, pool2_w, input_w, fc1_w, fc1_b, bn1_g, bn1_b, fc2_w, fc2_b, fc3_w, fc3_b, bn2_g, bn2_b, fc4_w, fc4_b):
    src = edge_index[0]
    dst = edge_index[1]
    N = x.shape[0]
    nb = x_snp.shape[0]
    m0 = jnp.ones(N, jnp.float32)
    x1 = _gcn(x, src, dst, m0, W1, b1)
    x1p, m1 = _topk(x1, pool1_w, batch, m0, RATIO, nb)
    x2 = _gcn(x1p, src, dst, m1, W2, b2)
    x1cat = jnp.concatenate([_gmp(x1p, batch, m1, nb), _gap(x1p, batch, m1, nb)], axis=1)
    x2p, m2 = _topk(x2, pool2_w, batch, m1, RATIO, nb)
    x2cat = jnp.concatenate([_gmp(x2p, batch, m2, nb), _gap(x2p, batch, m2, nb)], axis=1)
    xx = jnp.concatenate([x1cat, x2cat], axis=1)
    snp = jax.nn.relu(x_snp * jnp.mean(input_w, axis=1))
    snp = jax.nn.relu(_bn(snp @ fc1_w + fc1_b, bn1_g, bn1_b))
    xx = jnp.concatenate([snp, xx], axis=1)
    xx = _bn(xx @ fc3_w + fc3_b, bn2_g, bn2_b)
    reg = jax.nn.relu(snp @ fc2_w + fc2_b)
    cls = jax.nn.log_softmax(xx @ fc4_w + fc4_b, axis=-1)
    return (reg, cls)

if __name__ == "__main__":
    import jax
    _d = setup_inputs()
    print(jax.jit(kernel)(*tuple(_d.values())))

</pallas_src>

<mosaic_0001>
#map = affine_map<(d0, d1) -> (0, 0, 0)>
module attributes {stable_mosaic.version = 14 : i64} {
  func.func @body(%arg0: i32, %arg1: i32, %arg2: memref<32x125x80xi32, #tpu.memory_space<hbm>>, %arg3: memref<2x10240x16xf32, #tpu.memory_space<hbm>>, %arg4: memref<10000xi32, #tpu.memory_space<vmem>>, %arg5: memref<125x80xi32, #tpu.memory_space<vmem>>, %arg6: memref<10240xf32, #tpu.memory_space<vmem>>, %arg7: memref<80x16xf32, #tpu.memory_space<vmem>>, %arg8: memref<80x16xf32, #tpu.memory_space<vmem>>, %arg9: memref<10240x16xf32, #tpu.memory_space<vmem_shared>>, %arg10: memref<!tpu.dma_semaphore, #tpu.memory_space<semaphore_mem>>, %arg11: memref<!tpu.dma_semaphore, #tpu.memory_space<semaphore_mem>>) attributes {dimension_semantics = [#tpu.dimension_semantics<core_parallel>, #tpu.dimension_semantics<subcore_parallel>], iteration_bounds = array<i64: 2, 16>, scalar_prefetch = 0 : i64, scratch_operands = 8 : i64, tpu.core_type = #tpu.core_type<sc_vector_subcore>, window_params = [{transform_indices = #map}, {transform_indices = #map}]} {
    %mul3A = arith.constant 2 : i32
    %mul3A_0 = arith.muli %arg1, %mul3A : i32
    %add3A = arith.addi %mul3A_0, %arg0 : i32
    "tpu.region"() ({
      %run_scoped3A = tpu.sem_alloc : memref<!tpu.dma_semaphore, #tpu.memory_space<semaphore_mem>>
      %dma_start3A_67 = arith.constant 0 : i32
      %dma_start3A_68 = arith.constant 0 : i32
      %dma_start3A_69 = tpu.memref_slice %arg2[%add3A, %dma_start3A_67, %dma_start3A_68] : memref<32x125x80xi32, #tpu.memory_space<hbm>> -> memref<1x125x80xi32, #tpu.memory_space<hbm>>
      %dma_start3A_70 = tpu.memref_squeeze %dma_start3A_69 : memref<1x125x80xi32, #tpu.memory_space<hbm>> -> memref<125x80xi32, #tpu.memory_space<hbm>>
      %dma_start3A_71 = arith.constant 0 : i32
      %dma_start3A_72 = arith.constant 0 : i32
      %dma_start3A_73 = tpu.memref_slice %arg2[%add3A, %dma_start3A_71, %dma_start3A_72] : memref<32x125x80xi32, #tpu.memory_space<hbm>> -> memref<1x125x80xi32, #tpu.memory_space<hbm>>
      %dma_start3A_74 = tpu.memref_squeeze %dma_start3A_73 : memref<1x125x80xi32, #tpu.memory_space<hbm>> -> memref<125x80xi32, #tpu.memory_space<hbm>>
      tpu.enqueue_dma source(%dma_start3A_74 : memref<125x80xi32, #tpu.memory_space<hbm>>) target(%arg5 : memref<125x80xi32, #tpu.memory_space<vmem>>) target_semaphore(%run_scoped3A : memref<!tpu.dma_semaphore, #tpu.memory_space<semaphore_mem>>)
      %dma_wait3A_75 = arith.constant 0 : i32
      %dma_wait3A_76 = arith.constant 0 : i32
      %dma_wait3A_77 = tpu.memref_slice %arg2[%add3A, %dma_wait3A_75, %dma_wait3A_76] : memref<32x125x80xi32, #tpu.memory_space<hbm>> -> memref<1x125x80xi32, #tpu.memory_space<hbm>>
      %dma_wait3A_78 = tpu.memref_squeeze %dma_wait3A_77 : memref<1x125x80xi32, #tpu.memory_space<hbm>> -> memref<125x80xi32, #tpu.memory_space<hbm>>
      %dma_wait3A_79 = arith.constant 0 : i32
      %dma_wait3A_80 = arith.constant 0 : i32
      %dma_wait3A_81 = tpu.memref_slice %arg2[%add3A, %dma_wait3A_79, %dma_wait3A_80] : memref<32x125x80xi32, #tpu.memory_space<hbm>> -> memref<1x125x80xi32, #tpu.memory_space<hbm>>
      %dma_wait3A_82 = tpu.memref_squeeze %dma_wait3A_81 : memref<1x125x80xi32, #tpu.memory_space<hbm>> -> memref<125x80xi32, #tpu.memory_space<hbm>>
      tpu.wait_dma2 semaphore(%run_scoped3A : memref<!tpu.dma_semaphore, #tpu.memory_space<semaphore_mem>>) src(%dma_wait3A_82 : memref<125x80xi32, #tpu.memory_space<hbm>>) dst(%arg5 : memref<125x80xi32, #tpu.memory_space<vmem>>)
      tpu.yield
    }) : () -> ()
    %scan3A = arith.constant 0 : i32
    %scan3A_1 = arith.constant 80 : i32
    %scan3A_2 = arith.addi %scan3A, %scan3A_1 : i32
    %scan3A_3 = arith.constant 1 : i32
    scf.for %scan3A_67 = %scan3A to %scan3A_2 step %scan3A_3  : i32 {
      %mul3A_68 = arith.constant 1 : i32
      %mul3A_69 = arith.muli %scan3A_67, %mul3A_68 : i32
      %add3A_70 = arith.constant 0 : i32
      %add3A_71 = arith.addi %add3A_70, %mul3A_69 : i32
      %broadcast_in_dim3A_72 = arith.constant 0.000000e+00 : f32
      %broadcast_in_dim3A_73 = vector.broadcast %broadcast_in_dim3A_72 : f32 to vector<16xf32>
      %swap3A = arith.index_cast %add3A_71 : i32 to index
      %swap3A_74 = arith.constant 0 : index
      %swap3A_75 = tpu.vector_load %arg7[%swap3A, %swap3A_74] {strides = array<i32>} : memref<80x16xf32, #tpu.memory_space<vmem>>, vector<16xf32>,
      tpu.vector_store %arg7[%swap3A, %swap3A_74], %broadcast_in_dim3A_73 {strides = array<i32>} : memref<80x16xf32, #tpu.memory_space<vmem>>, vector<16xf32>,
    }
    %scan3A_4 = arith.constant 80 : i32
    %mul3A_5 = arith.constant 640 : i32
    %mul3A_6 = arith.muli %arg1, %mul3A_5 : i32
    %multiple_of3A = tpu.assume_multiple %mul3A_6, 8 : i32
    %add3A_7 = arith.constant 0 : i32
    %add3A_8 = arith.addi %multiple_of3A, %add3A_7 : i32
    "tpu.region"() ({
      %run_scoped3A = tpu.sem_alloc : memref<!tpu.dma_semaphore, #tpu.memory_space<semaphore_mem>>
      %dma_start3A_67 = arith.constant 0 : i32
      %dma_start3A_68 = tpu.memref_slice %arg9[%add3A_8, %dma_start3A_67] : memref<10240x16xf32, #tpu.memory_space<vmem_shared>> -> memref<80x16xf32, #tpu.memory_space<vmem_shared>>
      %dma_start3A_69 = arith.constant 0 : i32
      %dma_start3A_70 = tpu.memref_slice %arg9[%add3A_8, %dma_start3A_69] : memref<10240x16xf32, #tpu.memory_space<vmem_shared>> -> memref<80x16xf32, #tpu.memory_space<vmem_shared>>
      tpu.enqueue_dma source(%arg7 : memref<80x16xf32, #tpu.memory_space<vmem>>) target(%dma_start3A_70 : memref<80x16xf32, #tpu.memory_space<vmem_shared>>) target_semaphore(%run_scoped3A : memref<!tpu.dma_semaphore, #tpu.memory_space<semaphore_mem>>)
      %dma_wait3A_71 = arith.constant 0 : i32
      %dma_wait3A_72 = tpu.memref_slice %arg9[%add3A_8, %dma_wait3A_71] : memref<10240x16xf32, #tpu.memory_space<vmem_shared>> -> memref<80x16xf32, #tpu.memory_space<vmem_shared>>
      %dma_wait3A_73 = arith.constant 0 : i32
      %dma_wait3A_74 = tpu.memref_slice %arg9[%add3A_8, %dma_wait3A_73] : memref<10240x16xf32, #tpu.memory_space<vmem_shared>> -> memref<80x16xf32, #tpu.memory_space<vmem_shared>>
      tpu.wait_dma2 semaphore(%run_scoped3A : memref<!tpu.dma_semaphore, #tpu.memory_space<semaphore_mem>>) src(%arg7 : memref<80x16xf32, #tpu.memory_space<vmem>>) dst(%dma_wait3A_74 : memref<80x16xf32, #tpu.memory_space<vmem_shared>>)
      tpu.yield
    }) : () -> ()
    %add3A_9 = arith.constant 80 : i32
    %add3A_10 = arith.addi %multiple_of3A, %add3A_9 : i32
    "tpu.region"() ({
      %run_scoped3A = tpu.sem_alloc : memref<!tpu.dma_semaphore, #tpu.memory_space<semaphore_mem>>
      %dma_start3A_67 = arith.constant 0 : i32
      %dma_start3A_68 = tpu.memref_slice %arg9[%add3A_10, %dma_start3A_67] : memref<10240x16xf32, #tpu.memory_space<vmem_shared>> -> memref<80x16xf32, #tpu.memory_space<vmem_shared>>
      %dma_start3A_69 = arith.constant 0 : i32
      %dma_start3A_70 = tpu.memref_slice %arg9[%add3A_10, %dma_start3A_69] : memref<10240x16xf32, #tpu.memory_space<vmem_shared>> -> memref<80x16xf32, #tpu.memory_space<vmem_shared>>
      tpu.enqueue_dma source(%arg7 : memref<80x16xf32, #tpu.memory_space<vmem>>) target(%dma_start3A_70 : memref<80x16xf32, #tpu.memory_space<vmem_shared>>) target_semaphore(%run_scoped3A : memref<!tpu.dma_semaphore, #tpu.memory_space<semaphore_mem>>)
      %dma_wait3A_71 = arith.constant 0 : i32
      %dma_wait3A_72 = tpu.memref_slice %arg9[%add3A_10, %dma_wait3A_71] : memref<10240x16xf32, #tpu.memory_space<vmem_shared>> -> memref<80x16xf32, #tpu.memory_space<vmem_shared>>
      %dma_wait3A_73 = arith.constant 0 : i32
      %dma_wait3A_74 = tpu.memref_slice %arg9[%add3A_10, %dma_wait3A_73] : memref<10240x16xf32, #tpu.memory_space<vmem_shared>> -> memref<80x16xf32, #tpu.memory_space<vmem_shared>>
      tpu.wait_dma2 semaphore(%run_scoped3A : memref<!tpu.dma_semaphore, #tpu.memory_space<semaphore_mem>>) src(%arg7 : memref<80x16xf32, #tpu.memory_space<vmem>>) dst(%dma_wait3A_74 : memref<80x16xf32, #tpu.memory_space<vmem_shared>>)
      tpu.yield
    }) : () -> ()
    %add3A_11 = arith.constant 160 : i32
    %add3A_12 = arith.addi %multiple_of3A, %add3A_11 : i32
    "tpu.region"() ({
      %run_scoped3A = tpu.sem_alloc : memref<!tpu.dma_semaphore, #tpu.memory_space<semaphore_mem>>
      %dma_start3A_67 = arith.constant 0 : i32
      %dma_start3A_68 = tpu.memref_slice %arg9[%add3A_12, %dma_start3A_67] : memref<10240x16xf32, #tpu.memory_space<vmem_shared>> -> memref<80x16xf32, #tpu.memory_space<vmem_shared>>
      %dma_start3A_69 = arith.constant 0 : i32
      %dma_start3A_70 = tpu.memref_slice %arg9[%add3A_12, %dma_start3A_69] : memref<10240x16xf32, #tpu.memory_space<vmem_shared>> -> memref<80x16xf32, #tpu.memory_space<vmem_shared>>
      tpu.enqueue_dma source(%arg7 : memref<80x16xf32, #tpu.memory_space<vmem>>) target(%dma_start3A_70 : memref<80x16xf32, #tpu.memory_space<vmem_shared>>) target_semaphore(%run_scoped3A : memref<!tpu.dma_semaphore, #tpu.memory_space<semaphore_mem>>)
      %dma_wait3A_71 = arith.constant 0 : i32
      %dma_wait3A_72 = tpu.memref_slice %arg9[%add3A_12, %dma_wait3A_71] : memref<10240x16xf32, #tpu.memory_space<vmem_shared>> -> memref<80x16xf32, #tpu.memory_space<vmem_shared>>
      %dma_wait3A_73 = arith.constant 0 : i32
      %dma_wait3A_74 = tpu.memref_slice %arg9[%add3A_12, %dma_wait3A_73] : memref<10240x16xf32, #tpu.memory_space<vmem_shared>> -> memref<80x16xf32, #tpu.memory_space<vmem_shared>>
      tpu.wait_dma2 semaphore(%run_scoped3A : memref<!tpu.dma_semaphore, #tpu.memory_space<semaphore_mem>>) src(%arg7 : memref<80x16xf32, #tpu.memory_space<vmem>>) dst(%dma_wait3A_74 : memref<80x16xf32, #tpu.memory_space<vmem_shared>>)
      tpu.yield
    }) : () -> ()
    %add3A_13 = arith.constant 240 : i32
    %add3A_14 = arith.addi %multiple_of3A, %add3A_13 : i32
    "tpu.region"() ({
      %run_scoped3A = tpu.sem_alloc : memref<!tpu.dma_semaphore, #tpu.memory_space<semaphore_mem>>
      %dma_start3A_67 = arith.constant 0 : i32
      %dma_start3A_68 = tpu.memref_slice %arg9[%add3A_14, %dma_start3A_67] : memref<10240x16xf32, #tpu.memory_space<vmem_shared>> -> memref<80x16xf32, #tpu.memory_space<vmem_shared>>
      %dma_start3A_69 = arith.constant 0 : i32
      %dma_start3A_70 = tpu.memref_slice %arg9[%add3A_14, %dma_start3A_69] : memref<10240x16xf32, #tpu.memory_space<vmem_shared>> -> memref<80x16xf32, #tpu.memory_space<vmem_shared>>
      tpu.enqueue_dma source(%arg7 : memref<80x16xf32, #tpu.memory_space<vmem>>) target(%dma_start3A_70 : memref<80x16xf32, #tpu.memory_space<vmem_shared>>) target_semaphore(%run_scoped3A : memref<!tpu.dma_semaphore, #tpu.memory_space<semaphore_mem>>)
      %dma_wait3A_71 = arith.constant 0 : i32
      %dma_wait3A_72 = tpu.memref_slice %arg9[%add3A_14, %dma_wait3A_71] : memref<10240x16xf32, #tpu.memory_space<vmem_shared>> -> memref<80x16xf32, #tpu.memory_space<vmem_shared>>
      %dma_wait3A_73 = arith.constant 0 : i32
      %dma_wait3A_74 = tpu.memref_slice %arg9[%add3A_14, %dma_wait3A_73] : memref<10240x16xf32, #tpu.memory_space<vmem_shared>> -> memref<80x16xf32, #tpu.memory_space<vmem_shared>>
      tpu.wait_dma2 semaphore(%run_scoped3A : memref<!tpu.dma_semaphore, #tpu.memory_space<semaphore_mem>>) src(%arg7 : memref<80x16xf32, #tpu.memory_space<vmem>>) dst(%dma_wait3A_74 : memref<80x16xf32, #tpu.memory_space<vmem_shared>>)
      tpu.yield
    }) : () -> ()
    %add3A_15 = arith.constant 320 : i32
    %add3A_16 = arith.addi %multiple_of3A, %add3A_15 : i32
    "tpu.region"() ({
      %run_scoped3A = tpu.sem_alloc : memref<!tpu.dma_semaphore, #tpu.memory_space<semaphore_mem>>
      %dma_start3A_67 = arith.constant 0 : i32
      %dma_start3A_68 = tpu.memref_slice %arg9[%add3A_16, %dma_start3A_67] : memref<10240x16xf32, #tpu.memory_space<vmem_shared>> -> memref<80x16xf32, #tpu.memory_space<vmem_shared>>
      %dma_start3A_69 = arith.constant 0 : i32
      %dma_start3A_70 = tpu.memref_slice %arg9[%add3A_16, %dma_start3A_69] : memref<10240x16xf32, #tpu.memory_space<vmem_shared>> -> memref<80x16xf32, #tpu.memory_space<vmem_shared>>
      tpu.enqueue_dma source(%arg7 : memref<80x16xf32, #tpu.memory_space<vmem>>) target(%dma_start3A_70 : memref<80x16xf32, #tpu.memory_space<vmem_shared>>) target_semaphore(%run_scoped3A : memref<!tpu.dma_semaphore, #tpu.memory_space<semaphore_mem>>)
      %dma_wait3A_71 = arith.constant 0 : i32
      %dma_wait3A_72 = tpu.memref_slice %arg9[%add3A_16, %dma_wait3A_71] : memref<10240x16xf32, #tpu.memory_space<vmem_shared>> -> memref<80x16xf32, #tpu.memory_space<vmem_shared>>
      %dma_wait3A_73 = arith.constant 0 : i32
      %dma_wait3A_74 = tpu.memref_slice %arg9[%add3A_16, %dma_wait3A_73] : memref<10240x16xf32, #tpu.memory_space<vmem_shared>> -> memref<80x16xf32, #tpu.memory_space<vmem_shared>>
      tpu.wait_dma2 semaphore(%run_scoped3A : memref<!tpu.dma_semaphore, #tpu.memory_space<semaphore_mem>>) src(%arg7 : memref<80x16xf32, #tpu.memory_space<vmem>>) dst(%dma_wait3A_74 : memref<80x16xf32, #tpu.memory_space<vmem_shared>>)
      tpu.yield
    }) : () -> ()
    %add3A_17 = arith.constant 400 : i32
    %add3A_18 = arith.addi %multiple_of3A, %add3A_17 : i32
    "tpu.region"() ({
      %run_scoped3A = tpu.sem_alloc : memref<!tpu.dma_semaphore, #tpu.memory_space<semaphore_mem>>
      %dma_start3A_67 = arith.constant 0 : i32
      %dma_start3A_68 = tpu.memref_slice %arg9[%add3A_18, %dma_start3A_67] : memref<10240x16xf32, #tpu.memory_space<vmem_shared>> -> memref<80x16xf32, #tpu.memory_space<vmem_shared>>
      %dma_start3A_69 = arith.constant 0 : i32
      %dma_start3A_70 = tpu.memref_slice %arg9[%add3A_18, %dma_start3A_69] : memref<10240x16xf32, #tpu.memory_space<vmem_shared>> -> memref<80x16xf32, #tpu.memory_space<vmem_shared>>
      tpu.enqueue_dma source(%arg7 : memref<80x16xf32, #tpu.memory_space<vmem>>) target(%dma_start3A_70 : memref<80x16xf32, #tpu.memory_space<vmem_shared>>) target_semaphore(%run_scoped3A : memref<!tpu.dma_semaphore, #tpu.memory_space<semaphore_mem>>)
      %dma_wait3A_71 = arith.constant 0 : i32
      %dma_wait3A_72 = tpu.memref_slice %arg9[%add3A_18, %dma_wait3A_71] : memref<10240x16xf32, #tpu.memory_space<vmem_shared>> -> memref<80x16xf32, #tpu.memory_space<vmem_shared>>
      %dma_wait3A_73 = arith.constant 0 : i32
      %dma_wait3A_74 = tpu.memref_slice %arg9[%add3A_18, %dma_wait3A_73] : memref<10240x16xf32, #tpu.memory_space<vmem_shared>> -> memref<80x16xf32, #tpu.memory_space<vmem_shared>>
      tpu.wait_dma2 semaphore(%run_scoped3A : memref<!tpu.dma_semaphore, #tpu.memory_space<semaphore_mem>>) src(%arg7 : memref<80x16xf32, #tpu.memory_space<vmem>>) dst(%dma_wait3A_74 : memref<80x16xf32, #tpu.memory_space<vmem_shared>>)
      tpu.yield
    }) : () -> ()
    %add3A_19 = arith.constant 480 : i32
    %add3A_20 = arith.addi %multiple_of3A, %add3A_19 : i32
    "tpu.region"() ({
      %run_scoped3A = tpu.sem_alloc : memref<!tpu.dma_semaphore, #tpu.memory_space<semaphore_mem>>
      %dma_start3A_67 = arith.constant 0 : i32
      %dma_start3A_68 = tpu.memref_slice %arg9[%add3A_20, %dma_start3A_67] : memref<10240x16xf32, #tpu.memory_space<vmem_shared>> -> memref<80x16xf32, #tpu.memory_space<vmem_shared>>
      %dma_start3A_69 = arith.constant 0 : i32
      %dma_start3A_70 = tpu.memref_slice %arg9[%add3A_20, %dma_start3A_69] : memref<10240x16xf32, #tpu.memory_space<vmem_shared>> -> memref<80x16xf32, #tpu.memory_space<vmem_shared>>
      tpu.enqueue_dma source(%arg7 : memref<80x16xf32, #tpu.memory_space<vmem>>) target(%dma_start3A_70 : memref<80x16xf32, #tpu.memory_space<vmem_shared>>) target_semaphore(%run_scoped3A : memref<!tpu.dma_semaphore, #tpu.memory_space<semaphore_mem>>)
      %dma_wait3A_71 = arith.constant 0 : i32
      %dma_wait3A_72 = tpu.memref_slice %arg9[%add3A_20, %dma_wait3A_71] : memref<10240x16xf32, #tpu.memory_space<vmem_shared>> -> memref<80x16xf32, #tpu.memory_space<vmem_shared>>
      %dma_wait3A_73 = arith.constant 0 : i32
      %dma_wait3A_74 = tpu.memref_slice %arg9[%add3A_20, %dma_wait3A_73] : memref<10240x16xf32, #tpu.memory_space<vmem_shared>> -> memref<80x16xf32, #tpu.memory_space<vmem_shared>>
      tpu.wait_dma2 semaphore(%run_scoped3A : memref<!tpu.dma_semaphore, #tpu.memory_space<semaphore_mem>>) src(%arg7 : memref<80x16xf32, #tpu.memory_space<vmem>>) dst(%dma_wait3A_74 : memref<80x16xf32, #tpu.memory_space<vmem_shared>>)
      tpu.yield
    }) : () -> ()
    %add3A_21 = arith.constant 560 : i32
    %add3A_22 = arith.addi %multiple_of3A, %add3A_21 : i32
    "tpu.region"() ({
      %run_scoped3A = tpu.sem_alloc : memref<!tpu.dma_semaphore, #tpu.memory_space<semaphore_mem>>
      %dma_start3A_67 = arith.constant 0 : i32
      %dma_start3A_68 = tpu.memref_slice %arg9[%add3A_22, %dma_start3A_67] : memref<10240x16xf32, #tpu.memory_space<vmem_shared>> -> memref<80x16xf32, #tpu.memory_space<vmem_shared>>
      %dma_start3A_69 = arith.constant 0 : i32
      %dma_start3A_70 = tpu.memref_slice %arg9[%add3A_22, %dma_start3A_69] : memref<10240x16xf32, #tpu.memory_space<vmem_shared>> -> memref<80x16xf32, #tpu.memory_space<vmem_shared>>
      tpu.enqueue_dma source(%arg7 : memref<80x16xf32, #tpu.memory_space<vmem>>) target(%dma_start3A_70 : memref<80x16xf32, #tpu.memory_space<vmem_shared>>) target_semaphore(%run_scoped3A : memref<!tpu.dma_semaphore, #tpu.memory_space<semaphore_mem>>)
      %dma_wait3A_71 = arith.constant 0 : i32
      %dma_wait3A_72 = tpu.memref_slice %arg9[%add3A_22, %dma_wait3A_71] : memref<10240x16xf32, #tpu.memory_space<vmem_shared>> -> memref<80x16xf32, #tpu.memory_space<vmem_shared>>
      %dma_wait3A_73 = arith.constant 0 : i32
      %dma_wait3A_74 = tpu.memref_slice %arg9[%add3A_22, %dma_wait3A_73] : memref<10240x16xf32, #tpu.memory_space<vmem_shared>> -> memref<80x16xf32, #tpu.memory_space<vmem_shared>>
      tpu.wait_dma2 semaphore(%run_scoped3A : memref<!tpu.dma_semaphore, #tpu.memory_space<semaphore_mem>>) src(%arg7 : memref<80x16xf32, #tpu.memory_space<vmem>>) dst(%dma_wait3A_74 : memref<80x16xf32, #tpu.memory_space<vmem_shared>>)
      tpu.yield
    }) : () -> ()
    %barrier3A = arith.constant 0 : index
    tpu.barrier barrier_id(%barrier3A)
    %broadcast_in_dim3A = arith.constant 0 : i32
    %broadcast_in_dim3A_23 = vector.broadcast %broadcast_in_dim3A : i32 to vector<16xi32>
    %iota3A = tpu.iota {dimensions = array<i32: 0>} : vector<16xi32>
    %add3A_24 = arith.constant 0 : i32
    %add3A_25 = vector.broadcast %add3A_24 : i32 to vector<16xi32>
    %add3A_26 = arith.addi %iota3A, %add3A_25 : vector<16xi32>
    %broadcast_in_dim3A_27 = arith.constant 1.000000e+00 : f32
    %broadcast_in_dim3A_28 = vector.broadcast %broadcast_in_dim3A_27 : f32 to vector<16xf32>
    tpu.vector_store_idx %arg7[%add3A_26, %broadcast_in_dim3A_23], %broadcast_in_dim3A_28 : memref<80x16xf32, #tpu.memory_space<vmem>>[vector<16xi32>, vector<16xi32>], vector<16xf32>,
    %add3A_29 = arith.constant 16 : i32
    %add3A_30 = vector.broadcast %add3A_29 : i32 to vector<16xi32>
    %add3A_31 = arith.addi %iota3A, %add3A_30 : vector<16xi32>
    %broadcast_in_dim3A_32 = arith.constant 1.000000e+00 : f32
    %broadcast_in_dim3A_33 = vector.broadcast %broadcast_in_dim3A_32 : f32 to vector<16xf32>
    tpu.vector_store_idx %arg7[%add3A_31, %broadcast_in_dim3A_23], %broadcast_in_dim3A_33 : memref<80x16xf32, #tpu.memory_space<vmem>>[vector<16xi32>, vector<16xi32>], vector<16xf32>,
    %add3A_34 = arith.constant 32 : i32
    %add3A_35 = vector.broadcast %add3A_34 : i32 to vector<16xi32>
    %add3A_36 = arith.addi %iota3A, %add3A_35 : vector<16xi32>
    %broadcast_in_dim3A_37 = arith.constant 1.000000e+00 : f32
    %broadcast_in_dim3A_38 = vector.broadcast %broadcast_in_dim3A_37 : f32 to vector<16xf32>
    tpu.vector_store_idx %arg7[%add3A_36, %broadcast_in_dim3A_23], %broadcast_in_dim3A_38 : memref<80x16xf32, #tpu.memory_space<vmem>>[vector<16xi32>, vector<16xi32>], vector<16xf32>,
    %add3A_39 = arith.constant 48 : i32
    %add3A_40 = vector.broadcast %add3A_39 : i32 to vector<16xi32>
    %add3A_41 = arith.addi %iota3A, %add3A_40 : vector<16xi32>
    %broadcast_in_dim3A_42 = arith.constant 1.000000e+00 : f32
    %broadcast_in_dim3A_43 = vector.broadcast %broadcast_in_dim3A_42 : f32 to vector<16xf32>
    tpu.vector_store_idx %arg7[%add3A_41, %broadcast_in_dim3A_23], %broadcast_in_dim3A_43 : memref<80x16xf32, #tpu.memory_space<vmem>>[vector<16xi32>, vector<16xi32>], vector<16xf32>,
    %add3A_44 = arith.constant 64 : i32
    %add3A_45 = vector.broadcast %add3A_44 : i32 to vector<16xi32>
    %add3A_46 = arith.addi %iota3A, %add3A_45 : vector<16xi32>
    %broadcast_in_dim3A_47 = arith.constant 1.000000e+00 : f32
    %broadcast_in_dim3A_48 = vector.broadcast %broadcast_in_dim3A_47 : f32 to vector<16xf32>
    tpu.vector_store_idx %arg7[%add3A_46, %broadcast_in_dim3A_23], %broadcast_in_dim3A_48 : memref<80x16xf32, #tpu.memory_space<vmem>>[vector<16xi32>, vector<16xi32>], vector<16xf32>,
    %scan3A_49 = arith.constant 0 : i32
    %scan3A_50 = arith.constant 62 : i32
    %scan3A_51 = arith.addi %scan3A_49, %scan3A_50 : i32
    %scan3A_52 = arith.constant 1 : i32
    scf.for %scan3A_67 = %scan3A_49 to %scan3A_51 step %scan3A_52  : i32 {
      %mul3A_68 = arith.constant 2 : i32
      %mul3A_69 = arith.muli %scan3A_67, %mul3A_68 : i32
      %add3A_70 = arith.constant 0 : i32
      %add3A_71 = arith.addi %add3A_70, %mul3A_69 : i32
      %dma_start3A_72 = arith.constant 0 : i32
      %dma_start3A_73 = tpu.memref_slice %arg5[%add3A_71, %dma_start3A_72] : memref<125x80xi32, #tpu.memory_space<vmem>> -> memref<1x80xi32, #tpu.memory_space<vmem>>
      %dma_start3A_74 = tpu.memref_squeeze %dma_start3A_73 : memref<1x80xi32, #tpu.memory_space<vmem>> -> memref<80xi32, #tpu.memory_space<vmem>>
      %dma_start3A_75 = arith.constant 0 : i32
      %dma_start3A_76 = arith.constant 0 : i32
      %dma_start3A_77 = tpu.memref_slice %arg9[%dma_start3A_75, %dma_start3A_76] : memref<10240x16xf32, #tpu.memory_space<vmem_shared>> -> memref<10240x16xf32, #tpu.memory_space<vmem_shared>>
      tpu.enqueue_indirect_dma source(%arg7 : memref<80x16xf32, #tpu.memory_space<vmem>>) target(%dma_start3A_77 : memref<10240x16xf32, #tpu.memory_space<vmem_shared>>) offsets(%dma_start3A_74 : memref<80xi32, #tpu.memory_space<vmem>>) semaphore(%arg10 : memref<!tpu.dma_semaphore, #tpu.memory_space<semaphore_mem>>) {add = true}
      %add3A_78 = arith.constant 1 : i32
      %add3A_79 = arith.addi %add3A_71, %add3A_78 : i32
      %add3A_80 = arith.constant 0 : i32
      %add3A_81 = vector.broadcast %add3A_80 : i32 to vector<16xi32>
      %add3A_82 = arith.addi %iota3A, %add3A_81 : vector<16xi32>
      %broadcast_in_dim3A_83 = arith.constant 1.000000e+00 : f32
      %broadcast_in_dim3A_84 = vector.broadcast %broadcast_in_dim3A_83 : f32 to vector<16xf32>
      tpu.vector_store_idx %arg8[%add3A_82, %broadcast_in_dim3A_23], %broadcast_in_dim3A_84 : memref<80x16xf32, #tpu.memory_space<vmem>>[vector<16xi32>, vector<16xi32>], vector<16xf32>,
      %add3A_85 = arith.constant 16 : i32
      %add3A_86 = vector.broadcast %add3A_85 : i32 to vector<16xi32>
      %add3A_87 = arith.addi %iota3A, %add3A_86 : vector<16xi32>
      %broadcast_in_dim3A_88 = arith.constant 1.000000e+00 : f32
      %broadcast_in_dim3A_89 = vector.broadcast %broadcast_in_dim3A_88 : f32 to vector<16xf32>
      tpu.vector_store_idx %arg8[%add3A_87, %broadcast_in_dim3A_23], %broadcast_in_dim3A_89 : memref<80x16xf32, #tpu.memory_space<vmem>>[vector<16xi32>, vector<16xi32>], vector<16xf32>,
      %add3A_90 = arith.constant 32 : i32
      %add3A_91 = vector.broadcast %add3A_90 : i32 to vector<16xi32>
      %add3A_92 = arith.addi %iota3A, %add3A_91 : vector<16xi32>
      %broadcast_in_dim3A_93 = arith.constant 1.000000e+00 : f32
      %broadcast_in_dim3A_94 = vector.broadcast %broadcast_in_dim3A_93 : f32 to vector<16xf32>
      tpu.vector_store_idx %arg8[%add3A_92, %broadcast_in_dim3A_23], %broadcast_in_dim3A_94 : memref<80x16xf32, #tpu.memory_space<vmem>>[vector<16xi32>, vector<16xi32>], vector<16xf32>,
      %add3A_95 = arith.constant 48 : i32
      %add3A_96 = vector.broadcast %add3A_95 : i32 to vector<16xi32>
      %add3A_97 = arith.addi %iota3A, %add3A_96 : vector<16xi32>
      %broadcast_in_dim3A_98 = arith.constant 1.000000e+00 : f32
      %broadcast_in_dim3A_99 = vector.broadcast %broadcast_in_dim3A_98 : f32 to vector<16xf32>
      tpu.vector_store_idx %arg8[%add3A_97, %broadcast_in_dim3A_23], %broadcast_in_dim3A_99 : memref<80x16xf32, #tpu.memory_space<vmem>>[vector<16xi32>, vector<16xi32>], vector<16xf32>,
      %add3A_100 = arith.constant 64 : i32
      %add3A_101 = vector.broadcast %add3A_100 : i32 to vector<16xi32>
      %add3A_102 = arith.addi %iota3A, %add3A_101 : vector<16xi32>
      %broadcast_in_dim3A_103 = arith.constant 1.000000e+00 : f32
      %broadcast_in_dim3A_104 = vector.broadcast %broadcast_in_dim3A_103 : f32 to vector<16xf32>
      tpu.vector_store_idx %arg8[%add3A_102, %broadcast_in_dim3A_23], %broadcast_in_dim3A_104 : memref<80x16xf32, #tpu.memory_space<vmem>>[vector<16xi32>, vector<16xi32>], vector<16xf32>,
      %add3A_105 = arith.constant 1 : i32
      %add3A_106 = arith.addi %add3A_71, %add3A_105 : i32
      %dma_start3A_107 = arith.constant 0 : i32
      %dma_start3A_108 = tpu.memref_slice %arg5[%add3A_106, %dma_start3A_107] : memref<125x80xi32, #tpu.memory_space<vmem>> -> memref<1x80xi32, #tpu.memory_space<vmem>>
      %dma_start3A_109 = tpu.memref_squeeze %dma_start3A_108 : memref<1x80xi32, #tpu.memory_space<vmem>> -> memref<80xi32, #tpu.memory_space<vmem>>
      %dma_start3A_110 = arith.constant 0 : i32
      %dma_start3A_111 = arith.constant 0 : i32
      %dma_start3A_112 = tpu.memref_slice %arg9[%dma_start3A_110, %dma_start3A_111] : memref<10240x16xf32, #tpu.memory_space<vmem_shared>> -> memref<10240x16xf32, #tpu.memory_space<vmem_shared>>
      tpu.enqueue_indirect_dma source(%arg8 : memref<80x16xf32, #tpu.memory_space<vmem>>) target(%dma_start3A_112 : memref<10240x16xf32, #tpu.memory_space<vmem_shared>>) offsets(%dma_start3A_109 : memref<80xi32, #tpu.memory_space<vmem>>) semaphore(%arg11 : memref<!tpu.dma_semaphore, #tpu.memory_space<semaphore_mem>>) {add = true}
      %dma_wait3A_113 = arith.constant 0 : i32
      %dma_wait3A_114 = tpu.memref_slice %arg5[%add3A_71, %dma_wait3A_113] : memref<125x80xi32, #tpu.memory_space<vmem>> -> memref<1x80xi32, #tpu.memory_space<vmem>>
      %dma_wait3A_115 = tpu.memref_squeeze %dma_wait3A_114 : memref<1x80xi32, #tpu.memory_space<vmem>> -> memref<80xi32, #tpu.memory_space<vmem>>
      %dma_wait3A_116 = arith.constant 0 : i32
      %dma_wait3A_117 = arith.constant 0 : i32
      %dma_wait3A_118 = tpu.memref_slice %arg9[%dma_wait3A_116, %dma_wait3A_117] : memref<10240x16xf32, #tpu.memory_space<vmem_shared>> -> memref<10240x16xf32, #tpu.memory_space<vmem_shared>>
      tpu.wait_indirect_dma semaphore(%arg10 : memref<!tpu.dma_semaphore, #tpu.memory_space<semaphore_mem>>) src(%arg7 : memref<80x16xf32, #tpu.memory_space<vmem>>) dst(%dma_wait3A_118 : memref<10240x16xf32, #tpu.memory_space<vmem_shared>>)
      %add3A_119 = arith.constant 2 : i32
      %add3A_120 = arith.addi %add3A_71, %add3A_119 : i32
      %add3A_121 = arith.constant 0 : i32
      %add3A_122 = vector.broadcast %add3A_121 : i32 to vector<16xi32>
      %add3A_123 = arith.addi %iota3A, %add3A_122 : vector<16xi32>
      %broadcast_in_dim3A_124 = arith.constant 1.000000e+00 : f32
      %broadcast_in_dim3A_125 = vector.broadcast %broadcast_in_dim3A_124 : f32 to vector<16xf32>
      tpu.vector_store_idx %arg7[%add3A_123, %broadcast_in_dim3A_23], %broadcast_in_dim3A_125 : memref<80x16xf32, #tpu.memory_space<vmem>>[vector<16xi32>, vector<16xi32>], vector<16xf32>,
      %add3A_126 = arith.constant 16 : i32
      %add3A_127 = vector.broadcast %add3A_126 : i32 to vector<16xi32>
      %add3A_128 = arith.addi %iota3A, %add3A_127 : vector<16xi32>
      %broadcast_in_dim3A_129 = arith.constant 1.000000e+00 : f32
      %broadcast_in_dim3A_130 = vector.broadcast %broadcast_in_dim3A_129 : f32 to vector<16xf32>
      tpu.vector_store_idx %arg7[%add3A_128, %broadcast_in_dim3A_23], %broadcast_in_dim3A_130 : memref<80x16xf32, #tpu.memory_space<vmem>>[vector<16xi32>, vector<16xi32>], vector<16xf32>,
      %add3A_131 = arith.constant 32 : i32
      %add3A_132 = vector.broadcast %add3A_131 : i32 to vector<16xi32>
      %add3A_133 = arith.addi %iota3A, %add3A_132 : vector<16xi32>
      %broadcast_in_dim3A_134 = arith.constant 1.000000e+00 : f32
      %broadcast_in_dim3A_135 = vector.broadcast %broadcast_in_dim3A_134 : f32 to vector<16xf32>
      tpu.vector_store_idx %arg7[%add3A_133, %broadcast_in_dim3A_23], %broadcast_in_dim3A_135 : memref<80x16xf32, #tpu.memory_space<vmem>>[vector<16xi32>, vector<16xi32>], vector<16xf32>,
      %add3A_136 = arith.constant 48 : i32
      %add3A_137 = vector.broadcast %add3A_136 : i32 to vector<16xi32>
      %add3A_138 = arith.addi %iota3A, %add3A_137 : vector<16xi32>
      %broadcast_in_dim3A_139 = arith.constant 1.000000e+00 : f32
      %broadcast_in_dim3A_140 = vector.broadcast %broadcast_in_dim3A_139 : f32 to vector<16xf32>
      tpu.vector_store_idx %arg7[%add3A_138, %broadcast_in_dim3A_23], %broadcast_in_dim3A_140 : memref<80x16xf32, #tpu.memory_space<vmem>>[vector<16xi32>, vector<16xi32>], vector<16xf32>,
      %add3A_141 = arith.constant 64 : i32
      %add3A_142 = vector.broadcast %add3A_141 : i32 to vector<16xi32>
      %add3A_143 = arith.addi %iota3A, %add3A_142 : vector<16xi32>
      %broadcast_in_dim3A_144 = arith.constant 1.000000e+00 : f32
      %broadcast_in_dim3A_145 = vector.broadcast %broadcast_in_dim3A_144 : f32 to vector<16xf32>
      tpu.vector_store_idx %arg7[%add3A_143, %broadcast_in_dim3A_23], %broadcast_in_dim3A_145 : memref<80x16xf32, #tpu.memory_space<vmem>>[vector<16xi32>, vector<16xi32>], vector<16xf32>,
      %dma_wait3A_146 = arith.constant 0 : i32
      %dma_wait3A_147 = tpu.memref_slice %arg5[%add3A_106, %dma_wait3A_146] : memref<125x80xi32, #tpu.memory_space<vmem>> -> memref<1x80xi32, #tpu.memory_space<vmem>>
      %dma_wait3A_148 = tpu.memref_squeeze %dma_wait3A_147 : memref<1x80xi32, #tpu.memory_space<vmem>> -> memref<80xi32, #tpu.memory_space<vmem>>
      %dma_wait3A_149 = arith.constant 0 : i32
      %dma_wait3A_150 = arith.constant 0 : i32
      %dma_wait3A_151 = tpu.memref_slice %arg9[%dma_wait3A_149, %dma_wait3A_150] : memref<10240x16xf32, #tpu.memory_space<vmem_shared>> -> memref<10240x16xf32, #tpu.memory_space<vmem_shared>>
      tpu.wait_indirect_dma semaphore(%arg11 : memref<!tpu.dma_semaphore, #tpu.memory_space<semaphore_mem>>) src(%arg8 : memref<80x16xf32, #tpu.memory_space<vmem>>) dst(%dma_wait3A_151 : memref<10240x16xf32, #tpu.memory_space<vmem_shared>>)
    }
    %scan3A_53 = arith.constant 62 : i32
    %dma_start3A = arith.constant 124 : i32
    %dma_start3A_54 = arith.constant 0 : i32
    %dma_start3A_55 = tpu.memref_slice %arg5[%dma_start3A, %dma_start3A_54] : memref<125x80xi32, #tpu.memory_space<vmem>> -> memref<1x80xi32, #tpu.memory_space<vmem>>
    %dma_start3A_56 = tpu.memref_squeeze %dma_start3A_55 : memref<1x80xi32, #tpu.memory_space<vmem>> -> memref<80xi32, #tpu.memory_space<vmem>>
    %dma_start3A_57 = arith.constant 0 : i32
    %dma_start3A_58 = arith.constant 0 : i32
    %dma_start3A_59 = tpu.memref_slice %arg9[%dma_start3A_57, %dma_start3A_58] : memref<10240x16xf32, #tpu.memory_space<vmem_shared>> -> memref<10240x16xf32, #tpu.memory_space<vmem_shared>>
    tpu.enqueue_indirect_dma source(%arg7 : memref<80x16xf32, #tpu.memory_space<vmem>>) target(%dma_start3A_59 : memref<10240x16xf32, #tpu.memory_space<vmem_shared>>) offsets(%dma_start3A_56 : memref<80xi32, #tpu.memory_space<vmem>>) semaphore(%arg10 : memref<!tpu.dma_semaphore, #tpu.memory_space<semaphore_mem>>) {add = true}
    %dma_wait3A = arith.constant 124 : i32
    %dma_wait3A_60 = arith.constant 0 : i32
    %dma_wait3A_61 = tpu.memref_slice %arg5[%dma_wait3A, %dma_wait3A_60] : memref<125x80xi32, #tpu.memory_space<vmem>> -> memref<1x80xi32, #tpu.memory_space<vmem>>
    %dma_wait3A_62 = tpu.memref_squeeze %dma_wait3A_61 : memref<1x80xi32, #tpu.memory_space<vmem>> -> memref<80xi32, #tpu.memory_space<vmem>>
    %dma_wait3A_63 = arith.constant 0 : i32
    %dma_wait3A_64 = arith.constant 0 : i32
    %dma_wait3A_65 = tpu.memref_slice %arg9[%dma_wait3A_63, %dma_wait3A_64] : memref<10240x16xf32, #tpu.memory_space<vmem_shared>> -> memref<10240x16xf32, #tpu.memory_space<vmem_shared>>
    tpu.wait_indirect_dma semaphore(%arg10 : memref<!tpu.dma_semaphore, #tpu.memory_space<semaphore_mem>>) src(%arg7 : memref<80x16xf32, #tpu.memory_space<vmem>>) dst(%dma_wait3A_65 : memref<10240x16xf32, #tpu.memory_space<vmem_shared>>)
    %barrier3A_66 = arith.constant 0 : index
    tpu.barrier barrier_id(%barrier3A_66)
    "tpu.region"() ({
      %run_scoped3A = tpu.sem_alloc : memref<!tpu.dma_semaphore, #tpu.memory_space<semaphore_mem>>
      %dma_start3A_67 = arith.constant 0 : i32
      %dma_start3A_68 = tpu.memref_slice %arg3[%arg0, %multiple_of3A, %dma_start3A_67] : memref<2x10240x16xf32, #tpu.memory_space<hbm>> -> memref<1x640x16xf32, #tpu.memory_space<hbm>>
      %dma_start3A_69 = tpu.memref_squeeze %dma_start3A_68 : memref<1x640x16xf32, #tpu.memory_space<hbm>> -> memref<640x16xf32, #tpu.memory_space<hbm>>
      %dma_start3A_70 = arith.constant 0 : i32
      %dma_start3A_71 = tpu.memref_slice %arg9[%multiple_of3A, %dma_start3A_70] : memref<10240x16xf32, #tpu.memory_space<vmem_shared>> -> memref<640x16xf32, #tpu.memory_space<vmem_shared>>
      tpu.enqueue_dma source(%dma_start3A_71 : memref<640x16xf32, #tpu.memory_space<vmem_shared>>) target(%dma_start3A_69 : memref<640x16xf32, #tpu.memory_space<hbm>>) target_semaphore(%run_scoped3A : memref<!tpu.dma_semaphore, #tpu.memory_space<semaphore_mem>>)
      %dma_wait3A_72 = arith.constant 0 : i32
      %dma_wait3A_73 = tpu.memref_slice %arg3[%arg0, %multiple_of3A, %dma_wait3A_72] : memref<2x10240x16xf32, #tpu.memory_space<hbm>> -> memref<1x640x16xf32, #tpu.memory_space<hbm>>
      %dma_wait3A_74 = tpu.memref_squeeze %dma_wait3A_73 : memref<1x640x16xf32, #tpu.memory_space<hbm>> -> memref<640x16xf32, #tpu.memory_space<hbm>>
      %dma_wait3A_75 = arith.constant 0 : i32
      %dma_wait3A_76 = tpu.memref_slice %arg9[%multiple_of3A, %dma_wait3A_75] : memref<10240x16xf32, #tpu.memory_space<vmem_shared>> -> memref<640x16xf32, #tpu.memory_space<vmem_shared>>
      tpu.wait_dma2 semaphore(%run_scoped3A : memref<!tpu.dma_semaphore, #tpu.memory_space<semaphore_mem>>) src(%dma_wait3A_76 : memref<640x16xf32, #tpu.memory_space<vmem_shared>>) dst(%dma_wait3A_74 : memref<640x16xf32, #tpu.memory_space<hbm>>)
      tpu.yield
    }) : () -> ()
    return
  }
}

#map = affine_map<(d0, d1) -> (0)>
#map1 = affine_map<(d0, d1) -> (0, 0, 0)>
module attributes {stable_mosaic.version = 14 : i64} {
  func.func @body(%arg0: i32, %arg1: i32, %arg2: memref<10240xf32, #tpu.memory_space<hbm>>, %arg3: memref<320000xi32, #tpu.memory_space<hbm>>, %arg4: memref<32x125x80xi32, #tpu.memory_space<hbm>>, %arg5: memref<2x10240x16xf32, #tpu.memory_space<hbm>>, %arg6: memref<10000xi32, #tpu.memory_space<vmem>>, %arg7: memref<125x80xi32, #tpu.memory_space<vmem>>, %arg8: memref<10240xf32, #tpu.memory_space<vmem>>, %arg9: memref<80x16xf32, #tpu.memory_space<vmem>>, %arg10: memref<80x16xf32, #tpu.memory_space<vmem>>, %arg11: memref<10240x16xf32, #tpu.memory_space<vmem_shared>>, %arg12: memref<!tpu.dma_semaphore, #tpu.memory_space<semaphore_mem>>, %arg13: memref<!tpu.dma_semaphore, #tpu.memory_space<semaphore_mem>>) attributes {dimension_semantics = [#tpu.dimension_semantics<core_parallel>, #tpu.dimension_semantics<subcore_parallel>], iteration_bounds = array<i64: 2, 16>, scalar_prefetch = 0 : i64, scratch_operands = 8 : i64, tpu.core_type = #tpu.core_type<sc_vector_subcore>, window_params = [{transform_indices = #map}, {transform_indices = #map}, {transform_indices = #map1}, {transform_indices = #map1}]} {
    %mul3A = arith.constant 2 : i32
    %mul3A_0 = arith.muli %arg1, %mul3A : i32
    %add3A = arith.addi %mul3A_0, %arg0 : i32
    "tpu.region"() ({
      %run_scoped3A = tpu.sem_alloc : memref<!tpu.dma_semaphore, #tpu.memory_space<semaphore_mem>>
      %dma_start3A_93 = arith.constant 0 : i32
      %dma_start3A_94 = arith.constant 0 : i32
      %dma_start3A_95 = tpu.memref_slice %arg4[%add3A, %dma_start3A_93, %dma_start3A_94] : memref<32x125x80xi32, #tpu.memory_space<hbm>> -> memref<1x125x80xi32, #tpu.memory_space<hbm>>
      %dma_start3A_96 = tpu.memref_squeeze %dma_start3A_95 : memref<1x125x80xi32, #tpu.memory_space<hbm>> -> memref<125x80xi32, #tpu.memory_space<hbm>>
      %dma_start3A_97 = arith.constant 0 : i32
      %dma_start3A_98 = arith.constant 0 : i32
      %dma_start3A_99 = tpu.memref_slice %arg4[%add3A, %dma_start3A_97, %dma_start3A_98] : memref<32x125x80xi32, #tpu.memory_space<hbm>> -> memref<1x125x80xi32, #tpu.memory_space<hbm>>
      %dma_start3A_100 = tpu.memref_squeeze %dma_start3A_99 : memref<1x125x80xi32, #tpu.memory_space<hbm>> -> memref<125x80xi32, #tpu.memory_space<hbm>>
      tpu.enqueue_dma source(%dma_start3A_100 : memref<125x80xi32, #tpu.memory_space<hbm>>) target(%arg7 : memref<125x80xi32, #tpu.memory_space<vmem>>) target_semaphore(%run_scoped3A : memref<!tpu.dma_semaphore, #tpu.memory_space<semaphore_mem>>)
      %dma_wait3A_101 = arith.constant 0 : i32
      %dma_wait3A_102 = arith.constant 0 : i32
      %dma_wait3A_103 = tpu.memref_slice %arg4[%add3A, %dma_wait3A_101, %dma_wait3A_102] : memref<32x125x80xi32, #tpu.memory_space<hbm>> -> memref<1x125x80xi32, #tpu.memory_space<hbm>>
      %dma_wait3A_104 = tpu.memref_squeeze %dma_wait3A_103 : memref<1x125x80xi32, #tpu.memory_space<hbm>> -> memref<125x80xi32, #tpu.memory_space<hbm>>
      %dma_wait3A_105 = arith.constant 0 : i32
      %dma_wait3A_106 = arith.constant 0 : i32
      %dma_wait3A_107 = tpu.memref_slice %arg4[%add3A, %dma_wait3A_105, %dma_wait3A_106] : memref<32x125x80xi32, #tpu.memory_space<hbm>> -> memref<1x125x80xi32, #tpu.memory_space<hbm>>
      %dma_wait3A_108 = tpu.memref_squeeze %dma_wait3A_107 : memref<1x125x80xi32, #tpu.memory_space<hbm>> -> memref<125x80xi32, #tpu.memory_space<hbm>>
      tpu.wait_dma2 semaphore(%run_scoped3A : memref<!tpu.dma_semaphore, #tpu.memory_space<semaphore_mem>>) src(%dma_wait3A_108 : memref<125x80xi32, #tpu.memory_space<hbm>>) dst(%arg7 : memref<125x80xi32, #tpu.memory_space<vmem>>)
      tpu.yield
    }) : () -> ()
    "tpu.region"() ({
      %run_scoped3A = tpu.sem_alloc : memref<!tpu.dma_semaphore, #tpu.memory_space<semaphore_mem>>
      tpu.enqueue_dma source(%arg2 : memref<10240xf32, #tpu.memory_space<hbm>>) target(%arg8 : memref<10240xf32, #tpu.memory_space<vmem>>) target_semaphore(%run_scoped3A : memref<!tpu.dma_semaphore, #tpu.memory_space<semaphore_mem>>)
      tpu.wait_dma2 semaphore(%run_scoped3A : memref<!tpu.dma_semaphore, #tpu.memory_space<semaphore_mem>>) src(%arg2 : memref<10240xf32, #tpu.memory_space<hbm>>) dst(%arg8 : memref<10240xf32, #tpu.memory_space<vmem>>)
      tpu.yield
    }) : () -> ()
    %mul3A_1 = arith.constant 10000 : i32
    %mul3A_2 = arith.muli %add3A, %mul3A_1 : i32
    %multiple_of3A = tpu.assume_multiple %mul3A_2, 8 : i32
    "tpu.region"() ({
      %run_scoped3A = tpu.sem_alloc : memref<!tpu.dma_semaphore, #tpu.memory_space<semaphore_mem>>
      %dma_start3A_93 = tpu.memref_slice %arg3[%multiple_of3A] : memref<320000xi32, #tpu.memory_space<hbm>> -> memref<10000xi32, #tpu.memory_space<hbm>>
      %dma_start3A_94 = tpu.memref_slice %arg3[%multiple_of3A] : memref<320000xi32, #tpu.memory_space<hbm>> -> memref<10000xi32, #tpu.memory_space<hbm>>
      tpu.enqueue_dma source(%dma_start3A_94 : memref<10000xi32, #tpu.memory_space<hbm>>) target(%arg6 : memref<10000xi32, #tpu.memory_space<vmem>>) target_semaphore(%run_scoped3A : memref<!tpu.dma_semaphore, #tpu.memory_space<semaphore_mem>>)
      %dma_wait3A_95 = tpu.memref_slice %arg3[%multiple_of3A] : memref<320000xi32, #tpu.memory_space<hbm>> -> memref<10000xi32, #tpu.memory_space<hbm>>
      %dma_wait3A_96 = tpu.memref_slice %arg3[%multiple_of3A] : memref<320000xi32, #tpu.memory_space<hbm>> -> memref<10000xi32, #tpu.memory_space<hbm>>
      tpu.wait_dma2 semaphore(%run_scoped3A : memref<!tpu.dma_semaphore, #tpu.memory_space<semaphore_mem>>) src(%dma_wait3A_96 : memref<10000xi32, #tpu.memory_space<hbm>>) dst(%arg6 : memref<10000xi32, #tpu.memory_space<vmem>>)
      tpu.yield
    }) : () -> ()
    %scan3A = arith.constant 0 : i32
    %scan3A_3 = arith.constant 80 : i32
    %scan3A_4 = arith.addi %scan3A, %scan3A_3 : i32
    %scan3A_5 = arith.constant 1 : i32
    scf.for %scan3A_93 = %scan3A to %scan3A_4 step %scan3A_5  : i32 {
      %mul3A_94 = arith.constant 1 : i32
      %mul3A_95 = arith.muli %scan3A_93, %mul3A_94 : i32
      %add3A_96 = arith.constant 0 : i32
      %add3A_97 = arith.addi %add3A_96, %mul3A_95 : i32
      %broadcast_in_dim3A_98 = arith.constant 0.000000e+00 : f32
      %broadcast_in_dim3A_99 = vector.broadcast %broadcast_in_dim3A_98 : f32 to vector<16xf32>
      %swap3A = arith.index_cast %add3A_97 : i32 to index
      %swap3A_100 = arith.constant 0 : index
      %swap3A_101 = tpu.vector_load %arg9[%swap3A, %swap3A_100] {strides = array<i32>} : memref<80x16xf32, #tpu.memory_space<vmem>>, vector<16xf32>,
      tpu.vector_store %arg9[%swap3A, %swap3A_100], %broadcast_in_dim3A_99 {strides = array<i32>} : memref<80x16xf32, #tpu.memory_space<vmem>>, vector<16xf32>,
    }
    %scan3A_6 = arith.constant 80 : i32
    %mul3A_7 = arith.constant 640 : i32
    %mul3A_8 = arith.muli %arg1, %mul3A_7 : i32
    %multiple_of3A_9 = tpu.assume_multiple %mul3A_8, 8 : i32
    %add3A_10 = arith.constant 0 : i32
    %add3A_11 = arith.addi %multiple_of3A_9, %add3A_10 : i32
    "tpu.region"() ({
      %run_scoped3A = tpu.sem_alloc : memref<!tpu.dma_semaphore, #tpu.memory_space<semaphore_mem>>
      %dma_start3A_93 = arith.constant 0 : i32
      %dma_start3A_94 = tpu.memref_slice %arg11[%add3A_11, %dma_start3A_93] : memref<10240x16xf32, #tpu.memory_space<vmem_shared>> -> memref<80x16xf32, #tpu.memory_space<vmem_shared>>
      %dma_start3A_95 = arith.constant 0 : i32
      %dma_start3A_96 = tpu.memref_slice %arg11[%add3A_11, %dma_start3A_95] : memref<10240x16xf32, #tpu.memory_space<vmem_shared>> -> memref<80x16xf32, #tpu.memory_space<vmem_shared>>
      tpu.enqueue_dma source(%arg9 : memref<80x16xf32, #tpu.memory_space<vmem>>) target(%dma_start3A_96 : memref<80x16xf32, #tpu.memory_space<vmem_shared>>) target_semaphore(%run_scoped3A : memref<!tpu.dma_semaphore, #tpu.memory_space<semaphore_mem>>)
      %dma_wait3A_97 = arith.constant 0 : i32
      %dma_wait3A_98 = tpu.memref_slice %arg11[%add3A_11, %dma_wait3A_97] : memref<10240x16xf32, #tpu.memory_space<vmem_shared>> -> memref<80x16xf32, #tpu.memory_space<vmem_shared>>
      %dma_wait3A_99 = arith.constant 0 : i32
      %dma_wait3A_100 = tpu.memref_slice %arg11[%add3A_11, %dma_wait3A_99] : memref<10240x16xf32, #tpu.memory_space<vmem_shared>> -> memref<80x16xf32, #tpu.memory_space<vmem_shared>>
      tpu.wait_dma2 semaphore(%run_scoped3A : memref<!tpu.dma_semaphore, #tpu.memory_space<semaphore_mem>>) src(%arg9 : memref<80x16xf32, #tpu.memory_space<vmem>>) dst(%dma_wait3A_100 : memref<80x16xf32, #tpu.memory_space<vmem_shared>>)
      tpu.yield
    }) : () -> ()
    %add3A_12 = arith.constant 80 : i32
    %add3A_13 = arith.addi %multiple_of3A_9, %add3A_12 : i32
    "tpu.region"() ({
      %run_scoped3A = tpu.sem_alloc : memref<!tpu.dma_semaphore, #tpu.memory_space<semaphore_mem>>
      %dma_start3A_93 = arith.constant 0 : i32
      %dma_start3A_94 = tpu.memref_slice %arg11[%add3A_13, %dma_start3A_93] : memref<10240x16xf32, #tpu.memory_space<vmem_shared>> -> memref<80x16xf32, #tpu.memory_space<vmem_shared>>
      %dma_start3A_95 = arith.constant 0 : i32
      %dma_start3A_96 = tpu.memref_slice %arg11[%add3A_13, %dma_start3A_95] : memref<10240x16xf32, #tpu.memory_space<vmem_shared>> -> memref<80x16xf32, #tpu.memory_space<vmem_shared>>
      tpu.enqueue_dma source(%arg9 : memref<80x16xf32, #tpu.memory_space<vmem>>) target(%dma_start3A_96 : memref<80x16xf32, #tpu.memory_space<vmem_shared>>) target_semaphore(%run_scoped3A : memref<!tpu.dma_semaphore, #tpu.memory_space<semaphore_mem>>)
      %dma_wait3A_97 = arith.constant 0 : i32
      %dma_wait3A_98 = tpu.memref_slice %arg11[%add3A_13, %dma_wait3A_97] : memref<10240x16xf32, #tpu.memory_space<vmem_shared>> -> memref<80x16xf32, #tpu.memory_space<vmem_shared>>
      %dma_wait3A_99 = arith.constant 0 : i32
      %dma_wait3A_100 = tpu.memref_slice %arg11[%add3A_13, %dma_wait3A_99] : memref<10240x16xf32, #tpu.memory_space<vmem_shared>> -> memref<80x16xf32, #tpu.memory_space<vmem_shared>>
      tpu.wait_dma2 semaphore(%run_scoped3A : memref<!tpu.dma_semaphore, #tpu.memory_space<semaphore_mem>>) src(%arg9 : memref<80x16xf32, #tpu.memory_space<vmem>>) dst(%dma_wait3A_100 : memref<80x16xf32, #tpu.memory_space<vmem_shared>>)
      tpu.yield
    }) : () -> ()
    %add3A_14 = arith.constant 160 : i32
    %add3A_15 = arith.addi %multiple_of3A_9, %add3A_14 : i32
    "tpu.region"() ({
      %run_scoped3A = tpu.sem_alloc : memref<!tpu.dma_semaphore, #tpu.memory_space<semaphore_mem>>
      %dma_start3A_93 = arith.constant 0 : i32
      %dma_start3A_94 = tpu.memref_slice %arg11[%add3A_15, %dma_start3A_93] : memref<10240x16xf32, #tpu.memory_space<vmem_shared>> -> memref<80x16xf32, #tpu.memory_space<vmem_shared>>
      %dma_start3A_95 = arith.constant 0 : i32
      %dma_start3A_96 = tpu.memref_slice %arg11[%add3A_15, %dma_start3A_95] : memref<10240x16xf32, #tpu.memory_space<vmem_shared>> -> memref<80x16xf32, #tpu.memory_space<vmem_shared>>
      tpu.enqueue_dma source(%arg9 : memref<80x16xf32, #tpu.memory_space<vmem>>) target(%dma_start3A_96 : memref<80x16xf32, #tpu.memory_space<vmem_shared>>) target_semaphore(%run_scoped3A : memref<!tpu.dma_semaphore, #tpu.memory_space<semaphore_mem>>)
      %dma_wait3A_97 = arith.constant 0 : i32
      %dma_wait3A_98 = tpu.memref_slice %arg11[%add3A_15, %dma_wait3A_97] : memref<10240x16xf32, #tpu.memory_space<vmem_shared>> -> memref<80x16xf32, #tpu.memory_space<vmem_shared>>
      %dma_wait3A_99 = arith.constant 0 : i32
      %dma_wait3A_100 = tpu.memref_slice %arg11[%add3A_15, %dma_wait3A_99] : memref<10240x16xf32, #tpu.memory_space<vmem_shared>> -> memref<80x16xf32, #tpu.memory_space<vmem_shared>>
      tpu.wait_dma2 semaphore(%run_scoped3A : memref<!tpu.dma_semaphore, #tpu.memory_space<semaphore_mem>>) src(%arg9 : memref<80x16xf32, #tpu.memory_space<vmem>>) dst(%dma_wait3A_100 : memref<80x16xf32, #tpu.memory_space<vmem_shared>>)
      tpu.yield
    }) : () -> ()
    %add3A_16 = arith.constant 240 : i32
    %add3A_17 = arith.addi %multiple_of3A_9, %add3A_16 : i32
    "tpu.region"() ({
      %run_scoped3A = tpu.sem_alloc : memref<!tpu.dma_semaphore, #tpu.memory_space<semaphore_mem>>
      %dma_start3A_93 = arith.constant 0 : i32
      %dma_start3A_94 = tpu.memref_slice %arg11[%add3A_17, %dma_start3A_93] : memref<10240x16xf32, #tpu.memory_space<vmem_shared>> -> memref<80x16xf32, #tpu.memory_space<vmem_shared>>
      %dma_start3A_95 = arith.constant 0 : i32
      %dma_start3A_96 = tpu.memref_slice %arg11[%add3A_17, %dma_start3A_95] : memref<10240x16xf32, #tpu.memory_space<vmem_shared>> -> memref<80x16xf32, #tpu.memory_space<vmem_shared>>
      tpu.enqueue_dma source(%arg9 : memref<80x16xf32, #tpu.memory_space<vmem>>) target(%dma_start3A_96 : memref<80x16xf32, #tpu.memory_space<vmem_shared>>) target_semaphore(%run_scoped3A : memref<!tpu.dma_semaphore, #tpu.memory_space<semaphore_mem>>)
      %dma_wait3A_97 = arith.constant 0 : i32
      %dma_wait3A_98 = tpu.memref_slice %arg11[%add3A_17, %dma_wait3A_97] : memref<10240x16xf32, #tpu.memory_space<vmem_shared>> -> memref<80x16xf32, #tpu.memory_space<vmem_shared>>
      %dma_wait3A_99 = arith.constant 0 : i32
      %dma_wait3A_100 = tpu.memref_slice %arg11[%add3A_17, %dma_wait3A_99] : memref<10240x16xf32, #tpu.memory_space<vmem_shared>> -> memref<80x16xf32, #tpu.memory_space<vmem_shared>>
      tpu.wait_dma2 semaphore(%run_scoped3A : memref<!tpu.dma_semaphore, #tpu.memory_space<semaphore_mem>>) src(%arg9 : memref<80x16xf32, #tpu.memory_space<vmem>>) dst(%dma_wait3A_100 : memref<80x16xf32, #tpu.memory_space<vmem_shared>>)
      tpu.yield
    }) : () -> ()
    %add3A_18 = arith.constant 320 : i32
    %add3A_19 = arith.addi %multiple_of3A_9, %add3A_18 : i32
    "tpu.region"() ({
      %run_scoped3A = tpu.sem_alloc : memref<!tpu.dma_semaphore, #tpu.memory_space<semaphore_mem>>
      %dma_start3A_93 = arith.constant 0 : i32
      %dma_start3A_94 = tpu.memref_slice %arg11[%add3A_19, %dma_start3A_93] : memref<10240x16xf32, #tpu.memory_space<vmem_shared>> -> memref<80x16xf32, #tpu.memory_space<vmem_shared>>
      %dma_start3A_95 = arith.constant 0 : i32
      %dma_start3A_96 = tpu.memref_slice %arg11[%add3A_19, %dma_start3A_95] : memref<10240x16xf32, #tpu.memory_space<vmem_shared>> -> memref<80x16xf32, #tpu.memory_space<vmem_shared>>
      tpu.enqueue_dma source(%arg9 : memref<80x16xf32, #tpu.memory_space<vmem>>) target(%dma_start3A_96 : memref<80x16xf32, #tpu.memory_space<vmem_shared>>) target_semaphore(%run_scoped3A : memref<!tpu.dma_semaphore, #tpu.memory_space<semaphore_mem>>)
      %dma_wait3A_97 = arith.constant 0 : i32
      %dma_wait3A_98 = tpu.memref_slice %arg11[%add3A_19, %dma_wait3A_97] : memref<10240x16xf32, #tpu.memory_space<vmem_shared>> -> memref<80x16xf32, #tpu.memory_space<vmem_shared>>
      %dma_wait3A_99 = arith.constant 0 : i32
      %dma_wait3A_100 = tpu.memref_slice %arg11[%add3A_19, %dma_wait3A_99] : memref<10240x16xf32, #tpu.memory_space<vmem_shared>> -> memref<80x16xf32, #tpu.memory_space<vmem_shared>>
      tpu.wait_dma2 semaphore(%run_scoped3A : memref<!tpu.dma_semaphore, #tpu.memory_space<semaphore_mem>>) src(%arg9 : memref<80x16xf32, #tpu.memory_space<vmem>>) dst(%dma_wait3A_100 : memref<80x16xf32, #tpu.memory_space<vmem_shared>>)
      tpu.yield
    }) : () -> ()
    %add3A_20 = arith.constant 400 : i32
    %add3A_21 = arith.addi %multiple_of3A_9, %add3A_20 : i32
    "tpu.region"() ({
      %run_scoped3A = tpu.sem_alloc : memref<!tpu.dma_semaphore, #tpu.memory_space<semaphore_mem>>
      %dma_start3A_93 = arith.constant 0 : i32
      %dma_start3A_94 = tpu.memref_slice %arg11[%add3A_21, %dma_start3A_93] : memref<10240x16xf32, #tpu.memory_space<vmem_shared>> -> memref<80x16xf32, #tpu.memory_space<vmem_shared>>
      %dma_start3A_95 = arith.constant 0 : i32
      %dma_start3A_96 = tpu.memref_slice %arg11[%add3A_21, %dma_start3A_95] : memref<10240x16xf32, #tpu.memory_space<vmem_shared>> -> memref<80x16xf32, #tpu.memory_space<vmem_shared>>
      tpu.enqueue_dma source(%arg9 : memref<80x16xf32, #tpu.memory_space<vmem>>) target(%dma_start3A_96 : memref<80x16xf32, #tpu.memory_space<vmem_shared>>) target_semaphore(%run_scoped3A : memref<!tpu.dma_semaphore, #tpu.memory_space<semaphore_mem>>)
      %dma_wait3A_97 = arith.constant 0 : i32
      %dma_wait3A_98 = tpu.memref_slice %arg11[%add3A_21, %dma_wait3A_97] : memref<10240x16xf32, #tpu.memory_space<vmem_shared>> -> memref<80x16xf32, #tpu.memory_space<vmem_shared>>
      %dma_wait3A_99 = arith.constant 0 : i32
      %dma_wait3A_100 = tpu.memref_slice %arg11[%add3A_21, %dma_wait3A_99] : memref<10240x16xf32, #tpu.memory_space<vmem_shared>> -> memref<80x16xf32, #tpu.memory_space<vmem_shared>>
      tpu.wait_dma2 semaphore(%run_scoped3A : memref<!tpu.dma_semaphore, #tpu.memory_space<semaphore_mem>>) src(%arg9 : memref<80x16xf32, #tpu.memory_space<vmem>>) dst(%dma_wait3A_100 : memref<80x16xf32, #tpu.memory_space<vmem_shared>>)
      tpu.yield
    }) : () -> ()
    %add3A_22 = arith.constant 480 : i32
    %add3A_23 = arith.addi %multiple_of3A_9, %add3A_22 : i32
    "tpu.region"() ({
      %run_scoped3A = tpu.sem_alloc : memref<!tpu.dma_semaphore, #tpu.memory_space<semaphore_mem>>
      %dma_start3A_93 = arith.constant 0 : i32
      %dma_start3A_94 = tpu.memref_slice %arg11[%add3A_23, %dma_start3A_93] : memref<10240x16xf32, #tpu.memory_space<vmem_shared>> -> memref<80x16xf32, #tpu.memory_space<vmem_shared>>
      %dma_start3A_95 = arith.constant 0 : i32
      %dma_start3A_96 = tpu.memref_slice %arg11[%add3A_23, %dma_start3A_95] : memref<10240x16xf32, #tpu.memory_space<vmem_shared>> -> memref<80x16xf32, #tpu.memory_space<vmem_shared>>
      tpu.enqueue_dma source(%arg9 : memref<80x16xf32, #tpu.memory_space<vmem>>) target(%dma_start3A_96 : memref<80x16xf32, #tpu.memory_space<vmem_shared>>) target_semaphore(%run_scoped3A : memref<!tpu.dma_semaphore, #tpu.memory_space<semaphore_mem>>)
      %dma_wait3A_97 = arith.constant 0 : i32
      %dma_wait3A_98 = tpu.memref_slice %arg11[%add3A_23, %dma_wait3A_97] : memref<10240x16xf32, #tpu.memory_space<vmem_shared>> -> memref<80x16xf32, #tpu.memory_space<vmem_shared>>
      %dma_wait3A_99 = arith.constant 0 : i32
      %dma_wait3A_100 = tpu.memref_slice %arg11[%add3A_23, %dma_wait3A_99] : memref<10240x16xf32, #tpu.memory_space<vmem_shared>> -> memref<80x16xf32, #tpu.memory_space<vmem_shared>>
      tpu.wait_dma2 semaphore(%run_scoped3A : memref<!tpu.dma_semaphore, #tpu.memory_space<semaphore_mem>>) src(%arg9 : memref<80x16xf32, #tpu.memory_space<vmem>>) dst(%dma_wait3A_100 : memref<80x16xf32, #tpu.memory_space<vmem_shared>>)
      tpu.yield
    }) : () -> ()
    %add3A_24 = arith.constant 560 : i32
    %add3A_25 = arith.addi %multiple_of3A_9, %add3A_24 : i32
    "tpu.region"() ({
      %run_scoped3A = tpu.sem_alloc : memref<!tpu.dma_semaphore, #tpu.memory_space<semaphore_mem>>
      %dma_start3A_93 = arith.constant 0 : i32
      %dma_start3A_94 = tpu.memref_slice %arg11[%add3A_25, %dma_start3A_93] : memref<10240x16xf32, #tpu.memory_space<vmem_shared>> -> memref<80x16xf32, #tpu.memory_space<vmem_shared>>
      %dma_start3A_95 = arith.constant 0 : i32
      %dma_start3A_96 = tpu.memref_slice %arg11[%add3A_25, %dma_start3A_95] : memref<10240x16xf32, #tpu.memory_space<vmem_shared>> -> memref<80x16xf32, #tpu.memory_space<vmem_shared>>
      tpu.enqueue_dma source(%arg9 : memref<80x16xf32, #tpu.memory_space<vmem>>) target(%dma_start3A_96 : memref<80x16xf32, #tpu.memory_space<vmem_shared>>) target_semaphore(%run_scoped3A : memref<!tpu.dma_semaphore, #tpu.memory_space<semaphore_mem>>)
      %dma_wait3A_97 = arith.constant 0 : i32
      %dma_wait3A_98 = tpu.memref_slice %arg11[%add3A_25, %dma_wait3A_97] : memref<10240x16xf32, #tpu.memory_space<vmem_shared>> -> memref<80x16xf32, #tpu.memory_space<vmem_shared>>
      %dma_wait3A_99 = arith.constant 0 : i32
      %dma_wait3A_100 = tpu.memref_slice %arg11[%add3A_25, %dma_wait3A_99] : memref<10240x16xf32, #tpu.memory_space<vmem_shared>> -> memref<80x16xf32, #tpu.memory_space<vmem_shared>>
      tpu.wait_dma2 semaphore(%run_scoped3A : memref<!tpu.dma_semaphore, #tpu.memory_space<semaphore_mem>>) src(%arg9 : memref<80x16xf32, #tpu.memory_space<vmem>>) dst(%dma_wait3A_100 : memref<80x16xf32, #tpu.memory_space<vmem_shared>>)
      tpu.yield
    }) : () -> ()
    %barrier3A = arith.constant 0 : index
    tpu.barrier barrier_id(%barrier3A)
    %broadcast_in_dim3A = arith.constant 0 : i32
    %broadcast_in_dim3A_26 = vector.broadcast %broadcast_in_dim3A : i32 to vector<16xi32>
    %iota3A = tpu.iota {dimensions = array<i32: 0>} : vector<16xi32>
    %multiple_of3A_27 = arith.constant 0 : i32
    %multiple_of3A_28 = tpu.assume_multiple %multiple_of3A_27, 8 : i32
    %add3A_29 = arith.constant 0 : i32
    %add3A_30 = arith.addi %multiple_of3A_28, %add3A_29 : i32
    %get3A = arith.index_cast %add3A_30 : i32 to index
    %get3A_31 = tpu.vector_load %arg6[%get3A] {strides = array<i32>} : memref<10000xi32, #tpu.memory_space<vmem>>, vector<16xi32>,
    %gather3A = tpu.vector_load_idx %arg8[%get3A_31] : memref<10240xf32, #tpu.memory_space<vmem>>[vector<16xi32>], vector<16xf32>,
    %add3A_32 = arith.constant 0 : i32
    %add3A_33 = vector.broadcast %add3A_32 : i32 to vector<16xi32>
    %add3A_34 = arith.addi %iota3A, %add3A_33 : vector<16xi32>
    tpu.vector_store_idx %arg9[%add3A_34, %broadcast_in_dim3A_26], %gather3A : memref<80x16xf32, #tpu.memory_space<vmem>>[vector<16xi32>, vector<16xi32>], vector<16xf32>,
    %multiple_of3A_35 = arith.constant 0 : i32
    %multiple_of3A_36 = tpu.assume_multiple %multiple_of3A_35, 8 : i32
    %add3A_37 = arith.constant 16 : i32
    %add3A_38 = arith.addi %multiple_of3A_36, %add3A_37 : i32
    %get3A_39 = arith.index_cast %add3A_38 : i32 to index
    %get3A_40 = tpu.vector_load %arg6[%get3A_39] {strides = array<i32>} : memref<10000xi32, #tpu.memory_space<vmem>>, vector<16xi32>,
    %gather3A_41 = tpu.vector_load_idx %arg8[%get3A_40] : memref<10240xf32, #tpu.memory_space<vmem>>[vector<16xi32>], vector<16xf32>,
    %add3A_42 = arith.constant 16 : i32
    %add3A_43 = vector.broadcast %add3A_42 : i32 to vector<16xi32>
    %add3A_44 = arith.addi %iota3A, %add3A_43 : vector<16xi32>
    tpu.vector_store_idx %arg9[%add3A_44, %broadcast_in_dim3A_26], %gather3A_41 : memref<80x16xf32, #tpu.memory_space<vmem>>[vector<16xi32>, vector<16xi32>], vector<16xf32>,
    %multiple_of3A_45 = arith.constant 0 : i32
    %multiple_of3A_46 = tpu.assume_multiple %multiple_of3A_45, 8 : i32
    %add3A_47 = arith.constant 32 : i32
    %add3A_48 = arith.addi %multiple_of3A_46, %add3A_47 : i32
    %get3A_49 = arith.index_cast %add3A_48 : i32 to index
    %get3A_50 = tpu.vector_load %arg6[%get3A_49] {strides = array<i32>} : memref<10000xi32, #tpu.memory_space<vmem>>, vector<16xi32>,
    %gather3A_51 = tpu.vector_load_idx %arg8[%get3A_50] : memref<10240xf32, #tpu.memory_space<vmem>>[vector<16xi32>], vector<16xf32>,
    %add3A_52 = arith.constant 32 : i32
    %add3A_53 = vector.broadcast %add3A_52 : i32 to vector<16xi32>
    %add3A_54 = arith.addi %iota3A, %add3A_53 : vector<16xi32>
    tpu.vector_store_idx %arg9[%add3A_54, %broadcast_in_dim3A_26], %gather3A_51 : memref<80x16xf32, #tpu.memory_space<vmem>>[vector<16xi32>, vector<16xi32>], vector<16xf32>,
    %multiple_of3A_55 = arith.constant 0 : i32
    %multiple_of3A_56 = tpu.assume_multiple %multiple_of3A_55, 8 : i32
    %add3A_57 = arith.constant 48 : i32
    %add3A_58 = arith.addi %multiple_of3A_56, %add3A_57 : i32
    %get3A_59 = arith.index_cast %add3A_58 : i32 to index
    %get3A_60 = tpu.vector_load %arg6[%get3A_59] {strides = array<i32>} : memref<10000xi32, #tpu.memory_space<vmem>>, vector<16xi32>,
    %gather3A_61 = tpu.vector_load_idx %arg8[%get3A_60] : memref<10240xf32, #tpu.memory_space<vmem>>[vector<16xi32>], vector<16xf32>,
    %add3A_62 = arith.constant 48 : i32
    %add3A_63 = vector.broadcast %add3A_62 : i32 to vector<16xi32>
    %add3A_64 = arith.addi %iota3A, %add3A_63 : vector<16xi32>
    tpu.vector_store_idx %arg9[%add3A_64, %broadcast_in_dim3A_26], %gather3A_61 : memref<80x16xf32, #tpu.memory_space<vmem>>[vector<16xi32>, vector<16xi32>], vector<16xf32>,
    %multiple_of3A_65 = arith.constant 0 : i32
    %multiple_of3A_66 = tpu.assume_multiple %multiple_of3A_65, 8 : i32
    %add3A_67 = arith.constant 64 : i32
    %add3A_68 = arith.addi %multiple_of3A_66, %add3A_67 : i32
    %get3A_69 = arith.index_cast %add3A_68 : i32 to index
    %get3A_70 = tpu.vector_load %arg6[%get3A_69] {strides = array<i32>} : memref<10000xi32, #tpu.memory_space<vmem>>, vector<16xi32>,
    %gather3A_71 = tpu.vector_load_idx %arg8[%get3A_70] : memref<10240xf32, #tpu.memory_space<vmem>>[vector<16xi32>], vector<16xf32>,
    %add3A_72 = arith.constant 64 : i32
    %add3A_73 = vector.broadcast %add3A_72 : i32 to vector<16xi32>
    %add3A_74 = arith.addi %iota3A, %add3A_73 : vector<16xi32>
    tpu.vector_store_idx %arg9[%add3A_74, %broadcast_in_dim3A_26], %gather3A_71 : memref<80x16xf32, #tpu.memory_space<vmem>>[vector<16xi32>, vector<16xi32>], vector<16xf32>,
    %scan3A_75 = arith.constant 0 : i32
    %scan3A_76 = arith.constant 62 : i32
    %scan3A_77 = arith.addi %scan3A_75, %scan3A_76 : i32
    %scan3A_78 = arith.constant 1 : i32
    scf.for %scan3A_93 = %scan3A_75 to %scan3A_77 step %scan3A_78  : i32 {
      %mul3A_94 = arith.constant 2 : i32
      %mul3A_95 = arith.muli %scan3A_93, %mul3A_94 : i32
      %add3A_96 = arith.constant 0 : i32
      %add3A_97 = arith.addi %add3A_96, %mul3A_95 : i32
      %dma_start3A_98 = arith.constant 0 : i32
      %dma_start3A_99 = tpu.memref_slice %arg7[%add3A_97, %dma_start3A_98] : memref<125x80xi32, #tpu.memory_space<vmem>> -> memref<1x80xi32, #tpu.memory_space<vmem>>
      %dma_start3A_100 = tpu.memref_squeeze %dma_start3A_99 : memref<1x80xi32, #tpu.memory_space<vmem>> -> memref<80xi32, #tpu.memory_space<vmem>>
      %dma_start3A_101 = arith.constant 0 : i32
      %dma_start3A_102 = arith.constant 0 : i32
      %dma_start3A_103 = tpu.memref_slice %arg11[%dma_start3A_101, %dma_start3A_102] : memref<10240x16xf32, #tpu.memory_space<vmem_shared>> -> memref<10240x16xf32, #tpu.memory_space<vmem_shared>>
      tpu.enqueue_indirect_dma source(%arg9 : memref<80x16xf32, #tpu.memory_space<vmem>>) target(%dma_start3A_103 : memref<10240x16xf32, #tpu.memory_space<vmem_shared>>) offsets(%dma_start3A_100 : memref<80xi32, #tpu.memory_space<vmem>>) semaphore(%arg12 : memref<!tpu.dma_semaphore, #tpu.memory_space<semaphore_mem>>) {add = true}
      %add3A_104 = arith.constant 1 : i32
      %add3A_105 = arith.addi %add3A_97, %add3A_104 : i32
      %mul3A_106 = arith.constant 80 : i32
      %mul3A_107 = arith.muli %add3A_105, %mul3A_106 : i32
      %multiple_of3A_108 = tpu.assume_multiple %mul3A_107, 8 : i32
      %add3A_109 = arith.constant 0 : i32
      %add3A_110 = arith.addi %multiple_of3A_108, %add3A_109 : i32
      %get3A_111 = arith.index_cast %add3A_110 : i32 to index
      %get3A_112 = tpu.vector_load %arg6[%get3A_111] {strides = array<i32>} : memref<10000xi32, #tpu.memory_space<vmem>>, vector<16xi32>,
      %gather3A_113 = tpu.vector_load_idx %arg8[%get3A_112] : memref<10240xf32, #tpu.memory_space<vmem>>[vector<16xi32>], vector<16xf32>,
      %add3A_114 = arith.constant 0 : i32
      %add3A_115 = vector.broadcast %add3A_114 : i32 to vector<16xi32>
      %add3A_116 = arith.addi %iota3A, %add3A_115 : vector<16xi32>
      tpu.vector_store_idx %arg10[%add3A_116, %broadcast_in_dim3A_26], %gather3A_113 : memref<80x16xf32, #tpu.memory_space<vmem>>[vector<16xi32>, vector<16xi32>], vector<16xf32>,
      %mul3A_117 = arith.constant 80 : i32
      %mul3A_118 = arith.muli %add3A_105, %mul3A_117 : i32
      %multiple_of3A_119 = tpu.assume_multiple %mul3A_118, 8 : i32
      %add3A_120 = arith.constant 16 : i32
      %add3A_121 = arith.addi %multiple_of3A_119, %add3A_120 : i32
      %get3A_122 = arith.index_cast %add3A_121 : i32 to index
      %get3A_123 = tpu.vector_load %arg6[%get3A_122] {strides = array<i32>} : memref<10000xi32, #tpu.memory_space<vmem>>, vector<16xi32>,
      %gather3A_124 = tpu.vector_load_idx %arg8[%get3A_123] : memref<10240xf32, #tpu.memory_space<vmem>>[vector<16xi32>], vector<16xf32>,
      %add3A_125 = arith.constant 16 : i32
      %add3A_126 = vector.broadcast %add3A_125 : i32 to vector<16xi32>
      %add3A_127 = arith.addi %iota3A, %add3A_126 : vector<16xi32>
      tpu.vector_store_idx %arg10[%add3A_127, %broadcast_in_dim3A_26], %gather3A_124 : memref<80x16xf32, #tpu.memory_space<vmem>>[vector<16xi32>, vector<16xi32>], vector<16xf32>,
      %mul3A_128 = arith.constant 80 : i32
      %mul3A_129 = arith.muli %add3A_105, %mul3A_128 : i32
      %multiple_of3A_130 = tpu.assume_multiple %mul3A_129, 8 : i32
      %add3A_131 = arith.constant 32 : i32
      %add3A_132 = arith.addi %multiple_of3A_130, %add3A_131 : i32
      %get3A_133 = arith.index_cast %add3A_132 : i32 to index
      %get3A_134 = tpu.vector_load %arg6[%get3A_133] {strides = array<i32>} : memref<10000xi32, #tpu.memory_space<vmem>>, vector<16xi32>,
      %gather3A_135 = tpu.vector_load_idx %arg8[%get3A_134] : memref<10240xf32, #tpu.memory_space<vmem>>[vector<16xi32>], vector<16xf32>,
      %add3A_136 = arith.constant 32 : i32
      %add3A_137 = vector.broadcast %add3A_136 : i32 to vector<16xi32>
      %add3A_138 = arith.addi %iota3A, %add3A_137 : vector<16xi32>
      tpu.vector_store_idx %arg10[%add3A_138, %broadcast_in_dim3A_26], %gather3A_135 : memref<80x16xf32, #tpu.memory_space<vmem>>[vector<16xi32>, vector<16xi32>], vector<16xf32>,
      %mul3A_139 = arith.constant 80 : i32
      %mul3A_140 = arith.muli %add3A_105, %mul3A_139 : i32
      %multiple_of3A_141 = tpu.assume_multiple %mul3A_140, 8 : i32
      %add3A_142 = arith.constant 48 : i32
      %add3A_143 = arith.addi %multiple_of3A_141, %add3A_142 : i32
      %get3A_144 = arith.index_cast %add3A_143 : i32 to index
      %get3A_145 = tpu.vector_load %arg6[%get3A_144] {strides = array<i32>} : memref<10000xi32, #tpu.memory_space<vmem>>, vector<16xi32>,
      %gather3A_146 = tpu.vector_load_idx %arg8[%get3A_145] : memref<10240xf32, #tpu.memory_space<vmem>>[vector<16xi32>], vector<16xf32>,
      %add3A_147 = arith.constant 48 : i32
      %add3A_148 = vector.broadcast %add3A_147 : i32 to vector<16xi32>
      %add3A_149 = arith.addi %iota3A, %add3A_148 : vector<16xi32>
      tpu.vector_store_idx %arg10[%add3A_149, %broadcast_in_dim3A_26], %gather3A_146 : memref<80x16xf32, #tpu.memory_space<vmem>>[vector<16xi32>, vector<16xi32>], vector<16xf32>,
      %mul3A_150 = arith.constant 80 : i32
      %mul3A_151 = arith.muli %add3A_105, %mul3A_150 : i32
      %multiple_of3A_152 = tpu.assume_multiple %mul3A_151, 8 : i32
      %add3A_153 = arith.constant 64 : i32
      %add3A_154 = arith.addi %multiple_of3A_152, %add3A_153 : i32
      %get3A_155 = arith.index_cast %add3A_154 : i32 to index
      %get3A_156 = tpu.vector_load %arg6[%get3A_155] {strides = array<i32>} : memref<10000xi32, #tpu.memory_space<vmem>>, vector<16xi32>,
      %gather3A_157 = tpu.vector_load_idx %arg8[%get3A_156] : memref<10240xf32, #tpu.memory_space<vmem>>[vector<16xi32>], vector<16xf32>,
      %add3A_158 = arith.constant 64 : i32
      %add3A_159 = vector.broadcast %add3A_158 : i32 to vector<16xi32>
      %add3A_160 = arith.addi %iota3A, %add3A_159 : vector<16xi32>
      tpu.vector_store_idx %arg10[%add3A_160, %broadcast_in_dim3A_26], %gather3A_157 : memref<80x16xf32, #tpu.memory_space<vmem>>[vector<16xi32>, vector<16xi32>], vector<16xf32>,
      %add3A_161 = arith.constant 1 : i32
      %add3A_162 = arith.addi %add3A_97, %add3A_161 : i32
      %dma_start3A_163 = arith.constant 0 : i32
      %dma_start3A_164 = tpu.memref_slice %arg7[%add3A_162, %dma_start3A_163] : memref<125x80xi32, #tpu.memory_space<vmem>> -> memref<1x80xi32, #tpu.memory_space<vmem>>
      %dma_start3A_165 = tpu.memref_squeeze %dma_start3A_164 : memref<1x80xi32, #tpu.memory_space<vmem>> -> memref<80xi32, #tpu.memory_space<vmem>>
      %dma_start3A_166 = arith.constant 0 : i32
      %dma_start3A_167 = arith.constant 0 : i32
      %dma_start3A_168 = tpu.memref_slice %arg11[%dma_start3A_166, %dma_start3A_167] : memref<10240x16xf32, #tpu.memory_space<vmem_shared>> -> memref<10240x16xf32, #tpu.memory_space<vmem_shared>>
      tpu.enqueue_indirect_dma source(%arg10 : memref<80x16xf32, #tpu.memory_space<vmem>>) target(%dma_start3A_168 : memref<10240x16xf32, #tpu.memory_space<vmem_shared>>) offsets(%dma_start3A_165 : memref<80xi32, #tpu.memory_space<vmem>>) semaphore(%arg13 : memref<!tpu.dma_semaphore, #tpu.memory_space<semaphore_mem>>) {add = true}
      %dma_wait3A_169 = arith.constant 0 : i32
      %dma_wait3A_170 = tpu.memref_slice %arg7[%add3A_97, %dma_wait3A_169] : memref<125x80xi32, #tpu.memory_space<vmem>> -> memref<1x80xi32, #tpu.memory_space<vmem>>
      %dma_wait3A_171 = tpu.memref_squeeze %dma_wait3A_170 : memref<1x80xi32, #tpu.memory_space<vmem>> -> memref<80xi32, #tpu.memory_space<vmem>>
      %dma_wait3A_172 = arith.constant 0 : i32
      %dma_wait3A_173 = arith.constant 0 : i32
      %dma_wait3A_174 = tpu.memref_slice %arg11[%dma_wait3A_172, %dma_wait3A_173] : memref<10240x16xf32, #tpu.memory_space<vmem_shared>> -> memref<10240x16xf32, #tpu.memory_space<vmem_shared>>
      tpu.wait_indirect_dma semaphore(%arg12 : memref<!tpu.dma_semaphore, #tpu.memory_space<semaphore_mem>>) src(%arg9 : memref<80x16xf32, #tpu.memory_space<vmem>>) dst(%dma_wait3A_174 : memref<10240x16xf32, #tpu.memory_space<vmem_shared>>)
      %add3A_175 = arith.constant 2 : i32
      %add3A_176 = arith.addi %add3A_97, %add3A_175 : i32
      %mul3A_177 = arith.constant 80 : i32
      %mul3A_178 = arith.muli %add3A_176, %mul3A_177 : i32
      %multiple_of3A_179 = tpu.assume_multiple %mul3A_178, 8 : i32
      %add3A_180 = arith.constant 0 : i32
      %add3A_181 = arith.addi %multiple_of3A_179, %add3A_180 : i32
      %get3A_182 = arith.index_cast %add3A_181 : i32 to index
      %get3A_183 = tpu.vector_load %arg6[%get3A_182] {strides = array<i32>} : memref<10000xi32, #tpu.memory_space<vmem>>, vector<16xi32>,
      %gather3A_184 = tpu.vector_load_idx %arg8[%get3A_183] : memref<10240xf32, #tpu.memory_space<vmem>>[vector<16xi32>], vector<16xf32>,
      %add3A_185 = arith.constant 0 : i32
      %add3A_186 = vector.broadcast %add3A_185 : i32 to vector<16xi32>
      %add3A_187 = arith.addi %iota3A, %add3A_186 : vector<16xi32>
      tpu.vector_store_idx %arg9[%add3A_187, %broadcast_in_dim3A_26], %gather3A_184 : memref<80x16xf32, #tpu.memory_space<vmem>>[vector<16xi32>, vector<16xi32>], vector<16xf32>,
      %mul3A_188 = arith.constant 80 : i32
      %mul3A_189 = arith.muli %add3A_176, %mul3A_188 : i32
      %multiple_of3A_190 = tpu.assume_multiple %mul3A_189, 8 : i32
      %add3A_191 = arith.constant 16 : i32
      %add3A_192 = arith.addi %multiple_of3A_190, %add3A_191 : i32
      %get3A_193 = arith.index_cast %add3A_192 : i32 to index
      %get3A_194 = tpu.vector_load %arg6[%get3A_193] {strides = array<i32>} : memref<10000xi32, #tpu.memory_space<vmem>>, vector<16xi32>,
      %gather3A_195 = tpu.vector_load_idx %arg8[%get3A_194] : memref<10240xf32, #tpu.memory_space<vmem>>[vector<16xi32>], vector<16xf32>,
      %add3A_196 = arith.constant 16 : i32
      %add3A_197 = vector.broadcast %add3A_196 : i32 to vector<16xi32>
      %add3A_198 = arith.addi %iota3A, %add3A_197 : vector<16xi32>
      tpu.vector_store_idx %arg9[%add3A_198, %broadcast_in_dim3A_26], %gather3A_195 : memref<80x16xf32, #tpu.memory_space<vmem>>[vector<16xi32>, vector<16xi32>], vector<16xf32>,
      %mul3A_199 = arith.constant 80 : i32
      %mul3A_200 = arith.muli %add3A_176, %mul3A_199 : i32
      %multiple_of3A_201 = tpu.assume_multiple %mul3A_200, 8 : i32
      %add3A_202 = arith.constant 32 : i32
      %add3A_203 = arith.addi %multiple_of3A_201, %add3A_202 : i32
      %get3A_204 = arith.index_cast %add3A_203 : i32 to index
      %get3A_205 = tpu.vector_load %arg6[%get3A_204] {strides = array<i32>} : memref<10000xi32, #tpu.memory_space<vmem>>, vector<16xi32>,
      %gather3A_206 = tpu.vector_load_idx %arg8[%get3A_205] : memref<10240xf32, #tpu.memory_space<vmem>>[vector<16xi32>], vector<16xf32>,
      %add3A_207 = arith.constant 32 : i32
      %add3A_208 = vector.broadcast %add3A_207 : i32 to vector<16xi32>
      %add3A_209 = arith.addi %iota3A, %add3A_208 : vector<16xi32>
      tpu.vector_store_idx %arg9[%add3A_209, %broadcast_in_dim3A_26], %gather3A_206 : memref<80x16xf32, #tpu.memory_space<vmem>>[vector<16xi32>, vector<16xi32>], vector<16xf32>,
      %mul3A_210 = arith.constant 80 : i32
      %mul3A_211 = arith.muli %add3A_176, %mul3A_210 : i32
      %multiple_of3A_212 = tpu.assume_multiple %mul3A_211, 8 : i32
      %add3A_213 = arith.constant 48 : i32
      %add3A_214 = arith.addi %multiple_of3A_212, %add3A_213 : i32
      %get3A_215 = arith.index_cast %add3A_214 : i32 to index
      %get3A_216 = tpu.vector_load %arg6[%get3A_215] {strides = array<i32>} : memref<10000xi32, #tpu.memory_space<vmem>>, vector<16xi32>,
      %gather3A_217 = tpu.vector_load_idx %arg8[%get3A_216] : memref<10240xf32, #tpu.memory_space<vmem>>[vector<16xi32>], vector<16xf32>,
      %add3A_218 = arith.constant 48 : i32
      %add3A_219 = vector.broadcast %add3A_218 : i32 to vector<16xi32>
      %add3A_220 = arith.addi %iota3A, %add3A_219 : vector<16xi32>
      tpu.vector_store_idx %arg9[%add3A_220, %broadcast_in_dim3A_26], %gather3A_217 : memref<80x16xf32, #tpu.memory_space<vmem>>[vector<16xi32>, vector<16xi32>], vector<16xf32>,
      %mul3A_221 = arith.constant 80 : i32
      %mul3A_222 = arith.muli %add3A_176, %mul3A_221 : i32
      %multiple_of3A_223 = tpu.assume_multiple %mul3A_222, 8 : i32
      %add3A_224 = arith.constant 64 : i32
      %add3A_225 = arith.addi %multiple_of3A_223, %add3A_224 : i32
      %get3A_226 = arith.index_cast %add3A_225 : i32 to index
      %get3A_227 = tpu.vector_load %arg6[%get3A_226] {strides = array<i32>} : memref<10000xi32, #tpu.memory_space<vmem>>, vector<16xi32>,
      %gather3A_228 = tpu.vector_load_idx %arg8[%get3A_227] : memref<10240xf32, #tpu.memory_space<vmem>>[vector<16xi32>], vector<16xf32>,
      %add3A_229 = arith.constant 64 : i32
      %add3A_230 = vector.broadcast %add3A_229 : i32 to vector<16xi32>
      %add3A_231 = arith.addi %iota3A, %add3A_230 : vector<16xi32>
      tpu.vector_store_idx %arg9[%add3A_231, %broadcast_in_dim3A_26], %gather3A_228 : memref<80x16xf32, #tpu.memory_space<vmem>>[vector<16xi32>, vector<16xi32>], vector<16xf32>,
      %dma_wait3A_232 = arith.constant 0 : i32
      %dma_wait3A_233 = tpu.memref_slice %arg7[%add3A_162, %dma_wait3A_232] : memref<125x80xi32, #tpu.memory_space<vmem>> -> memref<1x80xi32, #tpu.memory_space<vmem>>
      %dma_wait3A_234 = tpu.memref_squeeze %dma_wait3A_233 : memref<1x80xi32, #tpu.memory_space<vmem>> -> memref<80xi32, #tpu.memory_space<vmem>>
      %dma_wait3A_235 = arith.constant 0 : i32
      %dma_wait3A_236 = arith.constant 0 : i32
      %dma_wait3A_237 = tpu.memref_slice %arg11[%dma_wait3A_235, %dma_wait3A_236] : memref<10240x16xf32, #tpu.memory_space<vmem_shared>> -> memref<10240x16xf32, #tpu.memory_space<vmem_shared>>
      tpu.wait_indirect_dma semaphore(%arg13 : memref<!tpu.dma_semaphore, #tpu.memory_space<semaphore_mem>>) src(%arg10 : memref<80x16xf32, #tpu.memory_space<vmem>>) dst(%dma_wait3A_237 : memref<10240x16xf32, #tpu.memory_space<vmem_shared>>)
    }
    %scan3A_79 = arith.constant 62 : i32
    %dma_start3A = arith.constant 124 : i32
    %dma_start3A_80 = arith.constant 0 : i32
    %dma_start3A_81 = tpu.memref_slice %arg7[%dma_start3A, %dma_start3A_80] : memref<125x80xi32, #tpu.memory_space<vmem>> -> memref<1x80xi32, #tpu.memory_space<vmem>>
    %dma_start3A_82 = tpu.memref_squeeze %dma_start3A_81 : memref<1x80xi32, #tpu.memory_space<vmem>> -> memref<80xi32, #tpu.memory_space<vmem>>
    %dma_start3A_83 = arith.constant 0 : i32
    %dma_start3A_84 = arith.constant 0 : i32
    %dma_start3A_85 = tpu.memref_slice %arg11[%dma_start3A_83, %dma_start3A_84] : memref<10240x16xf32, #tpu.memory_space<vmem_shared>> -> memref<10240x16xf32, #tpu.memory_space<vmem_shared>>
    tpu.enqueue_indirect_dma source(%arg9 : memref<80x16xf32, #tpu.memory_space<vmem>>) target(%dma_start3A_85 : memref<10240x16xf32, #tpu.memory_space<vmem_shared>>) offsets(%dma_start3A_82 : memref<80xi32, #tpu.memory_space<vmem>>) semaphore(%arg12 : memref<!tpu.dma_semaphore, #tpu.memory_space<semaphore_mem>>) {add = true}
    %dma_wait3A = arith.constant 124 : i32
    %dma_wait3A_86 = arith.constant 0 : i32
    %dma_wait3A_87 = tpu.memref_slice %arg7[%dma_wait3A, %dma_wait3A_86] : memref<125x80xi32, #tpu.memory_space<vmem>> -> memref<1x80xi32, #tpu.memory_space<vmem>>
    %dma_wait3A_88 = tpu.memref_squeeze %dma_wait3A_87 : memref<1x80xi32, #tpu.memory_space<vmem>> -> memref<80xi32, #tpu.memory_space<vmem>>
    %dma_wait3A_89 = arith.constant 0 : i32
    %dma_wait3A_90 = arith.constant 0 : i32
    %dma_wait3A_91 = tpu.memref_slice %arg11[%dma_wait3A_89, %dma_wait3A_90] : memref<10240x16xf32, #tpu.memory_space<vmem_shared>> -> memref<10240x16xf32, #tpu.memory_space<vmem_shared>>
    tpu.wait_indirect_dma semaphore(%arg12 : memref<!tpu.dma_semaphore, #tpu.memory_space<semaphore_mem>>) src(%arg9 : memref<80x16xf32, #tpu.memory_space<vmem>>) dst(%dma_wait3A_91 : memref<10240x16xf32, #tpu.memory_space<vmem_shared>>)
    %barrier3A_92 = arith.constant 0 : index
    tpu.barrier barrier_id(%barrier3A_92)
    "tpu.region"() ({
      %run_scoped3A = tpu.sem_alloc : memref<!tpu.dma_semaphore, #tpu.memory_space<semaphore_mem>>
      %dma_start3A_93 = arith.constant 0 : i32
      %dma_start3A_94 = tpu.memref_slice %arg5[%arg0, %multiple_of3A_9, %dma_start3A_93] : memref<2x10240x16xf32, #tpu.memory_space<hbm>> -> memref<1x640x16xf32, #tpu.memory_space<hbm>>
      %dma_start3A_95 = tpu.memref_squeeze %dma_start3A_94 : memref<1x640x16xf32, #tpu.memory_space<hbm>> -> memref<640x16xf32, #tpu.memory_space<hbm>>
      %dma_start3A_96 = arith.constant 0 : i32
      %dma_start3A_97 = tpu.memref_slice %arg11[%multiple_of3A_9, %dma_start3A_96] : memref<10240x16xf32, #tpu.memory_space<vmem_shared>> -> memref<640x16xf32, #tpu.memory_space<vmem_shared>>
      tpu.enqueue_dma source(%dma_start3A_97 : memref<640x16xf32, #tpu.memory_space<vmem_shared>>) target(%dma_start3A_95 : memref<640x16xf32, #tpu.memory_space<hbm>>) target_semaphore(%run_scoped3A : memref<!tpu.dma_semaphore, #tpu.memory_space<semaphore_mem>>)
      %dma_wait3A_98 = arith.constant 0 : i32
      %dma_wait3A_99 = tpu.memref_slice %arg5[%arg0, %multiple_of3A_9, %dma_wait3A_98] : memref<2x10240x16xf32, #tpu.memory_space<hbm>> -> memref<1x640x16xf32, #tpu.memory_space<hbm>>
      %dma_wait3A_100 = tpu.memref_squeeze %dma_wait3A_99 : memref<1x640x16xf32, #tpu.memory_space<hbm>> -> memref<640x16xf32, #tpu.memory_space<hbm>>
      %dma_wait3A_101 = arith.constant 0 : i32
      %dma_wait3A_102 = tpu.memref_slice %arg11[%multiple_of3A_9, %dma_wait3A_101] : memref<10240x16xf32, #tpu.memory_space<vmem_shared>> -> memref<640x16xf32, #tpu.memory_space<vmem_shared>>
      tpu.wait_dma2 semaphore(%run_scoped3A : memref<!tpu.dma_semaphore, #tpu.memory_space<semaphore_mem>>) src(%dma_wait3A_102 : memref<640x16xf32, #tpu.memory_space<vmem_shared>>) dst(%dma_wait3A_100 : memref<640x16xf32, #tpu.memory_space<hbm>>)
      tpu.yield
    }) : () -> ()
    return
  }
}

#map = affine_map<(d0, d1) -> (0, 0)>
#map1 = affine_map<(d0, d1) -> (0)>
#map2 = affine_map<(d0, d1) -> (0, 0, 0)>
module attributes {stable_mosaic.version = 14 : i64} {
  func.func @body(%arg0: i32, %arg1: i32, %arg2: memref<10240x64xf32, #tpu.memory_space<hbm>>, %arg3: memref<320000xi32, #tpu.memory_space<hbm>>, %arg4: memref<32x78x128xi32, #tpu.memory_space<hbm>>, %arg5: memref<32x1x16xi32, #tpu.memory_space<hbm>>, %arg6: memref<2x10240x64xf32, #tpu.memory_space<hbm>>, %arg7: memref<10000xi32, #tpu.memory_space<vmem>>, %arg8: memref<78x128xi32, #tpu.memory_space<vmem>>, %arg9: memref<1x16xi32, #tpu.memory_space<vmem>>, %arg10: memref<128x64xf32, #tpu.memory_space<vmem>>, %arg11: memref<128x64xf32, #tpu.memory_space<vmem>>, %arg12: memref<10240x64xf32, #tpu.memory_space<vmem_shared>>, %arg13: memref<!tpu.dma_semaphore, #tpu.memory_space<semaphore_mem>>, %arg14: memref<!tpu.dma_semaphore, #tpu.memory_space<semaphore_mem>>, %arg15: memref<!tpu.dma_semaphore, #tpu.memory_space<semaphore_mem>>) attributes {dimension_semantics = [#tpu.dimension_semantics<core_parallel>, #tpu.dimension_semantics<subcore_parallel>], iteration_bounds = array<i64: 2, 16>, scalar_prefetch = 0 : i64, scratch_operands = 9 : i64, tpu.core_type = #tpu.core_type<sc_vector_subcore>, window_params = [{transform_indices = #map}, {transform_indices = #map1}, {transform_indices = #map2}, {transform_indices = #map2}, {transform_indices = #map2}]} {
    %mul3A = arith.constant 2 : i32
    %mul3A_0 = arith.muli %arg1, %mul3A : i32
    %add3A = arith.addi %mul3A_0, %arg0 : i32
    "tpu.region"() ({
      %run_scoped3A = tpu.sem_alloc : memref<!tpu.dma_semaphore, #tpu.memory_space<semaphore_mem>>
      %dma_start3A_70 = arith.constant 0 : i32
      %dma_start3A_71 = arith.constant 0 : i32
      %dma_start3A_72 = tpu.memref_slice %arg4[%add3A, %dma_start3A_70, %dma_start3A_71] : memref<32x78x128xi32, #tpu.memory_space<hbm>> -> memref<1x78x128xi32, #tpu.memory_space<hbm>>
      %dma_start3A_73 = tpu.memref_squeeze %dma_start3A_72 : memref<1x78x128xi32, #tpu.memory_space<hbm>> -> memref<78x128xi32, #tpu.memory_space<hbm>>
      %dma_start3A_74 = arith.constant 0 : i32
      %dma_start3A_75 = arith.constant 0 : i32
      %dma_start3A_76 = tpu.memref_slice %arg4[%add3A, %dma_start3A_74, %dma_start3A_75] : memref<32x78x128xi32, #tpu.memory_space<hbm>> -> memref<1x78x128xi32, #tpu.memory_space<hbm>>
      %dma_start3A_77 = tpu.memref_squeeze %dma_start3A_76 : memref<1x78x128xi32, #tpu.memory_space<hbm>> -> memref<78x128xi32, #tpu.memory_space<hbm>>
      tpu.enqueue_dma source(%dma_start3A_77 : memref<78x128xi32, #tpu.memory_space<hbm>>) target(%arg8 : memref<78x128xi32, #tpu.memory_space<vmem>>) target_semaphore(%run_scoped3A : memref<!tpu.dma_semaphore, #tpu.memory_space<semaphore_mem>>)
      %dma_wait3A_78 = arith.constant 0 : i32
      %dma_wait3A_79 = arith.constant 0 : i32
      %dma_wait3A_80 = tpu.memref_slice %arg4[%add3A, %dma_wait3A_78, %dma_wait3A_79] : memref<32x78x128xi32, #tpu.memory_space<hbm>> -> memref<1x78x128xi32, #tpu.memory_space<hbm>>
      %dma_wait3A_81 = tpu.memref_squeeze %dma_wait3A_80 : memref<1x78x128xi32, #tpu.memory_space<hbm>> -> memref<78x128xi32, #tpu.memory_space<hbm>>
      %dma_wait3A_82 = arith.constant 0 : i32
      %dma_wait3A_83 = arith.constant 0 : i32
      %dma_wait3A_84 = tpu.memref_slice %arg4[%add3A, %dma_wait3A_82, %dma_wait3A_83] : memref<32x78x128xi32, #tpu.memory_space<hbm>> -> memref<1x78x128xi32, #tpu.memory_space<hbm>>
      %dma_wait3A_85 = tpu.memref_squeeze %dma_wait3A_84 : memref<1x78x128xi32, #tpu.memory_space<hbm>> -> memref<78x128xi32, #tpu.memory_space<hbm>>
      tpu.wait_dma2 semaphore(%run_scoped3A : memref<!tpu.dma_semaphore, #tpu.memory_space<semaphore_mem>>) src(%dma_wait3A_85 : memref<78x128xi32, #tpu.memory_space<hbm>>) dst(%arg8 : memref<78x128xi32, #tpu.memory_space<vmem>>)
      tpu.yield
    }) : () -> ()
    "tpu.region"() ({
      %run_scoped3A = tpu.sem_alloc : memref<!tpu.dma_semaphore, #tpu.memory_space<semaphore_mem>>
      %dma_start3A_70 = arith.constant 0 : i32
      %dma_start3A_71 = arith.constant 0 : i32
      %dma_start3A_72 = tpu.memref_slice %arg5[%add3A, %dma_start3A_70, %dma_start3A_71] : memref<32x1x16xi32, #tpu.memory_space<hbm>> -> memref<1x1x16xi32, #tpu.memory_space<hbm>>
      %dma_start3A_73 = tpu.memref_squeeze %dma_start3A_72 : memref<1x1x16xi32, #tpu.memory_space<hbm>> -> memref<1x16xi32, #tpu.memory_space<hbm>>
      %dma_start3A_74 = arith.constant 0 : i32
      %dma_start3A_75 = arith.constant 0 : i32
      %dma_start3A_76 = tpu.memref_slice %arg5[%add3A, %dma_start3A_74, %dma_start3A_75] : memref<32x1x16xi32, #tpu.memory_space<hbm>> -> memref<1x1x16xi32, #tpu.memory_space<hbm>>
      %dma_start3A_77 = tpu.memref_squeeze %dma_start3A_76 : memref<1x1x16xi32, #tpu.memory_space<hbm>> -> memref<1x16xi32, #tpu.memory_space<hbm>>
      tpu.enqueue_dma source(%dma_start3A_77 : memref<1x16xi32, #tpu.memory_space<hbm>>) target(%arg9 : memref<1x16xi32, #tpu.memory_space<vmem>>) target_semaphore(%run_scoped3A : memref<!tpu.dma_semaphore, #tpu.memory_space<semaphore_mem>>)
      %dma_wait3A_78 = arith.constant 0 : i32
      %dma_wait3A_79 = arith.constant 0 : i32
      %dma_wait3A_80 = tpu.memref_slice %arg5[%add3A, %dma_wait3A_78, %dma_wait3A_79] : memref<32x1x16xi32, #tpu.memory_space<hbm>> -> memref<1x1x16xi32, #tpu.memory_space<hbm>>
      %dma_wait3A_81 = tpu.memref_squeeze %dma_wait3A_80 : memref<1x1x16xi32, #tpu.memory_space<hbm>> -> memref<1x16xi32, #tpu.memory_space<hbm>>
      %dma_wait3A_82 = arith.constant 0 : i32
      %dma_wait3A_83 = arith.constant 0 : i32
      %dma_wait3A_84 = tpu.memref_slice %arg5[%add3A, %dma_wait3A_82, %dma_wait3A_83] : memref<32x1x16xi32, #tpu.memory_space<hbm>> -> memref<1x1x16xi32, #tpu.memory_space<hbm>>
      %dma_wait3A_85 = tpu.memref_squeeze %dma_wait3A_84 : memref<1x1x16xi32, #tpu.memory_space<hbm>> -> memref<1x16xi32, #tpu.memory_space<hbm>>
      tpu.wait_dma2 semaphore(%run_scoped3A : memref<!tpu.dma_semaphore, #tpu.memory_space<semaphore_mem>>) src(%dma_wait3A_85 : memref<1x16xi32, #tpu.memory_space<hbm>>) dst(%arg9 : memref<1x16xi32, #tpu.memory_space<vmem>>)
      tpu.yield
    }) : () -> ()
    %mul3A_1 = arith.constant 10000 : i32
    %mul3A_2 = arith.muli %add3A, %mul3A_1 : i32
    %multiple_of3A = tpu.assume_multiple %mul3A_2, 8 : i32
    "tpu.region"() ({
      %run_scoped3A = tpu.sem_alloc : memref<!tpu.dma_semaphore, #tpu.memory_space<semaphore_mem>>
      %dma_start3A_70 = tpu.memref_slice %arg3[%multiple_of3A] : memref<320000xi32, #tpu.memory_space<hbm>> -> memref<10000xi32, #tpu.memory_space<hbm>>
      %dma_start3A_71 = tpu.memref_slice %arg3[%multiple_of3A] : memref<320000xi32, #tpu.memory_space<hbm>> -> memref<10000xi32, #tpu.memory_space<hbm>>
      tpu.enqueue_dma source(%dma_start3A_71 : memref<10000xi32, #tpu.memory_space<hbm>>) target(%arg7 : memref<10000xi32, #tpu.memory_space<vmem>>) target_semaphore(%run_scoped3A : memref<!tpu.dma_semaphore, #tpu.memory_space<semaphore_mem>>)
      %dma_wait3A_72 = tpu.memref_slice %arg3[%multiple_of3A] : memref<320000xi32, #tpu.memory_space<hbm>> -> memref<10000xi32, #tpu.memory_space<hbm>>
      %dma_wait3A_73 = tpu.memref_slice %arg3[%multiple_of3A] : memref<320000xi32, #tpu.memory_space<hbm>> -> memref<10000xi32, #tpu.memory_space<hbm>>
      tpu.wait_dma2 semaphore(%run_scoped3A : memref<!tpu.dma_semaphore, #tpu.memory_space<semaphore_mem>>) src(%dma_wait3A_73 : memref<10000xi32, #tpu.memory_space<hbm>>) dst(%arg7 : memref<10000xi32, #tpu.memory_space<vmem>>)
      tpu.yield
    }) : () -> ()
    %scan3A = arith.constant 0 : i32
    %scan3A_3 = arith.constant 128 : i32
    %scan3A_4 = arith.addi %scan3A, %scan3A_3 : i32
    %scan3A_5 = arith.constant 1 : i32
    scf.for %scan3A_70 = %scan3A to %scan3A_4 step %scan3A_5  : i32 {
      %mul3A_71 = arith.constant 1 : i32
      %mul3A_72 = arith.muli %scan3A_70, %mul3A_71 : i32
      %add3A_73 = arith.constant 0 : i32
      %add3A_74 = arith.addi %add3A_73, %mul3A_72 : i32
      %broadcast_in_dim3A = arith.constant 0.000000e+00 : f32
      %broadcast_in_dim3A_75 = vector.broadcast %broadcast_in_dim3A : f32 to vector<16xf32>
      %swap3A = arith.index_cast %add3A_74 : i32 to index
      %swap3A_76 = arith.constant 0 : index
      %swap3A_77 = tpu.vector_load %arg10[%swap3A, %swap3A_76] {strides = array<i32>} : memref<128x64xf32, #tpu.memory_space<vmem>>, vector<16xf32>,
      tpu.vector_store %arg10[%swap3A, %swap3A_76], %broadcast_in_dim3A_75 {strides = array<i32>} : memref<128x64xf32, #tpu.memory_space<vmem>>, vector<16xf32>,
      %broadcast_in_dim3A_78 = arith.constant 0.000000e+00 : f32
      %broadcast_in_dim3A_79 = vector.broadcast %broadcast_in_dim3A_78 : f32 to vector<16xf32>
      %swap3A_80 = arith.index_cast %add3A_74 : i32 to index
      %swap3A_81 = arith.constant 16 : index
      %swap3A_82 = tpu.vector_load %arg10[%swap3A_80, %swap3A_81] {strides = array<i32>} : memref<128x64xf32, #tpu.memory_space<vmem>>, vector<16xf32>,
      tpu.vector_store %arg10[%swap3A_80, %swap3A_81], %broadcast_in_dim3A_79 {strides = array<i32>} : memref<128x64xf32, #tpu.memory_space<vmem>>, vector<16xf32>,
      %broadcast_in_dim3A_83 = arith.constant 0.000000e+00 : f32
      %broadcast_in_dim3A_84 = vector.broadcast %broadcast_in_dim3A_83 : f32 to vector<16xf32>
      %swap3A_85 = arith.index_cast %add3A_74 : i32 to index
      %swap3A_86 = arith.constant 32 : index
      %swap3A_87 = tpu.vector_load %arg10[%swap3A_85, %swap3A_86] {strides = array<i32>} : memref<128x64xf32, #tpu.memory_space<vmem>>, vector<16xf32>,
      tpu.vector_store %arg10[%swap3A_85, %swap3A_86], %broadcast_in_dim3A_84 {strides = array<i32>} : memref<128x64xf32, #tpu.memory_space<vmem>>, vector<16xf32>,
      %broadcast_in_dim3A_88 = arith.constant 0.000000e+00 : f32
      %broadcast_in_dim3A_89 = vector.broadcast %broadcast_in_dim3A_88 : f32 to vector<16xf32>
      %swap3A_90 = arith.index_cast %add3A_74 : i32 to index
      %swap3A_91 = arith.constant 48 : index
      %swap3A_92 = tpu.vector_load %arg10[%swap3A_90, %swap3A_91] {strides = array<i32>} : memref<128x64xf32, #tpu.memory_space<vmem>>, vector<16xf32>,
      tpu.vector_store %arg10[%swap3A_90, %swap3A_91], %broadcast_in_dim3A_89 {strides = array<i32>} : memref<128x64xf32, #tpu.memory_space<vmem>>, vector<16xf32>,
    }
    %scan3A_6 = arith.constant 128 : i32
    %mul3A_7 = arith.constant 640 : i32
    %mul3A_8 = arith.muli %arg1, %mul3A_7 : i32
    %multiple_of3A_9 = tpu.assume_multiple %mul3A_8, 8 : i32
    %add3A_10 = arith.constant 0 : i32
    %add3A_11 = arith.addi %multiple_of3A_9, %add3A_10 : i32
    "tpu.region"() ({
      %run_scoped3A = tpu.sem_alloc : memref<!tpu.dma_semaphore, #tpu.memory_space<semaphore_mem>>
      %dma_start3A_70 = arith.constant 0 : i32
      %dma_start3A_71 = tpu.memref_slice %arg12[%add3A_11, %dma_start3A_70] : memref<10240x64xf32, #tpu.memory_space<vmem_shared>> -> memref<128x64xf32, #tpu.memory_space<vmem_shared>>
      %dma_start3A_72 = arith.constant 0 : i32
      %dma_start3A_73 = tpu.memref_slice %arg12[%add3A_11, %dma_start3A_72] : memref<10240x64xf32, #tpu.memory_space<vmem_shared>> -> memref<128x64xf32, #tpu.memory_space<vmem_shared>>
      tpu.enqueue_dma source(%arg10 : memref<128x64xf32, #tpu.memory_space<vmem>>) target(%dma_start3A_73 : memref<128x64xf32, #tpu.memory_space<vmem_shared>>) target_semaphore(%run_scoped3A : memref<!tpu.dma_semaphore, #tpu.memory_space<semaphore_mem>>)
      %dma_wait3A_74 = arith.constant 0 : i32
      %dma_wait3A_75 = tpu.memref_slice %arg12[%add3A_11, %dma_wait3A_74] : memref<10240x64xf32, #tpu.memory_space<vmem_shared>> -> memref<128x64xf32, #tpu.memory_space<vmem_shared>>
      %dma_wait3A_76 = arith.constant 0 : i32
      %dma_wait3A_77 = tpu.memref_slice %arg12[%add3A_11, %dma_wait3A_76] : memref<10240x64xf32, #tpu.memory_space<vmem_shared>> -> memref<128x64xf32, #tpu.memory_space<vmem_shared>>
      tpu.wait_dma2 semaphore(%run_scoped3A : memref<!tpu.dma_semaphore, #tpu.memory_space<semaphore_mem>>) src(%arg10 : memref<128x64xf32, #tpu.memory_space<vmem>>) dst(%dma_wait3A_77 : memref<128x64xf32, #tpu.memory_space<vmem_shared>>)
      tpu.yield
    }) : () -> ()
    %add3A_12 = arith.constant 128 : i32
    %add3A_13 = arith.addi %multiple_of3A_9, %add3A_12 : i32
    "tpu.region"() ({
      %run_scoped3A = tpu.sem_alloc : memref<!tpu.dma_semaphore, #tpu.memory_space<semaphore_mem>>
      %dma_start3A_70 = arith.constant 0 : i32
      %dma_start3A_71 = tpu.memref_slice %arg12[%add3A_13, %dma_start3A_70] : memref<10240x64xf32, #tpu.memory_space<vmem_shared>> -> memref<128x64xf32, #tpu.memory_space<vmem_shared>>
      %dma_start3A_72 = arith.constant 0 : i32
      %dma_start3A_73 = tpu.memref_slice %arg12[%add3A_13, %dma_start3A_72] : memref<10240x64xf32, #tpu.memory_space<vmem_shared>> -> memref<128x64xf32, #tpu.memory_space<vmem_shared>>
      tpu.enqueue_dma source(%arg10 : memref<128x64xf32, #tpu.memory_space<vmem>>) target(%dma_start3A_73 : memref<128x64xf32, #tpu.memory_space<vmem_shared>>) target_semaphore(%run_scoped3A : memref<!tpu.dma_semaphore, #tpu.memory_space<semaphore_mem>>)
      %dma_wait3A_74 = arith.constant 0 : i32
      %dma_wait3A_75 = tpu.memref_slice %arg12[%add3A_13, %dma_wait3A_74] : memref<10240x64xf32, #tpu.memory_space<vmem_shared>> -> memref<128x64xf32, #tpu.memory_space<vmem_shared>>
      %dma_wait3A_76 = arith.constant 0 : i32
      %dma_wait3A_77 = tpu.memref_slice %arg12[%add3A_13, %dma_wait3A_76] : memref<10240x64xf32, #tpu.memory_space<vmem_shared>> -> memref<128x64xf32, #tpu.memory_space<vmem_shared>>
      tpu.wait_dma2 semaphore(%run_scoped3A : memref<!tpu.dma_semaphore, #tpu.memory_space<semaphore_mem>>) src(%arg10 : memref<128x64xf32, #tpu.memory_space<vmem>>) dst(%dma_wait3A_77 : memref<128x64xf32, #tpu.memory_space<vmem_shared>>)
      tpu.yield
    }) : () -> ()
    %add3A_14 = arith.constant 256 : i32
    %add3A_15 = arith.addi %multiple_of3A_9, %add3A_14 : i32
    "tpu.region"() ({
      %run_scoped3A = tpu.sem_alloc : memref<!tpu.dma_semaphore, #tpu.memory_space<semaphore_mem>>
      %dma_start3A_70 = arith.constant 0 : i32
      %dma_start3A_71 = tpu.memref_slice %arg12[%add3A_15, %dma_start3A_70] : memref<10240x64xf32, #tpu.memory_space<vmem_shared>> -> memref<128x64xf32, #tpu.memory_space<vmem_shared>>
      %dma_start3A_72 = arith.constant 0 : i32
      %dma_start3A_73 = tpu.memref_slice %arg12[%add3A_15, %dma_start3A_72] : memref<10240x64xf32, #tpu.memory_space<vmem_shared>> -> memref<128x64xf32, #tpu.memory_space<vmem_shared>>
      tpu.enqueue_dma source(%arg10 : memref<128x64xf32, #tpu.memory_space<vmem>>) target(%dma_start3A_73 : memref<128x64xf32, #tpu.memory_space<vmem_shared>>) target_semaphore(%run_scoped3A : memref<!tpu.dma_semaphore, #tpu.memory_space<semaphore_mem>>)
      %dma_wait3A_74 = arith.constant 0 : i32
      %dma_wait3A_75 = tpu.memref_slice %arg12[%add3A_15, %dma_wait3A_74] : memref<10240x64xf32, #tpu.memory_space<vmem_shared>> -> memref<128x64xf32, #tpu.memory_space<vmem_shared>>
      %dma_wait3A_76 = arith.constant 0 : i32
      %dma_wait3A_77 = tpu.memref_slice %arg12[%add3A_15, %dma_wait3A_76] : memref<10240x64xf32, #tpu.memory_space<vmem_shared>> -> memref<128x64xf32, #tpu.memory_space<vmem_shared>>
      tpu.wait_dma2 semaphore(%run_scoped3A : memref<!tpu.dma_semaphore, #tpu.memory_space<semaphore_mem>>) src(%arg10 : memref<128x64xf32, #tpu.memory_space<vmem>>) dst(%dma_wait3A_77 : memref<128x64xf32, #tpu.memory_space<vmem_shared>>)
      tpu.yield
    }) : () -> ()
    %add3A_16 = arith.constant 384 : i32
    %add3A_17 = arith.addi %multiple_of3A_9, %add3A_16 : i32
    "tpu.region"() ({
      %run_scoped3A = tpu.sem_alloc : memref<!tpu.dma_semaphore, #tpu.memory_space<semaphore_mem>>
      %dma_start3A_70 = arith.constant 0 : i32
      %dma_start3A_71 = tpu.memref_slice %arg12[%add3A_17, %dma_start3A_70] : memref<10240x64xf32, #tpu.memory_space<vmem_shared>> -> memref<128x64xf32, #tpu.memory_space<vmem_shared>>
      %dma_start3A_72 = arith.constant 0 : i32
      %dma_start3A_73 = tpu.memref_slice %arg12[%add3A_17, %dma_start3A_72] : memref<10240x64xf32, #tpu.memory_space<vmem_shared>> -> memref<128x64xf32, #tpu.memory_space<vmem_shared>>
      tpu.enqueue_dma source(%arg10 : memref<128x64xf32, #tpu.memory_space<vmem>>) target(%dma_start3A_73 : memref<128x64xf32, #tpu.memory_space<vmem_shared>>) target_semaphore(%run_scoped3A : memref<!tpu.dma_semaphore, #tpu.memory_space<semaphore_mem>>)
      %dma_wait3A_74 = arith.constant 0 : i32
      %dma_wait3A_75 = tpu.memref_slice %arg12[%add3A_17, %dma_wait3A_74] : memref<10240x64xf32, #tpu.memory_space<vmem_shared>> -> memref<128x64xf32, #tpu.memory_space<vmem_shared>>
      %dma_wait3A_76 = arith.constant 0 : i32
      %dma_wait3A_77 = tpu.memref_slice %arg12[%add3A_17, %dma_wait3A_76] : memref<10240x64xf32, #tpu.memory_space<vmem_shared>> -> memref<128x64xf32, #tpu.memory_space<vmem_shared>>
      tpu.wait_dma2 semaphore(%run_scoped3A : memref<!tpu.dma_semaphore, #tpu.memory_space<semaphore_mem>>) src(%arg10 : memref<128x64xf32, #tpu.memory_space<vmem>>) dst(%dma_wait3A_77 : memref<128x64xf32, #tpu.memory_space<vmem_shared>>)
      tpu.yield
    }) : () -> ()
    %add3A_18 = arith.constant 512 : i32
    %add3A_19 = arith.addi %multiple_of3A_9, %add3A_18 : i32
    "tpu.region"() ({
      %run_scoped3A = tpu.sem_alloc : memref<!tpu.dma_semaphore, #tpu.memory_space<semaphore_mem>>
      %dma_start3A_70 = arith.constant 0 : i32
      %dma_start3A_71 = tpu.memref_slice %arg12[%add3A_19, %dma_start3A_70] : memref<10240x64xf32, #tpu.memory_space<vmem_shared>> -> memref<128x64xf32, #tpu.memory_space<vmem_shared>>
      %dma_start3A_72 = arith.constant 0 : i32
      %dma_start3A_73 = tpu.memref_slice %arg12[%add3A_19, %dma_start3A_72] : memref<10240x64xf32, #tpu.memory_space<vmem_shared>> -> memref<128x64xf32, #tpu.memory_space<vmem_shared>>
      tpu.enqueue_dma source(%arg10 : memref<128x64xf32, #tpu.memory_space<vmem>>) target(%dma_start3A_73 : memref<128x64xf32, #tpu.memory_space<vmem_shared>>) target_semaphore(%run_scoped3A : memref<!tpu.dma_semaphore, #tpu.memory_space<semaphore_mem>>)
      %dma_wait3A_74 = arith.constant 0 : i32
      %dma_wait3A_75 = tpu.memref_slice %arg12[%add3A_19, %dma_wait3A_74] : memref<10240x64xf32, #tpu.memory_space<vmem_shared>> -> memref<128x64xf32, #tpu.memory_space<vmem_shared>>
      %dma_wait3A_76 = arith.constant 0 : i32
      %dma_wait3A_77 = tpu.memref_slice %arg12[%add3A_19, %dma_wait3A_76] : memref<10240x64xf32, #tpu.memory_space<vmem_shared>> -> memref<128x64xf32, #tpu.memory_space<vmem_shared>>
      tpu.wait_dma2 semaphore(%run_scoped3A : memref<!tpu.dma_semaphore, #tpu.memory_space<semaphore_mem>>) src(%arg10 : memref<128x64xf32, #tpu.memory_space<vmem>>) dst(%dma_wait3A_77 : memref<128x64xf32, #tpu.memory_space<vmem_shared>>)
      tpu.yield
    }) : () -> ()
    %barrier3A = arith.constant 0 : index
    tpu.barrier barrier_id(%barrier3A)
    %multiple_of3A_20 = arith.constant 0 : i32
    %multiple_of3A_21 = tpu.assume_multiple %multiple_of3A_20, 8 : i32
    %dma_start3A = tpu.memref_slice %arg7[%multiple_of3A_21] : memref<10000xi32, #tpu.memory_space<vmem>> -> memref<128xi32, #tpu.memory_space<vmem>>
    %dma_start3A_22 = arith.constant 0 : i32
    %dma_start3A_23 = arith.constant 0 : i32
    %dma_start3A_24 = tpu.memref_slice %arg2[%dma_start3A_22, %dma_start3A_23] : memref<10240x64xf32, #tpu.memory_space<hbm>> -> memref<10240x64xf32, #tpu.memory_space<hbm>>
    tpu.enqueue_indirect_dma source(%dma_start3A_24 : memref<10240x64xf32, #tpu.memory_space<hbm>>) target(%arg10 : memref<128x64xf32, #tpu.memory_space<vmem>>) offsets(%dma_start3A : memref<128xi32, #tpu.memory_space<vmem>>) semaphore(%arg13 : memref<!tpu.dma_semaphore, #tpu.memory_space<semaphore_mem>>)
    %dma_wait3A = tpu.memref_slice %arg7[%multiple_of3A_21] : memref<10000xi32, #tpu.memory_space<vmem>> -> memref<128xi32, #tpu.memory_space<vmem>>
    %dma_wait3A_25 = arith.constant 0 : i32
    %dma_wait3A_26 = arith.constant 0 : i32
    %dma_wait3A_27 = tpu.memref_slice %arg2[%dma_wait3A_25, %dma_wait3A_26] : memref<10240x64xf32, #tpu.memory_space<hbm>> -> memref<10240x64xf32, #tpu.memory_space<hbm>>
    tpu.wait_indirect_dma semaphore(%arg13 : memref<!tpu.dma_semaphore, #tpu.memory_space<semaphore_mem>>) src(%dma_wait3A_27 : memref<10240x64xf32, #tpu.memory_space<hbm>>) dst(%arg10 : memref<128x64xf32, #tpu.memory_space<vmem>>)
    %scan3A_28 = arith.constant 0 : i32
    %scan3A_29 = arith.constant 39 : i32
    %scan3A_30 = arith.addi %scan3A_28, %scan3A_29 : i32
    %scan3A_31 = arith.constant 1 : i32
    scf.for %scan3A_70 = %scan3A_28 to %scan3A_30 step %scan3A_31  : i32 {
      %mul3A_71 = arith.constant 2 : i32
      %mul3A_72 = arith.muli %scan3A_70, %mul3A_71 : i32
      %add3A_73 = arith.constant 0 : i32
      %add3A_74 = arith.addi %add3A_73, %mul3A_72 : i32
      %add3A_75 = arith.constant 1 : i32
      %add3A_76 = arith.addi %add3A_74, %add3A_75 : i32
      %mul3A_77 = arith.constant 128 : i32
      %mul3A_78 = arith.muli %add3A_76, %mul3A_77 : i32
      %multiple_of3A_79 = tpu.assume_multiple %mul3A_78, 8 : i32
      %dma_start3A_80 = tpu.memref_slice %arg7[%multiple_of3A_79] : memref<10000xi32, #tpu.memory_space<vmem>> -> memref<128xi32, #tpu.memory_space<vmem>>
      %dma_start3A_81 = arith.constant 0 : i32
      %dma_start3A_82 = arith.constant 0 : i32
      %dma_start3A_83 = tpu.memref_slice %arg2[%dma_start3A_81, %dma_start3A_82] : memref<10240x64xf32, #tpu.memory_space<hbm>> -> memref<10240x64xf32, #tpu.memory_space<hbm>>
      tpu.enqueue_indirect_dma source(%dma_start3A_83 : memref<10240x64xf32, #tpu.memory_space<hbm>>) target(%arg11 : memref<128x64xf32, #tpu.memory_space<vmem>>) offsets(%dma_start3A_80 : memref<128xi32, #tpu.memory_space<vmem>>) semaphore(%arg13 : memref<!tpu.dma_semaphore, #tpu.memory_space<semaphore_mem>>)
      %dma_start3A_84 = arith.constant 0 : i32
      %dma_start3A_85 = tpu.memref_slice %arg8[%add3A_74, %dma_start3A_84] : memref<78x128xi32, #tpu.memory_space<vmem>> -> memref<1x128xi32, #tpu.memory_space<vmem>>
      %dma_start3A_86 = tpu.memref_squeeze %dma_start3A_85 : memref<1x128xi32, #tpu.memory_space<vmem>> -> memref<128xi32, #tpu.memory_space<vmem>>
      %dma_start3A_87 = arith.constant 0 : i32
      %dma_start3A_88 = arith.constant 0 : i32
      %dma_start3A_89 = tpu.memref_slice %arg12[%dma_start3A_87, %dma_start3A_88] : memref<10240x64xf32, #tpu.memory_space<vmem_shared>> -> memref<10240x64xf32, #tpu.memory_space<vmem_shared>>
      tpu.enqueue_indirect_dma source(%arg10 : memref<128x64xf32, #tpu.memory_space<vmem>>) target(%dma_start3A_89 : memref<10240x64xf32, #tpu.memory_space<vmem_shared>>) offsets(%dma_start3A_86 : memref<128xi32, #tpu.memory_space<vmem>>) semaphore(%arg14 : memref<!tpu.dma_semaphore, #tpu.memory_space<semaphore_mem>>) {add = true}
      %dma_wait3A_90 = tpu.memref_slice %arg7[%multiple_of3A_79] : memref<10000xi32, #tpu.memory_space<vmem>> -> memref<128xi32, #tpu.memory_space<vmem>>
      %dma_wait3A_91 = arith.constant 0 : i32
      %dma_wait3A_92 = arith.constant 0 : i32
      %dma_wait3A_93 = tpu.memref_slice %arg2[%dma_wait3A_91, %dma_wait3A_92] : memref<10240x64xf32, #tpu.memory_space<hbm>> -> memref<10240x64xf32, #tpu.memory_space<hbm>>
      tpu.wait_indirect_dma semaphore(%arg13 : memref<!tpu.dma_semaphore, #tpu.memory_space<semaphore_mem>>) src(%dma_wait3A_93 : memref<10240x64xf32, #tpu.memory_space<hbm>>) dst(%arg11 : memref<128x64xf32, #tpu.memory_space<vmem>>)
      %dma_wait3A_94 = arith.constant 0 : i32
      %dma_wait3A_95 = tpu.memref_slice %arg8[%add3A_74, %dma_wait3A_94] : memref<78x128xi32, #tpu.memory_space<vmem>> -> memref<1x128xi32, #tpu.memory_space<vmem>>
      %dma_wait3A_96 = tpu.memref_squeeze %dma_wait3A_95 : memref<1x128xi32, #tpu.memory_space<vmem>> -> memref<128xi32, #tpu.memory_space<vmem>>
      %dma_wait3A_97 = arith.constant 0 : i32
      %dma_wait3A_98 = arith.constant 0 : i32
      %dma_wait3A_99 = tpu.memref_slice %arg12[%dma_wait3A_97, %dma_wait3A_98] : memref<10240x64xf32, #tpu.memory_space<vmem_shared>> -> memref<10240x64xf32, #tpu.memory_space<vmem_shared>>
      tpu.wait_indirect_dma semaphore(%arg14 : memref<!tpu.dma_semaphore, #tpu.memory_space<semaphore_mem>>) src(%arg10 : memref<128x64xf32, #tpu.memory_space<vmem>>) dst(%dma_wait3A_99 : memref<10240x64xf32, #tpu.memory_space<vmem_shared>>)
      %add3A_100 = arith.constant 1 : i32
      %add3A_101 = arith.addi %add3A_74, %add3A_100 : i32
      %dma_start3A_102 = arith.constant 0 : i32
      %dma_start3A_103 = tpu.memref_slice %arg8[%add3A_101, %dma_start3A_102] : memref<78x128xi32, #tpu.memory_space<vmem>> -> memref<1x128xi32, #tpu.memory_space<vmem>>
      %dma_start3A_104 = tpu.memref_squeeze %dma_start3A_103 : memref<1x128xi32, #tpu.memory_space<vmem>> -> memref<128xi32, #tpu.memory_space<vmem>>
      %dma_start3A_105 = arith.constant 0 : i32
      %dma_start3A_106 = arith.constant 0 : i32
      %dma_start3A_107 = tpu.memref_slice %arg12[%dma_start3A_105, %dma_start3A_106] : memref<10240x64xf32, #tpu.memory_space<vmem_shared>> -> memref<10240x64xf32, #tpu.memory_space<vmem_shared>>
      tpu.enqueue_indirect_dma source(%arg11 : memref<128x64xf32, #tpu.memory_space<vmem>>) target(%dma_start3A_107 : memref<10240x64xf32, #tpu.memory_space<vmem_shared>>) offsets(%dma_start3A_104 : memref<128xi32, #tpu.memory_space<vmem>>) semaphore(%arg15 : memref<!tpu.dma_semaphore, #tpu.memory_space<semaphore_mem>>) {add = true}
      %add3A_108 = arith.constant 2 : i32
      %add3A_109 = arith.addi %add3A_74, %add3A_108 : i32
      %lt3A = arith.constant 78 : i32
      %lt3A_110 = arith.cmpi slt, %add3A_109, %lt3A : i32
      %convert_element_type3A = arith.extui %lt3A_110 : i1 to i32
      %cond3A = arith.constant 0 : i32
      %cond3A_111 = arith.cmpi ne, %convert_element_type3A, %cond3A : i32
      scf.if %cond3A_111 {
        %add3A_118 = arith.constant 2 : i32
        %add3A_119 = arith.addi %add3A_74, %add3A_118 : i32
        %mul3A_120 = arith.constant 128 : i32
        %mul3A_121 = arith.muli %add3A_119, %mul3A_120 : i32
        %multiple_of3A_122 = tpu.assume_multiple %mul3A_121, 8 : i32
        %dma_start3A_123 = tpu.memref_slice %arg7[%multiple_of3A_122] : memref<10000xi32, #tpu.memory_space<vmem>> -> memref<128xi32, #tpu.memory_space<vmem>>
        %dma_start3A_124 = arith.constant 0 : i32
        %dma_start3A_125 = arith.constant 0 : i32
        %dma_start3A_126 = tpu.memref_slice %arg2[%dma_start3A_124, %dma_start3A_125] : memref<10240x64xf32, #tpu.memory_space<hbm>> -> memref<10240x64xf32, #tpu.memory_space<hbm>>
        tpu.enqueue_indirect_dma source(%dma_start3A_126 : memref<10240x64xf32, #tpu.memory_space<hbm>>) target(%arg10 : memref<128x64xf32, #tpu.memory_space<vmem>>) offsets(%dma_start3A_123 : memref<128xi32, #tpu.memory_space<vmem>>) semaphore(%arg13 : memref<!tpu.dma_semaphore, #tpu.memory_space<semaphore_mem>>)
        %dma_wait3A_127 = tpu.memref_slice %arg7[%multiple_of3A_122] : memref<10000xi32, #tpu.memory_space<vmem>> -> memref<128xi32, #tpu.memory_space<vmem>>
        %dma_wait3A_128 = arith.constant 0 : i32
        %dma_wait3A_129 = arith.constant 0 : i32
        %dma_wait3A_130 = tpu.memref_slice %arg2[%dma_wait3A_128, %dma_wait3A_129] : memref<10240x64xf32, #tpu.memory_space<hbm>> -> memref<10240x64xf32, #tpu.memory_space<hbm>>
        tpu.wait_indirect_dma semaphore(%arg13 : memref<!tpu.dma_semaphore, #tpu.memory_space<semaphore_mem>>) src(%dma_wait3A_130 : memref<10240x64xf32, #tpu.memory_space<hbm>>) dst(%arg10 : memref<128x64xf32, #tpu.memory_space<vmem>>)
      } else {
      }
      %dma_wait3A_112 = arith.constant 0 : i32
      %dma_wait3A_113 = tpu.memref_slice %arg8[%add3A_101, %dma_wait3A_112] : memref<78x128xi32, #tpu.memory_space<vmem>> -> memref<1x128xi32, #tpu.memory_space<vmem>>
      %dma_wait3A_114 = tpu.memref_squeeze %dma_wait3A_113 : memref<1x128xi32, #tpu.memory_space<vmem>> -> memref<128xi32, #tpu.memory_space<vmem>>
      %dma_wait3A_115 = arith.constant 0 : i32
      %dma_wait3A_116 = arith.constant 0 : i32
      %dma_wait3A_117 = tpu.memref_slice %arg12[%dma_wait3A_115, %dma_wait3A_116] : memref<10240x64xf32, #tpu.memory_space<vmem_shared>> -> memref<10240x64xf32, #tpu.memory_space<vmem_shared>>
      tpu.wait_indirect_dma semaphore(%arg15 : memref<!tpu.dma_semaphore, #tpu.memory_space<semaphore_mem>>) src(%arg11 : memref<128x64xf32, #tpu.memory_space<vmem>>) dst(%dma_wait3A_117 : memref<10240x64xf32, #tpu.memory_space<vmem_shared>>)
    }
    %scan3A_32 = arith.constant 39 : i32
    %dma_start3A_33 = arith.constant 0 : i32
    %dma_start3A_34 = arith.constant 0 : i32
    %dma_start3A_35 = tpu.memref_slice %arg10[%dma_start3A_33, %dma_start3A_34] : memref<128x64xf32, #tpu.memory_space<vmem>> -> memref<16x64xf32, #tpu.memory_space<vmem>>
    %dma_start3A_36 = arith.constant 9984 : i32
    %dma_start3A_37 = tpu.memref_slice %arg7[%dma_start3A_36] : memref<10000xi32, #tpu.memory_space<vmem>> -> memref<16xi32, #tpu.memory_space<vmem>>
    %dma_start3A_38 = arith.constant 0 : i32
    %dma_start3A_39 = arith.constant 0 : i32
    %dma_start3A_40 = tpu.memref_slice %arg2[%dma_start3A_38, %dma_start3A_39] : memref<10240x64xf32, #tpu.memory_space<hbm>> -> memref<10240x64xf32, #tpu.memory_space<hbm>>
    tpu.enqueue_indirect_dma source(%dma_start3A_40 : memref<10240x64xf32, #tpu.memory_space<hbm>>) target(%dma_start3A_35 : memref<16x64xf32, #tpu.memory_space<vmem>>) offsets(%dma_start3A_37 : memref<16xi32, #tpu.memory_space<vmem>>) semaphore(%arg13 : memref<!tpu.dma_semaphore, #tpu.memory_space<semaphore_mem>>)
    %dma_wait3A_41 = arith.constant 0 : i32
    %dma_wait3A_42 = arith.constant 0 : i32
    %dma_wait3A_43 = tpu.memref_slice %arg10[%dma_wait3A_41, %dma_wait3A_42] : memref<128x64xf32, #tpu.memory_space<vmem>> -> memref<16x64xf32, #tpu.memory_space<vmem>>
    %dma_wait3A_44 = arith.constant 9984 : i32
    %dma_wait3A_45 = tpu.memref_slice %arg7[%dma_wait3A_44] : memref<10000xi32, #tpu.memory_space<vmem>> -> memref<16xi32, #tpu.memory_space<vmem>>
    %dma_wait3A_46 = arith.constant 0 : i32
    %dma_wait3A_47 = arith.constant 0 : i32
    %dma_wait3A_48 = tpu.memref_slice %arg2[%dma_wait3A_46, %dma_wait3A_47] : memref<10240x64xf32, #tpu.memory_space<hbm>> -> memref<10240x64xf32, #tpu.memory_space<hbm>>
    tpu.wait_indirect_dma semaphore(%arg13 : memref<!tpu.dma_semaphore, #tpu.memory_space<semaphore_mem>>) src(%dma_wait3A_48 : memref<10240x64xf32, #tpu.memory_space<hbm>>) dst(%dma_wait3A_43 : memref<16x64xf32, #tpu.memory_space<vmem>>)
    %dma_start3A_49 = arith.constant 0 : i32
    %dma_start3A_50 = arith.constant 0 : i32
    %dma_start3A_51 = arith.constant 0 : i32
    %dma_start3A_52 = tpu.memref_slice %arg10[%dma_start3A_50, %dma_start3A_51] : memref<128x64xf32, #tpu.memory_space<vmem>> -> memref<16x64xf32, #tpu.memory_space<vmem>>
    %dma_start3A_53 = arith.constant 0 : i32
    %dma_start3A_54 = tpu.memref_slice %arg9[%dma_start3A_49, %dma_start3A_53] : memref<1x16xi32, #tpu.memory_space<vmem>> -> memref<1x16xi32, #tpu.memory_space<vmem>>
    %dma_start3A_55 = tpu.memref_squeeze %dma_start3A_54 : memref<1x16xi32, #tpu.memory_space<vmem>> -> memref<16xi32, #tpu.memory_space<vmem>>
    %dma_start3A_56 = arith.constant 0 : i32
    %dma_start3A_57 = arith.constant 0 : i32
    %dma_start3A_58 = tpu.memref_slice %arg12[%dma_start3A_56, %dma_start3A_57] : memref<10240x64xf32, #tpu.memory_space<vmem_shared>> -> memref<10240x64xf32, #tpu.memory_space<vmem_shared>>
    tpu.enqueue_indirect_dma source(%dma_start3A_52 : memref<16x64xf32, #tpu.memory_space<vmem>>) target(%dma_start3A_58 : memref<10240x64xf32, #tpu.memory_space<vmem_shared>>) offsets(%dma_start3A_55 : memref<16xi32, #tpu.memory_space<vmem>>) semaphore(%arg14 : memref<!tpu.dma_semaphore, #tpu.memory_space<semaphore_mem>>) {add = true}
    %dma_wait3A_59 = arith.constant 0 : i32
    %dma_wait3A_60 = arith.constant 0 : i32
    %dma_wait3A_61 = arith.constant 0 : i32
    %dma_wait3A_62 = tpu.memref_slice %arg10[%dma_wait3A_60, %dma_wait3A_61] : memref<128x64xf32, #tpu.memory_space<vmem>> -> memref<16x64xf32, #tpu.memory_space<vmem>>
    %dma_wait3A_63 = arith.constant 0 : i32
    %dma_wait3A_64 = tpu.memref_slice %arg9[%dma_wait3A_59, %dma_wait3A_63] : memref<1x16xi32, #tpu.memory_space<vmem>> -> memref<1x16xi32, #tpu.memory_space<vmem>>
    %dma_wait3A_65 = tpu.memref_squeeze %dma_wait3A_64 : memref<1x16xi32, #tpu.memory_space<vmem>> -> memref<16xi32, #tpu.memory_space<vmem>>
    %dma_wait3A_66 = arith.constant 0 : i32
    %dma_wait3A_67 = arith.constant 0 : i32
    %dma_wait3A_68 = tpu.memref_slice %arg12[%dma_wait3A_66, %dma_wait3A_67] : memref<10240x64xf32, #tpu.memory_space<vmem_shared>> -> memref<10240x64xf32, #tpu.memory_space<vmem_shared>>
    tpu.wait_indirect_dma semaphore(%arg14 : memref<!tpu.dma_semaphore, #tpu.memory_space<semaphore_mem>>) src(%dma_wait3A_62 : memref<16x64xf32, #tpu.memory_space<vmem>>) dst(%dma_wait3A_68 : memref<10240x64xf32, #tpu.memory_space<vmem_shared>>)
    %barrier3A_69 = arith.constant 0 : index
    tpu.barrier barrier_id(%barrier3A_69)
    "tpu.region"() ({
      %run_scoped3A = tpu.sem_alloc : memref<!tpu.dma_semaphore, #tpu.memory_space<semaphore_mem>>
      %dma_start3A_70 = arith.constant 0 : i32
      %dma_start3A_71 = tpu.memref_slice %arg6[%arg0, %multiple_of3A_9, %dma_start3A_70] : memref<2x10240x64xf32, #tpu.memory_space<hbm>> -> memref<1x640x64xf32, #tpu.memory_space<hbm>>
      %dma_start3A_72 = tpu.memref_squeeze %dma_start3A_71 : memref<1x640x64xf32, #tpu.memory_space<hbm>> -> memref<640x64xf32, #tpu.memory_space<hbm>>
      %dma_start3A_73 = arith.constant 0 : i32
      %dma_start3A_74 = tpu.memref_slice %arg12[%multiple_of3A_9, %dma_start3A_73] : memref<10240x64xf32, #tpu.memory_space<vmem_shared>> -> memref<640x64xf32, #tpu.memory_space<vmem_shared>>
      tpu.enqueue_dma source(%dma_start3A_74 : memref<640x64xf32, #tpu.memory_space<vmem_shared>>) target(%dma_start3A_72 : memref<640x64xf32, #tpu.memory_space<hbm>>) target_semaphore(%run_scoped3A : memref<!tpu.dma_semaphore, #tpu.memory_space<semaphore_mem>>)
      %dma_wait3A_75 = arith.constant 0 : i32
      %dma_wait3A_76 = tpu.memref_slice %arg6[%arg0, %multiple_of3A_9, %dma_wait3A_75] : memref<2x10240x64xf32, #tpu.memory_space<hbm>> -> memref<1x640x64xf32, #tpu.memory_space<hbm>>
      %dma_wait3A_77 = tpu.memref_squeeze %dma_wait3A_76 : memref<1x640x64xf32, #tpu.memory_space<hbm>> -> memref<640x64xf32, #tpu.memory_space<hbm>>
      %dma_wait3A_78 = arith.constant 0 : i32
      %dma_wait3A_79 = tpu.memref_slice %arg12[%multiple_of3A_9, %dma_wait3A_78] : memref<10240x64xf32, #tpu.memory_space<vmem_shared>> -> memref<640x64xf32, #tpu.memory_space<vmem_shared>>
      tpu.wait_dma2 semaphore(%run_scoped3A : memref<!tpu.dma_semaphore, #tpu.memory_space<semaphore_mem>>) src(%dma_wait3A_79 : memref<640x64xf32, #tpu.memory_space<vmem_shared>>) dst(%dma_wait3A_77 : memref<640x64xf32, #tpu.memory_space<hbm>>)
      tpu.yield
    }) : () -> ()
    return
  }
}

#map = affine_map<(d0, d1) -> (0, 0)>
#map1 = affine_map<(d0, d1) -> (0)>
#map2 = affine_map<(d0, d1) -> (0, 0, 0)>
module attributes {stable_mosaic.version = 14 : i64} {
  func.func @body(%arg0: i32, %arg1: i32, %arg2: memref<10240x64xf32, #tpu.memory_space<hbm>>, %arg3: memref<320000xi32, #tpu.memory_space<hbm>>, %arg4: memref<32x78x128xi32, #tpu.memory_space<hbm>>, %arg5: memref<32x1x16xi32, #tpu.memory_space<hbm>>, %arg6: memref<2x10240x64xf32, #tpu.memory_space<hbm>>, %arg7: memref<10000xi32, #tpu.memory_space<vmem>>, %arg8: memref<78x128xi32, #tpu.memory_space<vmem>>, %arg9: memref<1x16xi32, #tpu.memory_space<vmem>>, %arg10: memref<128x64xf32, #tpu.memory_space<vmem>>, %arg11: memref<128x64xf32, #tpu.memory_space<vmem>>, %arg12: memref<10240x64xf32, #tpu.memory_space<vmem_shared>>, %arg13: memref<!tpu.dma_semaphore, #tpu.memory_space<semaphore_mem>>, %arg14: memref<!tpu.dma_semaphore, #tpu.memory_space<semaphore_mem>>, %arg15: memref<!tpu.dma_semaphore, #tpu.memory_space<semaphore_mem>>) attributes {dimension_semantics = [#tpu.dimension_semantics<core_parallel>, #tpu.dimension_semantics<subcore_parallel>], iteration_bounds = array<i64: 2, 16>, scalar_prefetch = 0 : i64, scratch_operands = 9 : i64, tpu.core_type = #tpu.core_type<sc_vector_subcore>, window_params = [{transform_indices = #map}, {transform_indices = #map1}, {transform_indices = #map2}, {transform_indices = #map2}, {transform_indices = #map2}]} {
    %mul3A = arith.constant 2 : i32
    %mul3A_0 = arith.muli %arg1, %mul3A : i32
    %add3A = arith.addi %mul3A_0, %arg0 : i32
    "tpu.region"() ({
      %run_scoped3A = tpu.sem_alloc : memref<!tpu.dma_semaphore, #tpu.memory_space<semaphore_mem>>
      %dma_start3A_70 = arith.constant 0 : i32
      %dma_start3A_71 = arith.constant 0 : i32
      %dma_start3A_72 = tpu.memref_slice %arg4[%add3A, %dma_start3A_70, %dma_start3A_71] : memref<32x78x128xi32, #tpu.memory_space<hbm>> -> memref<1x78x128xi32, #tpu.memory_space<hbm>>
      %dma_start3A_73 = tpu.memref_squeeze %dma_start3A_72 : memref<1x78x128xi32, #tpu.memory_space<hbm>> -> memref<78x128xi32, #tpu.memory_space<hbm>>
      %dma_start3A_74 = arith.constant 0 : i32
      %dma_start3A_75 = arith.constant 0 : i32
      %dma_start3A_76 = tpu.memref_slice %arg4[%add3A, %dma_start3A_74, %dma_start3A_75] : memref<32x78x128xi32, #tpu.memory_space<hbm>> -> memref<1x78x128xi32, #tpu.memory_space<hbm>>
      %dma_start3A_77 = tpu.memref_squeeze %dma_start3A_76 : memref<1x78x128xi32, #tpu.memory_space<hbm>> -> memref<78x128xi32, #tpu.memory_space<hbm>>
      tpu.enqueue_dma source(%dma_start3A_77 : memref<78x128xi32, #tpu.memory_space<hbm>>) target(%arg8 : memref<78x128xi32, #tpu.memory_space<vmem>>) target_semaphore(%run_scoped3A : memref<!tpu.dma_semaphore, #tpu.memory_space<semaphore_mem>>)
      %dma_wait3A_78 = arith.constant 0 : i32
      %dma_wait3A_79 = arith.constant 0 : i32
      %dma_wait3A_80 = tpu.memref_slice %arg4[%add3A, %dma_wait3A_78, %dma_wait3A_79] : memref<32x78x128xi32, #tpu.memory_space<hbm>> -> memref<1x78x128xi32, #tpu.memory_space<hbm>>
      %dma_wait3A_81 = tpu.memref_squeeze %dma_wait3A_80 : memref<1x78x128xi32, #tpu.memory_space<hbm>> -> memref<78x128xi32, #tpu.memory_space<hbm>>
      %dma_wait3A_82 = arith.constant 0 : i32
      %dma_wait3A_83 = arith.constant 0 : i32
      %dma_wait3A_84 = tpu.memref_slice %arg4[%add3A, %dma_wait3A_82, %dma_wait3A_83] : memref<32x78x128xi32, #tpu.memory_space<hbm>> -> memref<1x78x128xi32, #tpu.memory_space<hbm>>
      %dma_wait3A_85 = tpu.memref_squeeze %dma_wait3A_84 : memref<1x78x128xi32, #tpu.memory_space<hbm>> -> memref<78x128xi32, #tpu.memory_space<hbm>>
      tpu.wait_dma2 semaphore(%run_scoped3A : memref<!tpu.dma_semaphore, #tpu.memory_space<semaphore_mem>>) src(%dma_wait3A_85 : memref<78x128xi32, #tpu.memory_space<hbm>>) dst(%arg8 : memref<78x128xi32, #tpu.memory_space<vmem>>)
      tpu.yield
    }) : () -> ()
    "tpu.region"() ({
      %run_scoped3A = tpu.sem_alloc : memref<!tpu.dma_semaphore, #tpu.memory_space<semaphore_mem>>
      %dma_start3A_70 = arith.constant 0 : i32
      %dma_start3A_71 = arith.constant 0 : i32
      %dma_start3A_72 = tpu.memref_slice %arg5[%add3A, %dma_start3A_70, %dma_start3A_71] : memref<32x1x16xi32, #tpu.memory_space<hbm>> -> memref<1x1x16xi32, #tpu.memory_space<hbm>>
      %dma_start3A_73 = tpu.memref_squeeze %dma_start3A_72 : memref<1x1x16xi32, #tpu.memory_space<hbm>> -> memref<1x16xi32, #tpu.memory_space<hbm>>
      %dma_start3A_74 = arith.constant 0 : i32
      %dma_start3A_75 = arith.constant 0 : i32
      %dma_start3A_76 = tpu.memref_slice %arg5[%add3A, %dma_start3A_74, %dma_start3A_75] : memref<32x1x16xi32, #tpu.memory_space<hbm>> -> memref<1x1x16xi32, #tpu.memory_space<hbm>>
      %dma_start3A_77 = tpu.memref_squeeze %dma_start3A_76 : memref<1x1x16xi32, #tpu.memory_space<hbm>> -> memref<1x16xi32, #tpu.memory_space<hbm>>
      tpu.enqueue_dma source(%dma_start3A_77 : memref<1x16xi32, #tpu.memory_space<hbm>>) target(%arg9 : memref<1x16xi32, #tpu.memory_space<vmem>>) target_semaphore(%run_scoped3A : memref<!tpu.dma_semaphore, #tpu.memory_space<semaphore_mem>>)
      %dma_wait3A_78 = arith.constant 0 : i32
      %dma_wait3A_79 = arith.constant 0 : i32
      %dma_wait3A_80 = tpu.memref_slice %arg5[%add3A, %dma_wait3A_78, %dma_wait3A_79] : memref<32x1x16xi32, #tpu.memory_space<hbm>> -> memref<1x1x16xi32, #tpu.memory_space<hbm>>
      %dma_wait3A_81 = tpu.memref_squeeze %dma_wait3A_80 : memref<1x1x16xi32, #tpu.memory_space<hbm>> -> memref<1x16xi32, #tpu.memory_space<hbm>>
      %dma_wait3A_82 = arith.constant 0 : i32
      %dma_wait3A_83 = arith.constant 0 : i32
      %dma_wait3A_84 = tpu.memref_slice %arg5[%add3A, %dma_wait3A_82, %dma_wait3A_83] : memref<32x1x16xi32, #tpu.memory_space<hbm>> -> memref<1x1x16xi32, #tpu.memory_space<hbm>>
      %dma_wait3A_85 = tpu.memref_squeeze %dma_wait3A_84 : memref<1x1x16xi32, #tpu.memory_space<hbm>> -> memref<1x16xi32, #tpu.memory_space<hbm>>
      tpu.wait_dma2 semaphore(%run_scoped3A : memref<!tpu.dma_semaphore, #tpu.memory_space<semaphore_mem>>) src(%dma_wait3A_85 : memref<1x16xi32, #tpu.memory_space<hbm>>) dst(%arg9 : memref<1x16xi32, #tpu.memory_space<vmem>>)
      tpu.yield
    }) : () -> ()
    %mul3A_1 = arith.constant 10000 : i32
    %mul3A_2 = arith.muli %add3A, %mul3A_1 : i32
    %multiple_of3A = tpu.assume_multiple %mul3A_2, 8 : i32
    "tpu.region"() ({
      %run_scoped3A = tpu.sem_alloc : memref<!tpu.dma_semaphore, #tpu.memory_space<semaphore_mem>>
      %dma_start3A_70 = tpu.memref_slice %arg3[%multiple_of3A] : memref<320000xi32, #tpu.memory_space<hbm>> -> memref<10000xi32, #tpu.memory_space<hbm>>
      %dma_start3A_71 = tpu.memref_slice %arg3[%multiple_of3A] : memref<320000xi32, #tpu.memory_space<hbm>> -> memref<10000xi32, #tpu.memory_space<hbm>>
      tpu.enqueue_dma source(%dma_start3A_71 : memref<10000xi32, #tpu.memory_space<hbm>>) target(%arg7 : memref<10000xi32, #tpu.memory_space<vmem>>) target_semaphore(%run_scoped3A : memref<!tpu.dma_semaphore, #tpu.memory_space<semaphore_mem>>)
      %dma_wait3A_72 = tpu.memref_slice %arg3[%multiple_of3A] : memref<320000xi32, #tpu.memory_space<hbm>> -> memref<10000xi32, #tpu.memory_space<hbm>>
      %dma_wait3A_73 = tpu.memref_slice %arg3[%multiple_of3A] : memref<320000xi32, #tpu.memory_space<hbm>> -> memref<10000xi32, #tpu.memory_space<hbm>>
      tpu.wait_dma2 semaphore(%run_scoped3A : memref<!tpu.dma_semaphore, #tpu.memory_space<semaphore_mem>>) src(%dma_wait3A_73 : memref<10000xi32, #tpu.memory_space<hbm>>) dst(%arg7 : memref<10000xi32, #tpu.memory_space<vmem>>)
      tpu.yield
    }) : () -> ()
    %scan3A = arith.constant 0 : i32
    %scan3A_3 = arith.constant 128 : i32
    %scan3A_4 = arith.addi %scan3A, %scan3A_3 : i32
    %scan3A_5 = arith.constant 1 : i32
    scf.for %scan3A_70 = %scan3A to %scan3A_4 step %scan3A_5  : i32 {
      %mul3A_71 = arith.constant 1 : i32
      %mul3A_72 = arith.muli %scan3A_70, %mul3A_71 : i32
      %add3A_73 = arith.constant 0 : i32
      %add3A_74 = arith.addi %add3A_73, %mul3A_72 : i32
      %broadcast_in_dim3A = arith.constant 0.000000e+00 : f32
      %broadcast_in_dim3A_75 = vector.broadcast %broadcast_in_dim3A : f32 to vector<16xf32>
      %swap3A = arith.index_cast %add3A_74 : i32 to index
      %swap3A_76 = arith.constant 0 : index
      %swap3A_77 = tpu.vector_load %arg10[%swap3A, %swap3A_76] {strides = array<i32>} : memref<128x64xf32, #tpu.memory_space<vmem>>, vector<16xf32>,
      tpu.vector_store %arg10[%swap3A, %swap3A_76], %broadcast_in_dim3A_75 {strides = array<i32>} : memref<128x64xf32, #tpu.memory_space<vmem>>, vector<16xf32>,
      %broadcast_in_dim3A_78 = arith.constant 0.000000e+00 : f32
      %broadcast_in_dim3A_79 = vector.broadcast %broadcast_in_dim3A_78 : f32 to vector<16xf32>
      %swap3A_80 = arith.index_cast %add3A_74 : i32 to index
      %swap3A_81 = arith.constant 16 : index
      %swap3A_82 = tpu.vector_load %arg10[%swap3A_80, %swap3A_81] {strides = array<i32>} : memref<128x64xf32, #tpu.memory_space<vmem>>, vector<16xf32>,
      tpu.vector_store %arg10[%swap3A_80, %swap3A_81], %broadcast_in_dim3A_79 {strides = array<i32>} : memref<128x64xf32, #tpu.memory_space<vmem>>, vector<16xf32>,
      %broadcast_in_dim3A_83 = arith.constant 0.000000e+00 : f32
      %broadcast_in_dim3A_84 = vector.broadcast %broadcast_in_dim3A_83 : f32 to vector<16xf32>
      %swap3A_85 = arith.index_cast %add3A_74 : i32 to index
      %swap3A_86 = arith.constant 32 : index
      %swap3A_87 = tpu.vector_load %arg10[%swap3A_85, %swap3A_86] {strides = array<i32>} : memref<128x64xf32, #tpu.memory_space<vmem>>, vector<16xf32>,
      tpu.vector_store %arg10[%swap3A_85, %swap3A_86], %broadcast_in_dim3A_84 {strides = array<i32>} : memref<128x64xf32, #tpu.memory_space<vmem>>, vector<16xf32>,
      %broadcast_in_dim3A_88 = arith.constant 0.000000e+00 : f32
      %broadcast_in_dim3A_89 = vector.broadcast %broadcast_in_dim3A_88 : f32 to vector<16xf32>
      %swap3A_90 = arith.index_cast %add3A_74 : i32 to index
      %swap3A_91 = arith.constant 48 : index
      %swap3A_92 = tpu.vector_load %arg10[%swap3A_90, %swap3A_91] {strides = array<i32>} : memref<128x64xf32, #tpu.memory_space<vmem>>, vector<16xf32>,
      tpu.vector_store %arg10[%swap3A_90, %swap3A_91], %broadcast_in_dim3A_89 {strides = array<i32>} : memref<128x64xf32, #tpu.memory_space<vmem>>, vector<16xf32>,
    }
    %scan3A_6 = arith.constant 128 : i32
    %mul3A_7 = arith.constant 640 : i32
    %mul3A_8 = arith.muli %arg1, %mul3A_7 : i32
    %multiple_of3A_9 = tpu.assume_multiple %mul3A_8, 8 : i32
    %add3A_10 = arith.constant 0 : i32
    %add3A_11 = arith.addi %multiple_of3A_9, %add3A_10 : i32
    "tpu.region"() ({
      %run_scoped3A = tpu.sem_alloc : memref<!tpu.dma_semaphore, #tpu.memory_space<semaphore_mem>>
      %dma_start3A_70 = arith.constant 0 : i32
      %dma_start3A_71 = tpu.memref_slice %arg12[%add3A_11, %dma_start3A_70] : memref<10240x64xf32, #tpu.memory_space<vmem_shared>> -> memref<128x64xf32, #tpu.memory_space<vmem_shared>>
      %dma_start3A_72 = arith.constant 0 : i32
      %dma_start3A_73 = tpu.memref_slice %arg12[%add3A_11, %dma_start3A_72] : memref<10240x64xf32, #tpu.memory_space<vmem_shared>> -> memref<128x64xf32, #tpu.memory_space<vmem_shared>>
      tpu.enqueue_dma source(%arg10 : memref<128x64xf32, #tpu.memory_space<vmem>>) target(%dma_start3A_73 : memref<128x64xf32, #tpu.memory_space<vmem_shared>>) target_semaphore(%run_scoped3A : memref<!tpu.dma_semaphore, #tpu.memory_space<semaphore_mem>>)
      %dma_wait3A_74 = arith.constant 0 : i32
      %dma_wait3A_75 = tpu.memref_slice %arg12[%add3A_11, %dma_wait3A_74] : memref<10240x64xf32, #tpu.memory_space<vmem_shared>> -> memref<128x64xf32, #tpu.memory_space<vmem_shared>>
      %dma_wait3A_76 = arith.constant 0 : i32
      %dma_wait3A_77 = tpu.memref_slice %arg12[%add3A_11, %dma_wait3A_76] : memref<10240x64xf32, #tpu.memory_space<vmem_shared>> -> memref<128x64xf32, #tpu.memory_space<vmem_shared>>
      tpu.wait_dma2 semaphore(%run_scoped3A : memref<!tpu.dma_semaphore, #tpu.memory_space<semaphore_mem>>) src(%arg10 : memref<128x64xf32, #tpu.memory_space<vmem>>) dst(%dma_wait3A_77 : memref<128x64xf32, #tpu.memory_space<vmem_shared>>)
      tpu.yield
    }) : () -> ()
    %add3A_12 = arith.constant 128 : i32
    %add3A_13 = arith.addi %multiple_of3A_9, %add3A_12 : i32
    "tpu.region"() ({
      %run_scoped3A = tpu.sem_alloc : memref<!tpu.dma_semaphore, #tpu.memory_space<semaphore_mem>>
      %dma_start3A_70 = arith.constant 0 : i32
      %dma_start3A_71 = tpu.memref_slice %arg12[%add3A_13, %dma_start3A_70] : memref<10240x64xf32, #tpu.memory_space<vmem_shared>> -> memref<128x64xf32, #tpu.memory_space<vmem_shared>>
      %dma_start3A_72 = arith.constant 0 : i32
      %dma_start3A_73 = tpu.memref_slice %arg12[%add3A_13, %dma_start3A_72] : memref<10240x64xf32, #tpu.memory_space<vmem_shared>> -> memref<128x64xf32, #tpu.memory_space<vmem_shared>>
      tpu.enqueue_dma source(%arg10 : memref<128x64xf32, #tpu.memory_space<vmem>>) target(%dma_start3A_73 : memref<128x64xf32, #tpu.memory_space<vmem_shared>>) target_semaphore(%run_scoped3A : memref<!tpu.dma_semaphore, #tpu.memory_space<semaphore_mem>>)
      %dma_wait3A_74 = arith.constant 0 : i32
      %dma_wait3A_75 = tpu.memref_slice %arg12[%add3A_13, %dma_wait3A_74] : memref<10240x64xf32, #tpu.memory_space<vmem_shared>> -> memref<128x64xf32, #tpu.memory_space<vmem_shared>>
      %dma_wait3A_76 = arith.constant 0 : i32
      %dma_wait3A_77 = tpu.memref_slice %arg12[%add3A_13, %dma_wait3A_76] : memref<10240x64xf32, #tpu.memory_space<vmem_shared>> -> memref<128x64xf32, #tpu.memory_space<vmem_shared>>
      tpu.wait_dma2 semaphore(%run_scoped3A : memref<!tpu.dma_semaphore, #tpu.memory_space<semaphore_mem>>) src(%arg10 : memref<128x64xf32, #tpu.memory_space<vmem>>) dst(%dma_wait3A_77 : memref<128x64xf32, #tpu.memory_space<vmem_shared>>)
      tpu.yield
    }) : () -> ()
    %add3A_14 = arith.constant 256 : i32
    %add3A_15 = arith.addi %multiple_of3A_9, %add3A_14 : i32
    "tpu.region"() ({
      %run_scoped3A = tpu.sem_alloc : memref<!tpu.dma_semaphore, #tpu.memory_space<semaphore_mem>>
      %dma_start3A_70 = arith.constant 0 : i32
      %dma_start3A_71 = tpu.memref_slice %arg12[%add3A_15, %dma_start3A_70] : memref<10240x64xf32, #tpu.memory_space<vmem_shared>> -> memref<128x64xf32, #tpu.memory_space<vmem_shared>>
      %dma_start3A_72 = arith.constant 0 : i32
      %dma_start3A_73 = tpu.memref_slice %arg12[%add3A_15, %dma_start3A_72] : memref<10240x64xf32, #tpu.memory_space<vmem_shared>> -> memref<128x64xf32, #tpu.memory_space<vmem_shared>>
      tpu.enqueue_dma source(%arg10 : memref<128x64xf32, #tpu.memory_space<vmem>>) target(%dma_start3A_73 : memref<128x64xf32, #tpu.memory_space<vmem_shared>>) target_semaphore(%run_scoped3A : memref<!tpu.dma_semaphore, #tpu.memory_space<semaphore_mem>>)
      %dma_wait3A_74 = arith.constant 0 : i32
      %dma_wait3A_75 = tpu.memref_slice %arg12[%add3A_15, %dma_wait3A_74] : memref<10240x64xf32, #tpu.memory_space<vmem_shared>> -> memref<128x64xf32, #tpu.memory_space<vmem_shared>>
      %dma_wait3A_76 = arith.constant 0 : i32
      %dma_wait3A_77 = tpu.memref_slice %arg12[%add3A_15, %dma_wait3A_76] : memref<10240x64xf32, #tpu.memory_space<vmem_shared>> -> memref<128x64xf32, #tpu.memory_space<vmem_shared>>
      tpu.wait_dma2 semaphore(%run_scoped3A : memref<!tpu.dma_semaphore, #tpu.memory_space<semaphore_mem>>) src(%arg10 : memref<128x64xf32, #tpu.memory_space<vmem>>) dst(%dma_wait3A_77 : memref<128x64xf32, #tpu.memory_space<vmem_shared>>)
      tpu.yield
    }) : () -> ()
    %add3A_16 = arith.constant 384 : i32
    %add3A_17 = arith.addi %multiple_of3A_9, %add3A_16 : i32
    "tpu.region"() ({
      %run_scoped3A = tpu.sem_alloc : memref<!tpu.dma_semaphore, #tpu.memory_space<semaphore_mem>>
      %dma_start3A_70 = arith.constant 0 : i32
      %dma_start3A_71 = tpu.memref_slice %arg12[%add3A_17, %dma_start3A_70] : memref<10240x64xf32, #tpu.memory_space<vmem_shared>> -> memref<128x64xf32, #tpu.memory_space<vmem_shared>>
      %dma_start3A_72 = arith.constant 0 : i32
      %dma_start3A_73 = tpu.memref_slice %arg12[%add3A_17, %dma_start3A_72] : memref<10240x64xf32, #tpu.memory_space<vmem_shared>> -> memref<128x64xf32, #tpu.memory_space<vmem_shared>>
      tpu.enqueue_dma source(%arg10 : memref<128x64xf32, #tpu.memory_space<vmem>>) target(%dma_start3A_73 : memref<128x64xf32, #tpu.memory_space<vmem_shared>>) target_semaphore(%run_scoped3A : memref<!tpu.dma_semaphore, #tpu.memory_space<semaphore_mem>>)
      %dma_wait3A_74 = arith.constant 0 : i32
      %dma_wait3A_75 = tpu.memref_slice %arg12[%add3A_17, %dma_wait3A_74] : memref<10240x64xf32, #tpu.memory_space<vmem_shared>> -> memref<128x64xf32, #tpu.memory_space<vmem_shared>>
      %dma_wait3A_76 = arith.constant 0 : i32
      %dma_wait3A_77 = tpu.memref_slice %arg12[%add3A_17, %dma_wait3A_76] : memref<10240x64xf32, #tpu.memory_space<vmem_shared>> -> memref<128x64xf32, #tpu.memory_space<vmem_shared>>
      tpu.wait_dma2 semaphore(%run_scoped3A : memref<!tpu.dma_semaphore, #tpu.memory_space<semaphore_mem>>) src(%arg10 : memref<128x64xf32, #tpu.memory_space<vmem>>) dst(%dma_wait3A_77 : memref<128x64xf32, #tpu.memory_space<vmem_shared>>)
      tpu.yield
    }) : () -> ()
    %add3A_18 = arith.constant 512 : i32
    %add3A_19 = arith.addi %multiple_of3A_9, %add3A_18 : i32
    "tpu.region"() ({
      %run_scoped3A = tpu.sem_alloc : memref<!tpu.dma_semaphore, #tpu.memory_space<semaphore_mem>>
      %dma_start3A_70 = arith.constant 0 : i32
      %dma_start3A_71 = tpu.memref_slice %arg12[%add3A_19, %dma_start3A_70] : memref<10240x64xf32, #tpu.memory_space<vmem_shared>> -> memref<128x64xf32, #tpu.memory_space<vmem_shared>>
      %dma_start3A_72 = arith.constant 0 : i32
      %dma_start3A_73 = tpu.memref_slice %arg12[%add3A_19, %dma_start3A_72] : memref<10240x64xf32, #tpu.memory_space<vmem_shared>> -> memref<128x64xf32, #tpu.memory_space<vmem_shared>>
      tpu.enqueue_dma source(%arg10 : memref<128x64xf32, #tpu.memory_space<vmem>>) target(%dma_start3A_73 : memref<128x64xf32, #tpu.memory_space<vmem_shared>>) target_semaphore(%run_scoped3A : memref<!tpu.dma_semaphore, #tpu.memory_space<semaphore_mem>>)
      %dma_wait3A_74 = arith.constant 0 : i32
      %dma_wait3A_75 = tpu.memref_slice %arg12[%add3A_19, %dma_wait3A_74] : memref<10240x64xf32, #tpu.memory_space<vmem_shared>> -> memref<128x64xf32, #tpu.memory_space<vmem_shared>>
      %dma_wait3A_76 = arith.constant 0 : i32
      %dma_wait3A_77 = tpu.memref_slice %arg12[%add3A_19, %dma_wait3A_76] : memref<10240x64xf32, #tpu.memory_space<vmem_shared>> -> memref<128x64xf32, #tpu.memory_space<vmem_shared>>
      tpu.wait_dma2 semaphore(%run_scoped3A : memref<!tpu.dma_semaphore, #tpu.memory_space<semaphore_mem>>) src(%arg10 : memref<128x64xf32, #tpu.memory_space<vmem>>) dst(%dma_wait3A_77 : memref<128x64xf32, #tpu.memory_space<vmem_shared>>)
      tpu.yield
    }) : () -> ()
    %barrier3A = arith.constant 0 : index
    tpu.barrier barrier_id(%barrier3A)
    %multiple_of3A_20 = arith.constant 0 : i32
    %multiple_of3A_21 = tpu.assume_multiple %multiple_of3A_20, 8 : i32
    %dma_start3A = tpu.memref_slice %arg7[%multiple_of3A_21] : memref<10000xi32, #tpu.memory_space<vmem>> -> memref<128xi32, #tpu.memory_space<vmem>>
    %dma_start3A_22 = arith.constant 0 : i32
    %dma_start3A_23 = arith.constant 0 : i32
    %dma_start3A_24 = tpu.memref_slice %arg2[%dma_start3A_22, %dma_start3A_23] : memref<10240x64xf32, #tpu.memory_space<hbm>> -> memref<10240x64xf32, #tpu.memory_space<hbm>>
    tpu.enqueue_indirect_dma source(%dma_start3A_24 : memref<10240x64xf32, #tpu.memory_space<hbm>>) target(%arg10 : memref<128x64xf32, #tpu.memory_space<vmem>>) offsets(%dma_start3A : memref<128xi32, #tpu.memory_space<vmem>>) semaphore(%arg13 : memref<!tpu.dma_semaphore, #tpu.memory_space<semaphore_mem>>)
    %dma_wait3A = tpu.memref_slice %arg7[%multiple_of3A_21] : memref<10000xi32, #tpu.memory_space<vmem>> -> memref<128xi32, #tpu.memory_space<vmem>>
    %dma_wait3A_25 = arith.constant 0 : i32
    %dma_wait3A_26 = arith.constant 0 : i32
    %dma_wait3A_27 = tpu.memref_slice %arg2[%dma_wait3A_25, %dma_wait3A_26] : memref<10240x64xf32, #tpu.memory_space<hbm>> -> memref<10240x64xf32, #tpu.memory_space<hbm>>
    tpu.wait_indirect_dma semaphore(%arg13 : memref<!tpu.dma_semaphore, #tpu.memory_space<semaphore_mem>>) src(%dma_wait3A_27 : memref<10240x64xf32, #tpu.memory_space<hbm>>) dst(%arg10 : memref<128x64xf32, #tpu.memory_space<vmem>>)
    %scan3A_28 = arith.constant 0 : i32
    %scan3A_29 = arith.constant 39 : i32
    %scan3A_30 = arith.addi %scan3A_28, %scan3A_29 : i32
    %scan3A_31 = arith.constant 1 : i32
    scf.for %scan3A_70 = %scan3A_28 to %scan3A_30 step %scan3A_31  : i32 {
      %mul3A_71 = arith.constant 2 : i32
      %mul3A_72 = arith.muli %scan3A_70, %mul3A_71 : i32
      %add3A_73 = arith.constant 0 : i32
      %add3A_74 = arith.addi %add3A_73, %mul3A_72 : i32
      %add3A_75 = arith.constant 1 : i32
      %add3A_76 = arith.addi %add3A_74, %add3A_75 : i32
      %mul3A_77 = arith.constant 128 : i32
      %mul3A_78 = arith.muli %add3A_76, %mul3A_77 : i32
      %multiple_of3A_79 = tpu.assume_multiple %mul3A_78, 8 : i32
      %dma_start3A_80 = tpu.memref_slice %arg7[%multiple_of3A_79] : memref<10000xi32, #tpu.memory_space<vmem>> -> memref<128xi32, #tpu.memory_space<vmem>>
      %dma_start3A_81 = arith.constant 0 : i32
      %dma_start3A_82 = arith.constant 0 : i32
      %dma_start3A_83 = tpu.memref_slice %arg2[%dma_start3A_81, %dma_start3A_82] : memref<10240x64xf32, #tpu.memory_space<hbm>> -> memref<10240x64xf32, #tpu.memory_space<hbm>>
      tpu.enqueue_indirect_dma source(%dma_start3A_83 : memref<10240x64xf32, #tpu.memory_space<hbm>>) target(%arg11 : memref<128x64xf32, #tpu.memory_space<vmem>>) offsets(%dma_start3A_80 : memref<128xi32, #tpu.memory_space<vmem>>) semaphore(%arg13 : memref<!tpu.dma_semaphore, #tpu.memory_space<semaphore_mem>>)
      %dma_start3A_84 = arith.constant 0 : i32
      %dma_start3A_85 = tpu.memref_slice %arg8[%add3A_74, %dma_start3A_84] : memref<78x128xi32, #tpu.memory_space<vmem>> -> memref<1x128xi32, #tpu.memory_space<vmem>>
      %dma_start3A_86 = tpu.memref_squeeze %dma_start3A_85 : memref<1x128xi32, #tpu.memory_space<vmem>> -> memref<128xi32, #tpu.memory_space<vmem>>
      %dma_start3A_87 = arith.constant 0 : i32
      %dma_start3A_88 = arith.constant 0 : i32
      %dma_start3A_89 = tpu.memref_slice %arg12[%dma_start3A_87, %dma_start3A_88] : memref<10240x64xf32, #tpu.memory_space<vmem_shared>> -> memref<10240x64xf32, #tpu.memory_space<vmem_shared>>
      tpu.enqueue_indirect_dma source(%arg10 : memref<128x64xf32, #tpu.memory_space<vmem>>) target(%dma_start3A_89 : memref<10240x64xf32, #tpu.memory_space<vmem_shared>>) offsets(%dma_start3A_86 : memref<128xi32, #tpu.memory_space<vmem>>) semaphore(%arg14 : memref<!tpu.dma_semaphore, #tpu.memory_space<semaphore_mem>>) {add = true}
      %dma_wait3A_90 = tpu.memref_slice %arg7[%multiple_of3A_79] : memref<10000xi32, #tpu.memory_space<vmem>> -> memref<128xi32, #tpu.memory_space<vmem>>
      %dma_wait3A_91 = arith.constant 0 : i32
      %dma_wait3A_92 = arith.constant 0 : i32
      %dma_wait3A_93 = tpu.memref_slice %arg2[%dma_wait3A_91, %dma_wait3A_92] : memref<10240x64xf32, #tpu.memory_space<hbm>> -> memref<10240x64xf32, #tpu.memory_space<hbm>>
      tpu.wait_indirect_dma semaphore(%arg13 : memref<!tpu.dma_semaphore, #tpu.memory_space<semaphore_mem>>) src(%dma_wait3A_93 : memref<10240x64xf32, #tpu.memory_space<hbm>>) dst(%arg11 : memref<128x64xf32, #tpu.memory_space<vmem>>)
      %dma_wait3A_94 = arith.constant 0 : i32
      %dma_wait3A_95 = tpu.memref_slice %arg8[%add3A_74, %dma_wait3A_94] : memref<78x128xi32, #tpu.memory_space<vmem>> -> memref<1x128xi32, #tpu.memory_space<vmem>>
      %dma_wait3A_96 = tpu.memref_squeeze %dma_wait3A_95 : memref<1x128xi32, #tpu.memory_space<vmem>> -> memref<128xi32, #tpu.memory_space<vmem>>
      %dma_wait3A_97 = arith.constant 0 : i32
      %dma_wait3A_98 = arith.constant 0 : i32
      %dma_wait3A_99 = tpu.memref_slice %arg12[%dma_wait3A_97, %dma_wait3A_98] : memref<10240x64xf32, #tpu.memory_space<vmem_shared>> -> memref<10240x64xf32, #tpu.memory_space<vmem_shared>>
      tpu.wait_indirect_dma semaphore(%arg14 : memref<!tpu.dma_semaphore, #tpu.memory_space<semaphore_mem>>) src(%arg10 : memref<128x64xf32, #tpu.memory_space<vmem>>) dst(%dma_wait3A_99 : memref<10240x64xf32, #tpu.memory_space<vmem_shared>>)
      %add3A_100 = arith.constant 1 : i32
      %add3A_101 = arith.addi %add3A_74, %add3A_100 : i32
      %dma_start3A_102 = arith.constant 0 : i32
      %dma_start3A_103 = tpu.memref_slice %arg8[%add3A_101, %dma_start3A_102] : memref<78x128xi32, #tpu.memory_space<vmem>> -> memref<1x128xi32, #tpu.memory_space<vmem>>
      %dma_start3A_104 = tpu.memref_squeeze %dma_start3A_103 : memref<1x128xi32, #tpu.memory_space<vmem>> -> memref<128xi32, #tpu.memory_space<vmem>>
      %dma_start3A_105 = arith.constant 0 : i32
      %dma_start3A_106 = arith.constant 0 : i32
      %dma_start3A_107 = tpu.memref_slice %arg12[%dma_start3A_105, %dma_start3A_106] : memref<10240x64xf32, #tpu.memory_space<vmem_shared>> -> memref<10240x64xf32, #tpu.memory_space<vmem_shared>>
      tpu.enqueue_indirect_dma source(%arg11 : memref<128x64xf32, #tpu.memory_space<vmem>>) target(%dma_start3A_107 : memref<10240x64xf32, #tpu.memory_space<vmem_shared>>) offsets(%dma_start3A_104 : memref<128xi32, #tpu.memory_space<vmem>>) semaphore(%arg15 : memref<!tpu.dma_semaphore, #tpu.memory_space<semaphore_mem>>) {add = true}
      %add3A_108 = arith.constant 2 : i32
      %add3A_109 = arith.addi %add3A_74, %add3A_108 : i32
      %lt3A = arith.constant 78 : i32
      %lt3A_110 = arith.cmpi slt, %add3A_109, %lt3A : i32
      %convert_element_type3A = arith.extui %lt3A_110 : i1 to i32
      %cond3A = arith.constant 0 : i32
      %cond3A_111 = arith.cmpi ne, %convert_element_type3A, %cond3A : i32
      scf.if %cond3A_111 {
        %add3A_118 = arith.constant 2 : i32
        %add3A_119 = arith.addi %add3A_74, %add3A_118 : i32
        %mul3A_120 = arith.constant 128 : i32
        %mul3A_121 = arith.muli %add3A_119, %mul3A_120 : i32
        %multiple_of3A_122 = tpu.assume_multiple %mul3A_121, 8 : i32
        %dma_start3A_123 = tpu.memref_slice %arg7[%multiple_of3A_122] : memref<10000xi32, #tpu.memory_space<vmem>> -> memref<128xi32, #tpu.memory_space<vmem>>
        %dma_start3A_124 = arith.constant 0 : i32
        %dma_start3A_125 = arith.constant 0 : i32
        %dma_start3A_126 = tpu.memref_slice %arg2[%dma_start3A_124, %dma_start3A_125] : memref<10240x64xf32, #tpu.memory_space<hbm>> -> memref<10240x64xf32, #tpu.memory_space<hbm>>
        tpu.enqueue_indirect_dma source(%dma_start3A_126 : memref<10240x64xf32, #tpu.memory_space<hbm>>) target(%arg10 : memref<128x64xf32, #tpu.memory_space<vmem>>) offsets(%dma_start3A_123 : memref<128xi32, #tpu.memory_space<vmem>>) semaphore(%arg13 : memref<!tpu.dma_semaphore, #tpu.memory_space<semaphore_mem>>)
        %dma_wait3A_127 = tpu.memref_slice %arg7[%multiple_of3A_122] : memref<10000xi32, #tpu.memory_space<vmem>> -> memref<128xi32, #tpu.memory_space<vmem>>
        %dma_wait3A_128 = arith.constant 0 : i32
        %dma_wait3A_129 = arith.constant 0 : i32
        %dma_wait3A_130 = tpu.memref_slice %arg2[%dma_wait3A_128, %dma_wait3A_129] : memref<10240x64xf32, #tpu.memory_space<hbm>> -> memref<10240x64xf32, #tpu.memory_space<hbm>>
        tpu.wait_indirect_dma semaphore(%arg13 : memref<!tpu.dma_semaphore, #tpu.memory_space<semaphore_mem>>) src(%dma_wait3A_130 : memref<10240x64xf32, #tpu.memory_space<hbm>>) dst(%arg10 : memref<128x64xf32, #tpu.memory_space<vmem>>)
      } else {
      }
      %dma_wait3A_112 = arith.constant 0 : i32
      %dma_wait3A_113 = tpu.memref_slice %arg8[%add3A_101, %dma_wait3A_112] : memref<78x128xi32, #tpu.memory_space<vmem>> -> memref<1x128xi32, #tpu.memory_space<vmem>>
      %dma_wait3A_114 = tpu.memref_squeeze %dma_wait3A_113 : memref<1x128xi32, #tpu.memory_space<vmem>> -> memref<128xi32, #tpu.memory_space<vmem>>
      %dma_wait3A_115 = arith.constant 0 : i32
      %dma_wait3A_116 = arith.constant 0 : i32
      %dma_wait3A_117 = tpu.memref_slice %arg12[%dma_wait3A_115, %dma_wait3A_116] : memref<10240x64xf32, #tpu.memory_space<vmem_shared>> -> memref<10240x64xf32, #tpu.memory_space<vmem_shared>>
      tpu.wait_indirect_dma semaphore(%arg15 : memref<!tpu.dma_semaphore, #tpu.memory_space<semaphore_mem>>) src(%arg11 : memref<128x64xf32, #tpu.memory_space<vmem>>) dst(%dma_wait3A_117 : memref<10240x64xf32, #tpu.memory_space<vmem_shared>>)
    }
    %scan3A_32 = arith.constant 39 : i32
    %dma_start3A_33 = arith.constant 0 : i32
    %dma_start3A_34 = arith.constant 0 : i32
    %dma_start3A_35 = tpu.memref_slice %arg10[%dma_start3A_33, %dma_start3A_34] : memref<128x64xf32, #tpu.memory_space<vmem>> -> memref<16x64xf32, #tpu.memory_space<vmem>>
    %dma_start3A_36 = arith.constant 9984 : i32
    %dma_start3A_37 = tpu.memref_slice %arg7[%dma_start3A_36] : memref<10000xi32, #tpu.memory_space<vmem>> -> memref<16xi32, #tpu.memory_space<vmem>>
    %dma_start3A_38 = arith.constant 0 : i32
    %dma_start3A_39 = arith.constant 0 : i32
    %dma_start3A_40 = tpu.memref_slice %arg2[%dma_start3A_38, %dma_start3A_39] : memref<10240x64xf32, #tpu.memory_space<hbm>> -> memref<10240x64xf32, #tpu.memory_space<hbm>>
    tpu.enqueue_indirect_dma source(%dma_start3A_40 : memref<10240x64xf32, #tpu.memory_space<hbm>>) target(%dma_start3A_35 : memref<16x64xf32, #tpu.memory_space<vmem>>) offsets(%dma_start3A_37 : memref<16xi32, #tpu.memory_space<vmem>>) semaphore(%arg13 : memref<!tpu.dma_semaphore, #tpu.memory_space<semaphore_mem>>)
    %dma_wait3A_41 = arith.constant 0 : i32
    %dma_wait3A_42 = arith.constant 0 : i32
    %dma_wait3A_43 = tpu.memref_slice %arg10[%dma_wait3A_41, %dma_wait3A_42] : memref<128x64xf32, #tpu.memory_space<vmem>> -> memref<16x64xf32, #tpu.memory_space<vmem>>
    %dma_wait3A_44 = arith.constant 9984 : i32
    %dma_wait3A_45 = tpu.memref_slice %arg7[%dma_wait3A_44] : memref<10000xi32, #tpu.memory_space<vmem>> -> memref<16xi32, #tpu.memory_space<vmem>>
    %dma_wait3A_46 = arith.constant 0 : i32
    %dma_wait3A_47 = arith.constant 0 : i32
    %dma_wait3A_48 = tpu.memref_slice %arg2[%dma_wait3A_46, %dma_wait3A_47] : memref<10240x64xf32, #tpu.memory_space<hbm>> -> memref<10240x64xf32, #tpu.memory_space<hbm>>
    tpu.wait_indirect_dma semaphore(%arg13 : memref<!tpu.dma_semaphore, #tpu.memory_space<semaphore_mem>>) src(%dma_wait3A_48 : memref<10240x64xf32, #tpu.memory_space<hbm>>) dst(%dma_wait3A_43 : memref<16x64xf32, #tpu.memory_space<vmem>>)
    %dma_start3A_49 = arith.constant 0 : i32
    %dma_start3A_50 = arith.constant 0 : i32
    %dma_start3A_51 = arith.constant 0 : i32
    %dma_start3A_52 = tpu.memref_slice %arg10[%dma_start3A_50, %dma_start3A_51] : memref<128x64xf32, #tpu.memory_space<vmem>> -> memref<16x64xf32, #tpu.memory_space<vmem>>
    %dma_start3A_53 = arith.constant 0 : i32
    %dma_start3A_54 = tpu.memref_slice %arg9[%dma_start3A_49, %dma_start3A_53] : memref<1x16xi32, #tpu.memory_space<vmem>> -> memref<1x16xi32, #tpu.memory_space<vmem>>
    %dma_start3A_55 = tpu.memref_squeeze %dma_start3A_54 : memref<1x16xi32, #tpu.memory_space<vmem>> -> memref<16xi32, #tpu.memory_space<vmem>>
    %dma_start3A_56 = arith.constant 0 : i32
    %dma_start3A_57 = arith.constant 0 : i32
    %dma_start3A_58 = tpu.memref_slice %arg12[%dma_start3A_56, %dma_start3A_57] : memref<10240x64xf32, #tpu.memory_space<vmem_shared>> -> memref<10240x64xf32, #tpu.memory_space<vmem_shared>>
    tpu.enqueue_indirect_dma source(%dma_start3A_52 : memref<16x64xf32, #tpu.memory_space<vmem>>) target(%dma_start3A_58 : memref<10240x64xf32, #tpu.memory_space<vmem_shared>>) offsets(%dma_start3A_55 : memref<16xi32, #tpu.memory_space<vmem>>) semaphore(%arg14 : memref<!tpu.dma_semaphore, #tpu.memory_space<semaphore_mem>>) {add = true}
    %dma_wait3A_59 = arith.constant 0 : i32
    %dma_wait3A_60 = arith.constant 0 : i32
    %dma_wait3A_61 = arith.constant 0 : i32
    %dma_wait3A_62 = tpu.memref_slice %arg10[%dma_wait3A_60, %dma_wait3A_61] : memref<128x64xf32, #tpu.memory_space<vmem>> -> memref<16x64xf32, #tpu.memory_space<vmem>>
    %dma_wait3A_63 = arith.constant 0 : i32
    %dma_wait3A_64 = tpu.memref_slice %arg9[%dma_wait3A_59, %dma_wait3A_63] : memref<1x16xi32, #tpu.memory_space<vmem>> -> memref<1x16xi32, #tpu.memory_space<vmem>>
    %dma_wait3A_65 = tpu.memref_squeeze %dma_wait3A_64 : memref<1x16xi32, #tpu.memory_space<vmem>> -> memref<16xi32, #tpu.memory_space<vmem>>
    %dma_wait3A_66 = arith.constant 0 : i32
    %dma_wait3A_67 = arith.constant 0 : i32
    %dma_wait3A_68 = tpu.memref_slice %arg12[%dma_wait3A_66, %dma_wait3A_67] : memref<10240x64xf32, #tpu.memory_space<vmem_shared>> -> memref<10240x64xf32, #tpu.memory_space<vmem_shared>>
    tpu.wait_indirect_dma semaphore(%arg14 : memref<!tpu.dma_semaphore, #tpu.memory_space<semaphore_mem>>) src(%dma_wait3A_62 : memref<16x64xf32, #tpu.memory_space<vmem>>) dst(%dma_wait3A_68 : memref<10240x64xf32, #tpu.memory_space<vmem_shared>>)
    %barrier3A_69 = arith.constant 0 : index
    tpu.barrier barrier_id(%barrier3A_69)
    "tpu.region"() ({
      %run_scoped3A = tpu.sem_alloc : memref<!tpu.dma_semaphore, #tpu.memory_space<semaphore_mem>>
      %dma_start3A_70 = arith.constant 0 : i32
      %dma_start3A_71 = tpu.memref_slice %arg6[%arg0, %multiple_of3A_9, %dma_start3A_70] : memref<2x10240x64xf32, #tpu.memory_space<hbm>> -> memref<1x640x64xf32, #tpu.memory_space<hbm>>
      %dma_start3A_72 = tpu.memref_squeeze %dma_start3A_71 : memref<1x640x64xf32, #tpu.memory_space<hbm>> -> memref<640x64xf32, #tpu.memory_space<hbm>>
      %dma_start3A_73 = arith.constant 0 : i32
      %dma_start3A_74 = tpu.memref_slice %arg12[%multiple_of3A_9, %dma_start3A_73] : memref<10240x64xf32, #tpu.memory_space<vmem_shared>> -> memref<640x64xf32, #tpu.memory_space<vmem_shared>>
      tpu.enqueue_dma source(%dma_start3A_74 : memref<640x64xf32, #tpu.memory_space<vmem_shared>>) target(%dma_start3A_72 : memref<640x64xf32, #tpu.memory_space<hbm>>) target_semaphore(%run_scoped3A : memref<!tpu.dma_semaphore, #tpu.memory_space<semaphore_mem>>)
      %dma_wait3A_75 = arith.constant 0 : i32
      %dma_wait3A_76 = tpu.memref_slice %arg6[%arg0, %multiple_of3A_9, %dma_wait3A_75] : memref<2x10240x64xf32, #tpu.memory_space<hbm>> -> memref<1x640x64xf32, #tpu.memory_space<hbm>>
      %dma_wait3A_77 = tpu.memref_squeeze %dma_wait3A_76 : memref<1x640x64xf32, #tpu.memory_space<hbm>> -> memref<640x64xf32, #tpu.memory_space<hbm>>
      %dma_wait3A_78 = arith.constant 0 : i32
      %dma_wait3A_79 = tpu.memref_slice %arg12[%multiple_of3A_9, %dma_wait3A_78] : memref<10240x64xf32, #tpu.memory_space<vmem_shared>> -> memref<640x64xf32, #tpu.memory_space<vmem_shared>>
      tpu.wait_dma2 semaphore(%run_scoped3A : memref<!tpu.dma_semaphore, #tpu.memory_space<semaphore_mem>>) src(%dma_wait3A_79 : memref<640x64xf32, #tpu.memory_space<vmem_shared>>) dst(%dma_wait3A_77 : memref<640x64xf32, #tpu.memory_space<hbm>>)
      tpu.yield
    }) : () -> ()
    return
  }
}

module attributes {stable_mosaic.version = 14 : i64} {
  func.func @body(%arg0: memref<10240x128xf32, #tpu.memory_space<vmem>>, %arg1: memref<128x64xf32, #tpu.memory_space<vmem>>, %arg2: memref<2x10240x16xf32, #tpu.memory_space<vmem>>, %arg3: memref<10240x64xf32, #tpu.memory_space<vmem>>) attributes {dimension_semantics = [], scalar_prefetch = 0 : i64, scratch_operands = 0 : i64, tpu.core_type = #tpu.core_type<tc>} {
    %get3A = arith.constant 0 : index
    %get3A_0 = arith.constant 0 : index
    %get3A_1 = arith.constant 0 : index
    %get3A_2 = vector.load %arg2[%get3A, %get3A_0, %get3A_1] : memref<2x10240x16xf32, #tpu.memory_space<vmem>>, vector<1x10240x1xf32>
    %get3A_3 = vector.shape_cast %get3A_2 : vector<1x10240x1xf32> to vector<10240x1xf32>
    %get3A_4 = arith.constant 1 : index
    %get3A_5 = arith.constant 0 : index
    %get3A_6 = arith.constant 0 : index
    %get3A_7 = vector.load %arg2[%get3A_4, %get3A_5, %get3A_6] : memref<2x10240x16xf32, #tpu.memory_space<vmem>>, vector<1x10240x1xf32>
    %get3A_8 = vector.shape_cast %get3A_7 : vector<1x10240x1xf32> to vector<10240x1xf32>
    %add3A = arith.addf %get3A_3, %get3A_8 : vector<10240x1xf32>
    %add3A_9 = arith.constant 1.000000e+00 : f32
    %add3A_10 = vector.broadcast %add3A_9 : f32 to vector<10240x1xf32>
    %add3A_11 = arith.addf %add3A, %add3A_10 : vector<10240x1xf32>
    %rsqrt3A = math.rsqrt %add3A_11 : vector<10240x1xf32>
    %get3A_12 = arith.constant 0 : index
    %get3A_13 = arith.constant 0 : index
    %get3A_14 = vector.load %arg0[%get3A_12, %get3A_13] : memref<10240x128xf32, #tpu.memory_space<vmem>>, vector<10240x128xf32>
    %get3A_15 = arith.constant 0 : index
    %get3A_16 = arith.constant 0 : index
    %get3A_17 = vector.load %arg1[%get3A_15, %get3A_16] : memref<128x64xf32, #tpu.memory_space<vmem>>, vector<128x64xf32>
    %dot_general3A = arith.constant dense<0.000000e+00> : vector<10240x64xf32>
    %dot_general3A_18 = tpu.matmul %get3A_14, %get3A_17, %dot_general3A {dimension_numbers = #tpu.dot_dimension_numbers<[1], [0], [0], [1], [0, 0, 1, 1], [], []>, precision = #tpu.contract_precision<fp32>, transpose_lhs_hint = false} : vector<10240x128xf32>, vector<128x64xf32>, vector<10240x64xf32> -> vector<10240x64xf32>
    %mul3A = vector.broadcast %rsqrt3A : vector<10240x1xf32> to vector<10240x64xf32>
    %mul3A_19 = arith.mulf %dot_general3A_18, %mul3A : vector<10240x64xf32>
    %swap3A = arith.constant 0 : index
    %swap3A_20 = arith.constant 0 : index
    %swap3A_21 = vector.load %arg3[%swap3A, %swap3A_20] : memref<10240x64xf32, #tpu.memory_space<vmem>>, vector<10240x64xf32>
    tpu.vector_store %arg3[%swap3A, %swap3A_20], %mul3A_19 {strides = array<i32>} : memref<10240x64xf32, #tpu.memory_space<vmem>>, vector<10240x64xf32>,
    return
  }
}

module attributes {stable_mosaic.version = 14 : i64} {
  func.func @body(%arg0: i32, %arg1: memref<2x2048x64xf32, #tpu.memory_space<vmem>>, %arg2: memref<2048x64xf32, #tpu.memory_space<vmem>>, %arg3: memref<2x2048x16xf32, #tpu.memory_space<vmem>>, %arg4: memref<2048x1xf32, #tpu.memory_space<vmem>>, %arg5: memref<1x64xf32, #tpu.memory_space<vmem>>, %arg6: memref<1x64xf32, #tpu.memory_space<vmem>>, %arg7: memref<64x64xf32, #tpu.memory_space<vmem>>, %arg8: memref<2048x64xf32, #tpu.memory_space<vmem>>, %arg9: memref<2048x1xf32, #tpu.memory_space<vmem>>, %arg10: memref<2048x64xf32, #tpu.memory_space<vmem>>) attributes {dimension_semantics = [#tpu.dimension_semantics<arbitrary>], iteration_bounds = array<i64: 5>, scalar_prefetch = 0 : i64, scratch_operands = 0 : i64, tpu.core_type = #tpu.core_type<tc>, window_params = [{transform_indices = @transform_0, window_bounds = array<i64: 2, 2048, 64>}, {transform_indices = @transform_1, window_bounds = array<i64: 2048, 64>}, {transform_indices = @transform_2, window_bounds = array<i64: 2, 2048, 16>}, {transform_indices = @transform_3, window_bounds = array<i64: 2048, 1>}, {pipeline_mode = #tpu.pipeline_mode<synchronous>, transform_indices = @transform_4, window_bounds = array<i64: 1, 64>}, {pipeline_mode = #tpu.pipeline_mode<synchronous>, transform_indices = @transform_5, window_bounds = array<i64: 1, 64>}, {pipeline_mode = #tpu.pipeline_mode<synchronous>, transform_indices = @transform_6, window_bounds = array<i64: 64, 64>}, {transform_indices = @transform_7, window_bounds = array<i64: 2048, 64>}, {transform_indices = @transform_8, window_bounds = array<i64: 2048, 1>}, {transform_indices = @transform_9, window_bounds = array<i64: 2048, 64>}]} {
    %get3A = arith.constant 0 : index
    %get3A_0 = arith.constant 0 : index
    %get3A_1 = arith.constant 0 : index
    %get3A_2 = vector.load %arg3[%get3A, %get3A_0, %get3A_1] : memref<2x2048x16xf32, #tpu.memory_space<vmem>>, vector<1x2048x1xf32>
    %get3A_3 = vector.shape_cast %get3A_2 : vector<1x2048x1xf32> to vector<2048x1xf32>
    %get3A_4 = arith.constant 1 : index
    %get3A_5 = arith.constant 0 : index
    %get3A_6 = arith.constant 0 : index
    %get3A_7 = vector.load %arg3[%get3A_4, %get3A_5, %get3A_6] : memref<2x2048x16xf32, #tpu.memory_space<vmem>>, vector<1x2048x1xf32>
    %get3A_8 = vector.shape_cast %get3A_7 : vector<1x2048x1xf32> to vector<2048x1xf32>
    %add3A = arith.addf %get3A_3, %get3A_8 : vector<2048x1xf32>
    %get3A_9 = arith.constant 0 : index
    %get3A_10 = arith.constant 0 : index
    %get3A_11 = vector.load %arg4[%get3A_9, %get3A_10] : memref<2048x1xf32, #tpu.memory_space<vmem>>, vector<2048x1xf32>
    %gt3A = arith.constant 0.000000e+00 : f32
    %gt3A_12 = vector.broadcast %gt3A : f32 to vector<2048x1xf32>
    %gt3A_13 = arith.cmpf ogt, %get3A_11, %gt3A_12 : vector<2048x1xf32>
    %add3A_14 = arith.constant 1.000000e+00 : f32
    %add3A_15 = vector.broadcast %add3A_14 : f32 to vector<2048x1xf32>
    %add3A_16 = arith.addf %add3A, %add3A_15 : vector<2048x1xf32>
    %rsqrt3A = math.rsqrt %add3A_16 : vector<2048x1xf32>
    %jit3A = arith.constant 0.000000e+00 : f32
    %broadcast_in_dim3A = vector.broadcast %jit3A : f32 to vector<2048x1xf32>
    %select_n3A = arith.select %gt3A_13, %rsqrt3A, %broadcast_in_dim3A : vector<2048x1xi1>, vector<2048x1xf32>
    %get3A_17 = arith.constant 0 : index
    %get3A_18 = arith.constant 0 : index
    %get3A_19 = arith.constant 0 : index
    %get3A_20 = vector.load %arg1[%get3A_17, %get3A_18, %get3A_19] : memref<2x2048x64xf32, #tpu.memory_space<vmem>>, vector<1x2048x64xf32>
    %get3A_21 = vector.shape_cast %get3A_20 : vector<1x2048x64xf32> to vector<2048x64xf32>
    %get3A_22 = arith.constant 1 : index
    %get3A_23 = arith.constant 0 : index
    %get3A_24 = arith.constant 0 : index
    %get3A_25 = vector.load %arg1[%get3A_22, %get3A_23, %get3A_24] : memref<2x2048x64xf32, #tpu.memory_space<vmem>>, vector<1x2048x64xf32>
    %get3A_26 = vector.shape_cast %get3A_25 : vector<1x2048x64xf32> to vector<2048x64xf32>
    %add3A_27 = arith.addf %get3A_21, %get3A_26 : vector<2048x64xf32>
    %get3A_28 = arith.constant 0 : index
    %get3A_29 = arith.constant 0 : index
    %get3A_30 = vector.load %arg2[%get3A_28, %get3A_29] : memref<2048x64xf32, #tpu.memory_space<vmem>>, vector<2048x64xf32>
    %add3A_31 = arith.addf %add3A_27, %get3A_30 : vector<2048x64xf32>
    %mul3A = vector.broadcast %select_n3A : vector<2048x1xf32> to vector<2048x64xf32>
    %mul3A_32 = arith.mulf %mul3A, %add3A_31 : vector<2048x64xf32>
    %get3A_33 = arith.constant 0 : index
    %get3A_34 = arith.constant 0 : index
    %get3A_35 = vector.load %arg5[%get3A_33, %get3A_34] : memref<1x64xf32, #tpu.memory_space<vmem>>, vector<1x64xf32>
    %add3A_36 = vector.broadcast %get3A_35 : vector<1x64xf32> to vector<2048x64xf32>
    %add3A_37 = arith.addf %mul3A_32, %add3A_36 : vector<2048x64xf32>
    %get3A_38 = arith.constant 0 : index
    %get3A_39 = arith.constant 0 : index
    %get3A_40 = vector.load %arg6[%get3A_38, %get3A_39] : memref<1x64xf32, #tpu.memory_space<vmem>>, vector<1x64xf32>
    %mul3A_41 = arith.mulf %get3A_40, %get3A_40 : vector<1x64xf32>
    %reduce_sum3A = vector.shape_cast %mul3A_41 : vector<1x64xf32> to vector<1x1x64xf32>
    %reduce_sum3A_42 = arith.constant dense<0.000000e+00> : vector<1xf32>
    %reduce_sum3A_43 = vector.multi_reduction <add>, %reduce_sum3A, %reduce_sum3A_42 [1, 2] : vector<1x1x64xf32> to vector<1xf32>
    %reduce_sum3A_44 = vector.shape_cast %reduce_sum3A_43 : vector<1xf32> to vector<1x1x1xf32>
    %reduce_sum3A_45 = vector.extract %reduce_sum3A_44[0, 0, 0] : f32 from vector<1x1x1xf32>
    %sqrt3A = math.sqrt %reduce_sum3A_45 : f32
    %mul3A_46 = vector.broadcast %get3A_40 : vector<1x64xf32> to vector<2048x64xf32>
    %mul3A_47 = arith.mulf %add3A_37, %mul3A_46 : vector<2048x64xf32>
    %reduce_sum3A_48 = arith.constant dense<0.000000e+00> : vector<2048xf32>
    %reduce_sum3A_49 = vector.multi_reduction <add>, %mul3A_47, %reduce_sum3A_48 [1] : vector<2048x64xf32> to vector<2048xf32>
    %broadcast_in_dim3A_50 = vector.shape_cast %reduce_sum3A_49 : vector<2048xf32> to vector<2048x1xf32>
    %div3A = vector.broadcast %sqrt3A : f32 to vector<2048x1xf32>
    %div3A_51 = arith.divf %broadcast_in_dim3A_50, %div3A : vector<2048x1xf32>
    %swap3A = arith.constant 0 : index
    %swap3A_52 = arith.constant 0 : index
    %swap3A_53 = vector.load %arg9[%swap3A, %swap3A_52] : memref<2048x1xf32, #tpu.memory_space<vmem>>, vector<2048x1xf32>
    tpu.vector_store %arg9[%swap3A, %swap3A_52], %div3A_51 {strides = array<i32>} : memref<2048x1xf32, #tpu.memory_space<vmem>>, vector<2048x1xf32>,
    %tanh3A = math.tanh %div3A_51 : vector<2048x1xf32>
    %mul3A_54 = vector.broadcast %tanh3A : vector<2048x1xf32> to vector<2048x64xf32>
    %mul3A_55 = arith.mulf %add3A_37, %mul3A_54 : vector<2048x64xf32>
    %swap3A_56 = arith.constant 0 : index
    %swap3A_57 = arith.constant 0 : index
    %swap3A_58 = vector.load %arg8[%swap3A_56, %swap3A_57] : memref<2048x64xf32, #tpu.memory_space<vmem>>, vector<2048x64xf32>
    tpu.vector_store %arg8[%swap3A_56, %swap3A_57], %mul3A_55 {strides = array<i32>} : memref<2048x64xf32, #tpu.memory_space<vmem>>, vector<2048x64xf32>,
    %get3A_59 = arith.constant 0 : index
    %get3A_60 = arith.constant 0 : index
    %get3A_61 = vector.load %arg7[%get3A_59, %get3A_60] : memref<64x64xf32, #tpu.memory_space<vmem>>, vector<64x64xf32>
    %dot_general3A = arith.constant dense<0.000000e+00> : vector<2048x64xf32>
    %dot_general3A_62 = tpu.matmul %mul3A_55, %get3A_61, %dot_general3A {dimension_numbers = #tpu.dot_dimension_numbers<[1], [0], [0], [1], [0, 0, 1, 1], [], []>, precision = #tpu.contract_precision<fp32>, transpose_lhs_hint = false} : vector<2048x64xf32>, vector<64x64xf32>, vector<2048x64xf32> -> vector<2048x64xf32>
    %swap3A_63 = arith.constant 0 : index
    %swap3A_64 = arith.constant 0 : index
    %swap3A_65 = vector.load %arg10[%swap3A_63, %swap3A_64] : memref<2048x64xf32, #tpu.memory_space<vmem>>, vector<2048x64xf32>
    tpu.vector_store %arg10[%swap3A_63, %swap3A_64], %dot_general3A_62 {strides = array<i32>} : memref<2048x64xf32, #tpu.memory_space<vmem>>, vector<2048x64xf32>,
    return
  }
  func.func @transform_0(%arg0: i32) -> (i32, i32, i32) {
    %c0_i32 = arith.constant 0 : i32
    %c0_i32_0 = arith.constant 0 : i32
    %c0_i32_1 = arith.constant 0 : i32
    return %c0_i32, %arg0, %c0_i32_0 : i32, i32, i32
  }
  func.func @transform_1(%arg0: i32) -> (i32, i32) {
    %c0_i32 = arith.constant 0 : i32
    %c0_i32_0 = arith.constant 0 : i32
    return %arg0, %c0_i32 : i32, i32
  }
  func.func @transform_2(%arg0: i32) -> (i32, i32, i32) {
    %c0_i32 = arith.constant 0 : i32
    %c0_i32_0 = arith.constant 0 : i32
    %c0_i32_1 = arith.constant 0 : i32
    return %c0_i32, %arg0, %c0_i32_0 : i32, i32, i32
  }
  func.func @transform_3(%arg0: i32) -> (i32, i32) {
    %c0_i32 = arith.constant 0 : i32
    %c0_i32_0 = arith.constant 0 : i32
    return %arg0, %c0_i32 : i32, i32
  }
  func.func @transform_4(%arg0: i32) -> (i32, i32) {
    %c0_i32 = arith.constant 0 : i32
    %c0_i32_0 = arith.constant 0 : i32
    %c0_i32_1 = arith.constant 0 : i32
    return %c0_i32, %c0_i32_0 : i32, i32
  }
  func.func @transform_5(%arg0: i32) -> (i32, i32) {
    %c0_i32 = arith.constant 0 : i32
    %c0_i32_0 = arith.constant 0 : i32
    %c0_i32_1 = arith.constant 0 : i32
    return %c0_i32, %c0_i32_0 : i32, i32
  }
  func.func @transform_6(%arg0: i32) -> (i32, i32) {
    %c0_i32 = arith.constant 0 : i32
    %c0_i32_0 = arith.constant 0 : i32
    %c0_i32_1 = arith.constant 0 : i32
    return %c0_i32, %c0_i32_0 : i32, i32
  }
  func.func @transform_7(%arg0: i32) -> (i32, i32) {
    %c0_i32 = arith.constant 0 : i32
    %c0_i32_0 = arith.constant 0 : i32
    return %arg0, %c0_i32 : i32, i32
  }
  func.func @transform_8(%arg0: i32) -> (i32, i32) {
    %c0_i32 = arith.constant 0 : i32
    %c0_i32_0 = arith.constant 0 : i32
    return %arg0, %c0_i32 : i32, i32
  }
  func.func @transform_9(%arg0: i32) -> (i32, i32) {
    %c0_i32 = arith.constant 0 : i32
    %c0_i32_0 = arith.constant 0 : i32
    return %arg0, %c0_i32 : i32, i32
  }
}

module attributes {stable_mosaic.version = 14 : i64} {
  func.func @body(%arg0: memref<10240x1xf32, #tpu.memory_space<vmem>>, %arg1: memref<1x10240xf32, #tpu.memory_space<vmem>>, %arg2: memref<10240x1xf32, #tpu.memory_space<vmem>>, %arg3: memref<1x10240xf32, #tpu.memory_space<vmem>>, %arg4: memref<10240x1xf32, #tpu.memory_space<vmem>>, %arg5: memref<1x10240xf32, #tpu.memory_space<vmem>>, %arg6: memref<10240x1xf32, #tpu.memory_space<vmem>>, %arg7: memref<1024x1xf32, #tpu.memory_space<vmem>>) attributes {dimension_semantics = [], scalar_prefetch = 0 : i64, scratch_operands = 1 : i64, tpu.core_type = #tpu.core_type<tc>} {
    %iota3A = tpu.iota {dimensions = array<i32: 1>} : vector<1x64xi32>
    %convert_element_type3A = arith.sitofp %iota3A : vector<1x64xi32> to vector<1x64xf32>
    %get3A = arith.constant 0 : index
    %get3A_0 = arith.constant 0 : index
    %get3A_1 = vector.load %arg2[%get3A, %get3A_0] : memref<10240x1xf32, #tpu.memory_space<vmem>>, vector<10240x1xf32>
    %eq3A = vector.broadcast %get3A_1 : vector<10240x1xf32> to vector<10240x64xf32>
    %eq3A_2 = vector.broadcast %convert_element_type3A : vector<1x64xf32> to vector<10240x64xf32>
    %eq3A_3 = arith.cmpf oeq, %eq3A, %eq3A_2 : vector<10240x64xf32>
    %get3A_4 = arith.constant 0 : index
    %get3A_5 = arith.constant 0 : index
    %get3A_6 = vector.load %arg4[%get3A_4, %get3A_5] : memref<10240x1xf32, #tpu.memory_space<vmem>>, vector<10240x1xf32>
    %jit3A = arith.constant 0.000000e+00 : f32
    %broadcast_in_dim3A = vector.shape_cast %get3A_6 : vector<10240x1xf32> to vector<10240x1xf32>
    %broadcast_in_dim3A_7 = vector.broadcast %broadcast_in_dim3A : vector<10240x1xf32> to vector<10240x64xf32>
    %broadcast_in_dim3A_8 = vector.broadcast %jit3A : f32 to vector<10240x64xf32>
    %select_n3A = arith.select %eq3A_3, %broadcast_in_dim3A_7, %broadcast_in_dim3A_8 : vector<10240x64xi1>, vector<10240x64xf32>
    %reduce_sum3A = arith.constant dense<0.000000e+00> : vector<64xf32>
    %reduce_sum3A_9 = vector.multi_reduction <add>, %select_n3A, %reduce_sum3A [0] : vector<10240x64xf32> to vector<64xf32>
    %broadcast_in_dim3A_10 = vector.shape_cast %reduce_sum3A_9 : vector<64xf32> to vector<1x64xf32>
    %mul3A = arith.constant 5.000000e-01 : f32
    %mul3A_11 = vector.broadcast %mul3A : f32 to vector<1x64xf32>
    %mul3A_12 = arith.mulf %mul3A_11, %broadcast_in_dim3A_10 : vector<1x64xf32>
    %ceil3A = math.ceil %mul3A_12 : vector<1x64xf32>
    %scan3A = arith.constant 0 : i32
    %scan3A_13 = arith.constant 10 : i32
    %scan3A_14 = arith.addi %scan3A, %scan3A_13 : i32
    %scan3A_15 = arith.constant 1 : i32
    scf.for %scan3A_17 = %scan3A to %scan3A_14 step %scan3A_15  : i32 {
      %mul3A_18 = arith.constant 1024 : i32
      %mul3A_19 = arith.muli %scan3A_17, %mul3A_18 : i32
      %get3A_20 = arith.index_cast %mul3A_19 : i32 to index
      %get3A_21 = arith.constant 0 : index
      %get3A_22 = vector.load %arg0[%get3A_20, %get3A_21] : memref<10240x1xf32, #tpu.memory_space<vmem>>, vector<1024x1xf32>
      %get3A_23 = arith.index_cast %mul3A_19 : i32 to index
      %get3A_24 = arith.constant 0 : index
      %get3A_25 = vector.load %arg2[%get3A_23, %get3A_24] : memref<10240x1xf32, #tpu.memory_space<vmem>>, vector<1024x1xf32>
      %get3A_26 = arith.index_cast %mul3A_19 : i32 to index
      %get3A_27 = arith.constant 0 : index
      %get3A_28 = vector.load %arg4[%get3A_26, %get3A_27] : memref<10240x1xf32, #tpu.memory_space<vmem>>, vector<1024x1xf32>
      %gt3A = arith.constant 0.000000e+00 : f32
      %gt3A_29 = vector.broadcast %gt3A : f32 to vector<1024x1xf32>
      %gt3A_30 = arith.cmpf ogt, %get3A_28, %gt3A_29 : vector<1024x1xf32>
      %jit3A_31 = arith.constant 0xFF800000 : f32
      %broadcast_in_dim3A_32 = vector.broadcast %jit3A_31 : f32 to vector<1024x1xf32>
      %select_n3A_33 = arith.select %gt3A_30, %get3A_22, %broadcast_in_dim3A_32 : vector<1024x1xi1>, vector<1024x1xf32>
      %iota3A_34 = tpu.iota {dimensions = array<i32: 0>} : vector<1024x1xi32>
      %add3A = vector.broadcast %mul3A_19 : i32 to vector<1024x1xi32>
      %add3A_35 = arith.addi %iota3A_34, %add3A : vector<1024x1xi32>
      %eq3A_36 = vector.broadcast %get3A_25 : vector<1024x1xf32> to vector<1024x64xf32>
      %eq3A_37 = vector.broadcast %convert_element_type3A : vector<1x64xf32> to vector<1024x64xf32>
      %eq3A_38 = arith.cmpf oeq, %eq3A_36, %eq3A_37 : vector<1024x64xf32>
      %jit3A_39 = arith.constant 0.000000e+00 : f32
      %broadcast_in_dim3A_40 = vector.shape_cast %ceil3A : vector<1x64xf32> to vector<1x64xf32>
      %broadcast_in_dim3A_41 = vector.broadcast %broadcast_in_dim3A_40 : vector<1x64xf32> to vector<1024x64xf32>
      %broadcast_in_dim3A_42 = vector.broadcast %jit3A_39 : f32 to vector<1024x64xf32>
      %select_n3A_43 = arith.select %eq3A_38, %broadcast_in_dim3A_41, %broadcast_in_dim3A_42 : vector<1024x64xi1>, vector<1024x64xf32>
      %reduce_sum3A_44 = arith.constant dense<0.000000e+00> : vector<1024xf32>
      %reduce_sum3A_45 = vector.multi_reduction <add>, %select_n3A_43, %reduce_sum3A_44 [1] : vector<1024x64xf32> to vector<1024xf32>
      %broadcast_in_dim3A_46 = vector.shape_cast %reduce_sum3A_45 : vector<1024xf32> to vector<1024x1xf32>
      %lt3A = arith.constant 0.000000e+00 : f32
      %lt3A_47 = vector.broadcast %lt3A : f32 to vector<1024x1xf32>
      %lt3A_48 = arith.cmpf olt, %get3A_25, %lt3A_47 : vector<1024x1xf32>
      %jit3A_49 = arith.constant 0x7F800000 : f32
      %broadcast_in_dim3A_50 = vector.broadcast %jit3A_49 : f32 to vector<1024x1xf32>
      %select_n3A_51 = arith.select %lt3A_48, %broadcast_in_dim3A_50, %get3A_25 : vector<1024x1xi1>, vector<1024x1xf32>
      %reduce_min3A = vector.shape_cast %select_n3A_51 : vector<1024x1xf32> to vector<1x1024x1xf32>
      %reduce_min3A_52 = arith.constant dense<0x7F800000> : vector<1xf32>
      %reduce_min3A_53 = vector.multi_reduction <minimumf>, %reduce_min3A, %reduce_min3A_52 [1, 2] : vector<1x1024x1xf32> to vector<1xf32>
      %reduce_min3A_54 = vector.shape_cast %reduce_min3A_53 : vector<1xf32> to vector<1x1x1xf32>
      %reduce_min3A_55 = vector.extract %reduce_min3A_54[0, 0, 0] : f32 from vector<1x1x1xf32>
      %reduce_max3A = vector.shape_cast %get3A_25 : vector<1024x1xf32> to vector<1x1024x1xf32>
      %reduce_max3A_56 = arith.constant dense<0xFF800000> : vector<1xf32>
      %reduce_max3A_57 = vector.multi_reduction <maximumf>, %reduce_max3A, %reduce_max3A_56 [1, 2] : vector<1x1024x1xf32> to vector<1xf32>
      %reduce_max3A_58 = vector.shape_cast %reduce_max3A_57 : vector<1xf32> to vector<1x1x1xf32>
      %reduce_max3A_59 = vector.extract %reduce_max3A_58[0, 0, 0] : f32 from vector<1x1x1xf32>
      %broadcast_in_dim3A_60 = arith.constant 0.000000e+00 : f32
      %broadcast_in_dim3A_61 = vector.broadcast %broadcast_in_dim3A_60 : f32 to vector<1024x1xf32>
      %swap3A = arith.constant 0 : index
      %swap3A_62 = arith.constant 0 : index
      %swap3A_63 = vector.load %arg7[%swap3A, %swap3A_62] : memref<1024x1xf32, #tpu.memory_space<vmem>>, vector<1024x1xf32>
      tpu.vector_store %arg7[%swap3A, %swap3A_62], %broadcast_in_dim3A_61 {strides = array<i32>} : memref<1024x1xf32, #tpu.memory_space<vmem>>, vector<1024x1xf32>,
      %scan3A_64 = arith.constant 0 : i32
      %scan3A_65 = arith.constant 10 : i32
      %scan3A_66 = arith.addi %scan3A_64, %scan3A_65 : i32
      %scan3A_67 = arith.constant 1 : i32
      scf.for %scan3A_84 = %scan3A_64 to %scan3A_66 step %scan3A_67  : i32 {
        %mul3A_85 = arith.constant 1024 : i32
        %mul3A_86 = arith.muli %scan3A_84, %mul3A_85 : i32
        %get3A_87 = arith.constant 0 : index
        %get3A_88 = arith.index_cast %mul3A_86 : i32 to index
        %get3A_89 = vector.load %arg3[%get3A_87, %get3A_88] : memref<1x10240xf32, #tpu.memory_space<vmem>>, vector<1x1024xf32>
        %reduce_min3A_90 = vector.shape_cast %get3A_89 : vector<1x1024xf32> to vector<1x1x1024xf32>
        %reduce_min3A_91 = arith.constant dense<0x7F800000> : vector<1xf32>
        %reduce_min3A_92 = vector.multi_reduction <minimumf>, %reduce_min3A_90, %reduce_min3A_91 [1, 2] : vector<1x1x1024xf32> to vector<1xf32>
        %reduce_min3A_93 = vector.shape_cast %reduce_min3A_92 : vector<1xf32> to vector<1x1x1xf32>
        %reduce_min3A_94 = vector.extract %reduce_min3A_93[0, 0, 0] : f32 from vector<1x1x1xf32>
        %reduce_max3A_95 = vector.shape_cast %get3A_89 : vector<1x1024xf32> to vector<1x1x1024xf32>
        %reduce_max3A_96 = arith.constant dense<0xFF800000> : vector<1xf32>
        %reduce_max3A_97 = vector.multi_reduction <maximumf>, %reduce_max3A_95, %reduce_max3A_96 [1, 2] : vector<1x1x1024xf32> to vector<1xf32>
        %reduce_max3A_98 = vector.shape_cast %reduce_max3A_97 : vector<1xf32> to vector<1x1x1xf32>
        %reduce_max3A_99 = vector.extract %reduce_max3A_98[0, 0, 0] : f32 from vector<1x1x1xf32>
        %le3A = arith.cmpf ole, %reduce_min3A_94, %reduce_max3A_59 : f32
        %ge3A = arith.cmpf oge, %reduce_max3A_99, %reduce_min3A_55 : f32
        %and3A_100 = arith.andi %le3A, %ge3A : i1
        %convert_element_type3A_101 = arith.extui %and3A_100 : i1 to i32
        %cond3A = arith.constant 0 : i32
        %cond3A_102 = arith.cmpi ne, %convert_element_type3A_101, %cond3A : i32
        scf.if %cond3A_102 {
          %get3A_103 = arith.constant 0 : index
          %get3A_104 = arith.index_cast %mul3A_86 : i32 to index
          %get3A_105 = vector.load %arg1[%get3A_103, %get3A_104] : memref<1x10240xf32, #tpu.memory_space<vmem>>, vector<1x1024xf32>
          %get3A_106 = arith.constant 0 : index
          %get3A_107 = arith.index_cast %mul3A_86 : i32 to index
          %get3A_108 = vector.load %arg5[%get3A_106, %get3A_107] : memref<1x10240xf32, #tpu.memory_space<vmem>>, vector<1x1024xf32>
          %gt3A_109 = arith.constant 0.000000e+00 : f32
          %gt3A_110 = vector.broadcast %gt3A_109 : f32 to vector<1x1024xf32>
          %gt3A_111 = arith.cmpf ogt, %get3A_108, %gt3A_110 : vector<1x1024xf32>
          %jit3A_112 = arith.constant 0xFF800000 : f32
          %broadcast_in_dim3A_113 = vector.broadcast %jit3A_112 : f32 to vector<1x1024xf32>
          %select_n3A_114 = arith.select %gt3A_111, %get3A_105, %broadcast_in_dim3A_113 : vector<1x1024xi1>, vector<1x1024xf32>
          %iota3A_115 = tpu.iota {dimensions = array<i32: 1>} : vector<1x1024xi32>
          %add3A_116 = vector.broadcast %mul3A_86 : i32 to vector<1x1024xi32>
          %add3A_117 = arith.addi %iota3A_115, %add3A_116 : vector<1x1024xi32>
          %eq3A_118 = vector.broadcast %get3A_25 : vector<1024x1xf32> to vector<1024x1024xf32>
          %eq3A_119 = vector.broadcast %get3A_89 : vector<1x1024xf32> to vector<1024x1024xf32>
          %eq3A_120 = arith.cmpf oeq, %eq3A_118, %eq3A_119 : vector<1024x1024xf32>
          %gt3A_121 = vector.broadcast %select_n3A_114 : vector<1x1024xf32> to vector<1024x1024xf32>
          %gt3A_122 = vector.broadcast %select_n3A_33 : vector<1024x1xf32> to vector<1024x1024xf32>
          %gt3A_123 = arith.cmpf ogt, %gt3A_121, %gt3A_122 : vector<1024x1024xf32>
          %eq3A_124 = vector.broadcast %select_n3A_114 : vector<1x1024xf32> to vector<1024x1024xf32>
          %eq3A_125 = vector.broadcast %select_n3A_33 : vector<1024x1xf32> to vector<1024x1024xf32>
          %eq3A_126 = arith.cmpf oeq, %eq3A_124, %eq3A_125 : vector<1024x1024xf32>
          %lt3A_127 = vector.broadcast %add3A_117 : vector<1x1024xi32> to vector<1024x1024xi32>
          %lt3A_128 = vector.broadcast %add3A_35 : vector<1024x1xi32> to vector<1024x1024xi32>
          %lt3A_129 = arith.cmpi slt, %lt3A_127, %lt3A_128 : vector<1024x1024xi32>
          %and3A_130 = arith.andi %eq3A_126, %lt3A_129 : vector<1024x1024xi1>
          %or3A = arith.ori %gt3A_123, %and3A_130 : vector<1024x1024xi1>
          %get3A_131 = arith.constant 0 : index
          %get3A_132 = arith.constant 0 : index
          %get3A_133 = vector.load %arg7[%get3A_131, %get3A_132] : memref<1024x1xf32, #tpu.memory_space<vmem>>, vector<1024x1xf32>
          %and3A_134 = arith.andi %eq3A_120, %or3A : vector<1024x1024xi1>
          %jit3A_135 = arith.constant 1.000000e+00 : f32
          %jit3A_136 = arith.constant 0.000000e+00 : f32
          %broadcast_in_dim3A_137 = vector.broadcast %jit3A_135 : f32 to vector<1024x1024xf32>
          %broadcast_in_dim3A_138 = vector.broadcast %jit3A_136 : f32 to vector<1024x1024xf32>
          %select_n3A_139 = arith.select %and3A_134, %broadcast_in_dim3A_137, %broadcast_in_dim3A_138 : vector<1024x1024xi1>, vector<1024x1024xf32>
          %reduce_sum3A_140 = arith.constant dense<0.000000e+00> : vector<1024xf32>
          %reduce_sum3A_141 = vector.multi_reduction <add>, %select_n3A_139, %reduce_sum3A_140 [1] : vector<1024x1024xf32> to vector<1024xf32>
          %broadcast_in_dim3A_142 = vector.shape_cast %reduce_sum3A_141 : vector<1024xf32> to vector<1024x1xf32>
          %add3A_143 = arith.addf %get3A_133, %broadcast_in_dim3A_142 : vector<1024x1xf32>
          %swap3A_144 = arith.constant 0 : index
          %swap3A_145 = arith.constant 0 : index
          %swap3A_146 = vector.load %arg7[%swap3A_144, %swap3A_145] : memref<1024x1xf32, #tpu.memory_space<vmem>>, vector<1024x1xf32>
          tpu.vector_store %arg7[%swap3A_144, %swap3A_145], %add3A_143 {strides = array<i32>} : memref<1024x1xf32, #tpu.memory_space<vmem>>, vector<1024x1xf32>,
        } else {
        }
      }
      %scan3A_68 = arith.constant 10 : i32
      %gt3A_69 = arith.constant 0.000000e+00 : f32
      %gt3A_70 = vector.broadcast %gt3A_69 : f32 to vector<1024x1xf32>
      %gt3A_71 = arith.cmpf ogt, %get3A_28, %gt3A_70 : vector<1024x1xf32>
      %get3A_72 = arith.constant 0 : index
      %get3A_73 = arith.constant 0 : index
      %get3A_74 = vector.load %arg7[%get3A_72, %get3A_73] : memref<1024x1xf32, #tpu.memory_space<vmem>>, vector<1024x1xf32>
      %lt3A_75 = arith.cmpf olt, %get3A_74, %broadcast_in_dim3A_46 : vector<1024x1xf32>
      %and3A = arith.andi %gt3A_71, %lt3A_75 : vector<1024x1xi1>
      %jit3A_76 = arith.constant 1.000000e+00 : f32
      %jit3A_77 = arith.constant 0.000000e+00 : f32
      %broadcast_in_dim3A_78 = vector.broadcast %jit3A_76 : f32 to vector<1024x1xf32>
      %broadcast_in_dim3A_79 = vector.broadcast %jit3A_77 : f32 to vector<1024x1xf32>
      %select_n3A_80 = arith.select %and3A, %broadcast_in_dim3A_78, %broadcast_in_dim3A_79 : vector<1024x1xi1>, vector<1024x1xf32>
      %swap3A_81 = arith.index_cast %mul3A_19 : i32 to index
      %swap3A_82 = arith.constant 0 : index
      %swap3A_83 = vector.load %arg6[%swap3A_81, %swap3A_82] : memref<10240x1xf32, #tpu.memory_space<vmem>>, vector<1024x1xf32>
      tpu.vector_store %arg6[%swap3A_81, %swap3A_82], %select_n3A_80 {strides = array<i32>} : memref<10240x1xf32, #tpu.memory_space<vmem>>, vector<1024x1xf32>,
    }
    %scan3A_16 = arith.constant 10 : i32
    return
  }
}

module attributes {stable_mosaic.version = 14 : i64} {
  func.func @body(%arg0: memref<2x10240x16xf32, #tpu.memory_space<vmem>>, %arg1: memref<10240x1xf32, #tpu.memory_space<vmem>>, %arg2: memref<10240x64xf32, #tpu.memory_space<vmem>>, %arg3: memref<10240x64xf32, #tpu.memory_space<vmem>>) attributes {dimension_semantics = [], scalar_prefetch = 0 : i64, scratch_operands = 0 : i64, tpu.core_type = #tpu.core_type<tc>} {
    %get3A = arith.constant 0 : index
    %get3A_0 = arith.constant 0 : index
    %get3A_1 = arith.constant 0 : index
    %get3A_2 = vector.load %arg0[%get3A, %get3A_0, %get3A_1] : memref<2x10240x16xf32, #tpu.memory_space<vmem>>, vector<1x10240x1xf32>
    %get3A_3 = vector.shape_cast %get3A_2 : vector<1x10240x1xf32> to vector<10240x1xf32>
    %get3A_4 = arith.constant 1 : index
    %get3A_5 = arith.constant 0 : index
    %get3A_6 = arith.constant 0 : index
    %get3A_7 = vector.load %arg0[%get3A_4, %get3A_5, %get3A_6] : memref<2x10240x16xf32, #tpu.memory_space<vmem>>, vector<1x10240x1xf32>
    %get3A_8 = vector.shape_cast %get3A_7 : vector<1x10240x1xf32> to vector<10240x1xf32>
    %add3A = arith.addf %get3A_3, %get3A_8 : vector<10240x1xf32>
    %get3A_9 = arith.constant 0 : index
    %get3A_10 = arith.constant 0 : index
    %get3A_11 = vector.load %arg1[%get3A_9, %get3A_10] : memref<10240x1xf32, #tpu.memory_space<vmem>>, vector<10240x1xf32>
    %gt3A = arith.constant 0.000000e+00 : f32
    %gt3A_12 = vector.broadcast %gt3A : f32 to vector<10240x1xf32>
    %gt3A_13 = arith.cmpf ogt, %get3A_11, %gt3A_12 : vector<10240x1xf32>
    %add3A_14 = arith.constant 1.000000e+00 : f32
    %add3A_15 = vector.broadcast %add3A_14 : f32 to vector<10240x1xf32>
    %add3A_16 = arith.addf %add3A, %add3A_15 : vector<10240x1xf32>
    %rsqrt3A = math.rsqrt %add3A_16 : vector<10240x1xf32>
    %jit3A = arith.constant 0.000000e+00 : f32
    %broadcast_in_dim3A = vector.broadcast %jit3A : f32 to vector<10240x1xf32>
    %select_n3A = arith.select %gt3A_13, %rsqrt3A, %broadcast_in_dim3A : vector<10240x1xi1>, vector<10240x1xf32>
    %get3A_17 = arith.constant 0 : index
    %get3A_18 = arith.constant 0 : index
    %get3A_19 = vector.load %arg2[%get3A_17, %get3A_18] : memref<10240x64xf32, #tpu.memory_space<vmem>>, vector<10240x64xf32>
    %mul3A = vector.broadcast %select_n3A : vector<10240x1xf32> to vector<10240x64xf32>
    %mul3A_20 = arith.mulf %mul3A, %get3A_19 : vector<10240x64xf32>
    %swap3A = arith.constant 0 : index
    %swap3A_21 = arith.constant 0 : index
    %swap3A_22 = vector.load %arg3[%swap3A, %swap3A_21] : memref<10240x64xf32, #tpu.memory_space<vmem>>, vector<10240x64xf32>
    tpu.vector_store %arg3[%swap3A, %swap3A_21], %mul3A_20 {strides = array<i32>} : memref<10240x64xf32, #tpu.memory_space<vmem>>, vector<10240x64xf32>,
    return
  }
}

module attributes {stable_mosaic.version = 14 : i64} {
  func.func @body(%arg0: i32, %arg1: memref<2x2048x64xf32, #tpu.memory_space<vmem>>, %arg2: memref<2048x64xf32, #tpu.memory_space<vmem>>, %arg3: memref<2x2048x16xf32, #tpu.memory_space<vmem>>, %arg4: memref<2048x1xf32, #tpu.memory_space<vmem>>, %arg5: memref<1x64xf32, #tpu.memory_space<vmem>>, %arg6: memref<1x64xf32, #tpu.memory_space<vmem>>, %arg7: memref<2048x64xf32, #tpu.memory_space<vmem>>, %arg8: memref<2048x1xf32, #tpu.memory_space<vmem>>) attributes {dimension_semantics = [#tpu.dimension_semantics<arbitrary>], iteration_bounds = array<i64: 5>, scalar_prefetch = 0 : i64, scratch_operands = 0 : i64, tpu.core_type = #tpu.core_type<tc>, window_params = [{transform_indices = @transform_0, window_bounds = array<i64: 2, 2048, 64>}, {transform_indices = @transform_1, window_bounds = array<i64: 2048, 64>}, {transform_indices = @transform_2, window_bounds = array<i64: 2, 2048, 16>}, {transform_indices = @transform_3, window_bounds = array<i64: 2048, 1>}, {pipeline_mode = #tpu.pipeline_mode<synchronous>, transform_indices = @transform_4, window_bounds = array<i64: 1, 64>}, {pipeline_mode = #tpu.pipeline_mode<synchronous>, transform_indices = @transform_5, window_bounds = array<i64: 1, 64>}, {transform_indices = @transform_6, window_bounds = array<i64: 2048, 64>}, {transform_indices = @transform_7, window_bounds = array<i64: 2048, 1>}]} {
    %get3A = arith.constant 0 : index
    %get3A_0 = arith.constant 0 : index
    %get3A_1 = arith.constant 0 : index
    %get3A_2 = vector.load %arg3[%get3A, %get3A_0, %get3A_1] : memref<2x2048x16xf32, #tpu.memory_space<vmem>>, vector<1x2048x1xf32>
    %get3A_3 = vector.shape_cast %get3A_2 : vector<1x2048x1xf32> to vector<2048x1xf32>
    %get3A_4 = arith.constant 1 : index
    %get3A_5 = arith.constant 0 : index
    %get3A_6 = arith.constant 0 : index
    %get3A_7 = vector.load %arg3[%get3A_4, %get3A_5, %get3A_6] : memref<2x2048x16xf32, #tpu.memory_space<vmem>>, vector<1x2048x1xf32>
    %get3A_8 = vector.shape_cast %get3A_7 : vector<1x2048x1xf32> to vector<2048x1xf32>
    %add3A = arith.addf %get3A_3, %get3A_8 : vector<2048x1xf32>
    %get3A_9 = arith.constant 0 : index
    %get3A_10 = arith.constant 0 : index
    %get3A_11 = vector.load %arg4[%get3A_9, %get3A_10] : memref<2048x1xf32, #tpu.memory_space<vmem>>, vector<2048x1xf32>
    %gt3A = arith.constant 0.000000e+00 : f32
    %gt3A_12 = vector.broadcast %gt3A : f32 to vector<2048x1xf32>
    %gt3A_13 = arith.cmpf ogt, %get3A_11, %gt3A_12 : vector<2048x1xf32>
    %add3A_14 = arith.constant 1.000000e+00 : f32
    %add3A_15 = vector.broadcast %add3A_14 : f32 to vector<2048x1xf32>
    %add3A_16 = arith.addf %add3A, %add3A_15 : vector<2048x1xf32>
    %rsqrt3A = math.rsqrt %add3A_16 : vector<2048x1xf32>
    %jit3A = arith.constant 0.000000e+00 : f32
    %broadcast_in_dim3A = vector.broadcast %jit3A : f32 to vector<2048x1xf32>
    %select_n3A = arith.select %gt3A_13, %rsqrt3A, %broadcast_in_dim3A : vector<2048x1xi1>, vector<2048x1xf32>
    %get3A_17 = arith.constant 0 : index
    %get3A_18 = arith.constant 0 : index
    %get3A_19 = arith.constant 0 : index
    %get3A_20 = vector.load %arg1[%get3A_17, %get3A_18, %get3A_19] : memref<2x2048x64xf32, #tpu.memory_space<vmem>>, vector<1x2048x64xf32>
    %get3A_21 = vector.shape_cast %get3A_20 : vector<1x2048x64xf32> to vector<2048x64xf32>
    %get3A_22 = arith.constant 1 : index
    %get3A_23 = arith.constant 0 : index
    %get3A_24 = arith.constant 0 : index
    %get3A_25 = vector.load %arg1[%get3A_22, %get3A_23, %get3A_24] : memref<2x2048x64xf32, #tpu.memory_space<vmem>>, vector<1x2048x64xf32>
    %get3A_26 = vector.shape_cast %get3A_25 : vector<1x2048x64xf32> to vector<2048x64xf32>
    %add3A_27 = arith.addf %get3A_21, %get3A_26 : vector<2048x64xf32>
    %get3A_28 = arith.constant 0 : index
    %get3A_29 = arith.constant 0 : index
    %get3A_30 = vector.load %arg2[%get3A_28, %get3A_29] : memref<2048x64xf32, #tpu.memory_space<vmem>>, vector<2048x64xf32>
    %add3A_31 = arith.addf %add3A_27, %get3A_30 : vector<2048x64xf32>
    %mul3A = vector.broadcast %select_n3A : vector<2048x1xf32> to vector<2048x64xf32>
    %mul3A_32 = arith.mulf %mul3A, %add3A_31 : vector<2048x64xf32>
    %get3A_33 = arith.constant 0 : index
    %get3A_34 = arith.constant 0 : index
    %get3A_35 = vector.load %arg5[%get3A_33, %get3A_34] : memref<1x64xf32, #tpu.memory_space<vmem>>, vector<1x64xf32>
    %add3A_36 = vector.broadcast %get3A_35 : vector<1x64xf32> to vector<2048x64xf32>
    %add3A_37 = arith.addf %mul3A_32, %add3A_36 : vector<2048x64xf32>
    %get3A_38 = arith.constant 0 : index
    %get3A_39 = arith.constant 0 : index
    %get3A_40 = vector.load %arg6[%get3A_38, %get3A_39] : memref<1x64xf32, #tpu.memory_space<vmem>>, vector<1x64xf32>
    %mul3A_41 = arith.mulf %get3A_40, %get3A_40 : vector<1x64xf32>
    %reduce_sum3A = vector.shape_cast %mul3A_41 : vector<1x64xf32> to vector<1x1x64xf32>
    %reduce_sum3A_42 = arith.constant dense<0.000000e+00> : vector<1xf32>
    %reduce_sum3A_43 = vector.multi_reduction <add>, %reduce_sum3A, %reduce_sum3A_42 [1, 2] : vector<1x1x64xf32> to vector<1xf32>
    %reduce_sum3A_44 = vector.shape_cast %reduce_sum3A_43 : vector<1xf32> to vector<1x1x1xf32>
    %reduce_sum3A_45 = vector.extract %reduce_sum3A_44[0, 0, 0] : f32 from vector<1x1x1xf32>
    %sqrt3A = math.sqrt %reduce_sum3A_45 : f32
    %mul3A_46 = vector.broadcast %get3A_40 : vector<1x64xf32> to vector<2048x64xf32>
    %mul3A_47 = arith.mulf %add3A_37, %mul3A_46 : vector<2048x64xf32>
    %reduce_sum3A_48 = arith.constant dense<0.000000e+00> : vector<2048xf32>
    %reduce_sum3A_49 = vector.multi_reduction <add>, %mul3A_47, %reduce_sum3A_48 [1] : vector<2048x64xf32> to vector<2048xf32>
    %broadcast_in_dim3A_50 = vector.shape_cast %reduce_sum3A_49 : vector<2048xf32> to vector<2048x1xf32>
    %div3A = vector.broadcast %sqrt3A : f32 to vector<2048x1xf32>
    %div3A_51 = arith.divf %broadcast_in_dim3A_50, %div3A : vector<2048x1xf32>
    %swap3A = arith.constant 0 : index
    %swap3A_52 = arith.constant 0 : index
    %swap3A_53 = vector.load %arg8[%swap3A, %swap3A_52] : memref<2048x1xf32, #tpu.memory_space<vmem>>, vector<2048x1xf32>
    tpu.vector_store %arg8[%swap3A, %swap3A_52], %div3A_51 {strides = array<i32>} : memref<2048x1xf32, #tpu.memory_space<vmem>>, vector<2048x1xf32>,
    %tanh3A = math.tanh %div3A_51 : vector<2048x1xf32>
    %mul3A_54 = vector.broadcast %tanh3A : vector<2048x1xf32> to vector<2048x64xf32>
    %mul3A_55 = arith.mulf %add3A_37, %mul3A_54 : vector<2048x64xf32>
    %swap3A_56 = arith.constant 0 : index
    %swap3A_57 = arith.constant 0 : index
    %swap3A_58 = vector.load %arg7[%swap3A_56, %swap3A_57] : memref<2048x64xf32, #tpu.memory_space<vmem>>, vector<2048x64xf32>
    tpu.vector_store %arg7[%swap3A_56, %swap3A_57], %mul3A_55 {strides = array<i32>} : memref<2048x64xf32, #tpu.memory_space<vmem>>, vector<2048x64xf32>,
    return
  }
  func.func @transform_0(%arg0: i32) -> (i32, i32, i32) {
    %c0_i32 = arith.constant 0 : i32
    %c0_i32_0 = arith.constant 0 : i32
    %c0_i32_1 = arith.constant 0 : i32
    return %c0_i32, %arg0, %c0_i32_0 : i32, i32, i32
  }
  func.func @transform_1(%arg0: i32) -> (i32, i32) {
    %c0_i32 = arith.constant 0 : i32
    %c0_i32_0 = arith.constant 0 : i32
    return %arg0, %c0_i32 : i32, i32
  }
  func.func @transform_2(%arg0: i32) -> (i32, i32, i32) {
    %c0_i32 = arith.constant 0 : i32
    %c0_i32_0 = arith.constant 0 : i32
    %c0_i32_1 = arith.constant 0 : i32
    return %c0_i32, %arg0, %c0_i32_0 : i32, i32, i32
  }
  func.func @transform_3(%arg0: i32) -> (i32, i32) {
    %c0_i32 = arith.constant 0 : i32
    %c0_i32_0 = arith.constant 0 : i32
    return %arg0, %c0_i32 : i32, i32
  }
  func.func @transform_4(%arg0: i32) -> (i32, i32) {
    %c0_i32 = arith.constant 0 : i32
    %c0_i32_0 = arith.constant 0 : i32
    %c0_i32_1 = arith.constant 0 : i32
    return %c0_i32, %c0_i32_0 : i32, i32
  }
  func.func @transform_5(%arg0: i32) -> (i32, i32) {
    %c0_i32 = arith.constant 0 : i32
    %c0_i32_0 = arith.constant 0 : i32
    %c0_i32_1 = arith.constant 0 : i32
    return %c0_i32, %c0_i32_0 : i32, i32
  }
  func.func @transform_6(%arg0: i32) -> (i32, i32) {
    %c0_i32 = arith.constant 0 : i32
    %c0_i32_0 = arith.constant 0 : i32
    return %arg0, %c0_i32 : i32, i32
  }
  func.func @transform_7(%arg0: i32) -> (i32, i32) {
    %c0_i32 = arith.constant 0 : i32
    %c0_i32_0 = arith.constant 0 : i32
    return %arg0, %c0_i32 : i32, i32
  }
}

module attributes {stable_mosaic.version = 14 : i64} {
  func.func @body(%arg0: memref<10240x64xf32, #tpu.memory_space<vmem>>, %arg1: memref<10240x64xf32, #tpu.memory_space<vmem>>, %arg2: memref<10240x1xf32, #tpu.memory_space<vmem>>, %arg3: memref<10240x1xf32, #tpu.memory_space<vmem>>, %arg4: memref<1x10240xf32, #tpu.memory_space<vmem>>, %arg5: memref<1x10240xf32, #tpu.memory_space<vmem>>, %arg6: memref<10240x1xf32, #tpu.memory_space<vmem>>, %arg7: memref<1x10240xf32, #tpu.memory_space<vmem>>, %arg8: memref<64x3072xf32, #tpu.memory_space<vmem>>, %arg9: memref<8x3072xf32, #tpu.memory_space<vmem>>, %arg10: memref<3072x512xf32, #tpu.memory_space<vmem>>, %arg11: memref<1x512xf32, #tpu.memory_space<vmem>>, %arg12: memref<1x512xf32, #tpu.memory_space<vmem>>, %arg13: memref<1x512xf32, #tpu.memory_space<vmem>>, %arg14: memref<512x128xf32, #tpu.memory_space<vmem>>, %arg15: memref<1x128xf32, #tpu.memory_space<vmem>>, %arg16: memref<768x64xf32, #tpu.memory_space<vmem>>, %arg17: memref<1x64xf32, #tpu.memory_space<vmem>>, %arg18: memref<1x64xf32, #tpu.memory_space<vmem>>, %arg19: memref<1x64xf32, #tpu.memory_space<vmem>>, %arg20: memref<64x128xf32, #tpu.memory_space<vmem>>, %arg21: memref<1x128xf32, #tpu.memory_space<vmem>>, %arg22: memref<64x128xf32, #tpu.memory_space<vmem>>, %arg23: memref<64x128xf32, #tpu.memory_space<vmem>>, %arg24: memref<64x64xf32, #tpu.memory_space<vmem>>, %arg25: memref<64x64xf32, #tpu.memory_space<vmem>>) attributes {dimension_semantics = [], scalar_prefetch = 0 : i64, scratch_operands = 2 : i64, tpu.core_type = #tpu.core_type<tc>} {
    %iota3A = tpu.iota {dimensions = array<i32: 0>} : vector<64x1xi32>
    %convert_element_type3A = arith.sitofp %iota3A : vector<64x1xi32> to vector<64x1xf32>
    %get3A = arith.constant 0 : index
    %get3A_0 = arith.constant 0 : index
    %get3A_1 = vector.load %arg7[%get3A, %get3A_0] : memref<1x10240xf32, #tpu.memory_space<vmem>>, vector<1x10240xf32>
    %get3A_2 = arith.constant 0 : index
    %get3A_3 = arith.constant 0 : index
    %get3A_4 = vector.load %arg4[%get3A_2, %get3A_3] : memref<1x10240xf32, #tpu.memory_space<vmem>>, vector<1x10240xf32>
    %eq3A = vector.broadcast %get3A_1 : vector<1x10240xf32> to vector<64x10240xf32>
    %eq3A_5 = vector.broadcast %convert_element_type3A : vector<64x1xf32> to vector<64x10240xf32>
    %eq3A_6 = arith.cmpf oeq, %eq3A, %eq3A_5 : vector<64x10240xf32>
    %gt3A = arith.constant 0.000000e+00 : f32
    %gt3A_7 = vector.broadcast %gt3A : f32 to vector<1x10240xf32>
    %gt3A_8 = arith.cmpf ogt, %get3A_4, %gt3A_7 : vector<1x10240xf32>
    %and3A = vector.broadcast %gt3A_8 : vector<1x10240xi1> to vector<64x10240xi1>
    %and3A_9 = arith.andi %eq3A_6, %and3A : vector<64x10240xi1>
    %jit3A = arith.constant 1.000000e+00 : f32
    %jit3A_10 = arith.constant 0.000000e+00 : f32
    %broadcast_in_dim3A = vector.broadcast %jit3A : f32 to vector<64x10240xf32>
    %broadcast_in_dim3A_11 = vector.broadcast %jit3A_10 : f32 to vector<64x10240xf32>
    %select_n3A = arith.select %and3A_9, %broadcast_in_dim3A, %broadcast_in_dim3A_11 : vector<64x10240xi1>, vector<64x10240xf32>
    %get3A_12 = arith.constant 0 : index
    %get3A_13 = arith.constant 0 : index
    %get3A_14 = vector.load %arg0[%get3A_12, %get3A_13] : memref<10240x64xf32, #tpu.memory_space<vmem>>, vector<10240x64xf32>
    %dot_general3A = arith.constant dense<0.000000e+00> : vector<64x64xf32>
    %dot_general3A_15 = tpu.matmul %select_n3A, %get3A_14, %dot_general3A {dimension_numbers = #tpu.dot_dimension_numbers<[1], [0], [0], [1], [0, 0, 1, 1], [], []>, precision = #tpu.contract_precision<fp32>, transpose_lhs_hint = false} : vector<64x10240xf32>, vector<10240x64xf32>, vector<64x64xf32> -> vector<64x64xf32>
    %reduce_sum3A = arith.constant dense<0.000000e+00> : vector<64xf32>
    %reduce_sum3A_16 = vector.multi_reduction <add>, %select_n3A, %reduce_sum3A [1] : vector<64x10240xf32> to vector<64xf32>
    %broadcast_in_dim3A_17 = vector.shape_cast %reduce_sum3A_16 : vector<64xf32> to vector<64x1xf32>
    %max3A = arith.constant 1.000000e+00 : f32
    %max3A_18 = vector.broadcast %max3A : f32 to vector<64x1xf32>
    %max3A_19 = arith.maximumf %broadcast_in_dim3A_17, %max3A_18 : vector<64x1xf32>
    %div3A = vector.broadcast %max3A_19 : vector<64x1xf32> to vector<64x64xf32>
    %div3A_20 = arith.divf %dot_general3A_15, %div3A : vector<64x64xf32>
    %get3A_21 = arith.constant 0 : index
    %get3A_22 = arith.constant 0 : index
    %get3A_23 = vector.load %arg5[%get3A_21, %get3A_22] : memref<1x10240xf32, #tpu.memory_space<vmem>>, vector<1x10240xf32>
    %eq3A_24 = vector.broadcast %get3A_1 : vector<1x10240xf32> to vector<64x10240xf32>
    %eq3A_25 = vector.broadcast %convert_element_type3A : vector<64x1xf32> to vector<64x10240xf32>
    %eq3A_26 = arith.cmpf oeq, %eq3A_24, %eq3A_25 : vector<64x10240xf32>
    %gt3A_27 = arith.constant 0.000000e+00 : f32
    %gt3A_28 = vector.broadcast %gt3A_27 : f32 to vector<1x10240xf32>
    %gt3A_29 = arith.cmpf ogt, %get3A_23, %gt3A_28 : vector<1x10240xf32>
    %and3A_30 = vector.broadcast %gt3A_29 : vector<1x10240xi1> to vector<64x10240xi1>
    %and3A_31 = arith.andi %eq3A_26, %and3A_30 : vector<64x10240xi1>
    %jit3A_32 = arith.constant 1.000000e+00 : f32
    %jit3A_33 = arith.constant 0.000000e+00 : f32
    %broadcast_in_dim3A_34 = vector.broadcast %jit3A_32 : f32 to vector<64x10240xf32>
    %broadcast_in_dim3A_35 = vector.broadcast %jit3A_33 : f32 to vector<64x10240xf32>
    %select_n3A_36 = arith.select %and3A_31, %broadcast_in_dim3A_34, %broadcast_in_dim3A_35 : vector<64x10240xi1>, vector<64x10240xf32>
    %get3A_37 = arith.constant 0 : index
    %get3A_38 = arith.constant 0 : index
    %get3A_39 = vector.load %arg1[%get3A_37, %get3A_38] : memref<10240x64xf32, #tpu.memory_space<vmem>>, vector<10240x64xf32>
    %dot_general3A_40 = arith.constant dense<0.000000e+00> : vector<64x64xf32>
    %dot_general3A_41 = tpu.matmul %select_n3A_36, %get3A_39, %dot_general3A_40 {dimension_numbers = #tpu.dot_dimension_numbers<[1], [0], [0], [1], [0, 0, 1, 1], [], []>, precision = #tpu.contract_precision<fp32>, transpose_lhs_hint = false} : vector<64x10240xf32>, vector<10240x64xf32>, vector<64x64xf32> -> vector<64x64xf32>
    %reduce_sum3A_42 = arith.constant dense<0.000000e+00> : vector<64xf32>
    %reduce_sum3A_43 = vector.multi_reduction <add>, %select_n3A_36, %reduce_sum3A_42 [1] : vector<64x10240xf32> to vector<64xf32>
    %broadcast_in_dim3A_44 = vector.shape_cast %reduce_sum3A_43 : vector<64xf32> to vector<64x1xf32>
    %max3A_45 = arith.constant 1.000000e+00 : f32
    %max3A_46 = vector.broadcast %max3A_45 : f32 to vector<64x1xf32>
    %max3A_47 = arith.maximumf %broadcast_in_dim3A_44, %max3A_46 : vector<64x1xf32>
    %div3A_48 = vector.broadcast %max3A_47 : vector<64x1xf32> to vector<64x64xf32>
    %div3A_49 = arith.divf %dot_general3A_41, %div3A_48 : vector<64x64xf32>
    %scan3A = arith.constant 0 : i32
    %scan3A_50 = arith.constant 64 : i32
    %scan3A_51 = arith.addi %scan3A, %scan3A_50 : i32
    %scan3A_52 = arith.constant 1 : i32
    scf.for %scan3A_213 = %scan3A to %scan3A_51 step %scan3A_52  : i32 {
      %convert_element_type3A_214 = arith.sitofp %scan3A_213 : i32 to f32
      %lt3A_215 = vector.broadcast %convert_element_type3A_214 : f32 to vector<1x10240xf32>
      %lt3A_216 = arith.cmpf olt, %get3A_1, %lt3A_215 : vector<1x10240xf32>
      %jit3A_217 = arith.constant 1.000000e+00 : f32
      %jit3A_218 = arith.constant 0.000000e+00 : f32
      %broadcast_in_dim3A_219 = vector.broadcast %jit3A_217 : f32 to vector<1x10240xf32>
      %broadcast_in_dim3A_220 = vector.broadcast %jit3A_218 : f32 to vector<1x10240xf32>
      %select_n3A_221 = arith.select %lt3A_216, %broadcast_in_dim3A_219, %broadcast_in_dim3A_220 : vector<1x10240xi1>, vector<1x10240xf32>
      %reduce_sum3A_222 = vector.shape_cast %select_n3A_221 : vector<1x10240xf32> to vector<1x1x10240xf32>
      %reduce_sum3A_223 = arith.constant dense<0.000000e+00> : vector<1xf32>
      %reduce_sum3A_224 = vector.multi_reduction <add>, %reduce_sum3A_222, %reduce_sum3A_223 [1, 2] : vector<1x1x10240xf32> to vector<1xf32>
      %reduce_sum3A_225 = vector.shape_cast %reduce_sum3A_224 : vector<1xf32> to vector<1x1x1xf32>
      %reduce_sum3A_226 = vector.extract %reduce_sum3A_225[0, 0, 0] : f32 from vector<1x1x1xf32>
      %le3A = vector.broadcast %convert_element_type3A_214 : f32 to vector<1x10240xf32>
      %le3A_227 = arith.cmpf ole, %get3A_1, %le3A : vector<1x10240xf32>
      %jit3A_228 = arith.constant 1.000000e+00 : f32
      %jit3A_229 = arith.constant 0.000000e+00 : f32
      %broadcast_in_dim3A_230 = vector.broadcast %jit3A_228 : f32 to vector<1x10240xf32>
      %broadcast_in_dim3A_231 = vector.broadcast %jit3A_229 : f32 to vector<1x10240xf32>
      %select_n3A_232 = arith.select %le3A_227, %broadcast_in_dim3A_230, %broadcast_in_dim3A_231 : vector<1x10240xi1>, vector<1x10240xf32>
      %reduce_sum3A_233 = vector.shape_cast %select_n3A_232 : vector<1x10240xf32> to vector<1x1x10240xf32>
      %reduce_sum3A_234 = arith.constant dense<0.000000e+00> : vector<1xf32>
      %reduce_sum3A_235 = vector.multi_reduction <add>, %reduce_sum3A_233, %reduce_sum3A_234 [1, 2] : vector<1x1x10240xf32> to vector<1xf32>
      %reduce_sum3A_236 = vector.shape_cast %reduce_sum3A_235 : vector<1xf32> to vector<1x1x1xf32>
      %reduce_sum3A_237 = vector.extract %reduce_sum3A_236[0, 0, 0] : f32 from vector<1x1x1xf32>
      %mul3A_238 = arith.constant 1.250000e-01 : f32
      %mul3A_239 = arith.mulf %reduce_sum3A_226, %mul3A_238 : f32
      %convert_element_type3A_240 = arith.fptosi %mul3A_239 : f32 to i32
      %mul3A_241 = arith.constant 8 : i32
      %mul3A_242 = arith.muli %convert_element_type3A_240, %mul3A_241 : i32
      %min3A = arith.constant 9216 : i32
      %min3A_243 = arith.minsi %mul3A_242, %min3A : i32
      %get3A_244 = arith.index_cast %min3A_243 : i32 to index
      %get3A_245 = arith.constant 0 : index
      %get3A_246 = vector.load %arg6[%get3A_244, %get3A_245] : memref<10240x1xf32, #tpu.memory_space<vmem>>, vector<1024x1xf32>
      %get3A_247 = arith.index_cast %min3A_243 : i32 to index
      %get3A_248 = arith.constant 0 : index
      %get3A_249 = vector.load %arg2[%get3A_247, %get3A_248] : memref<10240x1xf32, #tpu.memory_space<vmem>>, vector<1024x1xf32>
      %get3A_250 = arith.index_cast %min3A_243 : i32 to index
      %get3A_251 = arith.constant 0 : index
      %get3A_252 = vector.load %arg0[%get3A_250, %get3A_251] : memref<10240x64xf32, #tpu.memory_space<vmem>>, vector<1024x64xf32>
      %eq3A_253 = vector.broadcast %convert_element_type3A_214 : f32 to vector<1024x1xf32>
      %eq3A_254 = arith.cmpf oeq, %get3A_246, %eq3A_253 : vector<1024x1xf32>
      %gt3A_255 = arith.constant 0.000000e+00 : f32
      %gt3A_256 = vector.broadcast %gt3A_255 : f32 to vector<1024x1xf32>
      %gt3A_257 = arith.cmpf ogt, %get3A_249, %gt3A_256 : vector<1024x1xf32>
      %and3A_258 = arith.andi %eq3A_254, %gt3A_257 : vector<1024x1xi1>
      %jit3A_259 = arith.constant 0xFF800000 : f32
      %broadcast_in_dim3A_260 = vector.shape_cast %and3A_258 : vector<1024x1xi1> to vector<1024x1xi1>
      %broadcast_in_dim3A_261 = vector.broadcast %broadcast_in_dim3A_260 : vector<1024x1xi1> to vector<1024x64xi1>
      %broadcast_in_dim3A_262 = vector.broadcast %jit3A_259 : f32 to vector<1024x64xf32>
      %select_n3A_263 = arith.select %broadcast_in_dim3A_261, %get3A_252, %broadcast_in_dim3A_262 : vector<1024x64xi1>, vector<1024x64xf32>
      %reduce_max3A_264 = arith.constant dense<0xFF800000> : vector<64xf32>
      %reduce_max3A_265 = vector.multi_reduction <maximumf>, %select_n3A_263, %reduce_max3A_264 [0] : vector<1024x64xf32> to vector<64xf32>
      %broadcast_in_dim3A_266 = vector.shape_cast %reduce_max3A_265 : vector<64xf32> to vector<1x64xf32>
      %swap3A_267 = arith.index_cast %scan3A_213 : i32 to index
      %swap3A_268 = arith.constant 0 : index
      %swap3A_269 = vector.load %arg24[%swap3A_267, %swap3A_268] : memref<64x64xf32, #tpu.memory_space<vmem>>, vector<1x64xf32>
      tpu.vector_store %arg24[%swap3A_267, %swap3A_268], %broadcast_in_dim3A_266 {strides = array<i32>} : memref<64x64xf32, #tpu.memory_space<vmem>>, vector<1x64xf32>,
      %convert_element_type3A_270 = arith.sitofp %min3A_243 : i32 to f32
      %add3A_271 = arith.constant 1.024000e+03 : f32
      %add3A_272 = arith.addf %convert_element_type3A_270, %add3A_271 : f32
      %gt3A_273 = arith.cmpf ogt, %reduce_sum3A_237, %add3A_272 : f32
      %convert_element_type3A_274 = arith.extui %gt3A_273 : i1 to i32
      %cond3A = arith.constant 0 : i32
      %cond3A_275 = arith.cmpi ne, %convert_element_type3A_274, %cond3A : i32
      scf.if %cond3A_275 {
        %get3A_276 = arith.constant 0 : index
        %get3A_277 = arith.constant 0 : index
        %get3A_278 = vector.load %arg6[%get3A_276, %get3A_277] : memref<10240x1xf32, #tpu.memory_space<vmem>>, vector<10240x1xf32>
        %eq3A_279 = vector.broadcast %convert_element_type3A_214 : f32 to vector<10240x1xf32>
        %eq3A_280 = arith.cmpf oeq, %get3A_278, %eq3A_279 : vector<10240x1xf32>
        %get3A_281 = arith.constant 0 : index
        %get3A_282 = arith.constant 0 : index
        %get3A_283 = vector.load %arg2[%get3A_281, %get3A_282] : memref<10240x1xf32, #tpu.memory_space<vmem>>, vector<10240x1xf32>
        %gt3A_284 = arith.constant 0.000000e+00 : f32
        %gt3A_285 = vector.broadcast %gt3A_284 : f32 to vector<10240x1xf32>
        %gt3A_286 = arith.cmpf ogt, %get3A_283, %gt3A_285 : vector<10240x1xf32>
        %and3A_287 = arith.andi %eq3A_280, %gt3A_286 : vector<10240x1xi1>
        %get3A_288 = arith.constant 0 : index
        %get3A_289 = arith.constant 0 : index
        %get3A_290 = vector.load %arg0[%get3A_288, %get3A_289] : memref<10240x64xf32, #tpu.memory_space<vmem>>, vector<10240x64xf32>
        %jit3A_291 = arith.constant 0xFF800000 : f32
        %broadcast_in_dim3A_292 = vector.shape_cast %and3A_287 : vector<10240x1xi1> to vector<10240x1xi1>
        %broadcast_in_dim3A_293 = vector.broadcast %broadcast_in_dim3A_292 : vector<10240x1xi1> to vector<10240x64xi1>
        %broadcast_in_dim3A_294 = vector.broadcast %jit3A_291 : f32 to vector<10240x64xf32>
        %select_n3A_295 = arith.select %broadcast_in_dim3A_293, %get3A_290, %broadcast_in_dim3A_294 : vector<10240x64xi1>, vector<10240x64xf32>
        %reduce_max3A_296 = arith.constant dense<0xFF800000> : vector<64xf32>
        %reduce_max3A_297 = vector.multi_reduction <maximumf>, %select_n3A_295, %reduce_max3A_296 [0] : vector<10240x64xf32> to vector<64xf32>
        %broadcast_in_dim3A_298 = vector.shape_cast %reduce_max3A_297 : vector<64xf32> to vector<1x64xf32>
        %swap3A_299 = arith.index_cast %scan3A_213 : i32 to index
        %swap3A_300 = arith.constant 0 : index
        %swap3A_301 = vector.load %arg24[%swap3A_299, %swap3A_300] : memref<64x64xf32, #tpu.memory_space<vmem>>, vector<1x64xf32>
        tpu.vector_store %arg24[%swap3A_299, %swap3A_300], %broadcast_in_dim3A_298 {strides = array<i32>} : memref<64x64xf32, #tpu.memory_space<vmem>>, vector<1x64xf32>,
      } else {
      }
    }
    %scan3A_53 = arith.constant 64 : i32
    %scan3A_54 = arith.constant 0 : i32
    %scan3A_55 = arith.constant 64 : i32
    %scan3A_56 = arith.addi %scan3A_54, %scan3A_55 : i32
    %scan3A_57 = arith.constant 1 : i32
    scf.for %scan3A_213 = %scan3A_54 to %scan3A_56 step %scan3A_57  : i32 {
      %convert_element_type3A_214 = arith.sitofp %scan3A_213 : i32 to f32
      %lt3A_215 = vector.broadcast %convert_element_type3A_214 : f32 to vector<1x10240xf32>
      %lt3A_216 = arith.cmpf olt, %get3A_1, %lt3A_215 : vector<1x10240xf32>
      %jit3A_217 = arith.constant 1.000000e+00 : f32
      %jit3A_218 = arith.constant 0.000000e+00 : f32
      %broadcast_in_dim3A_219 = vector.broadcast %jit3A_217 : f32 to vector<1x10240xf32>
      %broadcast_in_dim3A_220 = vector.broadcast %jit3A_218 : f32 to vector<1x10240xf32>
      %select_n3A_221 = arith.select %lt3A_216, %broadcast_in_dim3A_219, %broadcast_in_dim3A_220 : vector<1x10240xi1>, vector<1x10240xf32>
      %reduce_sum3A_222 = vector.shape_cast %select_n3A_221 : vector<1x10240xf32> to vector<1x1x10240xf32>
      %reduce_sum3A_223 = arith.constant dense<0.000000e+00> : vector<1xf32>
      %reduce_sum3A_224 = vector.multi_reduction <add>, %reduce_sum3A_222, %reduce_sum3A_223 [1, 2] : vector<1x1x10240xf32> to vector<1xf32>
      %reduce_sum3A_225 = vector.shape_cast %reduce_sum3A_224 : vector<1xf32> to vector<1x1x1xf32>
      %reduce_sum3A_226 = vector.extract %reduce_sum3A_225[0, 0, 0] : f32 from vector<1x1x1xf32>
      %le3A = vector.broadcast %convert_element_type3A_214 : f32 to vector<1x10240xf32>
      %le3A_227 = arith.cmpf ole, %get3A_1, %le3A : vector<1x10240xf32>
      %jit3A_228 = arith.constant 1.000000e+00 : f32
      %jit3A_229 = arith.constant 0.000000e+00 : f32
      %broadcast_in_dim3A_230 = vector.broadcast %jit3A_228 : f32 to vector<1x10240xf32>
      %broadcast_in_dim3A_231 = vector.broadcast %jit3A_229 : f32 to vector<1x10240xf32>
      %select_n3A_232 = arith.select %le3A_227, %broadcast_in_dim3A_230, %broadcast_in_dim3A_231 : vector<1x10240xi1>, vector<1x10240xf32>
      %reduce_sum3A_233 = vector.shape_cast %select_n3A_232 : vector<1x10240xf32> to vector<1x1x10240xf32>
      %reduce_sum3A_234 = arith.constant dense<0.000000e+00> : vector<1xf32>
      %reduce_sum3A_235 = vector.multi_reduction <add>, %reduce_sum3A_233, %reduce_sum3A_234 [1, 2] : vector<1x1x10240xf32> to vector<1xf32>
      %reduce_sum3A_236 = vector.shape_cast %reduce_sum3A_235 : vector<1xf32> to vector<1x1x1xf32>
      %reduce_sum3A_237 = vector.extract %reduce_sum3A_236[0, 0, 0] : f32 from vector<1x1x1xf32>
      %mul3A_238 = arith.constant 1.250000e-01 : f32
      %mul3A_239 = arith.mulf %reduce_sum3A_226, %mul3A_238 : f32
      %convert_element_type3A_240 = arith.fptosi %mul3A_239 : f32 to i32
      %mul3A_241 = arith.constant 8 : i32
      %mul3A_242 = arith.muli %convert_element_type3A_240, %mul3A_241 : i32
      %min3A = arith.constant 9216 : i32
      %min3A_243 = arith.minsi %mul3A_242, %min3A : i32
      %get3A_244 = arith.index_cast %min3A_243 : i32 to index
      %get3A_245 = arith.constant 0 : index
      %get3A_246 = vector.load %arg6[%get3A_244, %get3A_245] : memref<10240x1xf32, #tpu.memory_space<vmem>>, vector<1024x1xf32>
      %get3A_247 = arith.index_cast %min3A_243 : i32 to index
      %get3A_248 = arith.constant 0 : index
      %get3A_249 = vector.load %arg3[%get3A_247, %get3A_248] : memref<10240x1xf32, #tpu.memory_space<vmem>>, vector<1024x1xf32>
      %get3A_250 = arith.index_cast %min3A_243 : i32 to index
      %get3A_251 = arith.constant 0 : index
      %get3A_252 = vector.load %arg1[%get3A_250, %get3A_251] : memref<10240x64xf32, #tpu.memory_space<vmem>>, vector<1024x64xf32>
      %eq3A_253 = vector.broadcast %convert_element_type3A_214 : f32 to vector<1024x1xf32>
      %eq3A_254 = arith.cmpf oeq, %get3A_246, %eq3A_253 : vector<1024x1xf32>
      %gt3A_255 = arith.constant 0.000000e+00 : f32
      %gt3A_256 = vector.broadcast %gt3A_255 : f32 to vector<1024x1xf32>
      %gt3A_257 = arith.cmpf ogt, %get3A_249, %gt3A_256 : vector<1024x1xf32>
      %and3A_258 = arith.andi %eq3A_254, %gt3A_257 : vector<1024x1xi1>
      %jit3A_259 = arith.constant 0xFF800000 : f32
      %broadcast_in_dim3A_260 = vector.shape_cast %and3A_258 : vector<1024x1xi1> to vector<1024x1xi1>
      %broadcast_in_dim3A_261 = vector.broadcast %broadcast_in_dim3A_260 : vector<1024x1xi1> to vector<1024x64xi1>
      %broadcast_in_dim3A_262 = vector.broadcast %jit3A_259 : f32 to vector<1024x64xf32>
      %select_n3A_263 = arith.select %broadcast_in_dim3A_261, %get3A_252, %broadcast_in_dim3A_262 : vector<1024x64xi1>, vector<1024x64xf32>
      %reduce_max3A_264 = arith.constant dense<0xFF800000> : vector<64xf32>
      %reduce_max3A_265 = vector.multi_reduction <maximumf>, %select_n3A_263, %reduce_max3A_264 [0] : vector<1024x64xf32> to vector<64xf32>
      %broadcast_in_dim3A_266 = vector.shape_cast %reduce_max3A_265 : vector<64xf32> to vector<1x64xf32>
      %swap3A_267 = arith.index_cast %scan3A_213 : i32 to index
      %swap3A_268 = arith.constant 0 : index
      %swap3A_269 = vector.load %arg25[%swap3A_267, %swap3A_268] : memref<64x64xf32, #tpu.memory_space<vmem>>, vector<1x64xf32>
      tpu.vector_store %arg25[%swap3A_267, %swap3A_268], %broadcast_in_dim3A_266 {strides = array<i32>} : memref<64x64xf32, #tpu.memory_space<vmem>>, vector<1x64xf32>,
      %convert_element_type3A_270 = arith.sitofp %min3A_243 : i32 to f32
      %add3A_271 = arith.constant 1.024000e+03 : f32
      %add3A_272 = arith.addf %convert_element_type3A_270, %add3A_271 : f32
      %gt3A_273 = arith.cmpf ogt, %reduce_sum3A_237, %add3A_272 : f32
      %convert_element_type3A_274 = arith.extui %gt3A_273 : i1 to i32
      %cond3A = arith.constant 0 : i32
      %cond3A_275 = arith.cmpi ne, %convert_element_type3A_274, %cond3A : i32
      scf.if %cond3A_275 {
        %get3A_276 = arith.constant 0 : index
        %get3A_277 = arith.constant 0 : index
        %get3A_278 = vector.load %arg6[%get3A_276, %get3A_277] : memref<10240x1xf32, #tpu.memory_space<vmem>>, vector<10240x1xf32>
        %eq3A_279 = vector.broadcast %convert_element_type3A_214 : f32 to vector<10240x1xf32>
        %eq3A_280 = arith.cmpf oeq, %get3A_278, %eq3A_279 : vector<10240x1xf32>
        %get3A_281 = arith.constant 0 : index
        %get3A_282 = arith.constant 0 : index
        %get3A_283 = vector.load %arg3[%get3A_281, %get3A_282] : memref<10240x1xf32, #tpu.memory_space<vmem>>, vector<10240x1xf32>
        %gt3A_284 = arith.constant 0.000000e+00 : f32
        %gt3A_285 = vector.broadcast %gt3A_284 : f32 to vector<10240x1xf32>
        %gt3A_286 = arith.cmpf ogt, %get3A_283, %gt3A_285 : vector<10240x1xf32>
        %and3A_287 = arith.andi %eq3A_280, %gt3A_286 : vector<10240x1xi1>
        %get3A_288 = arith.constant 0 : index
        %get3A_289 = arith.constant 0 : index
        %get3A_290 = vector.load %arg1[%get3A_288, %get3A_289] : memref<10240x64xf32, #tpu.memory_space<vmem>>, vector<10240x64xf32>
        %jit3A_291 = arith.constant 0xFF800000 : f32
        %broadcast_in_dim3A_292 = vector.shape_cast %and3A_287 : vector<10240x1xi1> to vector<10240x1xi1>
        %broadcast_in_dim3A_293 = vector.broadcast %broadcast_in_dim3A_292 : vector<10240x1xi1> to vector<10240x64xi1>
        %broadcast_in_dim3A_294 = vector.broadcast %jit3A_291 : f32 to vector<10240x64xf32>
        %select_n3A_295 = arith.select %broadcast_in_dim3A_293, %get3A_290, %broadcast_in_dim3A_294 : vector<10240x64xi1>, vector<10240x64xf32>
        %reduce_max3A_296 = arith.constant dense<0xFF800000> : vector<64xf32>
        %reduce_max3A_297 = vector.multi_reduction <maximumf>, %select_n3A_295, %reduce_max3A_296 [0] : vector<10240x64xf32> to vector<64xf32>
        %broadcast_in_dim3A_298 = vector.shape_cast %reduce_max3A_297 : vector<64xf32> to vector<1x64xf32>
        %swap3A_299 = arith.index_cast %scan3A_213 : i32 to index
        %swap3A_300 = arith.constant 0 : index
        %swap3A_301 = vector.load %arg25[%swap3A_299, %swap3A_300] : memref<64x64xf32, #tpu.memory_space<vmem>>, vector<1x64xf32>
        tpu.vector_store %arg25[%swap3A_299, %swap3A_300], %broadcast_in_dim3A_298 {strides = array<i32>} : memref<64x64xf32, #tpu.memory_space<vmem>>, vector<1x64xf32>,
      } else {
      }
    }
    %scan3A_58 = arith.constant 64 : i32
    %get3A_59 = arith.constant 0 : index
    %get3A_60 = arith.constant 0 : index
    %get3A_61 = vector.load %arg9[%get3A_59, %get3A_60] : memref<8x3072xf32, #tpu.memory_space<vmem>>, vector<8x3072xf32>
    %reduce_sum3A_62 = arith.constant dense<0.000000e+00> : vector<3072xf32>
    %reduce_sum3A_63 = vector.multi_reduction <add>, %get3A_61, %reduce_sum3A_62 [0] : vector<8x3072xf32> to vector<3072xf32>
    %broadcast_in_dim3A_64 = vector.shape_cast %reduce_sum3A_63 : vector<3072xf32> to vector<1x3072xf32>
    %div3A_65 = arith.constant 8.000000e+00 : f32
    %div3A_66 = vector.broadcast %div3A_65 : f32 to vector<1x3072xf32>
    %div3A_67 = arith.divf %broadcast_in_dim3A_64, %div3A_66 : vector<1x3072xf32>
    %get3A_68 = arith.constant 0 : index
    %get3A_69 = arith.constant 0 : index
    %get3A_70 = vector.load %arg8[%get3A_68, %get3A_69] : memref<64x3072xf32, #tpu.memory_space<vmem>>, vector<64x3072xf32>
    %mul3A = vector.broadcast %div3A_67 : vector<1x3072xf32> to vector<64x3072xf32>
    %mul3A_71 = arith.mulf %get3A_70, %mul3A : vector<64x3072xf32>
    %max3A_72 = arith.constant 0.000000e+00 : f32
    %max3A_73 = vector.broadcast %max3A_72 : f32 to vector<64x3072xf32>
    %max3A_74 = arith.maximumf %mul3A_71, %max3A_73 : vector<64x3072xf32>
    %get3A_75 = arith.constant 0 : index
    %get3A_76 = arith.constant 0 : index
    %get3A_77 = vector.load %arg10[%get3A_75, %get3A_76] : memref<3072x512xf32, #tpu.memory_space<vmem>>, vector<3072x512xf32>
    %dot_general3A_78 = arith.constant dense<0.000000e+00> : vector<64x512xf32>
    %dot_general3A_79 = tpu.matmul %max3A_74, %get3A_77, %dot_general3A_78 {dimension_numbers = #tpu.dot_dimension_numbers<[1], [0], [0], [1], [0, 0, 1, 1], [], []>, precision = #tpu.contract_precision<fp32>, transpose_lhs_hint = false} : vector<64x3072xf32>, vector<3072x512xf32>, vector<64x512xf32> -> vector<64x512xf32>
    %get3A_80 = arith.constant 0 : index
    %get3A_81 = arith.constant 0 : index
    %get3A_82 = vector.load %arg11[%get3A_80, %get3A_81] : memref<1x512xf32, #tpu.memory_space<vmem>>, vector<1x512xf32>
    %add3A = vector.broadcast %get3A_82 : vector<1x512xf32> to vector<64x512xf32>
    %add3A_83 = arith.addf %dot_general3A_79, %add3A : vector<64x512xf32>
    %reduce_sum3A_84 = arith.constant dense<0.000000e+00> : vector<512xf32>
    %reduce_sum3A_85 = vector.multi_reduction <add>, %add3A_83, %reduce_sum3A_84 [0] : vector<64x512xf32> to vector<512xf32>
    %broadcast_in_dim3A_86 = vector.shape_cast %reduce_sum3A_85 : vector<512xf32> to vector<1x512xf32>
    %div3A_87 = arith.constant 6.400000e+01 : f32
    %div3A_88 = vector.broadcast %div3A_87 : f32 to vector<1x512xf32>
    %div3A_89 = arith.divf %broadcast_in_dim3A_86, %div3A_88 : vector<1x512xf32>
    %sub3A = vector.broadcast %div3A_89 : vector<1x512xf32> to vector<64x512xf32>
    %sub3A_90 = arith.subf %add3A_83, %sub3A : vector<64x512xf32>
    %integer_pow3A = arith.mulf %sub3A_90, %sub3A_90 : vector<64x512xf32>
    %reduce_sum3A_91 = arith.constant dense<0.000000e+00> : vector<512xf32>
    %reduce_sum3A_92 = vector.multi_reduction <add>, %integer_pow3A, %reduce_sum3A_91 [0] : vector<64x512xf32> to vector<512xf32>
    %broadcast_in_dim3A_93 = vector.shape_cast %reduce_sum3A_92 : vector<512xf32> to vector<1x512xf32>
    %div3A_94 = arith.constant 6.400000e+01 : f32
    %div3A_95 = vector.broadcast %div3A_94 : f32 to vector<1x512xf32>
    %div3A_96 = arith.divf %broadcast_in_dim3A_93, %div3A_95 : vector<1x512xf32>
    %get3A_97 = arith.constant 0 : index
    %get3A_98 = arith.constant 0 : index
    %get3A_99 = vector.load %arg12[%get3A_97, %get3A_98] : memref<1x512xf32, #tpu.memory_space<vmem>>, vector<1x512xf32>
    %sub3A_100 = vector.broadcast %div3A_89 : vector<1x512xf32> to vector<64x512xf32>
    %sub3A_101 = arith.subf %add3A_83, %sub3A_100 : vector<64x512xf32>
    %mul3A_102 = vector.broadcast %get3A_99 : vector<1x512xf32> to vector<64x512xf32>
    %mul3A_103 = arith.mulf %mul3A_102, %sub3A_101 : vector<64x512xf32>
    %add3A_104 = arith.constant 9.99999974E-6 : f32
    %add3A_105 = vector.broadcast %add3A_104 : f32 to vector<1x512xf32>
    %add3A_106 = arith.addf %div3A_96, %add3A_105 : vector<1x512xf32>
    %sqrt3A = math.sqrt %add3A_106 : vector<1x512xf32>
    %div3A_107 = vector.broadcast %sqrt3A : vector<1x512xf32> to vector<64x512xf32>
    %div3A_108 = arith.divf %mul3A_103, %div3A_107 : vector<64x512xf32>
    %get3A_109 = arith.constant 0 : index
    %get3A_110 = arith.constant 0 : index
    %get3A_111 = vector.load %arg13[%get3A_109, %get3A_110] : memref<1x512xf32, #tpu.memory_space<vmem>>, vector<1x512xf32>
    %add3A_112 = vector.broadcast %get3A_111 : vector<1x512xf32> to vector<64x512xf32>
    %add3A_113 = arith.addf %div3A_108, %add3A_112 : vector<64x512xf32>
    %max3A_114 = arith.constant 0.000000e+00 : f32
    %max3A_115 = vector.broadcast %max3A_114 : f32 to vector<64x512xf32>
    %max3A_116 = arith.maximumf %add3A_113, %max3A_115 : vector<64x512xf32>
    %get3A_117 = arith.constant 0 : index
    %get3A_118 = arith.constant 0 : index
    %get3A_119 = vector.load %arg14[%get3A_117, %get3A_118] : memref<512x128xf32, #tpu.memory_space<vmem>>, vector<512x128xf32>
    %dot_general3A_120 = arith.constant dense<0.000000e+00> : vector<64x128xf32>
    %dot_general3A_121 = tpu.matmul %max3A_116, %get3A_119, %dot_general3A_120 {dimension_numbers = #tpu.dot_dimension_numbers<[1], [0], [0], [1], [0, 0, 1, 1], [], []>, precision = #tpu.contract_precision<fp32>, transpose_lhs_hint = false} : vector<64x512xf32>, vector<512x128xf32>, vector<64x128xf32> -> vector<64x128xf32>
    %get3A_122 = arith.constant 0 : index
    %get3A_123 = arith.constant 0 : index
    %get3A_124 = vector.load %arg15[%get3A_122, %get3A_123] : memref<1x128xf32, #tpu.memory_space<vmem>>, vector<1x128xf32>
    %add3A_125 = vector.broadcast %get3A_124 : vector<1x128xf32> to vector<64x128xf32>
    %add3A_126 = arith.addf %dot_general3A_121, %add3A_125 : vector<64x128xf32>
    %max3A_127 = arith.constant 0.000000e+00 : f32
    %max3A_128 = vector.broadcast %max3A_127 : f32 to vector<64x128xf32>
    %max3A_129 = arith.maximumf %add3A_126, %max3A_128 : vector<64x128xf32>
    %swap3A = arith.constant 0 : index
    %swap3A_130 = arith.constant 0 : index
    %swap3A_131 = vector.load %arg22[%swap3A, %swap3A_130] : memref<64x128xf32, #tpu.memory_space<vmem>>, vector<64x128xf32>
    tpu.vector_store %arg22[%swap3A, %swap3A_130], %max3A_129 {strides = array<i32>} : memref<64x128xf32, #tpu.memory_space<vmem>>, vector<64x128xf32>,
    %get3A_132 = arith.constant 0 : index
    %get3A_133 = arith.constant 0 : index
    %get3A_134 = vector.load %arg24[%get3A_132, %get3A_133] : memref<64x64xf32, #tpu.memory_space<vmem>>, vector<64x64xf32>
    %get3A_135 = arith.constant 0 : index
    %get3A_136 = arith.constant 0 : index
    %get3A_137 = vector.load %arg25[%get3A_135, %get3A_136] : memref<64x64xf32, #tpu.memory_space<vmem>>, vector<64x64xf32>
    %concatenate3A = tpu.concatenate %max3A_116, %get3A_134, %div3A_20, %get3A_137, %div3A_49 in 1 : vector<64x512xf32>, vector<64x64xf32>, vector<64x64xf32>, vector<64x64xf32>, vector<64x64xf32> -> vector<64x768xf32>
    %get3A_138 = arith.constant 0 : index
    %get3A_139 = arith.constant 0 : index
    %get3A_140 = vector.load %arg16[%get3A_138, %get3A_139] : memref<768x64xf32, #tpu.memory_space<vmem>>, vector<768x64xf32>
    %dot_general3A_141 = arith.constant dense<0.000000e+00> : vector<64x64xf32>
    %dot_general3A_142 = tpu.matmul %concatenate3A, %get3A_140, %dot_general3A_141 {dimension_numbers = #tpu.dot_dimension_numbers<[1], [0], [0], [1], [0, 0, 1, 1], [], []>, precision = #tpu.contract_precision<fp32>, transpose_lhs_hint = false} : vector<64x768xf32>, vector<768x64xf32>, vector<64x64xf32> -> vector<64x64xf32>
    %get3A_143 = arith.constant 0 : index
    %get3A_144 = arith.constant 0 : index
    %get3A_145 = vector.load %arg17[%get3A_143, %get3A_144] : memref<1x64xf32, #tpu.memory_space<vmem>>, vector<1x64xf32>
    %add3A_146 = vector.broadcast %get3A_145 : vector<1x64xf32> to vector<64x64xf32>
    %add3A_147 = arith.addf %dot_general3A_142, %add3A_146 : vector<64x64xf32>
    %reduce_sum3A_148 = arith.constant dense<0.000000e+00> : vector<64xf32>
    %reduce_sum3A_149 = vector.multi_reduction <add>, %add3A_147, %reduce_sum3A_148 [0] : vector<64x64xf32> to vector<64xf32>
    %broadcast_in_dim3A_150 = vector.shape_cast %reduce_sum3A_149 : vector<64xf32> to vector<1x64xf32>
    %div3A_151 = arith.constant 6.400000e+01 : f32
    %div3A_152 = vector.broadcast %div3A_151 : f32 to vector<1x64xf32>
    %div3A_153 = arith.divf %broadcast_in_dim3A_150, %div3A_152 : vector<1x64xf32>
    %sub3A_154 = vector.broadcast %div3A_153 : vector<1x64xf32> to vector<64x64xf32>
    %sub3A_155 = arith.subf %add3A_147, %sub3A_154 : vector<64x64xf32>
    %integer_pow3A_156 = arith.mulf %sub3A_155, %sub3A_155 : vector<64x64xf32>
    %reduce_sum3A_157 = arith.constant dense<0.000000e+00> : vector<64xf32>
    %reduce_sum3A_158 = vector.multi_reduction <add>, %integer_pow3A_156, %reduce_sum3A_157 [0] : vector<64x64xf32> to vector<64xf32>
    %broadcast_in_dim3A_159 = vector.shape_cast %reduce_sum3A_158 : vector<64xf32> to vector<1x64xf32>
    %div3A_160 = arith.constant 6.400000e+01 : f32
    %div3A_161 = vector.broadcast %div3A_160 : f32 to vector<1x64xf32>
    %div3A_162 = arith.divf %broadcast_in_dim3A_159, %div3A_161 : vector<1x64xf32>
    %get3A_163 = arith.constant 0 : index
    %get3A_164 = arith.constant 0 : index
    %get3A_165 = vector.load %arg18[%get3A_163, %get3A_164] : memref<1x64xf32, #tpu.memory_space<vmem>>, vector<1x64xf32>
    %sub3A_166 = vector.broadcast %div3A_153 : vector<1x64xf32> to vector<64x64xf32>
    %sub3A_167 = arith.subf %add3A_147, %sub3A_166 : vector<64x64xf32>
    %mul3A_168 = vector.broadcast %get3A_165 : vector<1x64xf32> to vector<64x64xf32>
    %mul3A_169 = arith.mulf %mul3A_168, %sub3A_167 : vector<64x64xf32>
    %add3A_170 = arith.constant 9.99999974E-6 : f32
    %add3A_171 = vector.broadcast %add3A_170 : f32 to vector<1x64xf32>
    %add3A_172 = arith.addf %div3A_162, %add3A_171 : vector<1x64xf32>
    %sqrt3A_173 = math.sqrt %add3A_172 : vector<1x64xf32>
    %div3A_174 = vector.broadcast %sqrt3A_173 : vector<1x64xf32> to vector<64x64xf32>
    %div3A_175 = arith.divf %mul3A_169, %div3A_174 : vector<64x64xf32>
    %get3A_176 = arith.constant 0 : index
    %get3A_177 = arith.constant 0 : index
    %get3A_178 = vector.load %arg19[%get3A_176, %get3A_177] : memref<1x64xf32, #tpu.memory_space<vmem>>, vector<1x64xf32>
    %add3A_179 = vector.broadcast %get3A_178 : vector<1x64xf32> to vector<64x64xf32>
    %add3A_180 = arith.addf %div3A_175, %add3A_179 : vector<64x64xf32>
    %get3A_181 = arith.constant 0 : index
    %get3A_182 = arith.constant 0 : index
    %get3A_183 = vector.load %arg20[%get3A_181, %get3A_182] : memref<64x128xf32, #tpu.memory_space<vmem>>, vector<64x128xf32>
    %dot_general3A_184 = arith.constant dense<0.000000e+00> : vector<64x128xf32>
    %dot_general3A_185 = tpu.matmul %add3A_180, %get3A_183, %dot_general3A_184 {dimension_numbers = #tpu.dot_dimension_numbers<[1], [0], [0], [1], [0, 0, 1, 1], [], []>, precision = #tpu.contract_precision<fp32>, transpose_lhs_hint = false} : vector<64x64xf32>, vector<64x128xf32>, vector<64x128xf32> -> vector<64x128xf32>
    %get3A_186 = arith.constant 0 : index
    %get3A_187 = arith.constant 0 : index
    %get3A_188 = vector.load %arg21[%get3A_186, %get3A_187] : memref<1x128xf32, #tpu.memory_space<vmem>>, vector<1x128xf32>
    %add3A_189 = vector.broadcast %get3A_188 : vector<1x128xf32> to vector<64x128xf32>
    %add3A_190 = arith.addf %dot_general3A_185, %add3A_189 : vector<64x128xf32>
    %iota3A_191 = tpu.iota {dimensions = array<i32: 1>} : vector<64x128xi32>
    %lt3A = arith.constant 4 : i32
    %lt3A_192 = vector.broadcast %lt3A : i32 to vector<64x128xi32>
    %lt3A_193 = arith.cmpi slt, %iota3A_191, %lt3A_192 : vector<64x128xi32>
    %jit3A_194 = arith.constant 0xFF800000 : f32
    %broadcast_in_dim3A_195 = vector.broadcast %jit3A_194 : f32 to vector<64x128xf32>
    %select_n3A_196 = arith.select %lt3A_193, %add3A_190, %broadcast_in_dim3A_195 : vector<64x128xi1>, vector<64x128xf32>
    %reduce_max3A = arith.constant dense<0xFF800000> : vector<64xf32>
    %reduce_max3A_197 = vector.multi_reduction <maximumf>, %select_n3A_196, %reduce_max3A [1] : vector<64x128xf32> to vector<64xf32>
    %broadcast_in_dim3A_198 = vector.shape_cast %reduce_max3A_197 : vector<64xf32> to vector<64x1xf32>
    %sub3A_199 = vector.broadcast %broadcast_in_dim3A_198 : vector<64x1xf32> to vector<64x128xf32>
    %sub3A_200 = arith.subf %add3A_190, %sub3A_199 : vector<64x128xf32>
    %exp3A = math.exp %sub3A_200 : vector<64x128xf32>
    %jit3A_201 = arith.constant 0.000000e+00 : f32
    %broadcast_in_dim3A_202 = vector.broadcast %jit3A_201 : f32 to vector<64x128xf32>
    %select_n3A_203 = arith.select %lt3A_193, %exp3A, %broadcast_in_dim3A_202 : vector<64x128xi1>, vector<64x128xf32>
    %reduce_sum3A_204 = arith.constant dense<0.000000e+00> : vector<64xf32>
    %reduce_sum3A_205 = vector.multi_reduction <add>, %select_n3A_203, %reduce_sum3A_204 [1] : vector<64x128xf32> to vector<64xf32>
    %broadcast_in_dim3A_206 = vector.shape_cast %reduce_sum3A_205 : vector<64xf32> to vector<64x1xf32>
    %log3A = math.log %broadcast_in_dim3A_206 : vector<64x1xf32>
    %add3A_207 = arith.addf %log3A, %broadcast_in_dim3A_198 : vector<64x1xf32>
    %sub3A_208 = vector.broadcast %add3A_207 : vector<64x1xf32> to vector<64x128xf32>
    %sub3A_209 = arith.subf %add3A_190, %sub3A_208 : vector<64x128xf32>
    %swap3A_210 = arith.constant 0 : index
    %swap3A_211 = arith.constant 0 : index
    %swap3A_212 = vector.load %arg23[%swap3A_210, %swap3A_211] : memref<64x128xf32, #tpu.memory_space<vmem>>, vector<64x128xf32>
    tpu.vector_store %arg23[%swap3A_210, %swap3A_211], %sub3A_209 {strides = array<i32>} : memref<64x128xf32, #tpu.memory_space<vmem>>, vector<64x128xf32>,
    return
  }
}

</mosaic_0001>

<sc_bundles>
// kernel: kernel.13.cloned.1.call-start
scs
__scs_entry_jumppad:
0x0: {  	(pc) =	sbr.rel $0x88, $3  }
0x1: {  	(tag) =	ssettag $0x0;
	lr =	simm.s32 $0x1  }
0x2: {  	[smem:$0x3F8A] =	sst lr;
	_ =	strace $0xD0000000  }
0x3: {  	_ = 	snop  }
0x4: {  	_ = 	snop  }
0x5: {  	_ = 	snop  }
0x6: {  	_ = 	snop  }
0x7: {  	_ = 	snop  }
__scs_overlays_trampoline_lowered:
0x8: {  	[smem:$0x3F99] =	sst s0  }
0x9: {  	[smem:$0x3F9A] =	sst s1  }
0xa: {  	[smem:$0x3F9B] =	sst s2  }
0xb: {  	[smem:$0x3F9C] =	sst s3  }
0xc: {  	[smem:$0x3F9D] =	sst s4  }
0xd: {  	[smem:$0x3F9E] =	sst s5  }
0xe: {  	[smem:$0x3F9F] =	sst s6  }
0xf: {  	[smem:$0x3FA0] =	sst s7  }
0x10: {  	[smem:$0x3FA1] =	sst s8  }
0x11: {  	[smem:$0x3FA2] =	sst s9;
	s0 =	simm.s32 @!p0 $0x0  }
0x12: {  	s1 =	sld [smem:$0x3F88];
	s0 =	simm.s32 @p0 $0x1  }
0x13: {  	[smem:$0x3FA3] =	sst s0;
	s0 =	simm.s32 @!p1 $0x0  }
0x14: {  	s2 =	sld [smem:$0x3F87];
	s0 =	simm.s32 @p1 $0x1  }
0x15: {  	[smem:$0x3FA4] =	sst s0;
	s0 =	simm.s32 @!p2 $0x0  }
0x16: {  	s3 =	sld [smem:$0x3FDB];
	s0 =	simm.s32 @p2 $0x1  }
0x17: {  	s4 =	simm.s32 $0x1BF5;
	[smem:$0x3FA6] =	sst s0  }
0x18: {  	s0 =	sld [smem:$0x3F89];
	_ =	swait.ge [sflag:s4], $0x0  }
0x19: {  	s7 =	sld [smem:$0x3F8A]  }
0x1a: {  	s8 =	sadd.s32 $0xFFFFE003, lr  }
0x1b: {  	s9 =	sadd.s32 $0xFFFFFEF7, lr;
	s5 =	simm.s32 $0xFFFFFFFF;
	p2 =	slt.u32 s8, $0xFFFFF086  }
0x1c: {  	p1 =	slt.u32 s9, $0xF7A;
	s5 =	simm.s32 @!p2 $0x0  }
0x1d: {  	s5 =	simm.s32 @p1 $0x1;
	p0 =	seq.s32 s7, s2  }
0x1e: {  	s7 =	smul.u32 @!p0 $0xF7A, s2;
	p2 =	seq.s32 @!p0 s5, $0x0  }
0x1f: {  	s9 =	smul.u32 $0xF7A, s1;
	s8 =	simm.s32 @!p0 $0x1BF5;
	p2 =	por !p2, p0  }
0x20: {  	[sflag:s8] =	ssyncset.s32 @!p0 $0xFFFFF086;
	s6 =	sadd.s32 @!p0 s3, s7;
	s7 =	simm.s32 @!p0 $0x108  }
0x21: {  	s3 =	sadd.s32 s3, s9;
	s6 =	sadd.s32 @!p0 $0x88, s6;
	s7 =	simm.s32 @p2 $0x1082  }
0x22: {  	[simem:s7], [sflag:s8] =	dma.local @!p0 [hbm:s6], $0xF7A  }
0x23: {  	s9 =	sor.u32 $0xD0000000, s2;
	s6 =	simm.s32 $0x108;
	_ =	swait.ge @!p0 [sflag:s8], $0x0  }
0x24: {  	s3 =	sadd.s32 $0x88, s3;
	s6 =	simm.s32 @!p1 $0x1082;
	[sflag:s4] =	ssyncset.s32 $0xFFFFF086  }
0x25: {  	[simem:s6], [sflag:s4] =	dma.local [hbm:s3], $0xF7A  }
0x26: {  	[smem:$0x3F8A] =	sst s1;
	(tag) =	ssettag s2;
	_ =	strace s9  }
0x27: {  	s1 =	sld [smem:$0x3F9A]  }
0x28: {  	s2 =	sld [smem:$0x3F9B]  }
0x29: {  	s4 =	sld [smem:$0x3F9D]  }
0x2a: {  	p0 =	seq.s32 s5, $0x0;
	s5 =	sld [smem:$0x3F9E]  }
0x2b: {  	s6 =	sld [smem:$0x3F9F]  }
0x2c: {  	s7 =	sld [smem:$0x3FA0]  }
0x2d: {  	s3 =	simm.s32 $0x108;
	s8 =	sld [smem:$0x3FA1]  }
0x2e: {  	s3 =	simm.s32 @!p0 $0x1082;
	s9 =	sld [smem:$0x3FA2]  }
0x2f: {  	lr =	sadd.s32 s0, s3;
	s0 =	sld [smem:$0x3F99]  }
0x30: {  	s3 =	sld [smem:$0x3F9C]  }
0x31: {  	[smem:$0x3FA5] =	sst s10  }
0x32: {  	s10 =	sld [smem:$0x3FA3];
	_ =	sdelay $0x3  }
0x33: {  	p0 =	seq.s32 s10, $0x1;
	s10 =	sld [smem:$0x3FA5];
	_ =	sdelay $0x3  }
0x34: {  	[smem:$0x3FA5] =	sst s10  }
0x35: {  	s10 =	sld [smem:$0x3FA4];
	_ =	sdelay $0x3  }
0x36: {  	p1 =	seq.s32 s10, $0x1;
	s10 =	sld [smem:$0x3FA5];
	_ =	sdelay $0x3  }
0x37: {  	[smem:$0x3FA5] =	sst s10  }
0x38: {  	s10 =	sld [smem:$0x3FA6]  }
0x39: {  	_ = 	snop;
	(pc) =	sbr.ind lr, $3  }
0x3a: {  	_ = 	snop  }
0x3b: {  	_ = 	snop  }
0x3c: {  	p2 =	seq.s32 s10, $0x1;
	s10 =	sld [smem:$0x3FA5]  }
0x3d: {  	_ =	shalt  }
0x3e: {  	_ =	shalt  }
0x3f: {  	_ =	shalt  }
0x40: {  	_ =	shalt  }
0x41: {  	_ =	shalt  }
0x42: {  	_ =	shalt  }
0x43: {  	_ =	shalt  }
0x44: {  	_ =	shalt  }
0x45: {  	_ =	shalt  }
0x46: {  	_ =	shalt  }
0x47: {  	_ =	shalt  }
0x48: {  	_ =	shalt  }
0x49: {  	_ =	shalt  }
0x4a: {  	_ =	shalt  }
0x4b: {  	_ =	shalt  }
0x4c: {  	_ =	shalt  }
0x4d: {  	_ =	shalt  }
0x4e: {  	_ =	shalt  }
0x4f: {  	_ =	shalt  }
0x50: {  	_ =	shalt  }
0x51: {  	_ =	shalt  }
0x52: {  	_ =	shalt  }
0x53: {  	_ =	shalt  }
0x54: {  	_ =	shalt  }
0x55: {  	_ =	shalt  }
0x56: {  	_ =	shalt  }
0x57: {  	_ =	shalt  }
0x58: {  	_ =	shalt  }
0x59: {  	_ =	shalt  }
0x5a: {  	_ =	shalt  }
0x5b: {  	_ =	shalt  }
0x5c: {  	_ =	shalt  }
0x5d: {  	_ =	shalt  }
0x5e: {  	_ =	shalt  }
0x5f: {  	_ =	shalt  }
0x60: {  	_ =	shalt  }
0x61: {  	_ =	shalt  }
0x62: {  	_ =	shalt  }
0x63: {  	_ =	shalt  }
0x64: {  	_ =	shalt  }
0x65: {  	_ =	shalt  }
0x66: {  	_ =	shalt  }
0x67: {  	_ =	shalt  }
0x68: {  	_ =	shalt  }
0x69: {  	_ =	shalt  }
0x6a: {  	_ =	shalt  }
0x6b: {  	_ =	shalt  }
0x6c: {  	_ =	shalt  }
0x6d: {  	_ =	shalt  }
0x6e: {  	_ =	shalt  }
0x6f: {  	_ =	shalt  }
0x70: {  	_ =	shalt  }
0x71: {  	_ =	shalt  }
0x72: {  	_ =	shalt  }
0x73: {  	_ =	shalt  }
0x74: {  	_ =	shalt  }
0x75: {  	_ =	shalt  }
0x76: {  	_ =	shalt  }
0x77: {  	_ =	shalt  }
0x78: {  	_ =	shalt  }
0x79: {  	_ =	shalt  }
0x7a: {  	_ =	shalt  }
0x7b: {  	_ =	shalt  }
0x7c: {  	_ =	shalt  }
0x7d: {  	_ =	shalt  }
0x7e: {  	_ =	shalt  }
0x7f: {  	_ =	shalt  }
0x80: {  	_ =	shalt  }
0x81: {  	_ =	shalt  }
0x82: {  	_ =	shalt  }
0x83: {  	_ =	shalt  }
0x84: {  	_ =	shalt  }
0x85: {  	_ =	shalt  }
0x86: {  	_ =	shalt  }
0x87: {  	_ =	shalt  }
.Lfunc_end0:
.L_simem_size_0:
called_computation_lowered:
.L_overlay_start_0:
0x88: {  	s2 =	sld [smem:$0x3FD9]  }
0x89: {  	s3 =	sld [smem:$0x3FFE];
	_ =	sdelay $0x1  }
0x8a: {  	s1 =	srdreg.scid  }
0x8b: {  	s0 =	sand.u32 $0x1, s1  }
0x8c: {  	s16 =	sshll.u32 s0, $0xA;
	s2 =	sadd.s32 s3, s2  }
0x8d: {  	s2 =	sadd.s32 s2, s16  }
0x8e: {  	[smem:$0x3FB1] =	sst s2  }
0x8f: {  	_ = 	snop  }
0x90: {  	(tm) =	ssettm $0x1  }
0x91: {  	s17 =	sld [smem:$0x3FFB];
	_ =	sdelay $0x3  }
0x92: {  	_ =	strace s17  }
0x93: {  	s2 =	sld [smem:$0x3FFC];
	_ =	sdelay $0x3  }
0x94: {  	_ =	strace s2  }
0x95: {  	s2 =	sld [smem:$0x3FFD];
	_ =	sdelay $0x3  }
0x96: {  	_ =	strace s2  }
0x97: {  	_ =	strace $0x8FFFFFFF  }
0x98: {  	s18 =	sld [smem:$0x3FDB];
	_ =	sdelay $0x1  }
0x99: {  	s19 =	simm.s32 $_scs_section_size  }
0x9a: {  	s4 =	simm.s32 $_size__tile_overlayer_lowered;
	s5 =	simm.s32 $_tile_overlayer_lowered  }
0x9b: {  	s22 =	simm.s32 $0x1BFF;
	s21 =	sshll.u32 s5, $0x1;
	s2 =	sadd.s32 s19, s18  }
0x9c: {  	s6 =	simm.s32 $0x0;
	s20 =	sshll.u32 s4, $0x1;
	s4 =	sadd.s32 s21, s2  }
0x9d: {  	[timem:s6], [sflag:s22] =	dma.local [hbm:s4], s20  }
0x9e: {  	_ =	swait.ge [sflag:s22], s20  }
0x9f: {  	s3 =	ssub.s32 $0x0, s20;
	[sflag:s22] =	ssyncset.done $0x0  }
0xa0: {  	[sflag:s22] =	ssyncadd.s32 s3;
	_ =	sdelay $0x1  }
0xa1: {  	s23 =	simm.s32 $0x1B8B  }
0xa2: {  	_ =	swait.ge [sflag:s23], $0x1  }
0xa3: {  	[sflag:s23] =	ssyncset.done $0x0  }
0xa4: {  	s25 =	simm.s32 $0x1B8E;
	s24 =	sld [smem:$0x3FFE];
	[sflag:s23] =	ssyncadd.s32 $0xFFFFFFFF  }
0xa5: {  	s26 =	simm.s32 $execute0_lowered;
	[smem:$0x3FD2] =	sst s25  }
0xa6: {  	s4 =	sshll.u32 s26, $0x1;
	_ =	strace $0x80000046;
	[dreg:$0x1] =	wrdreg $0xFFFFFFFF  }
0xa7: {  	s28 =	simm.s32 $_size_execute0_lowered;
	s2 =	sadd.s32 s2, s4;
	[dreg:$0x0] =	wrdreg $0x0  }
0xa8: {  	s4 =	sshll.u32 s28, $0x1;
	[dreg:$0x2] =	wrdreg s2  }
0xa9: {  	[dreg:$0x3] =	wrdreg s4  }
0xaa: {  	[dreg:$0x4] =	wrdreg $0xC0  }
0xab: {  	_ =	task [dreg:s6], $0x5FFFF  }
0xac: {  	[dreg:$0x1] =	wrdreg $0xFFFFFFFF  }
0xad: {  	[dreg:$0x0] =	wrdreg $0x60  }
0xae: {  	[dreg:$0x2] =	wrdreg s24  }
0xaf: {  	[dreg:$0x3] =	wrdreg $0x31100  }
0xb0: {  	[dreg:$0x4] =	wrdreg $0x9  }
0xb1: {  	_ =	task.clear_ibuf [dreg:s6], $0x5FFFF;
	_ =	strace $0x90000046  }
0xb2: {  	s29 =	simm.s32 $0x9;
	_ =	strace $0x80000048  }
0xb3: {  	_ =	swait.ge [sflag:s29], $0x1  }
0xb4: {  	[sflag:s29] =	ssyncadd.s32 $0xFFFFFFFF  }
0xb5: {  	_ =	strace $0x90000048  }
0xb6: {  	_ =	sfence  }
0xb7: {  	s30 =	sld [smem:$0x0];
	_ =	sdelay $0x2  }
0xb8: {  	s31 =	sshll.u32 s1, $0xD;
	s1 =	sshrl.u32 s1, $0x2  }
0xb9: {  	s3 =	sand.u32 $0x4000, s31;
	s1 =	sadd.s32 s1, s30  }
0xba: {  	s0 =	sor.u32 s3, s0;
	s1 =	sshll.u32 s1, $0x11  }
0xbb: {  	s0 =	sor.u32 s1, s0  }
0xbc: {  	s0 =	sadd.s32 $0x8F2B, s0  }
0xbd: {  	[sflag:s0] =	ssyncadd.remote.s32 $0x1  }
0xbe: {  	_ =	sfence.sel $0xFFFF  }
0xbf: {  	[dreg:$0x0] =	wrdreg $0xFFFFFFFF;
	(pc) =	sbr.abs _section_cstart, $3  }
0xc0: {  	[dreg:$0x1] =	wrdreg $0xFFFFFFFF  }
0xc1: {  	_ =	task.clear_ibuf [dreg:s6], $0x2FFFF;
	_ =	strace $0x9FFFFFFF  }
0xc2: {  	(tm) =	ssettm $0x7FFFFFFF  }
0xc3: {  	_ =	shalt  }
tec
execute0_lowered:
.L_overlay_start_1:
0x0: {  	(tag) =	ssettag $0x1  }
0x1: {  	s1 =	srdreg.scid  }
0x2: {  	s0 =	stileid.u32;
	s5 =	rddreg [dreg:$0x0]  }
0x3: {  	s2 =	rddreg [dreg:$0x1];
	s3 =	simm.s32 $0x0;
	s15 =	simm.s32 $0x3  }
0x4: {  	s16 =	simm.s32 $0x2710;
	s17 =	simm.s32 $0x50;
	s18 =	simm.s32 $0x2C10  }
0x5: {  	s19 =	simm.s32 $0x1;
	s20 =	simm.s32 $0x2;
	s21 =	simm.s32 $0x26C0  }
0x6: {  	s23 =	simm.s32 $0x0;
	s4 =	sand.u32 $0x1, s1;
	s7 =	smul.u32 $0x2800, s0  }
0x7: {  	s31 =	sshll.u32 s0, $0x1;
	[smem:$0x7FF] =	sst s3;
	s9 =	smul.u32 $0xA000, s0  }
0x8: {  	s22 =	sshll.u32 s0, $0x6;
	s1 =	sor.u32 s4, s31;
	s8 =	smul.u32 $0x28000, s4  }
0x9: {  	s4 =	ssub.s32 $0x2, s4;
	s22 =	sor.u32 $0x1C03, s22;
	s6 =	smul.u32 $0x4E2, s1  }
0xa: {  	s1 =	rddreg [dreg:$0x2];
	_ =	strace $0x80000047;
	s10 =	sshrl.u32 s4, $0x1  }
0xb: {  	s9 =	sshrl.u32 s9, $0x2;
	s8 =	sadd.s32 s7, s8;
	s14 =	ssub.s32 s4, s10  }
0xc: {  	v0 =	vlaneseq.u32;
	s12 =	sadd.s32 s9, s2;
	s6 =	sadd.s32 s6, s5;
	s8 =	sshrl.u32 s8, $0x3  }
0xd: {  	v0 =	vmul.u32 $0x10, v0;
	s9 =	sadd.s32 $0x1400, s12;
	s10 =	sadd.s32 $0x1900, s12;
	s11 =	sadd.s32 $0x1E00, s12  }
0xe: {  	s14 =	smax.u32 s14, $0x1;
	s13 =	sadd.s32 s8, s5;
	s4 =	sadd.s32 $0x5A00, s6  }
0xf: {  	v1 =	vimm.f32 $0.0e+00;
	v2 =	vimm.f32 $1.000000000e+00;
	v3 =	vor.u32 $0x100, v0;
	s5 =	sadd.s32 s7, s2;
	s6 =	sadd.s32 $0x500, s12;
	s7 =	sadd.s32 $0xA00, s12  }
0x10: {  	v4 =	vor.u32 $0x200, v0;
	v5 =	vor.u32 $0x300, v0;
	v6 =	vor.u32 $0x400, v0;
	s8 =	sadd.s32 $0xF00, s12;
	s12 =	sadd.s32 $0x2300, s12;
	s13 =	sadd.s32 $0x19600, s13  }
.LBB2_1:
0x11: {  	[tilespmem:s3], [sflag:$0x3] =	stream.linear.gather [hbm4b:s4+s3], $0x2710, $0x38;
	[tilespmem:$0x5910] =	vst v63  }
0x12: {  	_ =	swait.ge [sflag:s15], $0x2710  }
0x13: {  	[sflag:s15] =	ssyncset.done $0x0  }
0x14: {  	s24 =	simm.s32 $0x40;
	s25 =	simm.s32 $0x0;
	[sflag:s15] =	ssyncadd.s32 $0xFFFFD8F0  }
.LBB2_2:
0x15: {  	p0 =	sne.s32 s24, $0x13C0;
	[tilespmem:s25+$0x2710] =	vst v1;
	s25 =	smov.u32 s24;
	s24 =	sadd.s32 $0x40, s24  }
.Ltmp0:
0x16: {  	(pc) =	sbr.rel @p0 .LBB2_2-.Ltmp0, $2  }
0x17: {  	_ =	sdelay $0x2  }
0x18: {  	s25 =	sshra.s32 s25, $0x2  }
0x19: {  	[tilespmem:s25+$0x2710] =	vst v1  }
0x1a: {  	[spmem:s5] =	stream.linear.scatter [tilespmem:s16], [sflag:$0x3], $0x500, $0x38;
	[tilespmem:$0x5910] =	vst v63  }
0x1b: {  	_ =	swait.ge [sflag:s15], $0x500  }
0x1c: {  	[sflag:s15] =	ssyncset.done $0x0  }
0x1d: {  	[sflag:s15] =	ssyncadd.s32 $0xFFFFFB00  }
0x1e: {  	[spmem:s6] =	stream.linear.scatter [tilespmem:s16], [sflag:$0x3], $0x500, $0x38;
	[tilespmem:$0x5910] =	vst v63  }
0x1f: {  	_ =	swait.ge [sflag:s15], $0x500  }
0x20: {  	[sflag:s15] =	ssyncset.done $0x0  }
0x21: {  	[sflag:s15] =	ssyncadd.s32 $0xFFFFFB00  }
0x22: {  	[spmem:s7] =	stream.linear.scatter [tilespmem:s16], [sflag:$0x3], $0x500, $0x38;
	[tilespmem:$0x5910] =	vst v63  }
0x23: {  	_ =	swait.ge [sflag:s15], $0x500  }
0x24: {  	[sflag:s15] =	ssyncset.done $0x0  }
0x25: {  	[sflag:s15] =	ssyncadd.s32 $0xFFFFFB00  }
0x26: {  	[spmem:s8] =	stream.linear.scatter [tilespmem:s16], [sflag:$0x3], $0x500, $0x38;
	[tilespmem:$0x5910] =	vst v63  }
0x27: {  	_ =	swait.ge [sflag:s15], $0x500  }
0x28: {  	[sflag:s15] =	ssyncset.done $0x0  }
0x29: {  	[sflag:s15] =	ssyncadd.s32 $0xFFFFFB00  }
0x2a: {  	[spmem:s9] =	stream.linear.scatter [tilespmem:s16], [sflag:$0x3], $0x500, $0x38;
	[tilespmem:$0x5910] =	vst v63  }
0x2b: {  	_ =	swait.ge [sflag:s15], $0x500  }
0x2c: {  	[sflag:s15] =	ssyncset.done $0x0  }
0x2d: {  	[sflag:s15] =	ssyncadd.s32 $0xFFFFFB00  }
0x2e: {  	[spmem:s10] =	stream.linear.scatter [tilespmem:s16], [sflag:$0x3], $0x500, $0x38;
	[tilespmem:$0x5910] =	vst v63  }
0x2f: {  	_ =	swait.ge [sflag:s15], $0x500  }
0x30: {  	[sflag:s15] =	ssyncset.done $0x0  }
0x31: {  	[sflag:s15] =	ssyncadd.s32 $0xFFFFFB00  }
0x32: {  	[spmem:s11] =	stream.linear.scatter [tilespmem:s16], [sflag:$0x3], $0x500, $0x38;
	[tilespmem:$0x5910] =	vst v63  }
0x33: {  	_ =	swait.ge [sflag:s15], $0x500  }
0x34: {  	[sflag:s15] =	ssyncset.done $0x0  }
0x35: {  	[sflag:s15] =	ssyncadd.s32 $0xFFFFFB00  }
0x36: {  	[spmem:s12] =	stream.linear.scatter [tilespmem:s16], [sflag:$0x3], $0x500, $0x38;
	[tilespmem:$0x5910] =	vst v63  }
0x37: {  	_ =	swait.ge [sflag:s15], $0x500  }
0x38: {  	[sflag:s15] =	ssyncset.done $0x0  }
0x39: {  	[sflag:s15] =	ssyncadd.s32 $0xFFFFFB00  }
0x3a: {  	[bflag:$0x0] =	sbarrier.arrive $0xFFFF  }
0x3b: {  	[tilespmem:v0+s16+$0x0] =	vst.idx.msk $0xffff, v2  }
0x3c: {  	[tilespmem:v3+s16+$0x0] =	vst.idx.msk $0xffff, v2  }
0x3d: {  	[tilespmem:v4+s16+$0x0] =	vst.idx.msk $0xffff, v2  }
0x3e: {  	[tilespmem:v5+s16+$0x0] =	vst.idx.msk $0xffff, v2  }
0x3f: {  	s24 =	simm.s32 $0x0;
	[tilespmem:v6+s16+$0x0] =	vst.idx.msk $0xffff, v2  }
0x40: {  	[spmem:s2] =	stream.indirect.scatter.add.f32 [tilespmem:s16], [sflag:$0x1], $0x10, s24, s17, $0xb8;
	[tilespmem:$0x5910] =	vst v63  }
0x41: {  	[tilespmem:v0+s18+$0x0] =	vst.idx.msk $0xffff, v2  }
0x42: {  	[tilespmem:v3+s18+$0x0] =	vst.idx.msk $0xffff, v2  }
0x43: {  	[tilespmem:v4+s18+$0x0] =	vst.idx.msk $0xffff, v2  }
0x44: {  	[tilespmem:v5+s18+$0x0] =	vst.idx.msk $0xffff, v2  }
0x45: {  	s31 =	simm.s32 $0x50;
	[tilespmem:v6+s18+$0x0] =	vst.idx.msk $0xffff, v2  }
0x46: {  	[spmem:s2] =	stream.indirect.scatter.add.f32 [tilespmem:s18], [sflag:$0x2], $0x10, s31, s17, $0xb8;
	[tilespmem:$0x5910] =	vst v63  }
0x47: {  	_ =	swait.ge [sflag:s19], $0x500  }
0x48: {  	[sflag:s19] =	ssyncset.done $0x0  }
0x49: {  	[sflag:s19] =	ssyncadd.s32 $0xFFFFFB00  }
0x4a: {  	[tilespmem:v0+s16+$0x0] =	vst.idx.msk $0xffff, v2  }
0x4b: {  	[tilespmem:v3+s16+$0x0] =	vst.idx.msk $0xffff, v2  }
0x4c: {  	[tilespmem:v4+s16+$0x0] =	vst.idx.msk $0xffff, v2  }
0x4d: {  	[tilespmem:v5+s16+$0x0] =	vst.idx.msk $0xffff, v2  }
0x4e: {  	[tilespmem:v6+s16+$0x0] =	vst.idx.msk $0xffff, v2  }
0x4f: {  	_ =	swait.ge [sflag:s20], $0x500  }
0x50: {  	s25 =	simm.s32 $0x500;
	s24 =	simm.s32 $0x280;
	[sflag:s20] =	ssyncset.done $0x0  }
.LBB2_4:
0x51: {  	s26 =	sshra.s32 s24, $0x2  }
0x52: {  	[sflag:s20] =	ssyncadd.s32 $0xFFFFFB00;
	s24 =	smov.u32 s25;
	s28 =	sadd.s32 $0x280, s25  }
0x53: {  	[spmem:s2] =	stream.indirect.scatter.add.f32 [tilespmem:s16], [sflag:$0x1], $0x10, s26, s17, $0xb8;
	[tilespmem:$0x5910] =	vst v63  }
0x54: {  	p0 =	sne.s32 s25, $0x9880;
	[tilespmem:v0+s18+$0x0] =	vst.idx.msk $0xffff, v2  }
0x55: {  	[tilespmem:v3+s18+$0x0] =	vst.idx.msk $0xffff, v2  }
0x56: {  	[tilespmem:v4+s18+$0x0] =	vst.idx.msk $0xffff, v2  }
0x57: {  	[tilespmem:v5+s18+$0x0] =	vst.idx.msk $0xffff, v2  }
0x58: {  	s25 =	sadd.s32 $0x50, s26;
	[tilespmem:v6+s18+$0x0] =	vst.idx.msk $0xffff, v2  }
0x59: {  	[spmem:s2] =	stream.indirect.scatter.add.f32 [tilespmem:s18], [sflag:$0x2], $0x10, s25, s17, $0xb8;
	[tilespmem:$0x5910] =	vst v63  }
0x5a: {  	_ =	swait.ge [sflag:s19], $0x500  }
0x5b: {  	[sflag:s19] =	ssyncset.done $0x0  }
0x5c: {  	[sflag:s19] =	ssyncadd.s32 $0xFFFFFB00  }
0x5d: {  	[tilespmem:v0+s16+$0x0] =	vst.idx.msk $0xffff, v2  }
0x5e: {  	[tilespmem:v3+s16+$0x0] =	vst.idx.msk $0xffff, v2  }
.Ltmp1:
0x5f: {  	[tilespmem:v4+s16+$0x0] =	vst.idx.msk $0xffff, v2;
	(pc) =	sbr.rel @p0 .LBB2_4-.Ltmp1, $4  }
0x60: {  	[tilespmem:v5+s16+$0x0] =	vst.idx.msk $0xffff, v2  }
0x61: {  	[tilespmem:v6+s16+$0x0] =	vst.idx.msk $0xffff, v2  }
0x62: {  	_ =	swait.ge [sflag:s20], $0x500  }
0x63: {  	s25 =	smov.u32 s28;
	[sflag:s20] =	ssyncset.done $0x0  }
0x64: {  	_ =	sdelay $0x1  }
0x65: {  	s24 =	sshra.s32 s24, $0x2;
	[sflag:s20] =	ssyncadd.s32 $0xFFFFFB00  }
0x66: {  	[spmem:s2] =	stream.indirect.scatter.add.f32 [tilespmem:s16], [sflag:$0x1], $0x10, s24, s17, $0xb8;
	[tilespmem:$0x5910] =	vst v63  }
0x67: {  	[tilespmem:v0+s18+$0x0] =	vst.idx.msk $0xffff, v2  }
0x68: {  	[tilespmem:v3+s18+$0x0] =	vst.idx.msk $0xffff, v2  }
0x69: {  	[tilespmem:v4+s18+$0x0] =	vst.idx.msk $0xffff, v2  }
0x6a: {  	[tilespmem:v5+s18+$0x0] =	vst.idx.msk $0xffff, v2  }
0x6b: {  	s24 =	sadd.s32 $0x50, s24;
	[tilespmem:v6+s18+$0x0] =	vst.idx.msk $0xffff, v2  }
0x6c: {  	[spmem:s2] =	stream.indirect.scatter.add.f32 [tilespmem:s18], [sflag:$0x2], $0x10, s24, s17, $0xb8;
	[tilespmem:$0x5910] =	vst v63  }
0x6d: {  	_ =	swait.ge [sflag:s19], $0x500  }
0x6e: {  	[sflag:s19] =	ssyncset.done $0x0  }
0x6f: {  	[sflag:s19] =	ssyncadd.s32 $0xFFFFFB00  }
0x70: {  	[tilespmem:v0+s16+$0x0] =	vst.idx.msk $0xffff, v2  }
0x71: {  	[tilespmem:v3+s16+$0x0] =	vst.idx.msk $0xffff, v2  }
0x72: {  	[tilespmem:v4+s16+$0x0] =	vst.idx.msk $0xffff, v2  }
0x73: {  	[tilespmem:v5+s16+$0x0] =	vst.idx.msk $0xffff, v2  }
0x74: {  	[tilespmem:v6+s16+$0x0] =	vst.idx.msk $0xffff, v2  }
0x75: {  	_ =	swait.ge [sflag:s20], $0x500  }
0x76: {  	[sflag:s20] =	ssyncset.done $0x0  }
0x77: {  	[sflag:s20] =	ssyncadd.s32 $0xFFFFFB00  }
0x78: {  	[spmem:s2] =	stream.indirect.scatter.add.f32 [tilespmem:s16], [sflag:$0x1], $0x10, s21, s17, $0xb8;
	[tilespmem:$0x5910] =	vst v63  }
0x79: {  	_ =	swait.ge [sflag:s19], $0x500  }
0x7a: {  	s23 =	sadd.s32 $0x1, s23;
	[sflag:s19] =	ssyncset.done $0x0  }
0x7b: {  	p0 =	sne.s32 s23, s14;
	[sflag:s19] =	ssyncadd.s32 $0xFFFFFB00  }
.Ltmp2:
0x7c: {  	s31 =	sshrl.u32 s5, $0x3;
	[bflag:$0x0] =	sbarrier.arrive $0xFFFF;
	(pc) =	sbr.rel @p0 .LBB2_1-.Ltmp2, $4  }
0x7d: {  	[hbm:s13], [sflag:s22] =	dma.local [spmem:s31], $0x500  }
0x7e: {  	_ =	swait.ge [sflag:s15], $0x500  }
0x7f: {  	[sflag:s15] =	ssyncset.done $0x0  }
0x80: {  	[sflag:s15] =	ssyncadd.s32 $0xFFFFFB00  }
0x81: {  	_ =	sfence.sel $0x180000  }
0x82: {  	[bflag:$0x0] =	sbarrier.arrive $0xFFFF  }
0x83: {  	p0 =	sne.s32 s0, $0x0;
	_ =	strace $0x90000047  }
0x84: {  	s0 =	sadd.s32 @!p0 $0x100000, s1;
	[bflag:$0x2] =	sbarrier.arrive $0xFFFF  }
0x85: {  	[sflag:s0] =	ssyncadd.tile.s32 @!p0 $0x1;
	_ =	shalt  }
.Lfunc_end2:
_tile_overlayer_lowered:
.L_overlay_start_2:
0x86: {  	(tag) =	ssettag $0x2  }
0x87: {  	s0 =	rddreg [dreg:$0x0];
	s2 =	stileid.u32  }
0x88: {  	s1 =	rddreg [dreg:$0x1];
	p0 =	sne.s32 s2, $0x0  }
0x89: {  	s3 =	rddreg [dreg:$0x2];
	[bflag:$0x3] =	sbarrier.arrive $0xFFFF;
	s2 =	simm.s32 @!p0 $0x1C03  }
0x8a: {  	[timem:s3], [sflag:s2] =	dma.local @!p0 [hbm:s0], s1  }
0x8b: {  	s0 =	simm.s32 @!p0 $0x3  }
0x8c: {  	_ =	swait.ge @!p0 [sflag:s0], s1  }
0x8d: {  	s1 =	ssub.s32 @!p0 $0x0, s1;
	[sflag:s0] =	ssyncset.done @!p0 $0x0  }
0x8e: {  	[sflag:s0] =	ssyncadd.s32 @!p0 s1  }
0x8f: {  	[bflag:$0x3] =	sbarrier.arrive $0xFFFF  }
0x90: {  	_ =	shalt  }

// kernel: kernel.16.cloned.1.call-start
scs
__scs_entry_jumppad:
0x0: {  	(pc) =	sbr.rel $0x88, $3  }
0x1: {  	(tag) =	ssettag $0x0;
	lr =	simm.s32 $0x1  }
0x2: {  	[smem:$0x3F8A] =	sst lr;
	_ =	strace $0xD0000000  }
0x3: {  	_ = 	snop  }
0x4: {  	_ = 	snop  }
0x5: {  	_ = 	snop  }
0x6: {  	_ = 	snop  }
0x7: {  	_ = 	snop  }
__scs_overlays_trampoline_lowered:
0x8: {  	[smem:$0x3F99] =	sst s0  }
0x9: {  	[smem:$0x3F9A] =	sst s1  }
0xa: {  	[smem:$0x3F9B] =	sst s2  }
0xb: {  	[smem:$0x3F9C] =	sst s3  }
0xc: {  	[smem:$0x3F9D] =	sst s4  }
0xd: {  	[smem:$0x3F9E] =	sst s5  }
0xe: {  	[smem:$0x3F9F] =	sst s6  }
0xf: {  	[smem:$0x3FA0] =	sst s7  }
0x10: {  	[smem:$0x3FA1] =	sst s8  }
0x11: {  	[smem:$0x3FA2] =	sst s9;
	s0 =	simm.s32 @!p0 $0x0  }
0x12: {  	s1 =	sld [smem:$0x3F88];
	s0 =	simm.s32 @p0 $0x1  }
0x13: {  	[smem:$0x3FA3] =	sst s0;
	s0 =	simm.s32 @!p1 $0x0  }
0x14: {  	s2 =	sld [smem:$0x3F87];
	s0 =	simm.s32 @p1 $0x1  }
0x15: {  	[smem:$0x3FA4] =	sst s0;
	s0 =	simm.s32 @!p2 $0x0  }
0x16: {  	s3 =	sld [smem:$0x3FDB];
	s0 =	simm.s32 @p2 $0x1  }
0x17: {  	s4 =	simm.s32 $0x1BF5;
	[smem:$0x3FA6] =	sst s0  }
0x18: {  	s0 =	sld [smem:$0x3F89];
	_ =	swait.ge [sflag:s4], $0x0  }
0x19: {  	s7 =	sld [smem:$0x3F8A]  }
0x1a: {  	s8 =	sadd.s32 $0xFFFFE003, lr  }
0x1b: {  	s9 =	sadd.s32 $0xFFFFFEF7, lr;
	s5 =	simm.s32 $0xFFFFFFFF;
	p2 =	slt.u32 s8, $0xFFFFF086  }
0x1c: {  	p1 =	slt.u32 s9, $0xF7A;
	s5 =	simm.s32 @!p2 $0x0  }
0x1d: {  	s5 =	simm.s32 @p1 $0x1;
	p0 =	seq.s32 s7, s2  }
0x1e: {  	s7 =	smul.u32 @!p0 $0xF7A, s2;
	p2 =	seq.s32 @!p0 s5, $0x0  }
0x1f: {  	s9 =	smul.u32 $0xF7A, s1;
	s8 =	simm.s32 @!p0 $0x1BF5;
	p2 =	por !p2, p0  }
0x20: {  	[sflag:s8] =	ssyncset.s32 @!p0 $0xFFFFF086;
	s6 =	sadd.s32 @!p0 s3, s7;
	s7 =	simm.s32 @!p0 $0x108  }
0x21: {  	s3 =	sadd.s32 s3, s9;
	s6 =	sadd.s32 @!p0 $0x88, s6;
	s7 =	simm.s32 @p2 $0x1082  }
0x22: {  	[simem:s7], [sflag:s8] =	dma.local @!p0 [hbm:s6], $0xF7A  }
0x23: {  	s9 =	sor.u32 $0xD0000000, s2;
	s6 =	simm.s32 $0x108;
	_ =	swait.ge @!p0 [sflag:s8], $0x0  }
0x24: {  	s3 =	sadd.s32 $0x88, s3;
	s6 =	simm.s32 @!p1 $0x1082;
	[sflag:s4] =	ssyncset.s32 $0xFFFFF086  }
0x25: {  	[simem:s6], [sflag:s4] =	dma.local [hbm:s3], $0xF7A  }
0x26: {  	[smem:$0x3F8A] =	sst s1;
	(tag) =	ssettag s2;
	_ =	strace s9  }
0x27: {  	s1 =	sld [smem:$0x3F9A]  }
0x28: {  	s2 =	sld [smem:$0x3F9B]  }
0x29: {  	s4 =	sld [smem:$0x3F9D]  }
0x2a: {  	p0 =	seq.s32 s5, $0x0;
	s5 =	sld [smem:$0x3F9E]  }
0x2b: {  	s6 =	sld [smem:$0x3F9F]  }
0x2c: {  	s7 =	sld [smem:$0x3FA0]  }
0x2d: {  	s3 =	simm.s32 $0x108;
	s8 =	sld [smem:$0x3FA1]  }
0x2e: {  	s3 =	simm.s32 @!p0 $0x1082;
	s9 =	sld [smem:$0x3FA2]  }
0x2f: {  	lr =	sadd.s32 s0, s3;
	s0 =	sld [smem:$0x3F99]  }
0x30: {  	s3 =	sld [smem:$0x3F9C]  }
0x31: {  	[smem:$0x3FA5] =	sst s10  }
0x32: {  	s10 =	sld [smem:$0x3FA3];
	_ =	sdelay $0x3  }
0x33: {  	p0 =	seq.s32 s10, $0x1;
	s10 =	sld [smem:$0x3FA5];
	_ =	sdelay $0x3  }
0x34: {  	[smem:$0x3FA5] =	sst s10  }
0x35: {  	s10 =	sld [smem:$0x3FA4];
	_ =	sdelay $0x3  }
0x36: {  	p1 =	seq.s32 s10, $0x1;
	s10 =	sld [smem:$0x3FA5];
	_ =	sdelay $0x3  }
0x37: {  	[smem:$0x3FA5] =	sst s10  }
0x38: {  	s10 =	sld [smem:$0x3FA6]  }
0x39: {  	_ = 	snop;
	(pc) =	sbr.ind lr, $3  }
0x3a: {  	_ = 	snop  }
0x3b: {  	_ = 	snop  }
0x3c: {  	p2 =	seq.s32 s10, $0x1;
	s10 =	sld [smem:$0x3FA5]  }
0x3d: {  	_ =	shalt  }
0x3e: {  	_ =	shalt  }
0x3f: {  	_ =	shalt  }
0x40: {  	_ =	shalt  }
0x41: {  	_ =	shalt  }
0x42: {  	_ =	shalt  }
0x43: {  	_ =	shalt  }
0x44: {  	_ =	shalt  }
0x45: {  	_ =	shalt  }
0x46: {  	_ =	shalt  }
0x47: {  	_ =	shalt  }
0x48: {  	_ =	shalt  }
0x49: {  	_ =	shalt  }
0x4a: {  	_ =	shalt  }
0x4b: {  	_ =	shalt  }
0x4c: {  	_ =	shalt  }
0x4d: {  	_ =	shalt  }
0x4e: {  	_ =	shalt  }
0x4f: {  	_ =	shalt  }
0x50: {  	_ =	shalt  }
0x51: {  	_ =	shalt  }
0x52: {  	_ =	shalt  }
0x53: {  	_ =	shalt  }
0x54: {  	_ =	shalt  }
0x55: {  	_ =	shalt  }
0x56: {  	_ =	shalt  }
0x57: {  	_ =	shalt  }
0x58: {  	_ =	shalt  }
0x59: {  	_ =	shalt  }
0x5a: {  	_ =	shalt  }
0x5b: {  	_ =	shalt  }
0x5c: {  	_ =	shalt  }
0x5d: {  	_ =	shalt  }
0x5e: {  	_ =	shalt  }
0x5f: {  	_ =	shalt  }
0x60: {  	_ =	shalt  }
0x61: {  	_ =	shalt  }
0x62: {  	_ =	shalt  }
0x63: {  	_ =	shalt  }
0x64: {  	_ =	shalt  }
0x65: {  	_ =	shalt  }
0x66: {  	_ =	shalt  }
0x67: {  	_ =	shalt  }
0x68: {  	_ =	shalt  }
0x69: {  	_ =	shalt  }
0x6a: {  	_ =	shalt  }
0x6b: {  	_ =	shalt  }
0x6c: {  	_ =	shalt  }
0x6d: {  	_ =	shalt  }
0x6e: {  	_ =	shalt  }
0x6f: {  	_ =	shalt  }
0x70: {  	_ =	shalt  }
0x71: {  	_ =	shalt  }
0x72: {  	_ =	shalt  }
0x73: {  	_ =	shalt  }
0x74: {  	_ =	shalt  }
0x75: {  	_ =	shalt  }
0x76: {  	_ =	shalt  }
0x77: {  	_ =	shalt  }
0x78: {  	_ =	shalt  }
0x79: {  	_ =	shalt  }
0x7a: {  	_ =	shalt  }
0x7b: {  	_ =	shalt  }
0x7c: {  	_ =	shalt  }
0x7d: {  	_ =	shalt  }
0x7e: {  	_ =	shalt  }
0x7f: {  	_ =	shalt  }
0x80: {  	_ =	shalt  }
0x81: {  	_ =	shalt  }
0x82: {  	_ =	shalt  }
0x83: {  	_ =	shalt  }
0x84: {  	_ =	shalt  }
0x85: {  	_ =	shalt  }
0x86: {  	_ =	shalt  }
0x87: {  	_ =	shalt  }
.Lfunc_end0:
.L_simem_size_0:
called_computation.1_lowered:
.L_overlay_start_0:
0x88: {  	s2 =	sld [smem:$0x3FD9]  }
0x89: {  	s3 =	sld [smem:$0x3FFE];
	_ =	sdelay $0x1  }
0x8a: {  	s1 =	srdreg.scid  }
0x8b: {  	s0 =	sand.u32 $0x1, s1  }
0x8c: {  	s14 =	sshll.u32 s0, $0xA;
	s2 =	sadd.s32 s3, s2  }
0x8d: {  	s2 =	sadd.s32 s2, s14  }
0x8e: {  	[smem:$0x3FB1] =	sst s2  }
0x8f: {  	_ = 	snop  }
0x90: {  	s2 =	sld [smem:$0x3FD0];
	_ =	sdelay $0x2  }
0x91: {  	s15 =	simm.s32 $0xA;
	s4 =	simm.s32 $0x10  }
0x92: {  	[smem:s4], [sflag:s15] =	dma.local [hbm:s2], $0x1  }
0x93: {  	_ =	swait.eq [sflag:s15], $0x1  }
0x94: {  	[sflag:s15] =	ssyncset.done $0x0  }
0x95: {  	[sflag:s15] =	ssyncadd.s32 $0xFFFFFFFF  }
0x96: {  	s16 =	sld [smem:$0x11];
	(tm) =	ssettm $0x1  }
0x97: {  	s17 =	sld [smem:$0x3FFB];
	_ =	sdelay $0x3  }
0x98: {  	_ =	strace s17  }
0x99: {  	s3 =	sld [smem:$0x3FFC];
	_ =	sdelay $0x3  }
0x9a: {  	_ =	strace s3  }
0x9b: {  	s3 =	sld [smem:$0x3FFD];
	_ =	sdelay $0x3  }
0x9c: {  	_ =	strace s3  }
0x9d: {  	_ =	strace $0x8FFFFFFF  }
0x9e: {  	s18 =	sld [smem:$0x3FDB];
	_ =	sdelay $0x1  }
0x9f: {  	s19 =	simm.s32 $_scs_section_size  }
0xa0: {  	s5 =	simm.s32 $_size__tile_overlayer_lowered;
	s6 =	simm.s32 $_tile_overlayer_lowered  }
0xa1: {  	s22 =	simm.s32 $0x1BFF;
	s21 =	sshll.u32 s6, $0x1;
	s3 =	sadd.s32 s19, s18  }
0xa2: {  	s7 =	simm.s32 $0x0;
	s20 =	sshll.u32 s5, $0x1;
	s5 =	sadd.s32 s21, s3  }
0xa3: {  	[timem:s7], [sflag:s22] =	dma.local [hbm:s5], s20  }
0xa4: {  	_ =	swait.ge [sflag:s22], s20  }
0xa5: {  	s4 =	ssub.s32 $0x0, s20;
	[sflag:s22] =	ssyncset.done $0x0  }
0xa6: {  	[sflag:s22] =	ssyncadd.s32 s4;
	_ =	sdelay $0x1  }
0xa7: {  	s23 =	simm.s32 $0x1B8B  }
0xa8: {  	_ =	swait.ge [sflag:s23], $0x1  }
0xa9: {  	[sflag:s23] =	ssyncset.done $0x0  }
0xaa: {  	s25 =	simm.s32 $0x1B8E;
	s24 =	sld [smem:$0x3FFE];
	[sflag:s23] =	ssyncadd.s32 $0xFFFFFFFF  }
0xab: {  	s26 =	simm.s32 $execute0_lowered;
	[smem:$0x3FD2] =	sst s25  }
0xac: {  	s5 =	sshll.u32 s26, $0x1;
	_ =	strace $0x80000049;
	[dreg:$0x1] =	wrdreg $0xFFFFFFFF  }
0xad: {  	s28 =	simm.s32 $_size_execute0_lowered;
	s3 =	sadd.s32 s3, s5;
	[dreg:$0x0] =	wrdreg $0x0  }
0xae: {  	s5 =	sshll.u32 s28, $0x1;
	[dreg:$0x2] =	wrdreg s3  }
0xaf: {  	[dreg:$0x3] =	wrdreg s5  }
0xb0: {  	[dreg:$0x4] =	wrdreg $0xC0  }
0xb1: {  	_ =	task [dreg:s7], $0x5FFFF  }
0xb2: {  	[dreg:$0x1] =	wrdreg $0xFFFFFFFF  }
0xb3: {  	[dreg:$0x0] =	wrdreg $0x60  }
0xb4: {  	[dreg:$0x2] =	wrdreg s24  }
0xb5: {  	[dreg:$0x3] =	wrdreg s16  }
0xb6: {  	[dreg:$0x4] =	wrdreg $0x8E200  }
0xb7: {  	[dreg:$0x5] =	wrdreg $0x9  }
0xb8: {  	_ =	task.clear_ibuf [dreg:s7], $0x6FFFF;
	_ =	strace $0x90000049  }
0xb9: {  	s29 =	simm.s32 $0x9;
	_ =	strace $0x8000004B  }
0xba: {  	_ =	swait.ge [sflag:s29], $0x1  }
0xbb: {  	[sflag:s29] =	ssyncadd.s32 $0xFFFFFFFF  }
0xbc: {  	_ =	strace $0x9000004B  }
0xbd: {  	_ =	sfence  }
0xbe: {  	s30 =	sld [smem:$0x0];
	_ =	sdelay $0x2  }
0xbf: {  	s31 =	sshll.u32 s1, $0xD;
	s1 =	sshrl.u32 s1, $0x2  }
0xc0: {  	s3 =	sand.u32 $0x4000, s31;
	s1 =	sadd.s32 s1, s30  }
0xc1: {  	s0 =	sor.u32 s3, s0;
	s1 =	sshll.u32 s1, $0x11  }
0xc2: {  	s0 =	sor.u32 s1, s0  }
0xc3: {  	s0 =	sadd.s32 $0x8F2B, s0  }
0xc4: {  	[sflag:s0] =	ssyncadd.remote.s32 $0x1  }
0xc5: {  	_ =	sfence.sel $0xFFFF  }
0xc6: {  	[dreg:$0x0] =	wrdreg $0xFFFFFFFF;
	(pc) =	sbr.abs _section_cstart, $3  }
0xc7: {  	[dreg:$0x1] =	wrdreg $0xFFFFFFFF  }
0xc8: {  	_ =	task.clear_ibuf [dreg:s7], $0x2FFFF;
	_ =	strace $0x9FFFFFFF  }
0xc9: {  	(tm) =	ssettm $0x7FFFFFFF  }
tec
execute0_lowered:
.L_overlay_start_1:
0x0: {  	(tag) =	ssettag $0x1  }
0x1: {  	s1 =	srdreg.scid  }
0x2: {  	s0 =	stileid.u32;
	s5 =	rddreg [dreg:$0x0]  }
0x3: {  	s7 =	rddreg [dreg:$0x1];
	s3 =	simm.s32 $0x0;
	s16 =	simm.s32 $0x4  }
0x4: {  	s17 =	simm.s32 $0x4E10;
	s18 =	simm.s32 $0x4E20;
	s19 =	simm.s32 $0x80  }
0x5: {  	s20 =	simm.s32 $0x1;
	s21 =	simm.s32 $0x6E20;
	s22 =	simm.s32 $0x2  }
0x6: {  	s23 =	simm.s32 $0x3;
	s25 =	simm.s32 $0x4D10;
	s28 =	simm.s32 $0x10  }
0x7: {  	s29 =	simm.s32 $0x2700;
	s30 =	simm.s32 $0x0;
	s10 =	smul.u32 $0xA000, s0  }
0x8: {  	s1 =	sand.u32 $0x1, s1;
	s2 =	sshll.u32 s0, $0x1;
	s13 =	smul.u32 $0x28000, s0  }
0x9: {  	[smem:$0x7FF] =	sst s3;
	s6 =	sor.u32 s1, s2;
	s11 =	smul.u32 $0xA0000, s1  }
0xa: {  	s4 =	sadd.s32 $0xA5200, s5;
	s2 =	rddreg [dreg:$0x2];
	s8 =	smul.u32 $0x4E2, s6  }
0xb: {  	_ =	strace $0x8000004A;
	s1 =	ssub.s32 $0x2, s1;
	s9 =	smul.u32 $0x4E0, s6  }
0xc: {  	s12 =	sshrl.u32 s1, $0x1;
	s6 =	sshll.u32 s6, $0x1;
	s26 =	sshrl.u32 s13, $0x2  }
0xd: {  	s11 =	sadd.s32 s10, s11;
	s1 =	ssub.s32 s1, s12;
	s6 =	sadd.s32 s7, s6  }
0xe: {  	s31 =	sadd.s32 s26, s2;
	s26 =	simm.s32 $0x4D90;
	s8 =	sadd.s32 s8, s5  }
0xf: {  	s9 =	sadd.s32 s9, s5;
	s11 =	sshrl.u32 s11, $0x3;
	s12 =	sadd.s32 $0x8000, s31  }
0x10: {  	s14 =	sadd.s32 s11, s5;
	s5 =	sadd.s32 $0x23600, s9;
	s7 =	sadd.s32 $0xF800, s8  }
0x11: {  	s8 =	sadd.s32 s10, s2;
	s9 =	sadd.s32 $0x2000, s31;
	s10 =	sadd.s32 $0x4000, s31  }
0x12: {  	v0 =	vimm.f32 $0.0e+00;
	s11 =	sadd.s32 $0x6000, s31;
	s13 =	sadd.s32 $0xB9200, s14;
	s14 =	smax.u32 s1, $0x1  }
.LBB2_1:
0x13: {  	s0 =	simm.s32 $0x2710  }
0x14: {  	[tilespmem:s0], [sflag:$0x4] =	stream.linear.gather [hbm4b:s5+s3], $0x2700, $0x38;
	[tilespmem:$0x12E20] =	vst v63  }
0x15: {  	_ =	swait.ge [sflag:s16], $0x2700  }
0x16: {  	[sflag:s16] =	ssyncset.done $0x0  }
0x17: {  	[sflag:s16] =	ssyncadd.s32 $0xFFFFD900  }
0x18: {  	[tilespmem:s17], [sflag:$0x4] =	stream.linear.gather [hbm4b:s6+s3], $0x10, $0x38;
	[tilespmem:$0x12E20] =	vst v63  }
0x19: {  	_ =	swait.ge [sflag:s16], $0x10  }
0x1a: {  	[sflag:s16] =	ssyncset.done $0x0  }
0x1b: {  	[sflag:s16] =	ssyncadd.s32 $0xFFFFFFF0  }
0x1c: {  	[tilespmem:s3], [sflag:$0x4] =	stream.linear.gather [hbm4b:s7+s3], $0x2710, $0x38;
	[tilespmem:$0x12E20] =	vst v63  }
0x1d: {  	_ =	swait.ge [sflag:s16], $0x2710  }
0x1e: {  	[sflag:s16] =	ssyncset.done $0x0  }
0x1f: {  	s1 =	simm.s32 $0x100;
	s31 =	simm.s32 $0x0;
	[sflag:s16] =	ssyncadd.s32 $0xFFFFD8F0  }
.LBB2_2:
0x20: {  	p0 =	sne.s32 s1, $0x7F00;
	[tilespmem:s31+$0x4E50] =	vst v0;
	s0 =	smov.u32 s1;
	s1 =	sadd.s32 $0x100, s1  }
.Ltmp0:
0x21: {  	[tilespmem:s31+$0x4E40] =	vst v0;
	(pc) =	sbr.rel @p0 .LBB2_2-.Ltmp0, $3  }
0x22: {  	[tilespmem:s31+$0x4E20] =	vst v0  }
0x23: {  	[tilespmem:s31+$0x4E30] =	vst v0;
	_ =	sdelay $0x1  }
0x24: {  	s31 =	sshra.s32 s0, $0x2  }
0x25: {  	[tilespmem:s31+$0x4E50] =	vst v0  }
0x26: {  	[tilespmem:s31+$0x4E40] =	vst v0  }
0x27: {  	[tilespmem:s31+$0x4E20] =	vst v0  }
0x28: {  	[tilespmem:s31+$0x4E30] =	vst v0  }
0x29: {  	[spmem:s8] =	stream.linear.scatter [tilespmem:s18], [sflag:$0x4], $0x2000, $0x38;
	[tilespmem:$0x12E20] =	vst v63  }
0x2a: {  	_ =	swait.ge [sflag:s16], $0x2000  }
0x2b: {  	[sflag:s16] =	ssyncset.done $0x0  }
0x2c: {  	[sflag:s16] =	ssyncadd.s32 $0xFFFFE000  }
0x2d: {  	[spmem:s9] =	stream.linear.scatter [tilespmem:s18], [sflag:$0x4], $0x2000, $0x38;
	[tilespmem:$0x12E20] =	vst v63  }
0x2e: {  	_ =	swait.ge [sflag:s16], $0x2000  }
0x2f: {  	[sflag:s16] =	ssyncset.done $0x0  }
0x30: {  	[sflag:s16] =	ssyncadd.s32 $0xFFFFE000  }
0x31: {  	[spmem:s10] =	stream.linear.scatter [tilespmem:s18], [sflag:$0x4], $0x2000, $0x38;
	[tilespmem:$0x12E20] =	vst v63  }
0x32: {  	_ =	swait.ge [sflag:s16], $0x2000  }
0x33: {  	[sflag:s16] =	ssyncset.done $0x0  }
0x34: {  	[sflag:s16] =	ssyncadd.s32 $0xFFFFE000  }
0x35: {  	[spmem:s11] =	stream.linear.scatter [tilespmem:s18], [sflag:$0x4], $0x2000, $0x38;
	[tilespmem:$0x12E20] =	vst v63  }
0x36: {  	_ =	swait.ge [sflag:s16], $0x2000  }
0x37: {  	[sflag:s16] =	ssyncset.done $0x0  }
0x38: {  	[sflag:s16] =	ssyncadd.s32 $0xFFFFE000  }
0x39: {  	[spmem:s12] =	stream.linear.scatter [tilespmem:s18], [sflag:$0x4], $0x2000, $0x38;
	[tilespmem:$0x12E20] =	vst v63  }
0x3a: {  	_ =	swait.ge [sflag:s16], $0x2000  }
0x3b: {  	[sflag:s16] =	ssyncset.done $0x0  }
0x3c: {  	[sflag:s16] =	ssyncadd.s32 $0xFFFFE000  }
0x3d: {  	s0 =	simm.s32 $0x0;
	[bflag:$0x0] =	sbarrier.arrive $0xFFFF  }
0x3e: {  	[tilespmem:s18], [sflag:$0x1] =	stream.indirect.gather [hbm4b:s4+s19], $0x40, s0, s19, $0xb8;
	[tilespmem:$0x12E20] =	vst v63  }
0x3f: {  	_ =	swait.ge [sflag:s20], $0x2000  }
0x40: {  	[sflag:s20] =	ssyncset.done $0x0  }
0x41: {  	s24 =	simm.s32 $0x80;
	[sflag:s20] =	ssyncadd.s32 $0xFFFFE000  }
0x42: {  	[tilespmem:s21], [sflag:$0x1] =	stream.indirect.gather [hbm4b:s4+s19], $0x40, s24, s19, $0xb8;
	[tilespmem:$0x12E20] =	vst v63  }
0x43: {  	s1 =	simm.s32 $0x2710  }
0x44: {  	[spmem:s2] =	stream.indirect.scatter.add.f32 [tilespmem:s18], [sflag:$0x2], $0x40, s1, s19, $0xb8;
	[tilespmem:$0x12E20] =	vst v63  }
0x45: {  	_ =	swait.ge [sflag:s20], $0x2000  }
0x46: {  	[sflag:s20] =	ssyncset.done $0x0  }
0x47: {  	[sflag:s20] =	ssyncadd.s32 $0xFFFFE000  }
0x48: {  	_ =	swait.ge [sflag:s22], $0x2000  }
0x49: {  	[sflag:s22] =	ssyncset.done $0x0  }
0x4a: {  	s15 =	simm.s32 $0x2790;
	[sflag:s22] =	ssyncadd.s32 $0xFFFFE000  }
0x4b: {  	[spmem:s2] =	stream.indirect.scatter.add.f32 [tilespmem:s21], [sflag:$0x3], $0x40, s15, s19, $0xb8;
	[tilespmem:$0x12E20] =	vst v63  }
0x4c: {  	s24 =	simm.s32 $0x100  }
0x4d: {  	[tilespmem:s18], [sflag:$0x1] =	stream.indirect.gather [hbm4b:s4+s19], $0x40, s24, s19, $0xb8;
	[tilespmem:$0x12E20] =	vst v63  }
0x4e: {  	_ =	swait.ge [sflag:s20], $0x2000  }
0x4f: {  	[sflag:s20] =	ssyncset.done $0x0  }
0x50: {  	[sflag:s20] =	ssyncadd.s32 $0xFFFFE000  }
0x51: {  	_ =	swait.ge [sflag:s23], $0x2000  }
0x52: {  	s31 =	simm.s32 $0x100;
	s1 =	simm.s32 $0x800;
	[sflag:s23] =	ssyncset.done $0x0  }
.LBB2_4:
0x53: {  	s0 =	sadd.s32 $0x80, s31  }
0x54: {  	[sflag:s23] =	ssyncadd.s32 $0xFFFFE000;
	s15 =	smov.u32 s1;
	s24 =	sadd.s32 $0x400, s1  }
0x55: {  	[tilespmem:s21], [sflag:$0x1] =	stream.indirect.gather [hbm4b:s4+s19], $0x40, s0, s19, $0xb8;
	[tilespmem:$0x12E20] =	vst v63  }
0x56: {  	p0 =	sne.s32 s1, $0x9400;
	s0 =	sadd.s32 $0x2710, s31  }
0x57: {  	[spmem:s2] =	stream.indirect.scatter.add.f32 [tilespmem:s18], [sflag:$0x2], $0x40, s0, s19, $0xb8;
	[tilespmem:$0x12E20] =	vst v63  }
0x58: {  	_ =	swait.ge [sflag:s20], $0x2000  }
0x59: {  	[sflag:s20] =	ssyncset.done $0x0  }
0x5a: {  	[sflag:s20] =	ssyncadd.s32 $0xFFFFE000  }
0x5b: {  	_ =	swait.ge [sflag:s22], $0x2000  }
0x5c: {  	[sflag:s22] =	ssyncset.done $0x0  }
0x5d: {  	s0 =	sadd.s32 $0x2790, s31;
	[sflag:s22] =	ssyncadd.s32 $0xFFFFE000  }
0x5e: {  	[spmem:s2] =	stream.indirect.scatter.add.f32 [tilespmem:s21], [sflag:$0x3], $0x40, s0, s19, $0xb8;
	[tilespmem:$0x12E20] =	vst v63  }
0x5f: {  	s0 =	sadd.s32 $0x100, s31  }
0x60: {  	[tilespmem:s18], [sflag:$0x1] =	stream.indirect.gather [hbm4b:s4+s19], $0x40, s0, s19, $0xb8;
	[tilespmem:$0x12E20] =	vst v63  }
.Ltmp1:
0x61: {  	_ =	swait.ge [sflag:s20], $0x2000;
	(pc) =	sbr.rel @p0 .LBB2_4-.Ltmp1, $4  }
0x62: {  	[sflag:s20] =	ssyncset.done $0x0  }
0x63: {  	[sflag:s20] =	ssyncadd.s32 $0xFFFFE000  }
0x64: {  	_ =	swait.ge [sflag:s23], $0x2000  }
0x65: {  	s1 =	smov.u32 s24;
	s31 =	sshra.s32 s15, $0x2;
	[sflag:s23] =	ssyncset.done $0x0  }
0x66: {  	s0 =	sadd.s32 $0x80, s31;
	[sflag:s23] =	ssyncadd.s32 $0xFFFFE000  }
0x67: {  	[tilespmem:s21], [sflag:$0x1] =	stream.indirect.gather [hbm4b:s4+s19], $0x40, s0, s19, $0xb8;
	[tilespmem:$0x12E20] =	vst v63  }
0x68: {  	s24 =	sadd.s32 $0x2710, s31  }
0x69: {  	[spmem:s2] =	stream.indirect.scatter.add.f32 [tilespmem:s18], [sflag:$0x2], $0x40, s24, s19, $0xb8;
	[tilespmem:$0x12E20] =	vst v63  }
0x6a: {  	_ =	swait.ge [sflag:s20], $0x2000  }
0x6b: {  	[sflag:s20] =	ssyncset.done $0x0  }
0x6c: {  	[sflag:s20] =	ssyncadd.s32 $0xFFFFE000  }
0x6d: {  	_ =	swait.ge [sflag:s22], $0x2000  }
0x6e: {  	[sflag:s22] =	ssyncset.done $0x0  }
0x6f: {  	s1 =	sadd.s32 $0x2790, s31;
	[sflag:s22] =	ssyncadd.s32 $0xFFFFE000  }
0x70: {  	[spmem:s2] =	stream.indirect.scatter.add.f32 [tilespmem:s21], [sflag:$0x3], $0x40, s1, s19, $0xb8;
	[tilespmem:$0x12E20] =	vst v63  }
0x71: {  	s15 =	sadd.s32 $0x100, s31  }
0x72: {  	[tilespmem:s18], [sflag:$0x1] =	stream.indirect.gather [hbm4b:s4+s19], $0x40, s15, s19, $0xb8;
	[tilespmem:$0x12E20] =	vst v63  }
0x73: {  	_ =	swait.ge [sflag:s20], $0x2000  }
0x74: {  	[sflag:s20] =	ssyncset.done $0x0  }
0x75: {  	[sflag:s20] =	ssyncadd.s32 $0xFFFFE000  }
0x76: {  	_ =	swait.ge [sflag:s23], $0x2000  }
0x77: {  	[sflag:s23] =	ssyncset.done $0x0  }
0x78: {  	s24 =	simm.s32 $0x2680;
	[sflag:s23] =	ssyncadd.s32 $0xFFFFE000  }
0x79: {  	[tilespmem:s21], [sflag:$0x1] =	stream.indirect.gather [hbm4b:s4+s19], $0x40, s24, s19, $0xb8;
	[tilespmem:$0x12E20] =	vst v63  }
0x7a: {  	_ = 	snop  }
0x7b: {  	[spmem:s2] =	stream.indirect.scatter.add.f32 [tilespmem:s18], [sflag:$0x2], $0x40, s25, s19, $0xb8;
	[tilespmem:$0x12E20] =	vst v63  }
0x7c: {  	_ =	swait.ge [sflag:s20], $0x2000  }
0x7d: {  	[sflag:s20] =	ssyncset.done $0x0  }
0x7e: {  	[sflag:s20] =	ssyncadd.s32 $0xFFFFE000  }
0x7f: {  	_ =	swait.ge [sflag:s22], $0x2000  }
0x80: {  	[sflag:s22] =	ssyncset.done $0x0  }
0x81: {  	[sflag:s22] =	ssyncadd.s32 $0xFFFFE000  }
0x82: {  	[spmem:s2] =	stream.indirect.scatter.add.f32 [tilespmem:s21], [sflag:$0x3], $0x40, s26, s19, $0xb8;
	[tilespmem:$0x12E20] =	vst v63  }
0x83: {  	_ =	swait.ge [sflag:s23], $0x2000  }
0x84: {  	[sflag:s23] =	ssyncset.done $0x0  }
0x85: {  	[sflag:s23] =	ssyncadd.s32 $0xFFFFE000  }
0x86: {  	[tilespmem:s18], [sflag:$0x1] =	stream.indirect.gather [hbm4b:s4+s28], $0x40, s29, s28, $0xb8;
	[tilespmem:$0x12E20] =	vst v63  }
0x87: {  	_ =	swait.ge [sflag:s20], $0x400  }
0x88: {  	[sflag:s20] =	ssyncset.done $0x0  }
0x89: {  	[sflag:s20] =	ssyncadd.s32 $0xFFFFFC00  }
0x8a: {  	[spmem:s2] =	stream.indirect.scatter.add.f32 [tilespmem:s18], [sflag:$0x2], $0x40, s17, s28, $0xb8;
	[tilespmem:$0x12E20] =	vst v63  }
0x8b: {  	s31 =	stileid.u32;
	_ =	swait.ge [sflag:s22], $0x400  }
0x8c: {  	s30 =	sadd.s32 $0x1, s30;
	s0 =	sshll.u32 s31, $0x6;
	[sflag:s22] =	ssyncset.done $0x0  }
0x8d: {  	p0 =	sne.s32 s30, s14;
	s0 =	sor.u32 $0x1C04, s0;
	[sflag:s22] =	ssyncadd.s32 $0xFFFFFC00  }
.Ltmp2:
0x8e: {  	s1 =	sshrl.u32 s8, $0x3;
	[bflag:$0x0] =	sbarrier.arrive $0xFFFF;
	(pc) =	sbr.rel @p0 .LBB2_1-.Ltmp2, $4  }
0x8f: {  	[hbm:s13], [sflag:s0] =	dma.local [spmem:s1], $0x1400  }
0x90: {  	_ =	swait.ge [sflag:s16], $0x1400  }
0x91: {  	[sflag:s16] =	ssyncset.done $0x0  }
0x92: {  	[sflag:s16] =	ssyncadd.s32 $0xFFFFEC00  }
0x93: {  	_ =	sfence.sel $0x180000  }
0x94: {  	[bflag:$0x0] =	sbarrier.arrive $0xFFFF  }
0x95: {  	_ =	strace $0x9000004A  }
0x96: {  	s0 =	stileid.u32;
	[bflag:$0x2] =	sbarrier.arrive $0xFFFF  }
0x97: {  	p0 =	sne.s32 s0, $0x0;
	s0 =	rddreg [dreg:$0x3]  }
0x98: {  	s0 =	sadd.s32 @!p0 $0x100000, s0  }
0x99: {  	[sflag:s0] =	ssyncadd.tile.s32 @!p0 $0x1;
	_ =	shalt  }
.Lfunc_end2:
_tile_overlayer_lowered:
.L_overlay_start_2:
0x9a: {  	(tag) =	ssettag $0x2  }
0x9b: {  	s0 =	rddreg [dreg:$0x0];
	s2 =	stileid.u32  }
0x9c: {  	s1 =	rddreg [dreg:$0x1];
	p0 =	sne.s32 s2, $0x0  }
0x9d: {  	s3 =	rddreg [dreg:$0x2];
	[bflag:$0x3] =	sbarrier.arrive $0xFFFF;
	s2 =	simm.s32 @!p0 $0x1C04  }
0x9e: {  	[timem:s3], [sflag:s2] =	dma.local @!p0 [hbm:s0], s1  }
0x9f: {  	s0 =	simm.s32 @!p0 $0x4  }
0xa0: {  	_ =	swait.ge @!p0 [sflag:s0], s1  }
0xa1: {  	s1 =	ssub.s32 @!p0 $0x0, s1;
	[sflag:s0] =	ssyncset.done @!p0 $0x0  }
0xa2: {  	[sflag:s0] =	ssyncadd.s32 @!p0 s1  }
0xa3: {  	[bflag:$0x3] =	sbarrier.arrive $0xFFFF  }
0xa4: {  	_ =	shalt  }

// kernel: kernel.19.cloned.1.call-start
scs
__scs_entry_jumppad:
0x0: {  	(pc) =	sbr.rel $0x88, $3  }
0x1: {  	(tag) =	ssettag $0x0;
	lr =	simm.s32 $0x1  }
0x2: {  	[smem:$0x3F8A] =	sst lr;
	_ =	strace $0xD0000000  }
0x3: {  	_ = 	snop  }
0x4: {  	_ = 	snop  }
0x5: {  	_ = 	snop  }
0x6: {  	_ = 	snop  }
0x7: {  	_ = 	snop  }
__scs_overlays_trampoline_lowered:
0x8: {  	[smem:$0x3F99] =	sst s0  }
0x9: {  	[smem:$0x3F9A] =	sst s1  }
0xa: {  	[smem:$0x3F9B] =	sst s2  }
0xb: {  	[smem:$0x3F9C] =	sst s3  }
0xc: {  	[smem:$0x3F9D] =	sst s4  }
0xd: {  	[smem:$0x3F9E] =	sst s5  }
0xe: {  	[smem:$0x3F9F] =	sst s6  }
0xf: {  	[smem:$0x3FA0] =	sst s7  }
0x10: {  	[smem:$0x3FA1] =	sst s8  }
0x11: {  	[smem:$0x3FA2] =	sst s9;
	s0 =	simm.s32 @!p0 $0x0  }
0x12: {  	s1 =	sld [smem:$0x3F88];
	s0 =	simm.s32 @p0 $0x1  }
0x13: {  	[smem:$0x3FA3] =	sst s0;
	s0 =	simm.s32 @!p1 $0x0  }
0x14: {  	s2 =	sld [smem:$0x3F87];
	s0 =	simm.s32 @p1 $0x1  }
0x15: {  	[smem:$0x3FA4] =	sst s0;
	s0 =	simm.s32 @!p2 $0x0  }
0x16: {  	s3 =	sld [smem:$0x3FDB];
	s0 =	simm.s32 @p2 $0x1  }
0x17: {  	s4 =	simm.s32 $0x1BF5;
	[smem:$0x3FA6] =	sst s0  }
0x18: {  	s0 =	sld [smem:$0x3F89];
	_ =	swait.ge [sflag:s4], $0x0  }
0x19: {  	s7 =	sld [smem:$0x3F8A]  }
0x1a: {  	s8 =	sadd.s32 $0xFFFFE003, lr  }
0x1b: {  	s9 =	sadd.s32 $0xFFFFFEF7, lr;
	s5 =	simm.s32 $0xFFFFFFFF;
	p2 =	slt.u32 s8, $0xFFFFF086  }
0x1c: {  	p1 =	slt.u32 s9, $0xF7A;
	s5 =	simm.s32 @!p2 $0x0  }
0x1d: {  	s5 =	simm.s32 @p1 $0x1;
	p0 =	seq.s32 s7, s2  }
0x1e: {  	s7 =	smul.u32 @!p0 $0xF7A, s2;
	p2 =	seq.s32 @!p0 s5, $0x0  }
0x1f: {  	s9 =	smul.u32 $0xF7A, s1;
	s8 =	simm.s32 @!p0 $0x1BF5;
	p2 =	por !p2, p0  }
0x20: {  	[sflag:s8] =	ssyncset.s32 @!p0 $0xFFFFF086;
	s6 =	sadd.s32 @!p0 s3, s7;
	s7 =	simm.s32 @!p0 $0x108  }
0x21: {  	s3 =	sadd.s32 s3, s9;
	s6 =	sadd.s32 @!p0 $0x88, s6;
	s7 =	simm.s32 @p2 $0x1082  }
0x22: {  	[simem:s7], [sflag:s8] =	dma.local @!p0 [hbm:s6], $0xF7A  }
0x23: {  	s9 =	sor.u32 $0xD0000000, s2;
	s6 =	simm.s32 $0x108;
	_ =	swait.ge @!p0 [sflag:s8], $0x0  }
0x24: {  	s3 =	sadd.s32 $0x88, s3;
	s6 =	simm.s32 @!p1 $0x1082;
	[sflag:s4] =	ssyncset.s32 $0xFFFFF086  }
0x25: {  	[simem:s6], [sflag:s4] =	dma.local [hbm:s3], $0xF7A  }
0x26: {  	[smem:$0x3F8A] =	sst s1;
	(tag) =	ssettag s2;
	_ =	strace s9  }
0x27: {  	s1 =	sld [smem:$0x3F9A]  }
0x28: {  	s2 =	sld [smem:$0x3F9B]  }
0x29: {  	s4 =	sld [smem:$0x3F9D]  }
0x2a: {  	p0 =	seq.s32 s5, $0x0;
	s5 =	sld [smem:$0x3F9E]  }
0x2b: {  	s6 =	sld [smem:$0x3F9F]  }
0x2c: {  	s7 =	sld [smem:$0x3FA0]  }
0x2d: {  	s3 =	simm.s32 $0x108;
	s8 =	sld [smem:$0x3FA1]  }
0x2e: {  	s3 =	simm.s32 @!p0 $0x1082;
	s9 =	sld [smem:$0x3FA2]  }
0x2f: {  	lr =	sadd.s32 s0, s3;
	s0 =	sld [smem:$0x3F99]  }
0x30: {  	s3 =	sld [smem:$0x3F9C]  }
0x31: {  	[smem:$0x3FA5] =	sst s10  }
0x32: {  	s10 =	sld [smem:$0x3FA3];
	_ =	sdelay $0x3  }
0x33: {  	p0 =	seq.s32 s10, $0x1;
	s10 =	sld [smem:$0x3FA5];
	_ =	sdelay $0x3  }
0x34: {  	[smem:$0x3FA5] =	sst s10  }
0x35: {  	s10 =	sld [smem:$0x3FA4];
	_ =	sdelay $0x3  }
0x36: {  	p1 =	seq.s32 s10, $0x1;
	s10 =	sld [smem:$0x3FA5];
	_ =	sdelay $0x3  }
0x37: {  	[smem:$0x3FA5] =	sst s10  }
0x38: {  	s10 =	sld [smem:$0x3FA6]  }
0x39: {  	_ = 	snop;
	(pc) =	sbr.ind lr, $3  }
0x3a: {  	_ = 	snop  }
0x3b: {  	_ = 	snop  }
0x3c: {  	p2 =	seq.s32 s10, $0x1;
	s10 =	sld [smem:$0x3FA5]  }
0x3d: {  	_ =	shalt  }
0x3e: {  	_ =	shalt  }
0x3f: {  	_ =	shalt  }
0x40: {  	_ =	shalt  }
0x41: {  	_ =	shalt  }
0x42: {  	_ =	shalt  }
0x43: {  	_ =	shalt  }
0x44: {  	_ =	shalt  }
0x45: {  	_ =	shalt  }
0x46: {  	_ =	shalt  }
0x47: {  	_ =	shalt  }
0x48: {  	_ =	shalt  }
0x49: {  	_ =	shalt  }
0x4a: {  	_ =	shalt  }
0x4b: {  	_ =	shalt  }
0x4c: {  	_ =	shalt  }
0x4d: {  	_ =	shalt  }
0x4e: {  	_ =	shalt  }
0x4f: {  	_ =	shalt  }
0x50: {  	_ =	shalt  }
0x51: {  	_ =	shalt  }
0x52: {  	_ =	shalt  }
0x53: {  	_ =	shalt  }
0x54: {  	_ =	shalt  }
0x55: {  	_ =	shalt  }
0x56: {  	_ =	shalt  }
0x57: {  	_ =	shalt  }
0x58: {  	_ =	shalt  }
0x59: {  	_ =	shalt  }
0x5a: {  	_ =	shalt  }
0x5b: {  	_ =	shalt  }
0x5c: {  	_ =	shalt  }
0x5d: {  	_ =	shalt  }
0x5e: {  	_ =	shalt  }
0x5f: {  	_ =	shalt  }
0x60: {  	_ =	shalt  }
0x61: {  	_ =	shalt  }
0x62: {  	_ =	shalt  }
0x63: {  	_ =	shalt  }
0x64: {  	_ =	shalt  }
0x65: {  	_ =	shalt  }
0x66: {  	_ =	shalt  }
0x67: {  	_ =	shalt  }
0x68: {  	_ =	shalt  }
0x69: {  	_ =	shalt  }
0x6a: {  	_ =	shalt  }
0x6b: {  	_ =	shalt  }
0x6c: {  	_ =	shalt  }
0x6d: {  	_ =	shalt  }
0x6e: {  	_ =	shalt  }
0x6f: {  	_ =	shalt  }
0x70: {  	_ =	shalt  }
0x71: {  	_ =	shalt  }
0x72: {  	_ =	shalt  }
0x73: {  	_ =	shalt  }
0x74: {  	_ =	shalt  }
0x75: {  	_ =	shalt  }
0x76: {  	_ =	shalt  }
0x77: {  	_ =	shalt  }
0x78: {  	_ =	shalt  }
0x79: {  	_ =	shalt  }
0x7a: {  	_ =	shalt  }
0x7b: {  	_ =	shalt  }
0x7c: {  	_ =	shalt  }
0x7d: {  	_ =	shalt  }
0x7e: {  	_ =	shalt  }
0x7f: {  	_ =	shalt  }
0x80: {  	_ =	shalt  }
0x81: {  	_ =	shalt  }
0x82: {  	_ =	shalt  }
0x83: {  	_ =	shalt  }
0x84: {  	_ =	shalt  }
0x85: {  	_ =	shalt  }
0x86: {  	_ =	shalt  }
0x87: {  	_ =	shalt  }
.Lfunc_end0:
.L_simem_size_0:
called_computation.2_lowered:
.L_overlay_start_0:
0x88: {  	s2 =	sld [smem:$0x3FD9]  }
0x89: {  	s3 =	sld [smem:$0x3FFE];
	_ =	sdelay $0x1  }
0x8a: {  	s1 =	srdreg.scid  }
0x8b: {  	s0 =	sand.u32 $0x1, s1  }
0x8c: {  	s16 =	sshll.u32 s0, $0xA;
	s2 =	sadd.s32 s3, s2  }
0x8d: {  	s2 =	sadd.s32 s2, s16  }
0x8e: {  	[smem:$0x3FB1] =	sst s2  }
0x8f: {  	_ = 	snop  }
0x90: {  	(tm) =	ssettm $0x1  }
0x91: {  	s17 =	sld [smem:$0x3FFB];
	_ =	sdelay $0x3  }
0x92: {  	_ =	strace s17  }
0x93: {  	s2 =	sld [smem:$0x3FFC];
	_ =	sdelay $0x3  }
0x94: {  	_ =	strace s2  }
0x95: {  	s2 =	sld [smem:$0x3FFD];
	_ =	sdelay $0x3  }
0x96: {  	_ =	strace s2  }
0x97: {  	_ =	strace $0x8FFFFFFF  }
0x98: {  	s18 =	sld [smem:$0x3FDB];
	_ =	sdelay $0x1  }
0x99: {  	s19 =	simm.s32 $_scs_section_size  }
0x9a: {  	s4 =	simm.s32 $_size__tile_overlayer_lowered;
	s5 =	simm.s32 $_tile_overlayer_lowered  }
0x9b: {  	s22 =	simm.s32 $0x1BFF;
	s21 =	sshll.u32 s5, $0x1;
	s2 =	sadd.s32 s19, s18  }
0x9c: {  	s6 =	simm.s32 $0x0;
	s20 =	sshll.u32 s4, $0x1;
	s4 =	sadd.s32 s21, s2  }
0x9d: {  	[timem:s6], [sflag:s22] =	dma.local [hbm:s4], s20  }
0x9e: {  	_ =	swait.ge [sflag:s22], s20  }
0x9f: {  	s3 =	ssub.s32 $0x0, s20;
	[sflag:s22] =	ssyncset.done $0x0  }
0xa0: {  	[sflag:s22] =	ssyncadd.s32 s3;
	_ =	sdelay $0x1  }
0xa1: {  	s23 =	simm.s32 $0x1B8B  }
0xa2: {  	_ =	swait.ge [sflag:s23], $0x1  }
0xa3: {  	[sflag:s23] =	ssyncset.done $0x0  }
0xa4: {  	s25 =	simm.s32 $0x1B8E;
	s24 =	sld [smem:$0x3FFE];
	[sflag:s23] =	ssyncadd.s32 $0xFFFFFFFF  }
0xa5: {  	s26 =	simm.s32 $execute0_lowered;
	[smem:$0x3FD2] =	sst s25  }
0xa6: {  	s4 =	sshll.u32 s26, $0x1;
	_ =	strace $0x8000004C;
	[dreg:$0x1] =	wrdreg $0xFFFFFFFF  }
0xa7: {  	s28 =	simm.s32 $_size_execute0_lowered;
	s2 =	sadd.s32 s2, s4;
	[dreg:$0x0] =	wrdreg $0x0  }
0xa8: {  	s4 =	sshll.u32 s28, $0x1;
	[dreg:$0x2] =	wrdreg s2  }
0xa9: {  	[dreg:$0x3] =	wrdreg s4  }
0xaa: {  	[dreg:$0x4] =	wrdreg $0xC0  }
0xab: {  	_ =	task [dreg:s6], $0x5FFFF  }
0xac: {  	[dreg:$0x1] =	wrdreg $0xFFFFFFFF  }
0xad: {  	[dreg:$0x0] =	wrdreg $0x60  }
0xae: {  	[dreg:$0x2] =	wrdreg s24  }
0xaf: {  	[dreg:$0x3] =	wrdreg $0x80200  }
0xb0: {  	[dreg:$0x4] =	wrdreg $0x9  }
0xb1: {  	_ =	task.clear_ibuf [dreg:s6], $0x5FFFF;
	_ =	strace $0x9000004C  }
0xb2: {  	s29 =	simm.s32 $0x9;
	_ =	strace $0x8000004E  }
0xb3: {  	_ =	swait.ge [sflag:s29], $0x1  }
0xb4: {  	[sflag:s29] =	ssyncadd.s32 $0xFFFFFFFF  }
0xb5: {  	_ =	strace $0x9000004E  }
0xb6: {  	_ =	sfence  }
0xb7: {  	s30 =	sld [smem:$0x0];
	_ =	sdelay $0x2  }
0xb8: {  	s31 =	sshll.u32 s1, $0xD;
	s1 =	sshrl.u32 s1, $0x2  }
0xb9: {  	s3 =	sand.u32 $0x4000, s31;
	s1 =	sadd.s32 s1, s30  }
0xba: {  	s0 =	sor.u32 s3, s0;
	s1 =	sshll.u32 s1, $0x11  }
0xbb: {  	s0 =	sor.u32 s1, s0  }
0xbc: {  	s0 =	sadd.s32 $0x8F2B, s0  }
0xbd: {  	[sflag:s0] =	ssyncadd.remote.s32 $0x1  }
0xbe: {  	_ =	sfence.sel $0xFFFF  }
0xbf: {  	[dreg:$0x0] =	wrdreg $0xFFFFFFFF;
	(pc) =	sbr.abs _section_cstart, $3  }
0xc0: {  	[dreg:$0x1] =	wrdreg $0xFFFFFFFF  }
0xc1: {  	_ =	task.clear_ibuf [dreg:s6], $0x2FFFF;
	_ =	strace $0x9FFFFFFF  }
0xc2: {  	(tm) =	ssettm $0x7FFFFFFF  }
0xc3: {  	_ =	shalt  }
tec
execute0_lowered:
.L_overlay_start_1:
0x0: {  	(tag) =	ssettag $0x1  }
0x1: {  	s5 =	rddreg [dreg:$0x0]  }
0x2: {  	s2 =	rddreg [dreg:$0x1]  }
0x3: {  	s0 =	rddreg [dreg:$0x2];
	s3 =	simm.s32 $0x0;
	s4 =	srdreg.scid  }
0x4: {  	s1 =	stileid.u32;
	s17 =	simm.s32 $0x2710;
	s18 =	simm.s32 $0x3  }
0x5: {  	s19 =	simm.s32 $0x4E20;
	s20 =	simm.s32 $0x7620;
	s21 =	simm.s32 $0x50  }
0x6: {  	s22 =	simm.s32 $0x7B20;
	s23 =	simm.s32 $0x1;
	s24 =	simm.s32 $0x2  }
0x7: {  	s25 =	simm.s32 $0x4DD0;
	s26 =	simm.s32 $0x0;
	s7 =	smul.u32 $0x2800, s1  }
0x8: {  	s6 =	sand.u32 $0x1, s4;
	s29 =	sshll.u32 s1, $0x1;
	s10 =	smul.u32 $0xA000, s1  }
0x9: {  	[smem:$0x7FF] =	sst s3;
	s4 =	sor.u32 s6, s29;
	s8 =	smul.u32 $0x28000, s6  }
0xa: {  	_ =	strace $0x8000004D;
	s6 =	ssub.s32 $0x2, s6;
	s9 =	smul.u32 $0x4E2, s4  }
0xb: {  	s4 =	sadd.s32 $0x19600, s5;
	s30 =	sshrl.u32 s6, $0x1;
	s31 =	sshrl.u32 s10, $0x2  }
0xc: {  	s8 =	sadd.s32 s7, s8;
	s16 =	ssub.s32 s6, s30;
	s14 =	sadd.s32 s31, s2  }
0xd: {  	v0 =	vlaneseq.u32;
	s7 =	sadd.s32 s7, s2;
	s9 =	sadd.s32 s9, s5;
	s8 =	sshrl.u32 s8, $0x3  }
0xe: {  	v0 =	vmul.u32 $0x10, v0;
	s10 =	sadd.s32 $0xF00, s14;
	s11 =	sadd.s32 $0x1400, s14;
	s12 =	sadd.s32 $0x1900, s14  }
0xf: {  	s13 =	sadd.s32 $0x1E00, s14;
	s16 =	smax.u32 s16, $0x1;
	s15 =	sadd.s32 s8, s5  }
0x10: {  	v1 =	vimm.f32 $0.0e+00;
	v2 =	vor.u32 $0x100, v0;
	s5 =	sadd.s32 $0x5A00, s9;
	s6 =	sadd.s32 $0xF800, s9;
	s8 =	sadd.s32 $0x500, s14  }
0x11: {  	v3 =	vor.u32 $0x200, v0;
	v4 =	vor.u32 $0x300, v0;
	v5 =	vor.u32 $0x400, v0;
	s9 =	sadd.s32 $0xA00, s14;
	s14 =	sadd.s32 $0x2300, s14;
	s15 =	sadd.s32 $0x55200, s15  }
.LBB2_1:
0x12: {  	[tilespmem:s17], [sflag:$0x3] =	stream.linear.gather [hbm4b:s5+s3], $0x2710, $0x38;
	[tilespmem:$0xA820] =	vst v63  }
0x13: {  	_ =	swait.ge [sflag:s18], $0x2710  }
0x14: {  	[sflag:s18] =	ssyncset.done $0x0  }
0x15: {  	[sflag:s18] =	ssyncadd.s32 $0xFFFFD8F0  }
0x16: {  	[tilespmem:s19], [sflag:$0x3] =	stream.linear.gather [hbm4b:s4+s3], $0x2800, $0x38;
	[tilespmem:$0xA820] =	vst v63  }
0x17: {  	_ =	swait.ge [sflag:s18], $0x2800  }
0x18: {  	[sflag:s18] =	ssyncset.done $0x0  }
0x19: {  	[sflag:s18] =	ssyncadd.s32 $0xFFFFD800  }
0x1a: {  	[tilespmem:s3], [sflag:$0x3] =	stream.linear.gather [hbm4b:s6+s3], $0x2710, $0x38;
	[tilespmem:$0xA820] =	vst v63  }
0x1b: {  	_ =	swait.ge [sflag:s18], $0x2710  }
0x1c: {  	[sflag:s18] =	ssyncset.done $0x0  }
0x1d: {  	s28 =	simm.s32 $0x40;
	s29 =	simm.s32 $0x0;
	[sflag:s18] =	ssyncadd.s32 $0xFFFFD8F0  }
.LBB2_2:
0x1e: {  	p0 =	sne.s32 s28, $0x13C0;
	[tilespmem:s29+$0x7620] =	vst v1;
	s29 =	smov.u32 s28;
	s28 =	sadd.s32 $0x40, s28  }
.Ltmp0:
0x1f: {  	(pc) =	sbr.rel @p0 .LBB2_2-.Ltmp0, $2  }
0x20: {  	_ =	sdelay $0x2  }
0x21: {  	s29 =	sshra.s32 s29, $0x2  }
0x22: {  	[tilespmem:s29+$0x7620] =	vst v1  }
0x23: {  	[spmem:s7] =	stream.linear.scatter [tilespmem:s20], [sflag:$0x3], $0x500, $0x38;
	[tilespmem:$0xA820] =	vst v63  }
0x24: {  	_ =	swait.ge [sflag:s18], $0x500  }
0x25: {  	[sflag:s18] =	ssyncset.done $0x0  }
0x26: {  	[sflag:s18] =	ssyncadd.s32 $0xFFFFFB00  }
0x27: {  	[spmem:s8] =	stream.linear.scatter [tilespmem:s20], [sflag:$0x3], $0x500, $0x38;
	[tilespmem:$0xA820] =	vst v63  }
0x28: {  	_ =	swait.ge [sflag:s18], $0x500  }
0x29: {  	[sflag:s18] =	ssyncset.done $0x0  }
0x2a: {  	[sflag:s18] =	ssyncadd.s32 $0xFFFFFB00  }
0x2b: {  	[spmem:s9] =	stream.linear.scatter [tilespmem:s20], [sflag:$0x3], $0x500, $0x38;
	[tilespmem:$0xA820] =	vst v63  }
0x2c: {  	_ =	swait.ge [sflag:s18], $0x500  }
0x2d: {  	[sflag:s18] =	ssyncset.done $0x0  }
0x2e: {  	[sflag:s18] =	ssyncadd.s32 $0xFFFFFB00  }
0x2f: {  	[spmem:s10] =	stream.linear.scatter [tilespmem:s20], [sflag:$0x3], $0x500, $0x38;
	[tilespmem:$0xA820] =	vst v63  }
0x30: {  	_ =	swait.ge [sflag:s18], $0x500  }
0x31: {  	[sflag:s18] =	ssyncset.done $0x0  }
0x32: {  	[sflag:s18] =	ssyncadd.s32 $0xFFFFFB00  }
0x33: {  	[spmem:s11] =	stream.linear.scatter [tilespmem:s20], [sflag:$0x3], $0x500, $0x38;
	[tilespmem:$0xA820] =	vst v63  }
0x34: {  	_ =	swait.ge [sflag:s18], $0x500  }
0x35: {  	[sflag:s18] =	ssyncset.done $0x0  }
0x36: {  	[sflag:s18] =	ssyncadd.s32 $0xFFFFFB00  }
0x37: {  	[spmem:s12] =	stream.linear.scatter [tilespmem:s20], [sflag:$0x3], $0x500, $0x38;
	[tilespmem:$0xA820] =	vst v63  }
0x38: {  	_ =	swait.ge [sflag:s18], $0x500  }
0x39: {  	[sflag:s18] =	ssyncset.done $0x0  }
0x3a: {  	[sflag:s18] =	ssyncadd.s32 $0xFFFFFB00  }
0x3b: {  	[spmem:s13] =	stream.linear.scatter [tilespmem:s20], [sflag:$0x3], $0x500, $0x38;
	[tilespmem:$0xA820] =	vst v63  }
0x3c: {  	_ =	swait.ge [sflag:s18], $0x500  }
0x3d: {  	[sflag:s18] =	ssyncset.done $0x0  }
0x3e: {  	[sflag:s18] =	ssyncadd.s32 $0xFFFFFB00  }
0x3f: {  	[spmem:s14] =	stream.linear.scatter [tilespmem:s20], [sflag:$0x3], $0x500, $0x38;
	[tilespmem:$0xA820] =	vst v63  }
0x40: {  	_ =	swait.ge [sflag:s18], $0x500  }
0x41: {  	[sflag:s18] =	ssyncset.done $0x0  }
0x42: {  	[sflag:s18] =	ssyncadd.s32 $0xFFFFFB00  }
0x43: {  	[bflag:$0x0] =	sbarrier.arrive $0xFFFF  }
0x44: {  	v6 =	vld [tilespmem:$0x0];
	_ =	sdelay $0x7  }
0x45: {  	v6 =	vld.idx.msk [tilespmem:v6+s19+$0x0], $0xffff;
	_ =	sdelay $0x4  }
0x46: {  	[tilespmem:v0+s20+$0x0] =	vst.idx.msk $0xffff, v6  }
0x47: {  	v6 =	vld [tilespmem:$0x10];
	_ =	sdelay $0x7  }
0x48: {  	v6 =	vld.idx.msk [tilespmem:v6+s19+$0x0], $0xffff;
	_ =	sdelay $0x4  }
0x49: {  	[tilespmem:v2+s20+$0x0] =	vst.idx.msk $0xffff, v6  }
0x4a: {  	v6 =	vld [tilespmem:$0x20];
	_ =	sdelay $0x7  }
0x4b: {  	v6 =	vld.idx.msk [tilespmem:v6+s19+$0x0], $0xffff;
	_ =	sdelay $0x4  }
0x4c: {  	[tilespmem:v3+s20+$0x0] =	vst.idx.msk $0xffff, v6  }
0x4d: {  	v6 =	vld [tilespmem:$0x30];
	_ =	sdelay $0x7  }
0x4e: {  	v6 =	vld.idx.msk [tilespmem:v6+s19+$0x0], $0xffff;
	_ =	sdelay $0x4  }
0x4f: {  	[tilespmem:v4+s20+$0x0] =	vst.idx.msk $0xffff, v6  }
0x50: {  	v6 =	vld [tilespmem:$0x40];
	_ =	sdelay $0x7  }
0x51: {  	v6 =	vld.idx.msk [tilespmem:v6+s19+$0x0], $0xffff;
	_ =	sdelay $0x4  }
0x52: {  	s28 =	simm.s32 $0x0;
	[tilespmem:v5+s20+$0x0] =	vst.idx.msk $0xffff, v6  }
.LBB2_4:
0x53: {  	s29 =	sshra.s32 s28, $0x2  }
0x54: {  	s30 =	sadd.s32 $0x2710, s29  }
0x55: {  	[spmem:s2] =	stream.indirect.scatter.add.f32 [tilespmem:s20], [sflag:$0x1], $0x10, s30, s21, $0xb8;
	[tilespmem:$0xA820] =	vst v63  }
0x56: {  	v6 =	vld [tilespmem:s29+$0x50];
	_ =	sdelay $0x7  }
0x57: {  	v6 =	vld.idx.msk [tilespmem:v6+s19+$0x0], $0xffff;
	_ =	sdelay $0x4  }
0x58: {  	[tilespmem:v0+s22+$0x0] =	vst.idx.msk $0xffff, v6  }
0x59: {  	v6 =	vld [tilespmem:s29+$0x60];
	_ =	sdelay $0x7  }
0x5a: {  	v6 =	vld.idx.msk [tilespmem:v6+s19+$0x0], $0xffff;
	_ =	sdelay $0x4  }
0x5b: {  	[tilespmem:v2+s22+$0x0] =	vst.idx.msk $0xffff, v6  }
0x5c: {  	v6 =	vld [tilespmem:s29+$0x70];
	_ =	sdelay $0x7  }
0x5d: {  	v6 =	vld.idx.msk [tilespmem:v6+s19+$0x0], $0xffff;
	_ =	sdelay $0x4  }
0x5e: {  	[tilespmem:v3+s22+$0x0] =	vst.idx.msk $0xffff, v6  }
0x5f: {  	v6 =	vld [tilespmem:s29+$0x80];
	_ =	sdelay $0x7  }
0x60: {  	v6 =	vld.idx.msk [tilespmem:v6+s19+$0x0], $0xffff;
	_ =	sdelay $0x4  }
0x61: {  	[tilespmem:v4+s22+$0x0] =	vst.idx.msk $0xffff, v6  }
0x62: {  	v6 =	vld [tilespmem:s29+$0x90];
	_ =	sdelay $0x7  }
0x63: {  	v6 =	vld.idx.msk [tilespmem:v6+s19+$0x0], $0xffff;
	_ =	sdelay $0x4  }
0x64: {  	s31 =	sadd.s32 $0x2760, s29;
	[tilespmem:v5+s22+$0x0] =	vst.idx.msk $0xffff, v6  }
0x65: {  	[spmem:s2] =	stream.indirect.scatter.add.f32 [tilespmem:s22], [sflag:$0x2], $0x10, s31, s21, $0xb8;
	[tilespmem:$0xA820] =	vst v63  }
0x66: {  	_ =	swait.ge [sflag:s23], $0x500  }
0x67: {  	[sflag:s23] =	ssyncset.done $0x0  }
0x68: {  	[sflag:s23] =	ssyncadd.s32 $0xFFFFFB00  }
0x69: {  	v6 =	vld [tilespmem:s29+$0xA0];
	_ =	sdelay $0x7  }
0x6a: {  	v6 =	vld.idx.msk [tilespmem:v6+s19+$0x0], $0xffff;
	_ =	sdelay $0x4  }
0x6b: {  	[tilespmem:v0+s20+$0x0] =	vst.idx.msk $0xffff, v6  }
0x6c: {  	v6 =	vld [tilespmem:s29+$0xB0];
	_ =	sdelay $0x7  }
0x6d: {  	v6 =	vld.idx.msk [tilespmem:v6+s19+$0x0], $0xffff;
	_ =	sdelay $0x4  }
0x6e: {  	[tilespmem:v2+s20+$0x0] =	vst.idx.msk $0xffff, v6  }
0x6f: {  	v6 =	vld [tilespmem:s29+$0xC0];
	_ =	sdelay $0x7  }
0x70: {  	v6 =	vld.idx.msk [tilespmem:v6+s19+$0x0], $0xffff;
	_ =	sdelay $0x4  }
0x71: {  	[tilespmem:v3+s20+$0x0] =	vst.idx.msk $0xffff, v6  }
0x72: {  	v6 =	vld [tilespmem:s29+$0xD0];
	_ =	sdelay $0x7  }
0x73: {  	v6 =	vld.idx.msk [tilespmem:v6+s19+$0x0], $0xffff;
	_ =	sdelay $0x4  }
0x74: {  	[tilespmem:v4+s20+$0x0] =	vst.idx.msk $0xffff, v6  }
0x75: {  	v6 =	vld [tilespmem:s29+$0xE0];
	_ =	sdelay $0x7  }
0x76: {  	v6 =	vld.idx.msk [tilespmem:v6+s19+$0x0], $0xffff;
	_ =	sdelay $0x2  }
0x77: {  	p0 =	sne.s32 s28, $0x9880  }
.Ltmp1:
0x78: {  	_ = 	snop;
	(pc) =	sbr.rel @p0 .LBB2_4-.Ltmp1, $4  }
0x79: {  	[tilespmem:v5+s20+$0x0] =	vst.idx.msk $0xffff, v6  }
0x7a: {  	_ =	swait.ge [sflag:s24], $0x500  }
0x7b: {  	[sflag:s24] =	ssyncset.done $0x0  }
0x7c: {  	s28 =	sadd.s32 $0x280, s28;
	[sflag:s24] =	ssyncadd.s32 $0xFFFFFB00  }
0x7d: {  	[spmem:s2] =	stream.indirect.scatter.add.f32 [tilespmem:s20], [sflag:$0x1], $0x10, s25, s21, $0xb8;
	[tilespmem:$0xA820] =	vst v63  }
0x7e: {  	_ =	swait.ge [sflag:s23], $0x500  }
0x7f: {  	s28 =	sshll.u32 s1, $0x6;
	s26 =	sadd.s32 $0x1, s26;
	[sflag:s23] =	ssyncset.done $0x0  }
0x80: {  	s29 =	sshrl.u32 s7, $0x3;
	p0 =	sne.s32 s26, s16;
	[sflag:s23] =	ssyncadd.s32 $0xFFFFFB00  }
.Ltmp2:
0x81: {  	s28 =	sor.u32 $0x1C03, s28;
	[bflag:$0x0] =	sbarrier.arrive $0xFFFF;
	(pc) =	sbr.rel @p0 .LBB2_1-.Ltmp2, $4  }
0x82: {  	[hbm:s15], [sflag:s28] =	dma.local [spmem:s29], $0x500  }
0x83: {  	_ =	swait.ge [sflag:s18], $0x500  }
0x84: {  	[sflag:s18] =	ssyncset.done $0x0  }
0x85: {  	[sflag:s18] =	ssyncadd.s32 $0xFFFFFB00  }
0x86: {  	_ =	sfence.sel $0x180000  }
0x87: {  	[bflag:$0x0] =	sbarrier.arrive $0xFFFF  }
0x88: {  	p0 =	sne.s32 s1, $0x0;
	_ =	strace $0x9000004D  }
0x89: {  	s0 =	sadd.s32 @!p0 $0x100000, s0;
	[bflag:$0x2] =	sbarrier.arrive $0xFFFF  }
0x8a: {  	[sflag:s0] =	ssyncadd.tile.s32 @!p0 $0x1;
	_ =	shalt  }
.Lfunc_end2:
_tile_overlayer_lowered:
.L_overlay_start_2:
0x8b: {  	(tag) =	ssettag $0x2  }
0x8c: {  	s0 =	rddreg [dreg:$0x0];
	s2 =	stileid.u32  }
0x8d: {  	s1 =	rddreg [dreg:$0x1];
	p0 =	sne.s32 s2, $0x0  }
0x8e: {  	s3 =	rddreg [dreg:$0x2];
	[bflag:$0x3] =	sbarrier.arrive $0xFFFF;
	s2 =	simm.s32 @!p0 $0x1C03  }
0x8f: {  	[timem:s3], [sflag:s2] =	dma.local @!p0 [hbm:s0], s1  }
0x90: {  	s0 =	simm.s32 @!p0 $0x3  }
0x91: {  	_ =	swait.ge @!p0 [sflag:s0], s1  }
0x92: {  	s1 =	ssub.s32 @!p0 $0x0, s1;
	[sflag:s0] =	ssyncset.done @!p0 $0x0  }
0x93: {  	[sflag:s0] =	ssyncadd.s32 @!p0 s1  }
0x94: {  	[bflag:$0x3] =	sbarrier.arrive $0xFFFF  }
0x95: {  	_ =	shalt  }

// kernel: kernel.22.cloned.1.call-start
scs
__scs_entry_jumppad:
0x0: {  	(pc) =	sbr.rel $0x88, $3  }
0x1: {  	(tag) =	ssettag $0x0;
	lr =	simm.s32 $0x1  }
0x2: {  	[smem:$0x3F8A] =	sst lr;
	_ =	strace $0xD0000000  }
0x3: {  	_ = 	snop  }
0x4: {  	_ = 	snop  }
0x5: {  	_ = 	snop  }
0x6: {  	_ = 	snop  }
0x7: {  	_ = 	snop  }
__scs_overlays_trampoline_lowered:
0x8: {  	[smem:$0x3F99] =	sst s0  }
0x9: {  	[smem:$0x3F9A] =	sst s1  }
0xa: {  	[smem:$0x3F9B] =	sst s2  }
0xb: {  	[smem:$0x3F9C] =	sst s3  }
0xc: {  	[smem:$0x3F9D] =	sst s4  }
0xd: {  	[smem:$0x3F9E] =	sst s5  }
0xe: {  	[smem:$0x3F9F] =	sst s6  }
0xf: {  	[smem:$0x3FA0] =	sst s7  }
0x10: {  	[smem:$0x3FA1] =	sst s8  }
0x11: {  	[smem:$0x3FA2] =	sst s9;
	s0 =	simm.s32 @!p0 $0x0  }
0x12: {  	s1 =	sld [smem:$0x3F88];
	s0 =	simm.s32 @p0 $0x1  }
0x13: {  	[smem:$0x3FA3] =	sst s0;
	s0 =	simm.s32 @!p1 $0x0  }
0x14: {  	s2 =	sld [smem:$0x3F87];
	s0 =	simm.s32 @p1 $0x1  }
0x15: {  	[smem:$0x3FA4] =	sst s0;
	s0 =	simm.s32 @!p2 $0x0  }
0x16: {  	s3 =	sld [smem:$0x3FDB];
	s0 =	simm.s32 @p2 $0x1  }
0x17: {  	s4 =	simm.s32 $0x1BF5;
	[smem:$0x3FA6] =	sst s0  }
0x18: {  	s0 =	sld [smem:$0x3F89];
	_ =	swait.ge [sflag:s4], $0x0  }
0x19: {  	s7 =	sld [smem:$0x3F8A]  }
0x1a: {  	s8 =	sadd.s32 $0xFFFFE003, lr  }
0x1b: {  	s9 =	sadd.s32 $0xFFFFFEF7, lr;
	s5 =	simm.s32 $0xFFFFFFFF;
	p2 =	slt.u32 s8, $0xFFFFF086  }
0x1c: {  	p1 =	slt.u32 s9, $0xF7A;
	s5 =	simm.s32 @!p2 $0x0  }
0x1d: {  	s5 =	simm.s32 @p1 $0x1;
	p0 =	seq.s32 s7, s2  }
0x1e: {  	s7 =	smul.u32 @!p0 $0xF7A, s2;
	p2 =	seq.s32 @!p0 s5, $0x0  }
0x1f: {  	s9 =	smul.u32 $0xF7A, s1;
	s8 =	simm.s32 @!p0 $0x1BF5;
	p2 =	por !p2, p0  }
0x20: {  	[sflag:s8] =	ssyncset.s32 @!p0 $0xFFFFF086;
	s6 =	sadd.s32 @!p0 s3, s7;
	s7 =	simm.s32 @!p0 $0x108  }
0x21: {  	s3 =	sadd.s32 s3, s9;
	s6 =	sadd.s32 @!p0 $0x88, s6;
	s7 =	simm.s32 @p2 $0x1082  }
0x22: {  	[simem:s7], [sflag:s8] =	dma.local @!p0 [hbm:s6], $0xF7A  }
0x23: {  	s9 =	sor.u32 $0xD0000000, s2;
	s6 =	simm.s32 $0x108;
	_ =	swait.ge @!p0 [sflag:s8], $0x0  }
0x24: {  	s3 =	sadd.s32 $0x88, s3;
	s6 =	simm.s32 @!p1 $0x1082;
	[sflag:s4] =	ssyncset.s32 $0xFFFFF086  }
0x25: {  	[simem:s6], [sflag:s4] =	dma.local [hbm:s3], $0xF7A  }
0x26: {  	[smem:$0x3F8A] =	sst s1;
	(tag) =	ssettag s2;
	_ =	strace s9  }
0x27: {  	s1 =	sld [smem:$0x3F9A]  }
0x28: {  	s2 =	sld [smem:$0x3F9B]  }
0x29: {  	s4 =	sld [smem:$0x3F9D]  }
0x2a: {  	p0 =	seq.s32 s5, $0x0;
	s5 =	sld [smem:$0x3F9E]  }
0x2b: {  	s6 =	sld [smem:$0x3F9F]  }
0x2c: {  	s7 =	sld [smem:$0x3FA0]  }
0x2d: {  	s3 =	simm.s32 $0x108;
	s8 =	sld [smem:$0x3FA1]  }
0x2e: {  	s3 =	simm.s32 @!p0 $0x1082;
	s9 =	sld [smem:$0x3FA2]  }
0x2f: {  	lr =	sadd.s32 s0, s3;
	s0 =	sld [smem:$0x3F99]  }
0x30: {  	s3 =	sld [smem:$0x3F9C]  }
0x31: {  	[smem:$0x3FA5] =	sst s10  }
0x32: {  	s10 =	sld [smem:$0x3FA3];
	_ =	sdelay $0x3  }
0x33: {  	p0 =	seq.s32 s10, $0x1;
	s10 =	sld [smem:$0x3FA5];
	_ =	sdelay $0x3  }
0x34: {  	[smem:$0x3FA5] =	sst s10  }
0x35: {  	s10 =	sld [smem:$0x3FA4];
	_ =	sdelay $0x3  }
0x36: {  	p1 =	seq.s32 s10, $0x1;
	s10 =	sld [smem:$0x3FA5];
	_ =	sdelay $0x3  }
0x37: {  	[smem:$0x3FA5] =	sst s10  }
0x38: {  	s10 =	sld [smem:$0x3FA6]  }
0x39: {  	_ = 	snop;
	(pc) =	sbr.ind lr, $3  }
0x3a: {  	_ = 	snop  }
0x3b: {  	_ = 	snop  }
0x3c: {  	p2 =	seq.s32 s10, $0x1;
	s10 =	sld [smem:$0x3FA5]  }
0x3d: {  	_ =	shalt  }
0x3e: {  	_ =	shalt  }
0x3f: {  	_ =	shalt  }
0x40: {  	_ =	shalt  }
0x41: {  	_ =	shalt  }
0x42: {  	_ =	shalt  }
0x43: {  	_ =	shalt  }
0x44: {  	_ =	shalt  }
0x45: {  	_ =	shalt  }
0x46: {  	_ =	shalt  }
0x47: {  	_ =	shalt  }
0x48: {  	_ =	shalt  }
0x49: {  	_ =	shalt  }
0x4a: {  	_ =	shalt  }
0x4b: {  	_ =	shalt  }
0x4c: {  	_ =	shalt  }
0x4d: {  	_ =	shalt  }
0x4e: {  	_ =	shalt  }
0x4f: {  	_ =	shalt  }
0x50: {  	_ =	shalt  }
0x51: {  	_ =	shalt  }
0x52: {  	_ =	shalt  }
0x53: {  	_ =	shalt  }
0x54: {  	_ =	shalt  }
0x55: {  	_ =	shalt  }
0x56: {  	_ =	shalt  }
0x57: {  	_ =	shalt  }
0x58: {  	_ =	shalt  }
0x59: {  	_ =	shalt  }
0x5a: {  	_ =	shalt  }
0x5b: {  	_ =	shalt  }
0x5c: {  	_ =	shalt  }
0x5d: {  	_ =	shalt  }
0x5e: {  	_ =	shalt  }
0x5f: {  	_ =	shalt  }
0x60: {  	_ =	shalt  }
0x61: {  	_ =	shalt  }
0x62: {  	_ =	shalt  }
0x63: {  	_ =	shalt  }
0x64: {  	_ =	shalt  }
0x65: {  	_ =	shalt  }
0x66: {  	_ =	shalt  }
0x67: {  	_ =	shalt  }
0x68: {  	_ =	shalt  }
0x69: {  	_ =	shalt  }
0x6a: {  	_ =	shalt  }
0x6b: {  	_ =	shalt  }
0x6c: {  	_ =	shalt  }
0x6d: {  	_ =	shalt  }
0x6e: {  	_ =	shalt  }
0x6f: {  	_ =	shalt  }
0x70: {  	_ =	shalt  }
0x71: {  	_ =	shalt  }
0x72: {  	_ =	shalt  }
0x73: {  	_ =	shalt  }
0x74: {  	_ =	shalt  }
0x75: {  	_ =	shalt  }
0x76: {  	_ =	shalt  }
0x77: {  	_ =	shalt  }
0x78: {  	_ =	shalt  }
0x79: {  	_ =	shalt  }
0x7a: {  	_ =	shalt  }
0x7b: {  	_ =	shalt  }
0x7c: {  	_ =	shalt  }
0x7d: {  	_ =	shalt  }
0x7e: {  	_ =	shalt  }
0x7f: {  	_ =	shalt  }
0x80: {  	_ =	shalt  }
0x81: {  	_ =	shalt  }
0x82: {  	_ =	shalt  }
0x83: {  	_ =	shalt  }
0x84: {  	_ =	shalt  }
0x85: {  	_ =	shalt  }
0x86: {  	_ =	shalt  }
0x87: {  	_ =	shalt  }
.Lfunc_end0:
.L_simem_size_0:
called_computation.3_lowered:
.L_overlay_start_0:
0x88: {  	s2 =	sld [smem:$0x3FD9]  }
0x89: {  	s3 =	sld [smem:$0x3FFE];
	_ =	sdelay $0x1  }
0x8a: {  	s1 =	srdreg.scid  }
0x8b: {  	s0 =	sand.u32 $0x1, s1  }
0x8c: {  	s14 =	sshll.u32 s0, $0xA;
	s2 =	sadd.s32 s3, s2  }
0x8d: {  	s2 =	sadd.s32 s2, s14  }
0x8e: {  	[smem:$0x3FB1] =	sst s2  }
0x8f: {  	_ = 	snop  }
0x90: {  	s2 =	sld [smem:$0x3FD0];
	_ =	sdelay $0x2  }
0x91: {  	s15 =	simm.s32 $0xA;
	s4 =	simm.s32 $0x10  }
0x92: {  	[smem:s4], [sflag:s15] =	dma.local [hbm:s2], $0x1  }
0x93: {  	_ =	swait.eq [sflag:s15], $0x1  }
0x94: {  	[sflag:s15] =	ssyncset.done $0x0  }
0x95: {  	[sflag:s15] =	ssyncadd.s32 $0xFFFFFFFF  }
0x96: {  	s16 =	sld [smem:$0x11];
	(tm) =	ssettm $0x1  }
0x97: {  	s17 =	sld [smem:$0x3FFB];
	_ =	sdelay $0x3  }
0x98: {  	_ =	strace s17  }
0x99: {  	s3 =	sld [smem:$0x3FFC];
	_ =	sdelay $0x3  }
0x9a: {  	_ =	strace s3  }
0x9b: {  	s3 =	sld [smem:$0x3FFD];
	_ =	sdelay $0x3  }
0x9c: {  	_ =	strace s3  }
0x9d: {  	_ =	strace $0x8FFFFFFF  }
0x9e: {  	s18 =	sld [smem:$0x3FDB];
	_ =	sdelay $0x1  }
0x9f: {  	s19 =	simm.s32 $_scs_section_size  }
0xa0: {  	s5 =	simm.s32 $_size__tile_overlayer_lowered;
	s6 =	simm.s32 $_tile_overlayer_lowered  }
0xa1: {  	s22 =	simm.s32 $0x1BFF;
	s21 =	sshll.u32 s6, $0x1;
	s3 =	sadd.s32 s19, s18  }
0xa2: {  	s7 =	simm.s32 $0x0;
	s20 =	sshll.u32 s5, $0x1;
	s5 =	sadd.s32 s21, s3  }
0xa3: {  	[timem:s7], [sflag:s22] =	dma.local [hbm:s5], s20  }
0xa4: {  	_ =	swait.ge [sflag:s22], s20  }
0xa5: {  	s4 =	ssub.s32 $0x0, s20;
	[sflag:s22] =	ssyncset.done $0x0  }
0xa6: {  	[sflag:s22] =	ssyncadd.s32 s4;
	_ =	sdelay $0x1  }
0xa7: {  	s23 =	simm.s32 $0x1B8B  }
0xa8: {  	_ =	swait.ge [sflag:s23], $0x1  }
0xa9: {  	[sflag:s23] =	ssyncset.done $0x0  }
0xaa: {  	s25 =	simm.s32 $0x1B8E;
	s24 =	sld [smem:$0x3FFE];
	[sflag:s23] =	ssyncadd.s32 $0xFFFFFFFF  }
0xab: {  	s26 =	simm.s32 $execute0_lowered;
	[smem:$0x3FD2] =	sst s25  }
0xac: {  	s5 =	sshll.u32 s26, $0x1;
	_ =	strace $0x8000004F;
	[dreg:$0x1] =	wrdreg $0xFFFFFFFF  }
0xad: {  	s28 =	simm.s32 $_size_execute0_lowered;
	s3 =	sadd.s32 s3, s5;
	[dreg:$0x0] =	wrdreg $0x0  }
0xae: {  	s5 =	sshll.u32 s28, $0x1;
	[dreg:$0x2] =	wrdreg s3  }
0xaf: {  	[dreg:$0x3] =	wrdreg s5  }
0xb0: {  	[dreg:$0x4] =	wrdreg $0xC0  }
0xb1: {  	_ =	task [dreg:s7], $0x5FFFF  }
0xb2: {  	[dreg:$0x1] =	wrdreg $0xFFFFFFFF  }
0xb3: {  	[dreg:$0x0] =	wrdreg $0x60  }
0xb4: {  	[dreg:$0x2] =	wrdreg s24  }
0xb5: {  	[dreg:$0x3] =	wrdreg s16  }
0xb6: {  	[dreg:$0x4] =	wrdreg $0x8E200  }
0xb7: {  	[dreg:$0x5] =	wrdreg $0x9  }
0xb8: {  	_ =	task.clear_ibuf [dreg:s7], $0x6FFFF;
	_ =	strace $0x9000004F  }
0xb9: {  	s29 =	simm.s32 $0x9;
	_ =	strace $0x80000051  }
0xba: {  	_ =	swait.ge [sflag:s29], $0x1  }
0xbb: {  	[sflag:s29] =	ssyncadd.s32 $0xFFFFFFFF  }
0xbc: {  	_ =	strace $0x90000051  }
0xbd: {  	_ =	sfence  }
0xbe: {  	s30 =	sld [smem:$0x0];
	_ =	sdelay $0x2  }
0xbf: {  	s31 =	sshll.u32 s1, $0xD;
	s1 =	sshrl.u32 s1, $0x2  }
0xc0: {  	s3 =	sand.u32 $0x4000, s31;
	s1 =	sadd.s32 s1, s30  }
0xc1: {  	s0 =	sor.u32 s3, s0;
	s1 =	sshll.u32 s1, $0x11  }
0xc2: {  	s0 =	sor.u32 s1, s0  }
0xc3: {  	s0 =	sadd.s32 $0x8F2B, s0  }
0xc4: {  	[sflag:s0] =	ssyncadd.remote.s32 $0x1  }
0xc5: {  	_ =	sfence.sel $0xFFFF  }
0xc6: {  	[dreg:$0x0] =	wrdreg $0xFFFFFFFF;
	(pc) =	sbr.abs _section_cstart, $3  }
0xc7: {  	[dreg:$0x1] =	wrdreg $0xFFFFFFFF  }
0xc8: {  	_ =	task.clear_ibuf [dreg:s7], $0x2FFFF;
	_ =	strace $0x9FFFFFFF  }
0xc9: {  	(tm) =	ssettm $0x7FFFFFFF  }
tec
execute0_lowered:
.L_overlay_start_1:
0x0: {  	(tag) =	ssettag $0x1  }
0x1: {  	s1 =	srdreg.scid  }
0x2: {  	s0 =	stileid.u32;
	s5 =	rddreg [dreg:$0x0]  }
0x3: {  	s7 =	rddreg [dreg:$0x1];
	s3 =	simm.s32 $0x0;
	s16 =	simm.s32 $0x4  }
0x4: {  	s17 =	simm.s32 $0x4E10;
	s18 =	simm.s32 $0x4E20;
	s19 =	simm.s32 $0x80  }
0x5: {  	s20 =	simm.s32 $0x1;
	s21 =	simm.s32 $0x6E20;
	s22 =	simm.s32 $0x2  }
0x6: {  	s23 =	simm.s32 $0x3;
	s25 =	simm.s32 $0x4D10;
	s28 =	simm.s32 $0x10  }
0x7: {  	s29 =	simm.s32 $0x2700;
	s30 =	simm.s32 $0x0;
	s10 =	smul.u32 $0xA000, s0  }
0x8: {  	s1 =	sand.u32 $0x1, s1;
	s2 =	sshll.u32 s0, $0x1;
	s13 =	smul.u32 $0x28000, s0  }
0x9: {  	[smem:$0x7FF] =	sst s3;
	s6 =	sor.u32 s1, s2;
	s11 =	smul.u32 $0xA0000, s1  }
0xa: {  	s4 =	sadd.s32 $0xAF200, s5;
	s2 =	rddreg [dreg:$0x2];
	s8 =	smul.u32 $0x4E2, s6  }
0xb: {  	_ =	strace $0x80000050;
	s1 =	ssub.s32 $0x2, s1;
	s9 =	smul.u32 $0x4E0, s6  }
0xc: {  	s12 =	sshrl.u32 s1, $0x1;
	s6 =	sshll.u32 s6, $0x1;
	s26 =	sshrl.u32 s13, $0x2  }
0xd: {  	s11 =	sadd.s32 s10, s11;
	s1 =	ssub.s32 s1, s12;
	s6 =	sadd.s32 s7, s6  }
0xe: {  	s31 =	sadd.s32 s26, s2;
	s26 =	simm.s32 $0x4D90;
	s8 =	sadd.s32 s8, s5  }
0xf: {  	s9 =	sadd.s32 s9, s5;
	s11 =	sshrl.u32 s11, $0x3;
	s12 =	sadd.s32 $0x8000, s31  }
0x10: {  	s14 =	sadd.s32 s11, s5;
	s5 =	sadd.s32 $0x23600, s9;
	s7 =	sadd.s32 $0xF800, s8  }
0x11: {  	s8 =	sadd.s32 s10, s2;
	s9 =	sadd.s32 $0x2000, s31;
	s10 =	sadd.s32 $0x4000, s31  }
0x12: {  	v0 =	vimm.f32 $0.0e+00;
	s11 =	sadd.s32 $0x6000, s31;
	s13 =	sadd.s32 $0xC3200, s14;
	s14 =	smax.u32 s1, $0x1  }
.LBB2_1:
0x13: {  	s0 =	simm.s32 $0x2710  }
0x14: {  	[tilespmem:s0], [sflag:$0x4] =	stream.linear.gather [hbm4b:s5+s3], $0x2700, $0x38;
	[tilespmem:$0x12E20] =	vst v63  }
0x15: {  	_ =	swait.ge [sflag:s16], $0x2700  }
0x16: {  	[sflag:s16] =	ssyncset.done $0x0  }
0x17: {  	[sflag:s16] =	ssyncadd.s32 $0xFFFFD900  }
0x18: {  	[tilespmem:s17], [sflag:$0x4] =	stream.linear.gather [hbm4b:s6+s3], $0x10, $0x38;
	[tilespmem:$0x12E20] =	vst v63  }
0x19: {  	_ =	swait.ge [sflag:s16], $0x10  }
0x1a: {  	[sflag:s16] =	ssyncset.done $0x0  }
0x1b: {  	[sflag:s16] =	ssyncadd.s32 $0xFFFFFFF0  }
0x1c: {  	[tilespmem:s3], [sflag:$0x4] =	stream.linear.gather [hbm4b:s7+s3], $0x2710, $0x38;
	[tilespmem:$0x12E20] =	vst v63  }
0x1d: {  	_ =	swait.ge [sflag:s16], $0x2710  }
0x1e: {  	[sflag:s16] =	ssyncset.done $0x0  }
0x1f: {  	s1 =	simm.s32 $0x100;
	s31 =	simm.s32 $0x0;
	[sflag:s16] =	ssyncadd.s32 $0xFFFFD8F0  }
.LBB2_2:
0x20: {  	p0 =	sne.s32 s1, $0x7F00;
	[tilespmem:s31+$0x4E50] =	vst v0;
	s0 =	smov.u32 s1;
	s1 =	sadd.s32 $0x100, s1  }
.Ltmp0:
0x21: {  	[tilespmem:s31+$0x4E40] =	vst v0;
	(pc) =	sbr.rel @p0 .LBB2_2-.Ltmp0, $3  }
0x22: {  	[tilespmem:s31+$0x4E20] =	vst v0  }
0x23: {  	[tilespmem:s31+$0x4E30] =	vst v0;
	_ =	sdelay $0x1  }
0x24: {  	s31 =	sshra.s32 s0, $0x2  }
0x25: {  	[tilespmem:s31+$0x4E50] =	vst v0  }
0x26: {  	[tilespmem:s31+$0x4E40] =	vst v0  }
0x27: {  	[tilespmem:s31+$0x4E20] =	vst v0  }
0x28: {  	[tilespmem:s31+$0x4E30] =	vst v0  }
0x29: {  	[spmem:s8] =	stream.linear.scatter [tilespmem:s18], [sflag:$0x4], $0x2000, $0x38;
	[tilespmem:$0x12E20] =	vst v63  }
0x2a: {  	_ =	swait.ge [sflag:s16], $0x2000  }
0x2b: {  	[sflag:s16] =	ssyncset.done $0x0  }
0x2c: {  	[sflag:s16] =	ssyncadd.s32 $0xFFFFE000  }
0x2d: {  	[spmem:s9] =	stream.linear.scatter [tilespmem:s18], [sflag:$0x4], $0x2000, $0x38;
	[tilespmem:$0x12E20] =	vst v63  }
0x2e: {  	_ =	swait.ge [sflag:s16], $0x2000  }
0x2f: {  	[sflag:s16] =	ssyncset.done $0x0  }
0x30: {  	[sflag:s16] =	ssyncadd.s32 $0xFFFFE000  }
0x31: {  	[spmem:s10] =	stream.linear.scatter [tilespmem:s18], [sflag:$0x4], $0x2000, $0x38;
	[tilespmem:$0x12E20] =	vst v63  }
0x32: {  	_ =	swait.ge [sflag:s16], $0x2000  }
0x33: {  	[sflag:s16] =	ssyncset.done $0x0  }
0x34: {  	[sflag:s16] =	ssyncadd.s32 $0xFFFFE000  }
0x35: {  	[spmem:s11] =	stream.linear.scatter [tilespmem:s18], [sflag:$0x4], $0x2000, $0x38;
	[tilespmem:$0x12E20] =	vst v63  }
0x36: {  	_ =	swait.ge [sflag:s16], $0x2000  }
0x37: {  	[sflag:s16] =	ssyncset.done $0x0  }
0x38: {  	[sflag:s16] =	ssyncadd.s32 $0xFFFFE000  }
0x39: {  	[spmem:s12] =	stream.linear.scatter [tilespmem:s18], [sflag:$0x4], $0x2000, $0x38;
	[tilespmem:$0x12E20] =	vst v63  }
0x3a: {  	_ =	swait.ge [sflag:s16], $0x2000  }
0x3b: {  	[sflag:s16] =	ssyncset.done $0x0  }
0x3c: {  	[sflag:s16] =	ssyncadd.s32 $0xFFFFE000  }
0x3d: {  	s0 =	simm.s32 $0x0;
	[bflag:$0x0] =	sbarrier.arrive $0xFFFF  }
0x3e: {  	[tilespmem:s18], [sflag:$0x1] =	stream.indirect.gather [hbm4b:s4+s19], $0x40, s0, s19, $0xb8;
	[tilespmem:$0x12E20] =	vst v63  }
0x3f: {  	_ =	swait.ge [sflag:s20], $0x2000  }
0x40: {  	[sflag:s20] =	ssyncset.done $0x0  }
0x41: {  	s24 =	simm.s32 $0x80;
	[sflag:s20] =	ssyncadd.s32 $0xFFFFE000  }
0x42: {  	[tilespmem:s21], [sflag:$0x1] =	stream.indirect.gather [hbm4b:s4+s19], $0x40, s24, s19, $0xb8;
	[tilespmem:$0x12E20] =	vst v63  }
0x43: {  	s1 =	simm.s32 $0x2710  }
0x44: {  	[spmem:s2] =	stream.indirect.scatter.add.f32 [tilespmem:s18], [sflag:$0x2], $0x40, s1, s19, $0xb8;
	[tilespmem:$0x12E20] =	vst v63  }
0x45: {  	_ =	swait.ge [sflag:s20], $0x2000  }
0x46: {  	[sflag:s20] =	ssyncset.done $0x0  }
0x47: {  	[sflag:s20] =	ssyncadd.s32 $0xFFFFE000  }
0x48: {  	_ =	swait.ge [sflag:s22], $0x2000  }
0x49: {  	[sflag:s22] =	ssyncset.done $0x0  }
0x4a: {  	s15 =	simm.s32 $0x2790;
	[sflag:s22] =	ssyncadd.s32 $0xFFFFE000  }
0x4b: {  	[spmem:s2] =	stream.indirect.scatter.add.f32 [tilespmem:s21], [sflag:$0x3], $0x40, s15, s19, $0xb8;
	[tilespmem:$0x12E20] =	vst v63  }
0x4c: {  	s24 =	simm.s32 $0x100  }
0x4d: {  	[tilespmem:s18], [sflag:$0x1] =	stream.indirect.gather [hbm4b:s4+s19], $0x40, s24, s19, $0xb8;
	[tilespmem:$0x12E20] =	vst v63  }
0x4e: {  	_ =	swait.ge [sflag:s20], $0x2000  }
0x4f: {  	[sflag:s20] =	ssyncset.done $0x0  }
0x50: {  	[sflag:s20] =	ssyncadd.s32 $0xFFFFE000  }
0x51: {  	_ =	swait.ge [sflag:s23], $0x2000  }
0x52: {  	s31 =	simm.s32 $0x100;
	s1 =	simm.s32 $0x800;
	[sflag:s23] =	ssyncset.done $0x0  }
.LBB2_4:
0x53: {  	s0 =	sadd.s32 $0x80, s31  }
0x54: {  	[sflag:s23] =	ssyncadd.s32 $0xFFFFE000;
	s15 =	smov.u32 s1;
	s24 =	sadd.s32 $0x400, s1  }
0x55: {  	[tilespmem:s21], [sflag:$0x1] =	stream.indirect.gather [hbm4b:s4+s19], $0x40, s0, s19, $0xb8;
	[tilespmem:$0x12E20] =	vst v63  }
0x56: {  	p0 =	sne.s32 s1, $0x9400;
	s0 =	sadd.s32 $0x2710, s31  }
0x57: {  	[spmem:s2] =	stream.indirect.scatter.add.f32 [tilespmem:s18], [sflag:$0x2], $0x40, s0, s19, $0xb8;
	[tilespmem:$0x12E20] =	vst v63  }
0x58: {  	_ =	swait.ge [sflag:s20], $0x2000  }
0x59: {  	[sflag:s20] =	ssyncset.done $0x0  }
0x5a: {  	[sflag:s20] =	ssyncadd.s32 $0xFFFFE000  }
0x5b: {  	_ =	swait.ge [sflag:s22], $0x2000  }
0x5c: {  	[sflag:s22] =	ssyncset.done $0x0  }
0x5d: {  	s0 =	sadd.s32 $0x2790, s31;
	[sflag:s22] =	ssyncadd.s32 $0xFFFFE000  }
0x5e: {  	[spmem:s2] =	stream.indirect.scatter.add.f32 [tilespmem:s21], [sflag:$0x3], $0x40, s0, s19, $0xb8;
	[tilespmem:$0x12E20] =	vst v63  }
0x5f: {  	s0 =	sadd.s32 $0x100, s31  }
0x60: {  	[tilespmem:s18], [sflag:$0x1] =	stream.indirect.gather [hbm4b:s4+s19], $0x40, s0, s19, $0xb8;
	[tilespmem:$0x12E20] =	vst v63  }
.Ltmp1:
0x61: {  	_ =	swait.ge [sflag:s20], $0x2000;
	(pc) =	sbr.rel @p0 .LBB2_4-.Ltmp1, $4  }
0x62: {  	[sflag:s20] =	ssyncset.done $0x0  }
0x63: {  	[sflag:s20] =	ssyncadd.s32 $0xFFFFE000  }
0x64: {  	_ =	swait.ge [sflag:s23], $0x2000  }
0x65: {  	s1 =	smov.u32 s24;
	s31 =	sshra.s32 s15, $0x2;
	[sflag:s23] =	ssyncset.done $0x0  }
0x66: {  	s0 =	sadd.s32 $0x80, s31;
	[sflag:s23] =	ssyncadd.s32 $0xFFFFE000  }
0x67: {  	[tilespmem:s21], [sflag:$0x1] =	stream.indirect.gather [hbm4b:s4+s19], $0x40, s0, s19, $0xb8;
	[tilespmem:$0x12E20] =	vst v63  }
0x68: {  	s24 =	sadd.s32 $0x2710, s31  }
0x69: {  	[spmem:s2] =	stream.indirect.scatter.add.f32 [tilespmem:s18], [sflag:$0x2], $0x40, s24, s19, $0xb8;
	[tilespmem:$0x12E20] =	vst v63  }
0x6a: {  	_ =	swait.ge [sflag:s20], $0x2000  }
0x6b: {  	[sflag:s20] =	ssyncset.done $0x0  }
0x6c: {  	[sflag:s20] =	ssyncadd.s32 $0xFFFFE000  }
0x6d: {  	_ =	swait.ge [sflag:s22], $0x2000  }
0x6e: {  	[sflag:s22] =	ssyncset.done $0x0  }
0x6f: {  	s1 =	sadd.s32 $0x2790, s31;
	[sflag:s22] =	ssyncadd.s32 $0xFFFFE000  }
0x70: {  	[spmem:s2] =	stream.indirect.scatter.add.f32 [tilespmem:s21], [sflag:$0x3], $0x40, s1, s19, $0xb8;
	[tilespmem:$0x12E20] =	vst v63  }
0x71: {  	s15 =	sadd.s32 $0x100, s31  }
0x72: {  	[tilespmem:s18], [sflag:$0x1] =	stream.indirect.gather [hbm4b:s4+s19], $0x40, s15, s19, $0xb8;
	[tilespmem:$0x12E20] =	vst v63  }
0x73: {  	_ =	swait.ge [sflag:s20], $0x2000  }
0x74: {  	[sflag:s20] =	ssyncset.done $0x0  }
0x75: {  	[sflag:s20] =	ssyncadd.s32 $0xFFFFE000  }
0x76: {  	_ =	swait.ge [sflag:s23], $0x2000  }
0x77: {  	[sflag:s23] =	ssyncset.done $0x0  }
0x78: {  	s24 =	simm.s32 $0x2680;
	[sflag:s23] =	ssyncadd.s32 $0xFFFFE000  }
0x79: {  	[tilespmem:s21], [sflag:$0x1] =	stream.indirect.gather [hbm4b:s4+s19], $0x40, s24, s19, $0xb8;
	[tilespmem:$0x12E20] =	vst v63  }
0x7a: {  	_ = 	snop  }
0x7b: {  	[spmem:s2] =	stream.indirect.scatter.add.f32 [tilespmem:s18], [sflag:$0x2], $0x40, s25, s19, $0xb8;
	[tilespmem:$0x12E20] =	vst v63  }
0x7c: {  	_ =	swait.ge [sflag:s20], $0x2000  }
0x7d: {  	[sflag:s20] =	ssyncset.done $0x0  }
0x7e: {  	[sflag:s20] =	ssyncadd.s32 $0xFFFFE000  }
0x7f: {  	_ =	swait.ge [sflag:s22], $0x2000  }
0x80: {  	[sflag:s22] =	ssyncset.done $0x0  }
0x81: {  	[sflag:s22] =	ssyncadd.s32 $0xFFFFE000  }
0x82: {  	[spmem:s2] =	stream.indirect.scatter.add.f32 [tilespmem:s21], [sflag:$0x3], $0x40, s26, s19, $0xb8;
	[tilespmem:$0x12E20] =	vst v63  }
0x83: {  	_ =	swait.ge [sflag:s23], $0x2000  }
0x84: {  	[sflag:s23] =	ssyncset.done $0x0  }
0x85: {  	[sflag:s23] =	ssyncadd.s32 $0xFFFFE000  }
0x86: {  	[tilespmem:s18], [sflag:$0x1] =	stream.indirect.gather [hbm4b:s4+s28], $0x40, s29, s28, $0xb8;
	[tilespmem:$0x12E20] =	vst v63  }
0x87: {  	_ =	swait.ge [sflag:s20], $0x400  }
0x88: {  	[sflag:s20] =	ssyncset.done $0x0  }
0x89: {  	[sflag:s20] =	ssyncadd.s32 $0xFFFFFC00  }
0x8a: {  	[spmem:s2] =	stream.indirect.scatter.add.f32 [tilespmem:s18], [sflag:$0x2], $0x40, s17, s28, $0xb8;
	[tilespmem:$0x12E20] =	vst v63  }
0x8b: {  	s31 =	stileid.u32;
	_ =	swait.ge [sflag:s22], $0x400  }
0x8c: {  	s30 =	sadd.s32 $0x1, s30;
	s0 =	sshll.u32 s31, $0x6;
	[sflag:s22] =	ssyncset.done $0x0  }
0x8d: {  	p0 =	sne.s32 s30, s14;
	s0 =	sor.u32 $0x1C04, s0;
	[sflag:s22] =	ssyncadd.s32 $0xFFFFFC00  }
.Ltmp2:
0x8e: {  	s1 =	sshrl.u32 s8, $0x3;
	[bflag:$0x0] =	sbarrier.arrive $0xFFFF;
	(pc) =	sbr.rel @p0 .LBB2_1-.Ltmp2, $4  }
0x8f: {  	[hbm:s13], [sflag:s0] =	dma.local [spmem:s1], $0x1400  }
0x90: {  	_ =	swait.ge [sflag:s16], $0x1400  }
0x91: {  	[sflag:s16] =	ssyncset.done $0x0  }
0x92: {  	[sflag:s16] =	ssyncadd.s32 $0xFFFFEC00  }
0x93: {  	_ =	sfence.sel $0x180000  }
0x94: {  	[bflag:$0x0] =	sbarrier.arrive $0xFFFF  }
0x95: {  	_ =	strace $0x90000050  }
0x96: {  	s0 =	stileid.u32;
	[bflag:$0x2] =	sbarrier.arrive $0xFFFF  }
0x97: {  	p0 =	sne.s32 s0, $0x0;
	s0 =	rddreg [dreg:$0x3]  }
0x98: {  	s0 =	sadd.s32 @!p0 $0x100000, s0  }
0x99: {  	[sflag:s0] =	ssyncadd.tile.s32 @!p0 $0x1;
	_ =	shalt  }
.Lfunc_end2:
_tile_overlayer_lowered:
.L_overlay_start_2:
0x9a: {  	(tag) =	ssettag $0x2  }
0x9b: {  	s0 =	rddreg [dreg:$0x0];
	s2 =	stileid.u32  }
0x9c: {  	s1 =	rddreg [dreg:$0x1];
	p0 =	sne.s32 s2, $0x0  }
0x9d: {  	s3 =	rddreg [dreg:$0x2];
	[bflag:$0x3] =	sbarrier.arrive $0xFFFF;
	s2 =	simm.s32 @!p0 $0x1C04  }
0x9e: {  	[timem:s3], [sflag:s2] =	dma.local @!p0 [hbm:s0], s1  }
0x9f: {  	s0 =	simm.s32 @!p0 $0x4  }
0xa0: {  	_ =	swait.ge @!p0 [sflag:s0], s1  }
0xa1: {  	s1 =	ssub.s32 @!p0 $0x0, s1;
	[sflag:s0] =	ssyncset.done @!p0 $0x0  }
0xa2: {  	[sflag:s0] =	ssyncadd.s32 @!p0 s1  }
0xa3: {  	[bflag:$0x3] =	sbarrier.arrive $0xFFFF  }
0xa4: {  	_ =	shalt  }

</sc_bundles>
